<compile_context>
chip_gen: v7x
topology: tpu7x:2x2x1
jax: 0.10.2.dev20260603
libtpu: 0.0.44.dev20260713+nightly
codegen_flags: <defaults>
</compile_context>

<pallas_src>
import functools

import jax
import jax.numpy as jnp
from jax import lax
from jax.experimental import pallas as pl
from jax.experimental.pallas import tpu as pltpu
from jax.experimental.pallas import tpu_sc as plsc

L = 16
NC = 2
NS = 16
NW = NC * NS
GPW = 3


def _min_index_of(value_v, best_v, best_i, big):
    cand = jnp.where(best_v == value_v, best_i, jnp.int32(big))
    return -plsc.cummax(-cand)[L - 1]


def _lane_top2(best_v, best_i, sec_v, sec_i, big):
    m1 = plsc.cummax(best_v)[L - 1]
    i1 = _min_index_of(m1, best_v, best_i, big)
    is_w = best_i == jnp.full((L,), i1, jnp.int32)
    scv = jnp.where(is_w, sec_v, best_v)
    sci = jnp.where(is_w, sec_i, best_i)
    m2 = plsc.cummax(scv)[L - 1]
    i2 = _min_index_of(m2, scv, sci, big)
    return m1, i1, m2, i2


def _nms_body(n, n_sl,
              sim_rows_hbm, scores_hbm, thr_hbm, keep_hbm, ret_hbm,
              *scr):
    ids_v = scr[0:3]
    val_v = scr[3:6]
    ret_v = scr[6:9]
    keep_v = scr[9:12]
    rowa_v = scr[12:15]
    rowb_v = scr[15:18]
    thr_v = scr[18:21]
    sema = scr[21:24]
    semb = scr[24:27]
    wid = lax.axis_index("s") * NC + lax.axis_index("c")
    iota = lax.iota(jnp.int32, L)
    lane0 = iota == 0
    neg1 = jnp.full((L,), -1, jnp.int32)
    big = n_sl * L
    zerov = jnp.zeros((L,), jnp.float32)

    gs = [wid + k * NW for k in range(GPW)]

    def record(k, i, idx):
        plsc.store_scatter(keep_v[k], [jnp.full((L,), i, jnp.int32)],
                           jnp.full((L,), idx, jnp.int32), mask=lane0)
        plsc.store_scatter(ret_v[k], [jnp.full((L,), idx, jnp.int32)],
                           jnp.full((L,), 1000.0 - i.astype(jnp.float32),
                                    jnp.float32), mask=lane0)

    def start_dma(k, idx, buf, sem):
        pltpu.make_async_copy(sim_rows_hbm.at[gs[k] * n + idx],
                              buf[k], sem[k]).start()

    def wait_dma(k, buf, sem):
        pltpu.make_async_copy(sim_rows_hbm.at[gs[k] * n], buf[k],
                              sem[k]).wait()

    def init_top2(k):
        best_v, sec_v = zerov, zerov
        best_i = jnp.zeros((L,), jnp.int32)
        sec_i = jnp.zeros((L,), jnp.int32)
        first = True
        for j in range(n_sl):
            s = val_v[k][pl.ds(j * L, L)]
            lanes = iota + j * L
            if first:
                best_v, best_i, first = s, lanes, False
            else:
                upd1 = s > best_v
                upd2 = s > sec_v
                nsec_v = jnp.where(upd1, best_v, jnp.where(upd2, s, sec_v))
                nsec_i = jnp.where(upd1, best_i, jnp.where(upd2, lanes, sec_i))
                best_v = jnp.where(upd1, s, best_v)
                best_i = jnp.where(upd1, lanes, best_i)
                sec_v, sec_i = nsec_v, nsec_i
        return _lane_top2(best_v, best_i, sec_v, sec_i, big)

    def compact_sweep(k, cnt, c1, c2, hitv, thr_vec):
        c1v = jnp.full((L,), c1, jnp.int32)
        c2v = jnp.full((L,), c2, jnp.int32)
        cntv = jnp.full((L,), cnt, jnp.int32)
        nslices = (cnt + (L - 1)) // L

        def body(j, carry):
            off, best_v, best_i, sec_v, sec_i = carry
            sl = pl.ds(j * L, L)
            ids = ids_v[k][sl]
            vals = val_v[k][sl]
            rv1 = plsc.load_gather(rowa_v[k], [ids])
            rv2 = plsc.load_gather(rowb_v[k], [ids])
            pos = iota + j * L
            dead = ((rv1 > thr_vec) | (ids == c1v)
                    | (hitv & ((rv2 > thr_vec) | (ids == c2v))))
            alive = (pos < cntv) & ~dead
            s = jnp.where(alive, vals, 0.0)
            upd1 = s > best_v
            upd2 = s > sec_v
            nsec_v = jnp.where(upd1, best_v, jnp.where(upd2, s, sec_v))
            nsec_i = jnp.where(upd1, best_i, jnp.where(upd2, ids, sec_i))
            best_v = jnp.where(upd1, s, best_v)
            best_i = jnp.where(upd1, ids, best_i)
            osl = pl.ds(off, L)
            plsc.store_compressed(ids_v[k].at[osl], ids, mask=alive)
            plsc.store_compressed(val_v[k].at[osl], vals, mask=alive)
            npc = plsc.all_reduce_population_count(alive)[0]
            return (off + npc, best_v, best_i, nsec_v, nsec_i)

        off, bv, bi, sv, si = lax.fori_loop(
            0, nslices, body,
            (jnp.int32(0), zerov, jnp.zeros((L,), jnp.int32),
             zerov, jnp.zeros((L,), jnp.int32)))
        m1, i1, m2, i2 = _lane_top2(bv, bi, sv, si, big)
        return off, m1, i1, m2, i2

    for k in range(GPW):
        g = gs[k]
        pltpu.make_async_copy(scores_hbm.at[g], val_v[k], sema[k]).start()
        pltpu.make_async_copy(scores_hbm.at[g], ret_v[k], semb[k]).start()
        pltpu.make_async_copy(thr_hbm.at[g], thr_v[k], sema[k]).start()
        for j in range(n_sl):
            keep_v[k][pl.ds(j * L, L)] = neg1
            ids_v[k][pl.ds(j * L, L)] = iota + j * L
    state0 = []
    for k in range(GPW):
        g = gs[k]
        pltpu.make_async_copy(scores_hbm.at[g], val_v[k], sema[k]).wait()
        pltpu.make_async_copy(thr_hbm.at[g], thr_v[k], sema[k]).wait()
        pltpu.make_async_copy(scores_hbm.at[g], ret_v[k], semb[k]).wait()
        m1, c1, m2, c2 = init_top2(k)
        act0 = m1 != 0.0

        @pl.when(act0)
        def _():
            record(k, jnp.int32(0), c1)

        start_dma(k, c1, rowa_v, sema)
        start_dma(k, c2, rowb_v, semb)
        state0 += [act0, jnp.int32(1), c1, c2, m2, jnp.int32(n)]

    def cond(c):
        return c[0] | c[6] | c[12]

    def body(c):
        out = list(c)
        for k in range(GPW):
            i, c1, c2, m2val, cnt = (c[6 * k + 1], c[6 * k + 2],
                                     c[6 * k + 3], c[6 * k + 4],
                                     c[6 * k + 5])
            thr_vec = thr_v[k][...]
            thr_s = thr_vec[0]
            wait_dma(k, rowa_v, sema)
            wait_dma(k, rowb_v, semb)
            r1c2 = plsc.load_gather(rowa_v[k],
                                    [jnp.full((L,), c2, jnp.int32)])[0]
            hit = (r1c2 <= thr_s) & (m2val != 0.0)
            hitv = jnp.full((L,), hit, jnp.bool_)

            @pl.when(hit & (i < n))
            def _():
                record(k, i, c2)

            i1 = i + hit.astype(jnp.int32)
            ncnt, m1n, nc1, m2n, nc2 = compact_sweep(
                k, cnt, c1, c2, hitv, thr_vec)
            act = (m1n != 0.0) & (i1 < n)

            @pl.when(act)
            def _():
                record(k, i1, nc1)

            start_dma(k, nc1, rowa_v, sema)
            start_dma(k, nc2, rowb_v, semb)
            out[6 * k:6 * k + 6] = [act, i1 + act.astype(jnp.int32),
                                    nc1, nc2, m2n, ncnt]
        return tuple(out)

    lax.while_loop(cond, body, tuple(state0))

    for k in range(GPW):
        wait_dma(k, rowa_v, sema)
        wait_dma(k, rowb_v, semb)
        pltpu.make_async_copy(keep_v[k], keep_hbm.at[gs[k]], sema[k]).start()
        pltpu.make_async_copy(ret_v[k], ret_hbm.at[gs[k]], semb[k]).start()
    for k in range(GPW):
        pltpu.make_async_copy(keep_v[k], keep_hbm.at[gs[k]], sema[k]).wait()
        pltpu.make_async_copy(ret_v[k], ret_hbm.at[gs[k]], semb[k]).wait()


@functools.partial(jax.jit, static_argnums=(3, 4, 5))
def _sc_nms(sim_rows, scores_t, thr, bg, n, n_sl):
    mesh = plsc.VectorSubcoreMesh(core_axis_name="c", subcore_axis_name="s",
                                  num_cores=NC, num_subcores=NS)
    body = functools.partial(_nms_body, n, n_sl)
    return pl.kernel(
        body,
        out_type=[jax.ShapeDtypeStruct((bg, n), jnp.int32),
                  jax.ShapeDtypeStruct((bg, n), jnp.float32)],
        mesh=mesh,
        compiler_params=pltpu.CompilerParams(needs_layout_passes=False),
        scratch_types=(
            [pltpu.VMEM((n,), jnp.int32)] * GPW
            + [pltpu.VMEM((n,), jnp.float32)] * GPW
            + [pltpu.VMEM((n,), jnp.float32)] * GPW
            + [pltpu.VMEM((n,), jnp.int32)] * GPW
            + [pltpu.VMEM((n,), jnp.float32)] * GPW
            + [pltpu.VMEM((n,), jnp.float32)] * GPW
            + [pltpu.VMEM((L,), jnp.float32)] * GPW
            + [pltpu.SemaphoreType.DMA] * GPW
            + [pltpu.SemaphoreType.DMA] * GPW
        ),
    )(sim_rows, scores_t, thr)


def kernel(similarity_matrix, scores, threshold):
    B, G, N, _ = similarity_matrix.shape
    bg = B * G
    assert bg == NW * GPW and N % L == 0
    sim_rows = similarity_matrix.reshape(bg * N, N)
    scores_t = jnp.transpose(scores, (0, 2, 1)).reshape(bg, N)
    thr = jnp.broadcast_to(threshold[:, None, None], (B, G, L)).reshape(bg, L)
    keep_flat, ret_flat = _sc_nms(sim_rows, scores_t, thr, bg, N, N // L)
    keep = keep_flat.reshape(B, G, N)
    ret = jnp.transpose(ret_flat.reshape(B, G, N), (0, 2, 1))
    return keep, ret

# --- scband reference (transcript-rebuilt; emitter-appended) ---
"""Pipeline reference for scband-clipvision-tower-prune-sid-5789615915008 (READ-ONLY COPY).

The authoritative reference and input builder live on the scoring server;
editing this copy changes nothing except your own understanding.
"""

import jax, jax.numpy as jnp
import numpy as np


def setup_inputs(seed: int = 0) -> dict:
    key = jax.random.key(seed)
    k1, k2, k3 = jax.random.split(key, 3)
    B, G, N = 2, 48, 576
    similarity_matrix = jax.random.uniform(k1, (B, G, N, N), dtype=jnp.float32)
    scores = jax.random.uniform(k2, (B, N, G), dtype=jnp.float32)
    threshold = jax.random.uniform(k3, (B,), dtype=jnp.float32)
    return {"similarity_matrix": similarity_matrix, "scores": scores, "threshold": threshold}


def reference(similarity_matrix, scores, threshold):
    # Faithful JAX port of batch_similarity_nms: iterative group-wise
    # similarity-based non-maximum suppression.
    # similarity_matrix: [B, G, N, N], scores: [B, N, G], threshold: [B]
    B, G, N, _ = similarity_matrix.shape
    thr = threshold[:, None, None]  # broadcast to [B, G, N]
    keep0 = jnp.full((B, G, N), -1, dtype=jnp.int32)

    def body(i, carry):
        new_scores, return_scores, keep = carry
        max_values = jnp.max(new_scores, axis=1)   # [B, G]
        max_idx = jnp.argmax(new_scores, axis=1)   # [B, G]
        # gather the row of the current max for each (b, g): [B, G, N]
        sim_row = jnp.take_along_axis(
            similarity_matrix, max_idx[:, :, None, None], axis=2)[:, :, 0, :]
        valid = max_values != 0                    # [B, G]
        max_idx_v = jnp.where(valid, max_idx, -1)
        given = 1000.0 - i.astype(jnp.float32)
        # one-hot selection mask in scores layout [B, N, G]
        onehot = (jnp.arange(N)[None, :, None] == max_idx[:, None, :]) & valid[:, None, :]
        return_scores = jnp.where(onehot, given, return_scores)
        new_scores = jnp.where(onehot, 0.0, new_scores)
        # suppress everything too similar to the selected token
        cond = sim_row > thr                       # [B, G, N]
        new_scores = jnp.where(jnp.transpose(cond, (0, 2, 1)), 0.0, new_scores)
        keep = keep.at[:, :, i].set(max_idx_v.astype(jnp.int32))
        return (new_scores, return_scores, keep)

    # Torch runs a data-dependent while loop (breaks when all scores hit 0).
    # At most N iterations can select a token, so a fixed N-iteration loop is
    # equivalent; exhausted iterations write -1 into keep (padding) and change
    # nothing else, matching the torch semantics up to keep-length padding.
    _, return_scores, keep = jax.lax.fori_loop(
        0, N, body, (scores, scores, keep0))
    return keep, return_scores

if __name__ == "__main__":
    import jax
    _d = setup_inputs()
    print(jax.jit(kernel)(*tuple(_d.values())))

</pallas_src>

<mosaic_0001>
#map = affine_map<(d0, d1) -> (0, 0)>
module attributes {stable_mosaic.version = 14 : i64} {
  func.func @_nms_body(%arg0: i32, %arg1: i32, %arg2: memref<55296x576xf32, #tpu.memory_space<hbm>>, %arg3: memref<96x576xf32, #tpu.memory_space<hbm>>, %arg4: memref<96x16xf32, #tpu.memory_space<hbm>>, %arg5: memref<96x576xi32, #tpu.memory_space<hbm>>, %arg6: memref<96x576xf32, #tpu.memory_space<hbm>>, %arg7: memref<576xi32, #tpu.memory_space<vmem>>, %arg8: memref<576xi32, #tpu.memory_space<vmem>>, %arg9: memref<576xi32, #tpu.memory_space<vmem>>, %arg10: memref<576xf32, #tpu.memory_space<vmem>>, %arg11: memref<576xf32, #tpu.memory_space<vmem>>, %arg12: memref<576xf32, #tpu.memory_space<vmem>>, %arg13: memref<576xf32, #tpu.memory_space<vmem>>, %arg14: memref<576xf32, #tpu.memory_space<vmem>>, %arg15: memref<576xf32, #tpu.memory_space<vmem>>, %arg16: memref<576xi32, #tpu.memory_space<vmem>>, %arg17: memref<576xi32, #tpu.memory_space<vmem>>, %arg18: memref<576xi32, #tpu.memory_space<vmem>>, %arg19: memref<576xf32, #tpu.memory_space<vmem>>, %arg20: memref<576xf32, #tpu.memory_space<vmem>>, %arg21: memref<576xf32, #tpu.memory_space<vmem>>, %arg22: memref<576xf32, #tpu.memory_space<vmem>>, %arg23: memref<576xf32, #tpu.memory_space<vmem>>, %arg24: memref<576xf32, #tpu.memory_space<vmem>>, %arg25: memref<16xf32, #tpu.memory_space<vmem>>, %arg26: memref<16xf32, #tpu.memory_space<vmem>>, %arg27: memref<16xf32, #tpu.memory_space<vmem>>, %arg28: memref<!tpu.dma_semaphore, #tpu.memory_space<semaphore_mem>>, %arg29: memref<!tpu.dma_semaphore, #tpu.memory_space<semaphore_mem>>, %arg30: memref<!tpu.dma_semaphore, #tpu.memory_space<semaphore_mem>>, %arg31: memref<!tpu.dma_semaphore, #tpu.memory_space<semaphore_mem>>, %arg32: memref<!tpu.dma_semaphore, #tpu.memory_space<semaphore_mem>>, %arg33: memref<!tpu.dma_semaphore, #tpu.memory_space<semaphore_mem>>) attributes {dimension_semantics = [#tpu.dimension_semantics<core_parallel>, #tpu.dimension_semantics<subcore_parallel>], iteration_bounds = array<i64: 2, 16>, scalar_prefetch = 0 : i64, scratch_operands = 27 : i64, tpu.core_type = #tpu.core_type<sc_vector_subcore>, window_params = [{transform_indices = #map}, {transform_indices = #map}, {transform_indices = #map}, {transform_indices = #map}, {transform_indices = #map}]} {
    %mul3A = arith.constant 2 : i32
    %mul3A_0 = arith.muli %arg1, %mul3A : i32
    %add3A = arith.addi %mul3A_0, %arg0 : i32
    %iota3A = tpu.iota {dimensions = array<i32: 0>} : vector<16xi32>
    %eq3A = arith.constant 0 : i32
    %eq3A_1 = vector.broadcast %eq3A : i32 to vector<16xi32>
    %eq3A_2 = arith.cmpi eq, %iota3A, %eq3A_1 : vector<16xi32>
    %broadcast_in_dim3A = arith.constant -1 : i32
    %broadcast_in_dim3A_3 = vector.broadcast %broadcast_in_dim3A : i32 to vector<16xi32>
    %broadcast_in_dim3A_4 = arith.constant 0.000000e+00 : f32
    %broadcast_in_dim3A_5 = vector.broadcast %broadcast_in_dim3A_4 : f32 to vector<16xf32>
    %add3A_6 = arith.constant 0 : i32
    %add3A_7 = arith.addi %add3A, %add3A_6 : i32
    %add3A_8 = arith.constant 32 : i32
    %add3A_9 = arith.addi %add3A, %add3A_8 : i32
    %add3A_10 = arith.constant 64 : i32
    %add3A_11 = arith.addi %add3A, %add3A_10 : i32
    %dma_start3A = arith.constant 0 : i32
    %dma_start3A_12 = tpu.memref_slice %arg3[%add3A_7, %dma_start3A] : memref<96x576xf32, #tpu.memory_space<hbm>> -> memref<1x576xf32, #tpu.memory_space<hbm>>
    %dma_start3A_13 = tpu.memref_squeeze %dma_start3A_12 : memref<1x576xf32, #tpu.memory_space<hbm>> -> memref<576xf32, #tpu.memory_space<hbm>>
    %dma_start3A_14 = arith.constant 0 : i32
    %dma_start3A_15 = tpu.memref_slice %arg3[%add3A_7, %dma_start3A_14] : memref<96x576xf32, #tpu.memory_space<hbm>> -> memref<1x576xf32, #tpu.memory_space<hbm>>
    %dma_start3A_16 = tpu.memref_squeeze %dma_start3A_15 : memref<1x576xf32, #tpu.memory_space<hbm>> -> memref<576xf32, #tpu.memory_space<hbm>>
    tpu.enqueue_dma source(%dma_start3A_16 : memref<576xf32, #tpu.memory_space<hbm>>) target(%arg10 : memref<576xf32, #tpu.memory_space<vmem>>) target_semaphore(%arg28 : memref<!tpu.dma_semaphore, #tpu.memory_space<semaphore_mem>>)
    %dma_start3A_17 = arith.constant 0 : i32
    %dma_start3A_18 = tpu.memref_slice %arg3[%add3A_7, %dma_start3A_17] : memref<96x576xf32, #tpu.memory_space<hbm>> -> memref<1x576xf32, #tpu.memory_space<hbm>>
    %dma_start3A_19 = tpu.memref_squeeze %dma_start3A_18 : memref<1x576xf32, #tpu.memory_space<hbm>> -> memref<576xf32, #tpu.memory_space<hbm>>
    %dma_start3A_20 = arith.constant 0 : i32
    %dma_start3A_21 = tpu.memref_slice %arg3[%add3A_7, %dma_start3A_20] : memref<96x576xf32, #tpu.memory_space<hbm>> -> memref<1x576xf32, #tpu.memory_space<hbm>>
    %dma_start3A_22 = tpu.memref_squeeze %dma_start3A_21 : memref<1x576xf32, #tpu.memory_space<hbm>> -> memref<576xf32, #tpu.memory_space<hbm>>
    tpu.enqueue_dma source(%dma_start3A_22 : memref<576xf32, #tpu.memory_space<hbm>>) target(%arg13 : memref<576xf32, #tpu.memory_space<vmem>>) target_semaphore(%arg31 : memref<!tpu.dma_semaphore, #tpu.memory_space<semaphore_mem>>)
    %dma_start3A_23 = arith.constant 0 : i32
    %dma_start3A_24 = tpu.memref_slice %arg4[%add3A_7, %dma_start3A_23] : memref<96x16xf32, #tpu.memory_space<hbm>> -> memref<1x16xf32, #tpu.memory_space<hbm>>
    %dma_start3A_25 = tpu.memref_squeeze %dma_start3A_24 : memref<1x16xf32, #tpu.memory_space<hbm>> -> memref<16xf32, #tpu.memory_space<hbm>>
    %dma_start3A_26 = arith.constant 0 : i32
    %dma_start3A_27 = tpu.memref_slice %arg4[%add3A_7, %dma_start3A_26] : memref<96x16xf32, #tpu.memory_space<hbm>> -> memref<1x16xf32, #tpu.memory_space<hbm>>
    %dma_start3A_28 = tpu.memref_squeeze %dma_start3A_27 : memref<1x16xf32, #tpu.memory_space<hbm>> -> memref<16xf32, #tpu.memory_space<hbm>>
    tpu.enqueue_dma source(%dma_start3A_28 : memref<16xf32, #tpu.memory_space<hbm>>) target(%arg25 : memref<16xf32, #tpu.memory_space<vmem>>) target_semaphore(%arg28 : memref<!tpu.dma_semaphore, #tpu.memory_space<semaphore_mem>>)
    %swap3A = arith.constant 0 : index
    %swap3A_29 = tpu.vector_load %arg16[%swap3A] {strides = array<i32>} : memref<576xi32, #tpu.memory_space<vmem>>, vector<16xi32>,
    tpu.vector_store %arg16[%swap3A], %broadcast_in_dim3A_3 {strides = array<i32>} : memref<576xi32, #tpu.memory_space<vmem>>, vector<16xi32>,
    %add3A_30 = arith.constant 0 : i32
    %add3A_31 = vector.broadcast %add3A_30 : i32 to vector<16xi32>
    %add3A_32 = arith.addi %iota3A, %add3A_31 : vector<16xi32>
    %swap3A_33 = arith.constant 0 : index
    %swap3A_34 = tpu.vector_load %arg7[%swap3A_33] {strides = array<i32>} : memref<576xi32, #tpu.memory_space<vmem>>, vector<16xi32>,
    tpu.vector_store %arg7[%swap3A_33], %add3A_32 {strides = array<i32>} : memref<576xi32, #tpu.memory_space<vmem>>, vector<16xi32>,
    %swap3A_35 = arith.constant 16 : index
    %swap3A_36 = tpu.vector_load %arg16[%swap3A_35] {strides = array<i32>} : memref<576xi32, #tpu.memory_space<vmem>>, vector<16xi32>,
    tpu.vector_store %arg16[%swap3A_35], %broadcast_in_dim3A_3 {strides = array<i32>} : memref<576xi32, #tpu.memory_space<vmem>>, vector<16xi32>,
    %add3A_37 = arith.constant 16 : i32
    %add3A_38 = vector.broadcast %add3A_37 : i32 to vector<16xi32>
    %add3A_39 = arith.addi %iota3A, %add3A_38 : vector<16xi32>
    %swap3A_40 = arith.constant 16 : index
    %swap3A_41 = tpu.vector_load %arg7[%swap3A_40] {strides = array<i32>} : memref<576xi32, #tpu.memory_space<vmem>>, vector<16xi32>,
    tpu.vector_store %arg7[%swap3A_40], %add3A_39 {strides = array<i32>} : memref<576xi32, #tpu.memory_space<vmem>>, vector<16xi32>,
    %swap3A_42 = arith.constant 32 : index
    %swap3A_43 = tpu.vector_load %arg16[%swap3A_42] {strides = array<i32>} : memref<576xi32, #tpu.memory_space<vmem>>, vector<16xi32>,
    tpu.vector_store %arg16[%swap3A_42], %broadcast_in_dim3A_3 {strides = array<i32>} : memref<576xi32, #tpu.memory_space<vmem>>, vector<16xi32>,
    %add3A_44 = arith.constant 32 : i32
    %add3A_45 = vector.broadcast %add3A_44 : i32 to vector<16xi32>
    %add3A_46 = arith.addi %iota3A, %add3A_45 : vector<16xi32>
    %swap3A_47 = arith.constant 32 : index
    %swap3A_48 = tpu.vector_load %arg7[%swap3A_47] {strides = array<i32>} : memref<576xi32, #tpu.memory_space<vmem>>, vector<16xi32>,
    tpu.vector_store %arg7[%swap3A_47], %add3A_46 {strides = array<i32>} : memref<576xi32, #tpu.memory_space<vmem>>, vector<16xi32>,
    %swap3A_49 = arith.constant 48 : index
    %swap3A_50 = tpu.vector_load %arg16[%swap3A_49] {strides = array<i32>} : memref<576xi32, #tpu.memory_space<vmem>>, vector<16xi32>,
    tpu.vector_store %arg16[%swap3A_49], %broadcast_in_dim3A_3 {strides = array<i32>} : memref<576xi32, #tpu.memory_space<vmem>>, vector<16xi32>,
    %add3A_51 = arith.constant 48 : i32
    %add3A_52 = vector.broadcast %add3A_51 : i32 to vector<16xi32>
    %add3A_53 = arith.addi %iota3A, %add3A_52 : vector<16xi32>
    %swap3A_54 = arith.constant 48 : index
    %swap3A_55 = tpu.vector_load %arg7[%swap3A_54] {strides = array<i32>} : memref<576xi32, #tpu.memory_space<vmem>>, vector<16xi32>,
    tpu.vector_store %arg7[%swap3A_54], %add3A_53 {strides = array<i32>} : memref<576xi32, #tpu.memory_space<vmem>>, vector<16xi32>,
    %swap3A_56 = arith.constant 64 : index
    %swap3A_57 = tpu.vector_load %arg16[%swap3A_56] {strides = array<i32>} : memref<576xi32, #tpu.memory_space<vmem>>, vector<16xi32>,
    tpu.vector_store %arg16[%swap3A_56], %broadcast_in_dim3A_3 {strides = array<i32>} : memref<576xi32, #tpu.memory_space<vmem>>, vector<16xi32>,
    %add3A_58 = arith.constant 64 : i32
    %add3A_59 = vector.broadcast %add3A_58 : i32 to vector<16xi32>
    %add3A_60 = arith.addi %iota3A, %add3A_59 : vector<16xi32>
    %swap3A_61 = arith.constant 64 : index
    %swap3A_62 = tpu.vector_load %arg7[%swap3A_61] {strides = array<i32>} : memref<576xi32, #tpu.memory_space<vmem>>, vector<16xi32>,
    tpu.vector_store %arg7[%swap3A_61], %add3A_60 {strides = array<i32>} : memref<576xi32, #tpu.memory_space<vmem>>, vector<16xi32>,
    %swap3A_63 = arith.constant 80 : index
    %swap3A_64 = tpu.vector_load %arg16[%swap3A_63] {strides = array<i32>} : memref<576xi32, #tpu.memory_space<vmem>>, vector<16xi32>,
    tpu.vector_store %arg16[%swap3A_63], %broadcast_in_dim3A_3 {strides = array<i32>} : memref<576xi32, #tpu.memory_space<vmem>>, vector<16xi32>,
    %add3A_65 = arith.constant 80 : i32
    %add3A_66 = vector.broadcast %add3A_65 : i32 to vector<16xi32>
    %add3A_67 = arith.addi %iota3A, %add3A_66 : vector<16xi32>
    %swap3A_68 = arith.constant 80 : index
    %swap3A_69 = tpu.vector_load %arg7[%swap3A_68] {strides = array<i32>} : memref<576xi32, #tpu.memory_space<vmem>>, vector<16xi32>,
    tpu.vector_store %arg7[%swap3A_68], %add3A_67 {strides = array<i32>} : memref<576xi32, #tpu.memory_space<vmem>>, vector<16xi32>,
    %swap3A_70 = arith.constant 96 : index
    %swap3A_71 = tpu.vector_load %arg16[%swap3A_70] {strides = array<i32>} : memref<576xi32, #tpu.memory_space<vmem>>, vector<16xi32>,
    tpu.vector_store %arg16[%swap3A_70], %broadcast_in_dim3A_3 {strides = array<i32>} : memref<576xi32, #tpu.memory_space<vmem>>, vector<16xi32>,
    %add3A_72 = arith.constant 96 : i32
    %add3A_73 = vector.broadcast %add3A_72 : i32 to vector<16xi32>
    %add3A_74 = arith.addi %iota3A, %add3A_73 : vector<16xi32>
    %swap3A_75 = arith.constant 96 : index
    %swap3A_76 = tpu.vector_load %arg7[%swap3A_75] {strides = array<i32>} : memref<576xi32, #tpu.memory_space<vmem>>, vector<16xi32>,
    tpu.vector_store %arg7[%swap3A_75], %add3A_74 {strides = array<i32>} : memref<576xi32, #tpu.memory_space<vmem>>, vector<16xi32>,
    %swap3A_77 = arith.constant 112 : index
    %swap3A_78 = tpu.vector_load %arg16[%swap3A_77] {strides = array<i32>} : memref<576xi32, #tpu.memory_space<vmem>>, vector<16xi32>,
    tpu.vector_store %arg16[%swap3A_77], %broadcast_in_dim3A_3 {strides = array<i32>} : memref<576xi32, #tpu.memory_space<vmem>>, vector<16xi32>,
    %add3A_79 = arith.constant 112 : i32
    %add3A_80 = vector.broadcast %add3A_79 : i32 to vector<16xi32>
    %add3A_81 = arith.addi %iota3A, %add3A_80 : vector<16xi32>
    %swap3A_82 = arith.constant 112 : index
    %swap3A_83 = tpu.vector_load %arg7[%swap3A_82] {strides = array<i32>} : memref<576xi32, #tpu.memory_space<vmem>>, vector<16xi32>,
    tpu.vector_store %arg7[%swap3A_82], %add3A_81 {strides = array<i32>} : memref<576xi32, #tpu.memory_space<vmem>>, vector<16xi32>,
    %swap3A_84 = arith.constant 128 : index
    %swap3A_85 = tpu.vector_load %arg16[%swap3A_84] {strides = array<i32>} : memref<576xi32, #tpu.memory_space<vmem>>, vector<16xi32>,
    tpu.vector_store %arg16[%swap3A_84], %broadcast_in_dim3A_3 {strides = array<i32>} : memref<576xi32, #tpu.memory_space<vmem>>, vector<16xi32>,
    %add3A_86 = arith.constant 128 : i32
    %add3A_87 = vector.broadcast %add3A_86 : i32 to vector<16xi32>
    %add3A_88 = arith.addi %iota3A, %add3A_87 : vector<16xi32>
    %swap3A_89 = arith.constant 128 : index
    %swap3A_90 = tpu.vector_load %arg7[%swap3A_89] {strides = array<i32>} : memref<576xi32, #tpu.memory_space<vmem>>, vector<16xi32>,
    tpu.vector_store %arg7[%swap3A_89], %add3A_88 {strides = array<i32>} : memref<576xi32, #tpu.memory_space<vmem>>, vector<16xi32>,
    %swap3A_91 = arith.constant 144 : index
    %swap3A_92 = tpu.vector_load %arg16[%swap3A_91] {strides = array<i32>} : memref<576xi32, #tpu.memory_space<vmem>>, vector<16xi32>,
    tpu.vector_store %arg16[%swap3A_91], %broadcast_in_dim3A_3 {strides = array<i32>} : memref<576xi32, #tpu.memory_space<vmem>>, vector<16xi32>,
    %add3A_93 = arith.constant 144 : i32
    %add3A_94 = vector.broadcast %add3A_93 : i32 to vector<16xi32>
    %add3A_95 = arith.addi %iota3A, %add3A_94 : vector<16xi32>
    %swap3A_96 = arith.constant 144 : index
    %swap3A_97 = tpu.vector_load %arg7[%swap3A_96] {strides = array<i32>} : memref<576xi32, #tpu.memory_space<vmem>>, vector<16xi32>,
    tpu.vector_store %arg7[%swap3A_96], %add3A_95 {strides = array<i32>} : memref<576xi32, #tpu.memory_space<vmem>>, vector<16xi32>,
    %swap3A_98 = arith.constant 160 : index
    %swap3A_99 = tpu.vector_load %arg16[%swap3A_98] {strides = array<i32>} : memref<576xi32, #tpu.memory_space<vmem>>, vector<16xi32>,
    tpu.vector_store %arg16[%swap3A_98], %broadcast_in_dim3A_3 {strides = array<i32>} : memref<576xi32, #tpu.memory_space<vmem>>, vector<16xi32>,
    %add3A_100 = arith.constant 160 : i32
    %add3A_101 = vector.broadcast %add3A_100 : i32 to vector<16xi32>
    %add3A_102 = arith.addi %iota3A, %add3A_101 : vector<16xi32>
    %swap3A_103 = arith.constant 160 : index
    %swap3A_104 = tpu.vector_load %arg7[%swap3A_103] {strides = array<i32>} : memref<576xi32, #tpu.memory_space<vmem>>, vector<16xi32>,
    tpu.vector_store %arg7[%swap3A_103], %add3A_102 {strides = array<i32>} : memref<576xi32, #tpu.memory_space<vmem>>, vector<16xi32>,
    %swap3A_105 = arith.constant 176 : index
    %swap3A_106 = tpu.vector_load %arg16[%swap3A_105] {strides = array<i32>} : memref<576xi32, #tpu.memory_space<vmem>>, vector<16xi32>,
    tpu.vector_store %arg16[%swap3A_105], %broadcast_in_dim3A_3 {strides = array<i32>} : memref<576xi32, #tpu.memory_space<vmem>>, vector<16xi32>,
    %add3A_107 = arith.constant 176 : i32
    %add3A_108 = vector.broadcast %add3A_107 : i32 to vector<16xi32>
    %add3A_109 = arith.addi %iota3A, %add3A_108 : vector<16xi32>
    %swap3A_110 = arith.constant 176 : index
    %swap3A_111 = tpu.vector_load %arg7[%swap3A_110] {strides = array<i32>} : memref<576xi32, #tpu.memory_space<vmem>>, vector<16xi32>,
    tpu.vector_store %arg7[%swap3A_110], %add3A_109 {strides = array<i32>} : memref<576xi32, #tpu.memory_space<vmem>>, vector<16xi32>,
    %swap3A_112 = arith.constant 192 : index
    %swap3A_113 = tpu.vector_load %arg16[%swap3A_112] {strides = array<i32>} : memref<576xi32, #tpu.memory_space<vmem>>, vector<16xi32>,
    tpu.vector_store %arg16[%swap3A_112], %broadcast_in_dim3A_3 {strides = array<i32>} : memref<576xi32, #tpu.memory_space<vmem>>, vector<16xi32>,
    %add3A_114 = arith.constant 192 : i32
    %add3A_115 = vector.broadcast %add3A_114 : i32 to vector<16xi32>
    %add3A_116 = arith.addi %iota3A, %add3A_115 : vector<16xi32>
    %swap3A_117 = arith.constant 192 : index
    %swap3A_118 = tpu.vector_load %arg7[%swap3A_117] {strides = array<i32>} : memref<576xi32, #tpu.memory_space<vmem>>, vector<16xi32>,
    tpu.vector_store %arg7[%swap3A_117], %add3A_116 {strides = array<i32>} : memref<576xi32, #tpu.memory_space<vmem>>, vector<16xi32>,
    %swap3A_119 = arith.constant 208 : index
    %swap3A_120 = tpu.vector_load %arg16[%swap3A_119] {strides = array<i32>} : memref<576xi32, #tpu.memory_space<vmem>>, vector<16xi32>,
    tpu.vector_store %arg16[%swap3A_119], %broadcast_in_dim3A_3 {strides = array<i32>} : memref<576xi32, #tpu.memory_space<vmem>>, vector<16xi32>,
    %add3A_121 = arith.constant 208 : i32
    %add3A_122 = vector.broadcast %add3A_121 : i32 to vector<16xi32>
    %add3A_123 = arith.addi %iota3A, %add3A_122 : vector<16xi32>
    %swap3A_124 = arith.constant 208 : index
    %swap3A_125 = tpu.vector_load %arg7[%swap3A_124] {strides = array<i32>} : memref<576xi32, #tpu.memory_space<vmem>>, vector<16xi32>,
    tpu.vector_store %arg7[%swap3A_124], %add3A_123 {strides = array<i32>} : memref<576xi32, #tpu.memory_space<vmem>>, vector<16xi32>,
    %swap3A_126 = arith.constant 224 : index
    %swap3A_127 = tpu.vector_load %arg16[%swap3A_126] {strides = array<i32>} : memref<576xi32, #tpu.memory_space<vmem>>, vector<16xi32>,
    tpu.vector_store %arg16[%swap3A_126], %broadcast_in_dim3A_3 {strides = array<i32>} : memref<576xi32, #tpu.memory_space<vmem>>, vector<16xi32>,
    %add3A_128 = arith.constant 224 : i32
    %add3A_129 = vector.broadcast %add3A_128 : i32 to vector<16xi32>
    %add3A_130 = arith.addi %iota3A, %add3A_129 : vector<16xi32>
    %swap3A_131 = arith.constant 224 : index
    %swap3A_132 = tpu.vector_load %arg7[%swap3A_131] {strides = array<i32>} : memref<576xi32, #tpu.memory_space<vmem>>, vector<16xi32>,
    tpu.vector_store %arg7[%swap3A_131], %add3A_130 {strides = array<i32>} : memref<576xi32, #tpu.memory_space<vmem>>, vector<16xi32>,
    %swap3A_133 = arith.constant 240 : index
    %swap3A_134 = tpu.vector_load %arg16[%swap3A_133] {strides = array<i32>} : memref<576xi32, #tpu.memory_space<vmem>>, vector<16xi32>,
    tpu.vector_store %arg16[%swap3A_133], %broadcast_in_dim3A_3 {strides = array<i32>} : memref<576xi32, #tpu.memory_space<vmem>>, vector<16xi32>,
    %add3A_135 = arith.constant 240 : i32
    %add3A_136 = vector.broadcast %add3A_135 : i32 to vector<16xi32>
    %add3A_137 = arith.addi %iota3A, %add3A_136 : vector<16xi32>
    %swap3A_138 = arith.constant 240 : index
    %swap3A_139 = tpu.vector_load %arg7[%swap3A_138] {strides = array<i32>} : memref<576xi32, #tpu.memory_space<vmem>>, vector<16xi32>,
    tpu.vector_store %arg7[%swap3A_138], %add3A_137 {strides = array<i32>} : memref<576xi32, #tpu.memory_space<vmem>>, vector<16xi32>,
    %swap3A_140 = arith.constant 256 : index
    %swap3A_141 = tpu.vector_load %arg16[%swap3A_140] {strides = array<i32>} : memref<576xi32, #tpu.memory_space<vmem>>, vector<16xi32>,
    tpu.vector_store %arg16[%swap3A_140], %broadcast_in_dim3A_3 {strides = array<i32>} : memref<576xi32, #tpu.memory_space<vmem>>, vector<16xi32>,
    %add3A_142 = arith.constant 256 : i32
    %add3A_143 = vector.broadcast %add3A_142 : i32 to vector<16xi32>
    %add3A_144 = arith.addi %iota3A, %add3A_143 : vector<16xi32>
    %swap3A_145 = arith.constant 256 : index
    %swap3A_146 = tpu.vector_load %arg7[%swap3A_145] {strides = array<i32>} : memref<576xi32, #tpu.memory_space<vmem>>, vector<16xi32>,
    tpu.vector_store %arg7[%swap3A_145], %add3A_144 {strides = array<i32>} : memref<576xi32, #tpu.memory_space<vmem>>, vector<16xi32>,
    %swap3A_147 = arith.constant 272 : index
    %swap3A_148 = tpu.vector_load %arg16[%swap3A_147] {strides = array<i32>} : memref<576xi32, #tpu.memory_space<vmem>>, vector<16xi32>,
    tpu.vector_store %arg16[%swap3A_147], %broadcast_in_dim3A_3 {strides = array<i32>} : memref<576xi32, #tpu.memory_space<vmem>>, vector<16xi32>,
    %add3A_149 = arith.constant 272 : i32
    %add3A_150 = vector.broadcast %add3A_149 : i32 to vector<16xi32>
    %add3A_151 = arith.addi %iota3A, %add3A_150 : vector<16xi32>
    %swap3A_152 = arith.constant 272 : index
    %swap3A_153 = tpu.vector_load %arg7[%swap3A_152] {strides = array<i32>} : memref<576xi32, #tpu.memory_space<vmem>>, vector<16xi32>,
    tpu.vector_store %arg7[%swap3A_152], %add3A_151 {strides = array<i32>} : memref<576xi32, #tpu.memory_space<vmem>>, vector<16xi32>,
    %swap3A_154 = arith.constant 288 : index
    %swap3A_155 = tpu.vector_load %arg16[%swap3A_154] {strides = array<i32>} : memref<576xi32, #tpu.memory_space<vmem>>, vector<16xi32>,
    tpu.vector_store %arg16[%swap3A_154], %broadcast_in_dim3A_3 {strides = array<i32>} : memref<576xi32, #tpu.memory_space<vmem>>, vector<16xi32>,
    %add3A_156 = arith.constant 288 : i32
    %add3A_157 = vector.broadcast %add3A_156 : i32 to vector<16xi32>
    %add3A_158 = arith.addi %iota3A, %add3A_157 : vector<16xi32>
    %swap3A_159 = arith.constant 288 : index
    %swap3A_160 = tpu.vector_load %arg7[%swap3A_159] {strides = array<i32>} : memref<576xi32, #tpu.memory_space<vmem>>, vector<16xi32>,
    tpu.vector_store %arg7[%swap3A_159], %add3A_158 {strides = array<i32>} : memref<576xi32, #tpu.memory_space<vmem>>, vector<16xi32>,
    %swap3A_161 = arith.constant 304 : index
    %swap3A_162 = tpu.vector_load %arg16[%swap3A_161] {strides = array<i32>} : memref<576xi32, #tpu.memory_space<vmem>>, vector<16xi32>,
    tpu.vector_store %arg16[%swap3A_161], %broadcast_in_dim3A_3 {strides = array<i32>} : memref<576xi32, #tpu.memory_space<vmem>>, vector<16xi32>,
    %add3A_163 = arith.constant 304 : i32
    %add3A_164 = vector.broadcast %add3A_163 : i32 to vector<16xi32>
    %add3A_165 = arith.addi %iota3A, %add3A_164 : vector<16xi32>
    %swap3A_166 = arith.constant 304 : index
    %swap3A_167 = tpu.vector_load %arg7[%swap3A_166] {strides = array<i32>} : memref<576xi32, #tpu.memory_space<vmem>>, vector<16xi32>,
    tpu.vector_store %arg7[%swap3A_166], %add3A_165 {strides = array<i32>} : memref<576xi32, #tpu.memory_space<vmem>>, vector<16xi32>,
    %swap3A_168 = arith.constant 320 : index
    %swap3A_169 = tpu.vector_load %arg16[%swap3A_168] {strides = array<i32>} : memref<576xi32, #tpu.memory_space<vmem>>, vector<16xi32>,
    tpu.vector_store %arg16[%swap3A_168], %broadcast_in_dim3A_3 {strides = array<i32>} : memref<576xi32, #tpu.memory_space<vmem>>, vector<16xi32>,
    %add3A_170 = arith.constant 320 : i32
    %add3A_171 = vector.broadcast %add3A_170 : i32 to vector<16xi32>
    %add3A_172 = arith.addi %iota3A, %add3A_171 : vector<16xi32>
    %swap3A_173 = arith.constant 320 : index
    %swap3A_174 = tpu.vector_load %arg7[%swap3A_173] {strides = array<i32>} : memref<576xi32, #tpu.memory_space<vmem>>, vector<16xi32>,
    tpu.vector_store %arg7[%swap3A_173], %add3A_172 {strides = array<i32>} : memref<576xi32, #tpu.memory_space<vmem>>, vector<16xi32>,
    %swap3A_175 = arith.constant 336 : index
    %swap3A_176 = tpu.vector_load %arg16[%swap3A_175] {strides = array<i32>} : memref<576xi32, #tpu.memory_space<vmem>>, vector<16xi32>,
    tpu.vector_store %arg16[%swap3A_175], %broadcast_in_dim3A_3 {strides = array<i32>} : memref<576xi32, #tpu.memory_space<vmem>>, vector<16xi32>,
    %add3A_177 = arith.constant 336 : i32
    %add3A_178 = vector.broadcast %add3A_177 : i32 to vector<16xi32>
    %add3A_179 = arith.addi %iota3A, %add3A_178 : vector<16xi32>
    %swap3A_180 = arith.constant 336 : index
    %swap3A_181 = tpu.vector_load %arg7[%swap3A_180] {strides = array<i32>} : memref<576xi32, #tpu.memory_space<vmem>>, vector<16xi32>,
    tpu.vector_store %arg7[%swap3A_180], %add3A_179 {strides = array<i32>} : memref<576xi32, #tpu.memory_space<vmem>>, vector<16xi32>,
    %swap3A_182 = arith.constant 352 : index
    %swap3A_183 = tpu.vector_load %arg16[%swap3A_182] {strides = array<i32>} : memref<576xi32, #tpu.memory_space<vmem>>, vector<16xi32>,
    tpu.vector_store %arg16[%swap3A_182], %broadcast_in_dim3A_3 {strides = array<i32>} : memref<576xi32, #tpu.memory_space<vmem>>, vector<16xi32>,
    %add3A_184 = arith.constant 352 : i32
    %add3A_185 = vector.broadcast %add3A_184 : i32 to vector<16xi32>
    %add3A_186 = arith.addi %iota3A, %add3A_185 : vector<16xi32>
    %swap3A_187 = arith.constant 352 : index
    %swap3A_188 = tpu.vector_load %arg7[%swap3A_187] {strides = array<i32>} : memref<576xi32, #tpu.memory_space<vmem>>, vector<16xi32>,
    tpu.vector_store %arg7[%swap3A_187], %add3A_186 {strides = array<i32>} : memref<576xi32, #tpu.memory_space<vmem>>, vector<16xi32>,
    %swap3A_189 = arith.constant 368 : index
    %swap3A_190 = tpu.vector_load %arg16[%swap3A_189] {strides = array<i32>} : memref<576xi32, #tpu.memory_space<vmem>>, vector<16xi32>,
    tpu.vector_store %arg16[%swap3A_189], %broadcast_in_dim3A_3 {strides = array<i32>} : memref<576xi32, #tpu.memory_space<vmem>>, vector<16xi32>,
    %add3A_191 = arith.constant 368 : i32
    %add3A_192 = vector.broadcast %add3A_191 : i32 to vector<16xi32>
    %add3A_193 = arith.addi %iota3A, %add3A_192 : vector<16xi32>
    %swap3A_194 = arith.constant 368 : index
    %swap3A_195 = tpu.vector_load %arg7[%swap3A_194] {strides = array<i32>} : memref<576xi32, #tpu.memory_space<vmem>>, vector<16xi32>,
    tpu.vector_store %arg7[%swap3A_194], %add3A_193 {strides = array<i32>} : memref<576xi32, #tpu.memory_space<vmem>>, vector<16xi32>,
    %swap3A_196 = arith.constant 384 : index
    %swap3A_197 = tpu.vector_load %arg16[%swap3A_196] {strides = array<i32>} : memref<576xi32, #tpu.memory_space<vmem>>, vector<16xi32>,
    tpu.vector_store %arg16[%swap3A_196], %broadcast_in_dim3A_3 {strides = array<i32>} : memref<576xi32, #tpu.memory_space<vmem>>, vector<16xi32>,
    %add3A_198 = arith.constant 384 : i32
    %add3A_199 = vector.broadcast %add3A_198 : i32 to vector<16xi32>
    %add3A_200 = arith.addi %iota3A, %add3A_199 : vector<16xi32>
    %swap3A_201 = arith.constant 384 : index
    %swap3A_202 = tpu.vector_load %arg7[%swap3A_201] {strides = array<i32>} : memref<576xi32, #tpu.memory_space<vmem>>, vector<16xi32>,
    tpu.vector_store %arg7[%swap3A_201], %add3A_200 {strides = array<i32>} : memref<576xi32, #tpu.memory_space<vmem>>, vector<16xi32>,
    %swap3A_203 = arith.constant 400 : index
    %swap3A_204 = tpu.vector_load %arg16[%swap3A_203] {strides = array<i32>} : memref<576xi32, #tpu.memory_space<vmem>>, vector<16xi32>,
    tpu.vector_store %arg16[%swap3A_203], %broadcast_in_dim3A_3 {strides = array<i32>} : memref<576xi32, #tpu.memory_space<vmem>>, vector<16xi32>,
    %add3A_205 = arith.constant 400 : i32
    %add3A_206 = vector.broadcast %add3A_205 : i32 to vector<16xi32>
    %add3A_207 = arith.addi %iota3A, %add3A_206 : vector<16xi32>
    %swap3A_208 = arith.constant 400 : index
    %swap3A_209 = tpu.vector_load %arg7[%swap3A_208] {strides = array<i32>} : memref<576xi32, #tpu.memory_space<vmem>>, vector<16xi32>,
    tpu.vector_store %arg7[%swap3A_208], %add3A_207 {strides = array<i32>} : memref<576xi32, #tpu.memory_space<vmem>>, vector<16xi32>,
    %swap3A_210 = arith.constant 416 : index
    %swap3A_211 = tpu.vector_load %arg16[%swap3A_210] {strides = array<i32>} : memref<576xi32, #tpu.memory_space<vmem>>, vector<16xi32>,
    tpu.vector_store %arg16[%swap3A_210], %broadcast_in_dim3A_3 {strides = array<i32>} : memref<576xi32, #tpu.memory_space<vmem>>, vector<16xi32>,
    %add3A_212 = arith.constant 416 : i32
    %add3A_213 = vector.broadcast %add3A_212 : i32 to vector<16xi32>
    %add3A_214 = arith.addi %iota3A, %add3A_213 : vector<16xi32>
    %swap3A_215 = arith.constant 416 : index
    %swap3A_216 = tpu.vector_load %arg7[%swap3A_215] {strides = array<i32>} : memref<576xi32, #tpu.memory_space<vmem>>, vector<16xi32>,
    tpu.vector_store %arg7[%swap3A_215], %add3A_214 {strides = array<i32>} : memref<576xi32, #tpu.memory_space<vmem>>, vector<16xi32>,
    %swap3A_217 = arith.constant 432 : index
    %swap3A_218 = tpu.vector_load %arg16[%swap3A_217] {strides = array<i32>} : memref<576xi32, #tpu.memory_space<vmem>>, vector<16xi32>,
    tpu.vector_store %arg16[%swap3A_217], %broadcast_in_dim3A_3 {strides = array<i32>} : memref<576xi32, #tpu.memory_space<vmem>>, vector<16xi32>,
    %add3A_219 = arith.constant 432 : i32
    %add3A_220 = vector.broadcast %add3A_219 : i32 to vector<16xi32>
    %add3A_221 = arith.addi %iota3A, %add3A_220 : vector<16xi32>
    %swap3A_222 = arith.constant 432 : index
    %swap3A_223 = tpu.vector_load %arg7[%swap3A_222] {strides = array<i32>} : memref<576xi32, #tpu.memory_space<vmem>>, vector<16xi32>,
    tpu.vector_store %arg7[%swap3A_222], %add3A_221 {strides = array<i32>} : memref<576xi32, #tpu.memory_space<vmem>>, vector<16xi32>,
    %swap3A_224 = arith.constant 448 : index
    %swap3A_225 = tpu.vector_load %arg16[%swap3A_224] {strides = array<i32>} : memref<576xi32, #tpu.memory_space<vmem>>, vector<16xi32>,
    tpu.vector_store %arg16[%swap3A_224], %broadcast_in_dim3A_3 {strides = array<i32>} : memref<576xi32, #tpu.memory_space<vmem>>, vector<16xi32>,
    %add3A_226 = arith.constant 448 : i32
    %add3A_227 = vector.broadcast %add3A_226 : i32 to vector<16xi32>
    %add3A_228 = arith.addi %iota3A, %add3A_227 : vector<16xi32>
    %swap3A_229 = arith.constant 448 : index
    %swap3A_230 = tpu.vector_load %arg7[%swap3A_229] {strides = array<i32>} : memref<576xi32, #tpu.memory_space<vmem>>, vector<16xi32>,
    tpu.vector_store %arg7[%swap3A_229], %add3A_228 {strides = array<i32>} : memref<576xi32, #tpu.memory_space<vmem>>, vector<16xi32>,
    %swap3A_231 = arith.constant 464 : index
    %swap3A_232 = tpu.vector_load %arg16[%swap3A_231] {strides = array<i32>} : memref<576xi32, #tpu.memory_space<vmem>>, vector<16xi32>,
    tpu.vector_store %arg16[%swap3A_231], %broadcast_in_dim3A_3 {strides = array<i32>} : memref<576xi32, #tpu.memory_space<vmem>>, vector<16xi32>,
    %add3A_233 = arith.constant 464 : i32
    %add3A_234 = vector.broadcast %add3A_233 : i32 to vector<16xi32>
    %add3A_235 = arith.addi %iota3A, %add3A_234 : vector<16xi32>
    %swap3A_236 = arith.constant 464 : index
    %swap3A_237 = tpu.vector_load %arg7[%swap3A_236] {strides = array<i32>} : memref<576xi32, #tpu.memory_space<vmem>>, vector<16xi32>,
    tpu.vector_store %arg7[%swap3A_236], %add3A_235 {strides = array<i32>} : memref<576xi32, #tpu.memory_space<vmem>>, vector<16xi32>,
    %swap3A_238 = arith.constant 480 : index
    %swap3A_239 = tpu.vector_load %arg16[%swap3A_238] {strides = array<i32>} : memref<576xi32, #tpu.memory_space<vmem>>, vector<16xi32>,
    tpu.vector_store %arg16[%swap3A_238], %broadcast_in_dim3A_3 {strides = array<i32>} : memref<576xi32, #tpu.memory_space<vmem>>, vector<16xi32>,
    %add3A_240 = arith.constant 480 : i32
    %add3A_241 = vector.broadcast %add3A_240 : i32 to vector<16xi32>
    %add3A_242 = arith.addi %iota3A, %add3A_241 : vector<16xi32>
    %swap3A_243 = arith.constant 480 : index
    %swap3A_244 = tpu.vector_load %arg7[%swap3A_243] {strides = array<i32>} : memref<576xi32, #tpu.memory_space<vmem>>, vector<16xi32>,
    tpu.vector_store %arg7[%swap3A_243], %add3A_242 {strides = array<i32>} : memref<576xi32, #tpu.memory_space<vmem>>, vector<16xi32>,
    %swap3A_245 = arith.constant 496 : index
    %swap3A_246 = tpu.vector_load %arg16[%swap3A_245] {strides = array<i32>} : memref<576xi32, #tpu.memory_space<vmem>>, vector<16xi32>,
    tpu.vector_store %arg16[%swap3A_245], %broadcast_in_dim3A_3 {strides = array<i32>} : memref<576xi32, #tpu.memory_space<vmem>>, vector<16xi32>,
    %add3A_247 = arith.constant 496 : i32
    %add3A_248 = vector.broadcast %add3A_247 : i32 to vector<16xi32>
    %add3A_249 = arith.addi %iota3A, %add3A_248 : vector<16xi32>
    %swap3A_250 = arith.constant 496 : index
    %swap3A_251 = tpu.vector_load %arg7[%swap3A_250] {strides = array<i32>} : memref<576xi32, #tpu.memory_space<vmem>>, vector<16xi32>,
    tpu.vector_store %arg7[%swap3A_250], %add3A_249 {strides = array<i32>} : memref<576xi32, #tpu.memory_space<vmem>>, vector<16xi32>,
    %swap3A_252 = arith.constant 512 : index
    %swap3A_253 = tpu.vector_load %arg16[%swap3A_252] {strides = array<i32>} : memref<576xi32, #tpu.memory_space<vmem>>, vector<16xi32>,
    tpu.vector_store %arg16[%swap3A_252], %broadcast_in_dim3A_3 {strides = array<i32>} : memref<576xi32, #tpu.memory_space<vmem>>, vector<16xi32>,
    %add3A_254 = arith.constant 512 : i32
    %add3A_255 = vector.broadcast %add3A_254 : i32 to vector<16xi32>
    %add3A_256 = arith.addi %iota3A, %add3A_255 : vector<16xi32>
    %swap3A_257 = arith.constant 512 : index
    %swap3A_258 = tpu.vector_load %arg7[%swap3A_257] {strides = array<i32>} : memref<576xi32, #tpu.memory_space<vmem>>, vector<16xi32>,
    tpu.vector_store %arg7[%swap3A_257], %add3A_256 {strides = array<i32>} : memref<576xi32, #tpu.memory_space<vmem>>, vector<16xi32>,
    %swap3A_259 = arith.constant 528 : index
    %swap3A_260 = tpu.vector_load %arg16[%swap3A_259] {strides = array<i32>} : memref<576xi32, #tpu.memory_space<vmem>>, vector<16xi32>,
    tpu.vector_store %arg16[%swap3A_259], %broadcast_in_dim3A_3 {strides = array<i32>} : memref<576xi32, #tpu.memory_space<vmem>>, vector<16xi32>,
    %add3A_261 = arith.constant 528 : i32
    %add3A_262 = vector.broadcast %add3A_261 : i32 to vector<16xi32>
    %add3A_263 = arith.addi %iota3A, %add3A_262 : vector<16xi32>
    %swap3A_264 = arith.constant 528 : index
    %swap3A_265 = tpu.vector_load %arg7[%swap3A_264] {strides = array<i32>} : memref<576xi32, #tpu.memory_space<vmem>>, vector<16xi32>,
    tpu.vector_store %arg7[%swap3A_264], %add3A_263 {strides = array<i32>} : memref<576xi32, #tpu.memory_space<vmem>>, vector<16xi32>,
    %swap3A_266 = arith.constant 544 : index
    %swap3A_267 = tpu.vector_load %arg16[%swap3A_266] {strides = array<i32>} : memref<576xi32, #tpu.memory_space<vmem>>, vector<16xi32>,
    tpu.vector_store %arg16[%swap3A_266], %broadcast_in_dim3A_3 {strides = array<i32>} : memref<576xi32, #tpu.memory_space<vmem>>, vector<16xi32>,
    %add3A_268 = arith.constant 544 : i32
    %add3A_269 = vector.broadcast %add3A_268 : i32 to vector<16xi32>
    %add3A_270 = arith.addi %iota3A, %add3A_269 : vector<16xi32>
    %swap3A_271 = arith.constant 544 : index
    %swap3A_272 = tpu.vector_load %arg7[%swap3A_271] {strides = array<i32>} : memref<576xi32, #tpu.memory_space<vmem>>, vector<16xi32>,
    tpu.vector_store %arg7[%swap3A_271], %add3A_270 {strides = array<i32>} : memref<576xi32, #tpu.memory_space<vmem>>, vector<16xi32>,
    %swap3A_273 = arith.constant 560 : index
    %swap3A_274 = tpu.vector_load %arg16[%swap3A_273] {strides = array<i32>} : memref<576xi32, #tpu.memory_space<vmem>>, vector<16xi32>,
    tpu.vector_store %arg16[%swap3A_273], %broadcast_in_dim3A_3 {strides = array<i32>} : memref<576xi32, #tpu.memory_space<vmem>>, vector<16xi32>,
    %add3A_275 = arith.constant 560 : i32
    %add3A_276 = vector.broadcast %add3A_275 : i32 to vector<16xi32>
    %add3A_277 = arith.addi %iota3A, %add3A_276 : vector<16xi32>
    %swap3A_278 = arith.constant 560 : index
    %swap3A_279 = tpu.vector_load %arg7[%swap3A_278] {strides = array<i32>} : memref<576xi32, #tpu.memory_space<vmem>>, vector<16xi32>,
    tpu.vector_store %arg7[%swap3A_278], %add3A_277 {strides = array<i32>} : memref<576xi32, #tpu.memory_space<vmem>>, vector<16xi32>,
    %dma_start3A_280 = arith.constant 0 : i32
    %dma_start3A_281 = tpu.memref_slice %arg3[%add3A_9, %dma_start3A_280] : memref<96x576xf32, #tpu.memory_space<hbm>> -> memref<1x576xf32, #tpu.memory_space<hbm>>
    %dma_start3A_282 = tpu.memref_squeeze %dma_start3A_281 : memref<1x576xf32, #tpu.memory_space<hbm>> -> memref<576xf32, #tpu.memory_space<hbm>>
    %dma_start3A_283 = arith.constant 0 : i32
    %dma_start3A_284 = tpu.memref_slice %arg3[%add3A_9, %dma_start3A_283] : memref<96x576xf32, #tpu.memory_space<hbm>> -> memref<1x576xf32, #tpu.memory_space<hbm>>
    %dma_start3A_285 = tpu.memref_squeeze %dma_start3A_284 : memref<1x576xf32, #tpu.memory_space<hbm>> -> memref<576xf32, #tpu.memory_space<hbm>>
    tpu.enqueue_dma source(%dma_start3A_285 : memref<576xf32, #tpu.memory_space<hbm>>) target(%arg11 : memref<576xf32, #tpu.memory_space<vmem>>) target_semaphore(%arg29 : memref<!tpu.dma_semaphore, #tpu.memory_space<semaphore_mem>>)
    %dma_start3A_286 = arith.constant 0 : i32
    %dma_start3A_287 = tpu.memref_slice %arg3[%add3A_9, %dma_start3A_286] : memref<96x576xf32, #tpu.memory_space<hbm>> -> memref<1x576xf32, #tpu.memory_space<hbm>>
    %dma_start3A_288 = tpu.memref_squeeze %dma_start3A_287 : memref<1x576xf32, #tpu.memory_space<hbm>> -> memref<576xf32, #tpu.memory_space<hbm>>
    %dma_start3A_289 = arith.constant 0 : i32
    %dma_start3A_290 = tpu.memref_slice %arg3[%add3A_9, %dma_start3A_289] : memref<96x576xf32, #tpu.memory_space<hbm>> -> memref<1x576xf32, #tpu.memory_space<hbm>>
    %dma_start3A_291 = tpu.memref_squeeze %dma_start3A_290 : memref<1x576xf32, #tpu.memory_space<hbm>> -> memref<576xf32, #tpu.memory_space<hbm>>
    tpu.enqueue_dma source(%dma_start3A_291 : memref<576xf32, #tpu.memory_space<hbm>>) target(%arg14 : memref<576xf32, #tpu.memory_space<vmem>>) target_semaphore(%arg32 : memref<!tpu.dma_semaphore, #tpu.memory_space<semaphore_mem>>)
    %dma_start3A_292 = arith.constant 0 : i32
    %dma_start3A_293 = tpu.memref_slice %arg4[%add3A_9, %dma_start3A_292] : memref<96x16xf32, #tpu.memory_space<hbm>> -> memref<1x16xf32, #tpu.memory_space<hbm>>
    %dma_start3A_294 = tpu.memref_squeeze %dma_start3A_293 : memref<1x16xf32, #tpu.memory_space<hbm>> -> memref<16xf32, #tpu.memory_space<hbm>>
    %dma_start3A_295 = arith.constant 0 : i32
    %dma_start3A_296 = tpu.memref_slice %arg4[%add3A_9, %dma_start3A_295] : memref<96x16xf32, #tpu.memory_space<hbm>> -> memref<1x16xf32, #tpu.memory_space<hbm>>
    %dma_start3A_297 = tpu.memref_squeeze %dma_start3A_296 : memref<1x16xf32, #tpu.memory_space<hbm>> -> memref<16xf32, #tpu.memory_space<hbm>>
    tpu.enqueue_dma source(%dma_start3A_297 : memref<16xf32, #tpu.memory_space<hbm>>) target(%arg26 : memref<16xf32, #tpu.memory_space<vmem>>) target_semaphore(%arg29 : memref<!tpu.dma_semaphore, #tpu.memory_space<semaphore_mem>>)
    %swap3A_298 = arith.constant 0 : index
    %swap3A_299 = tpu.vector_load %arg17[%swap3A_298] {strides = array<i32>} : memref<576xi32, #tpu.memory_space<vmem>>, vector<16xi32>,
    tpu.vector_store %arg17[%swap3A_298], %broadcast_in_dim3A_3 {strides = array<i32>} : memref<576xi32, #tpu.memory_space<vmem>>, vector<16xi32>,
    %add3A_300 = arith.constant 0 : i32
    %add3A_301 = vector.broadcast %add3A_300 : i32 to vector<16xi32>
    %add3A_302 = arith.addi %iota3A, %add3A_301 : vector<16xi32>
    %swap3A_303 = arith.constant 0 : index
    %swap3A_304 = tpu.vector_load %arg8[%swap3A_303] {strides = array<i32>} : memref<576xi32, #tpu.memory_space<vmem>>, vector<16xi32>,
    tpu.vector_store %arg8[%swap3A_303], %add3A_302 {strides = array<i32>} : memref<576xi32, #tpu.memory_space<vmem>>, vector<16xi32>,
    %swap3A_305 = arith.constant 16 : index
    %swap3A_306 = tpu.vector_load %arg17[%swap3A_305] {strides = array<i32>} : memref<576xi32, #tpu.memory_space<vmem>>, vector<16xi32>,
    tpu.vector_store %arg17[%swap3A_305], %broadcast_in_dim3A_3 {strides = array<i32>} : memref<576xi32, #tpu.memory_space<vmem>>, vector<16xi32>,
    %add3A_307 = arith.constant 16 : i32
    %add3A_308 = vector.broadcast %add3A_307 : i32 to vector<16xi32>
    %add3A_309 = arith.addi %iota3A, %add3A_308 : vector<16xi32>
    %swap3A_310 = arith.constant 16 : index
    %swap3A_311 = tpu.vector_load %arg8[%swap3A_310] {strides = array<i32>} : memref<576xi32, #tpu.memory_space<vmem>>, vector<16xi32>,
    tpu.vector_store %arg8[%swap3A_310], %add3A_309 {strides = array<i32>} : memref<576xi32, #tpu.memory_space<vmem>>, vector<16xi32>,
    %swap3A_312 = arith.constant 32 : index
    %swap3A_313 = tpu.vector_load %arg17[%swap3A_312] {strides = array<i32>} : memref<576xi32, #tpu.memory_space<vmem>>, vector<16xi32>,
    tpu.vector_store %arg17[%swap3A_312], %broadcast_in_dim3A_3 {strides = array<i32>} : memref<576xi32, #tpu.memory_space<vmem>>, vector<16xi32>,
    %add3A_314 = arith.constant 32 : i32
    %add3A_315 = vector.broadcast %add3A_314 : i32 to vector<16xi32>
    %add3A_316 = arith.addi %iota3A, %add3A_315 : vector<16xi32>
    %swap3A_317 = arith.constant 32 : index
    %swap3A_318 = tpu.vector_load %arg8[%swap3A_317] {strides = array<i32>} : memref<576xi32, #tpu.memory_space<vmem>>, vector<16xi32>,
    tpu.vector_store %arg8[%swap3A_317], %add3A_316 {strides = array<i32>} : memref<576xi32, #tpu.memory_space<vmem>>, vector<16xi32>,
    %swap3A_319 = arith.constant 48 : index
    %swap3A_320 = tpu.vector_load %arg17[%swap3A_319] {strides = array<i32>} : memref<576xi32, #tpu.memory_space<vmem>>, vector<16xi32>,
    tpu.vector_store %arg17[%swap3A_319], %broadcast_in_dim3A_3 {strides = array<i32>} : memref<576xi32, #tpu.memory_space<vmem>>, vector<16xi32>,
    %add3A_321 = arith.constant 48 : i32
    %add3A_322 = vector.broadcast %add3A_321 : i32 to vector<16xi32>
    %add3A_323 = arith.addi %iota3A, %add3A_322 : vector<16xi32>
    %swap3A_324 = arith.constant 48 : index
    %swap3A_325 = tpu.vector_load %arg8[%swap3A_324] {strides = array<i32>} : memref<576xi32, #tpu.memory_space<vmem>>, vector<16xi32>,
    tpu.vector_store %arg8[%swap3A_324], %add3A_323 {strides = array<i32>} : memref<576xi32, #tpu.memory_space<vmem>>, vector<16xi32>,
    %swap3A_326 = arith.constant 64 : index
    %swap3A_327 = tpu.vector_load %arg17[%swap3A_326] {strides = array<i32>} : memref<576xi32, #tpu.memory_space<vmem>>, vector<16xi32>,
    tpu.vector_store %arg17[%swap3A_326], %broadcast_in_dim3A_3 {strides = array<i32>} : memref<576xi32, #tpu.memory_space<vmem>>, vector<16xi32>,
    %add3A_328 = arith.constant 64 : i32
    %add3A_329 = vector.broadcast %add3A_328 : i32 to vector<16xi32>
    %add3A_330 = arith.addi %iota3A, %add3A_329 : vector<16xi32>
    %swap3A_331 = arith.constant 64 : index
    %swap3A_332 = tpu.vector_load %arg8[%swap3A_331] {strides = array<i32>} : memref<576xi32, #tpu.memory_space<vmem>>, vector<16xi32>,
    tpu.vector_store %arg8[%swap3A_331], %add3A_330 {strides = array<i32>} : memref<576xi32, #tpu.memory_space<vmem>>, vector<16xi32>,
    %swap3A_333 = arith.constant 80 : index
    %swap3A_334 = tpu.vector_load %arg17[%swap3A_333] {strides = array<i32>} : memref<576xi32, #tpu.memory_space<vmem>>, vector<16xi32>,
    tpu.vector_store %arg17[%swap3A_333], %broadcast_in_dim3A_3 {strides = array<i32>} : memref<576xi32, #tpu.memory_space<vmem>>, vector<16xi32>,
    %add3A_335 = arith.constant 80 : i32
    %add3A_336 = vector.broadcast %add3A_335 : i32 to vector<16xi32>
    %add3A_337 = arith.addi %iota3A, %add3A_336 : vector<16xi32>
    %swap3A_338 = arith.constant 80 : index
    %swap3A_339 = tpu.vector_load %arg8[%swap3A_338] {strides = array<i32>} : memref<576xi32, #tpu.memory_space<vmem>>, vector<16xi32>,
    tpu.vector_store %arg8[%swap3A_338], %add3A_337 {strides = array<i32>} : memref<576xi32, #tpu.memory_space<vmem>>, vector<16xi32>,
    %swap3A_340 = arith.constant 96 : index
    %swap3A_341 = tpu.vector_load %arg17[%swap3A_340] {strides = array<i32>} : memref<576xi32, #tpu.memory_space<vmem>>, vector<16xi32>,
    tpu.vector_store %arg17[%swap3A_340], %broadcast_in_dim3A_3 {strides = array<i32>} : memref<576xi32, #tpu.memory_space<vmem>>, vector<16xi32>,
    %add3A_342 = arith.constant 96 : i32
    %add3A_343 = vector.broadcast %add3A_342 : i32 to vector<16xi32>
    %add3A_344 = arith.addi %iota3A, %add3A_343 : vector<16xi32>
    %swap3A_345 = arith.constant 96 : index
    %swap3A_346 = tpu.vector_load %arg8[%swap3A_345] {strides = array<i32>} : memref<576xi32, #tpu.memory_space<vmem>>, vector<16xi32>,
    tpu.vector_store %arg8[%swap3A_345], %add3A_344 {strides = array<i32>} : memref<576xi32, #tpu.memory_space<vmem>>, vector<16xi32>,
    %swap3A_347 = arith.constant 112 : index
    %swap3A_348 = tpu.vector_load %arg17[%swap3A_347] {strides = array<i32>} : memref<576xi32, #tpu.memory_space<vmem>>, vector<16xi32>,
    tpu.vector_store %arg17[%swap3A_347], %broadcast_in_dim3A_3 {strides = array<i32>} : memref<576xi32, #tpu.memory_space<vmem>>, vector<16xi32>,
    %add3A_349 = arith.constant 112 : i32
    %add3A_350 = vector.broadcast %add3A_349 : i32 to vector<16xi32>
    %add3A_351 = arith.addi %iota3A, %add3A_350 : vector<16xi32>
    %swap3A_352 = arith.constant 112 : index
    %swap3A_353 = tpu.vector_load %arg8[%swap3A_352] {strides = array<i32>} : memref<576xi32, #tpu.memory_space<vmem>>, vector<16xi32>,
    tpu.vector_store %arg8[%swap3A_352], %add3A_351 {strides = array<i32>} : memref<576xi32, #tpu.memory_space<vmem>>, vector<16xi32>,
    %swap3A_354 = arith.constant 128 : index
    %swap3A_355 = tpu.vector_load %arg17[%swap3A_354] {strides = array<i32>} : memref<576xi32, #tpu.memory_space<vmem>>, vector<16xi32>,
    tpu.vector_store %arg17[%swap3A_354], %broadcast_in_dim3A_3 {strides = array<i32>} : memref<576xi32, #tpu.memory_space<vmem>>, vector<16xi32>,
    %add3A_356 = arith.constant 128 : i32
    %add3A_357 = vector.broadcast %add3A_356 : i32 to vector<16xi32>
    %add3A_358 = arith.addi %iota3A, %add3A_357 : vector<16xi32>
    %swap3A_359 = arith.constant 128 : index
    %swap3A_360 = tpu.vector_load %arg8[%swap3A_359] {strides = array<i32>} : memref<576xi32, #tpu.memory_space<vmem>>, vector<16xi32>,
    tpu.vector_store %arg8[%swap3A_359], %add3A_358 {strides = array<i32>} : memref<576xi32, #tpu.memory_space<vmem>>, vector<16xi32>,
    %swap3A_361 = arith.constant 144 : index
    %swap3A_362 = tpu.vector_load %arg17[%swap3A_361] {strides = array<i32>} : memref<576xi32, #tpu.memory_space<vmem>>, vector<16xi32>,
    tpu.vector_store %arg17[%swap3A_361], %broadcast_in_dim3A_3 {strides = array<i32>} : memref<576xi32, #tpu.memory_space<vmem>>, vector<16xi32>,
    %add3A_363 = arith.constant 144 : i32
    %add3A_364 = vector.broadcast %add3A_363 : i32 to vector<16xi32>
    %add3A_365 = arith.addi %iota3A, %add3A_364 : vector<16xi32>
    %swap3A_366 = arith.constant 144 : index
    %swap3A_367 = tpu.vector_load %arg8[%swap3A_366] {strides = array<i32>} : memref<576xi32, #tpu.memory_space<vmem>>, vector<16xi32>,
    tpu.vector_store %arg8[%swap3A_366], %add3A_365 {strides = array<i32>} : memref<576xi32, #tpu.memory_space<vmem>>, vector<16xi32>,
    %swap3A_368 = arith.constant 160 : index
    %swap3A_369 = tpu.vector_load %arg17[%swap3A_368] {strides = array<i32>} : memref<576xi32, #tpu.memory_space<vmem>>, vector<16xi32>,
    tpu.vector_store %arg17[%swap3A_368], %broadcast_in_dim3A_3 {strides = array<i32>} : memref<576xi32, #tpu.memory_space<vmem>>, vector<16xi32>,
    %add3A_370 = arith.constant 160 : i32
    %add3A_371 = vector.broadcast %add3A_370 : i32 to vector<16xi32>
    %add3A_372 = arith.addi %iota3A, %add3A_371 : vector<16xi32>
    %swap3A_373 = arith.constant 160 : index
    %swap3A_374 = tpu.vector_load %arg8[%swap3A_373] {strides = array<i32>} : memref<576xi32, #tpu.memory_space<vmem>>, vector<16xi32>,
    tpu.vector_store %arg8[%swap3A_373], %add3A_372 {strides = array<i32>} : memref<576xi32, #tpu.memory_space<vmem>>, vector<16xi32>,
    %swap3A_375 = arith.constant 176 : index
    %swap3A_376 = tpu.vector_load %arg17[%swap3A_375] {strides = array<i32>} : memref<576xi32, #tpu.memory_space<vmem>>, vector<16xi32>,
    tpu.vector_store %arg17[%swap3A_375], %broadcast_in_dim3A_3 {strides = array<i32>} : memref<576xi32, #tpu.memory_space<vmem>>, vector<16xi32>,
    %add3A_377 = arith.constant 176 : i32
    %add3A_378 = vector.broadcast %add3A_377 : i32 to vector<16xi32>
    %add3A_379 = arith.addi %iota3A, %add3A_378 : vector<16xi32>
    %swap3A_380 = arith.constant 176 : index
    %swap3A_381 = tpu.vector_load %arg8[%swap3A_380] {strides = array<i32>} : memref<576xi32, #tpu.memory_space<vmem>>, vector<16xi32>,
    tpu.vector_store %arg8[%swap3A_380], %add3A_379 {strides = array<i32>} : memref<576xi32, #tpu.memory_space<vmem>>, vector<16xi32>,
    %swap3A_382 = arith.constant 192 : index
    %swap3A_383 = tpu.vector_load %arg17[%swap3A_382] {strides = array<i32>} : memref<576xi32, #tpu.memory_space<vmem>>, vector<16xi32>,
    tpu.vector_store %arg17[%swap3A_382], %broadcast_in_dim3A_3 {strides = array<i32>} : memref<576xi32, #tpu.memory_space<vmem>>, vector<16xi32>,
    %add3A_384 = arith.constant 192 : i32
    %add3A_385 = vector.broadcast %add3A_384 : i32 to vector<16xi32>
    %add3A_386 = arith.addi %iota3A, %add3A_385 : vector<16xi32>
    %swap3A_387 = arith.constant 192 : index
    %swap3A_388 = tpu.vector_load %arg8[%swap3A_387] {strides = array<i32>} : memref<576xi32, #tpu.memory_space<vmem>>, vector<16xi32>,
    tpu.vector_store %arg8[%swap3A_387], %add3A_386 {strides = array<i32>} : memref<576xi32, #tpu.memory_space<vmem>>, vector<16xi32>,
    %swap3A_389 = arith.constant 208 : index
    %swap3A_390 = tpu.vector_load %arg17[%swap3A_389] {strides = array<i32>} : memref<576xi32, #tpu.memory_space<vmem>>, vector<16xi32>,
    tpu.vector_store %arg17[%swap3A_389], %broadcast_in_dim3A_3 {strides = array<i32>} : memref<576xi32, #tpu.memory_space<vmem>>, vector<16xi32>,
    %add3A_391 = arith.constant 208 : i32
    %add3A_392 = vector.broadcast %add3A_391 : i32 to vector<16xi32>
    %add3A_393 = arith.addi %iota3A, %add3A_392 : vector<16xi32>
    %swap3A_394 = arith.constant 208 : index
    %swap3A_395 = tpu.vector_load %arg8[%swap3A_394] {strides = array<i32>} : memref<576xi32, #tpu.memory_space<vmem>>, vector<16xi32>,
    tpu.vector_store %arg8[%swap3A_394], %add3A_393 {strides = array<i32>} : memref<576xi32, #tpu.memory_space<vmem>>, vector<16xi32>,
    %swap3A_396 = arith.constant 224 : index
    %swap3A_397 = tpu.vector_load %arg17[%swap3A_396] {strides = array<i32>} : memref<576xi32, #tpu.memory_space<vmem>>, vector<16xi32>,
    tpu.vector_store %arg17[%swap3A_396], %broadcast_in_dim3A_3 {strides = array<i32>} : memref<576xi32, #tpu.memory_space<vmem>>, vector<16xi32>,
    %add3A_398 = arith.constant 224 : i32
    %add3A_399 = vector.broadcast %add3A_398 : i32 to vector<16xi32>
    %add3A_400 = arith.addi %iota3A, %add3A_399 : vector<16xi32>
    %swap3A_401 = arith.constant 224 : index
    %swap3A_402 = tpu.vector_load %arg8[%swap3A_401] {strides = array<i32>} : memref<576xi32, #tpu.memory_space<vmem>>, vector<16xi32>,
    tpu.vector_store %arg8[%swap3A_401], %add3A_400 {strides = array<i32>} : memref<576xi32, #tpu.memory_space<vmem>>, vector<16xi32>,
    %swap3A_403 = arith.constant 240 : index
    %swap3A_404 = tpu.vector_load %arg17[%swap3A_403] {strides = array<i32>} : memref<576xi32, #tpu.memory_space<vmem>>, vector<16xi32>,
    tpu.vector_store %arg17[%swap3A_403], %broadcast_in_dim3A_3 {strides = array<i32>} : memref<576xi32, #tpu.memory_space<vmem>>, vector<16xi32>,
    %add3A_405 = arith.constant 240 : i32
    %add3A_406 = vector.broadcast %add3A_405 : i32 to vector<16xi32>
    %add3A_407 = arith.addi %iota3A, %add3A_406 : vector<16xi32>
    %swap3A_408 = arith.constant 240 : index
    %swap3A_409 = tpu.vector_load %arg8[%swap3A_408] {strides = array<i32>} : memref<576xi32, #tpu.memory_space<vmem>>, vector<16xi32>,
    tpu.vector_store %arg8[%swap3A_408], %add3A_407 {strides = array<i32>} : memref<576xi32, #tpu.memory_space<vmem>>, vector<16xi32>,
    %swap3A_410 = arith.constant 256 : index
    %swap3A_411 = tpu.vector_load %arg17[%swap3A_410] {strides = array<i32>} : memref<576xi32, #tpu.memory_space<vmem>>, vector<16xi32>,
    tpu.vector_store %arg17[%swap3A_410], %broadcast_in_dim3A_3 {strides = array<i32>} : memref<576xi32, #tpu.memory_space<vmem>>, vector<16xi32>,
    %add3A_412 = arith.constant 256 : i32
    %add3A_413 = vector.broadcast %add3A_412 : i32 to vector<16xi32>
    %add3A_414 = arith.addi %iota3A, %add3A_413 : vector<16xi32>
    %swap3A_415 = arith.constant 256 : index
    %swap3A_416 = tpu.vector_load %arg8[%swap3A_415] {strides = array<i32>} : memref<576xi32, #tpu.memory_space<vmem>>, vector<16xi32>,
    tpu.vector_store %arg8[%swap3A_415], %add3A_414 {strides = array<i32>} : memref<576xi32, #tpu.memory_space<vmem>>, vector<16xi32>,
    %swap3A_417 = arith.constant 272 : index
    %swap3A_418 = tpu.vector_load %arg17[%swap3A_417] {strides = array<i32>} : memref<576xi32, #tpu.memory_space<vmem>>, vector<16xi32>,
    tpu.vector_store %arg17[%swap3A_417], %broadcast_in_dim3A_3 {strides = array<i32>} : memref<576xi32, #tpu.memory_space<vmem>>, vector<16xi32>,
    %add3A_419 = arith.constant 272 : i32
    %add3A_420 = vector.broadcast %add3A_419 : i32 to vector<16xi32>
    %add3A_421 = arith.addi %iota3A, %add3A_420 : vector<16xi32>
    %swap3A_422 = arith.constant 272 : index
    %swap3A_423 = tpu.vector_load %arg8[%swap3A_422] {strides = array<i32>} : memref<576xi32, #tpu.memory_space<vmem>>, vector<16xi32>,
    tpu.vector_store %arg8[%swap3A_422], %add3A_421 {strides = array<i32>} : memref<576xi32, #tpu.memory_space<vmem>>, vector<16xi32>,
    %swap3A_424 = arith.constant 288 : index
    %swap3A_425 = tpu.vector_load %arg17[%swap3A_424] {strides = array<i32>} : memref<576xi32, #tpu.memory_space<vmem>>, vector<16xi32>,
    tpu.vector_store %arg17[%swap3A_424], %broadcast_in_dim3A_3 {strides = array<i32>} : memref<576xi32, #tpu.memory_space<vmem>>, vector<16xi32>,
    %add3A_426 = arith.constant 288 : i32
    %add3A_427 = vector.broadcast %add3A_426 : i32 to vector<16xi32>
    %add3A_428 = arith.addi %iota3A, %add3A_427 : vector<16xi32>
    %swap3A_429 = arith.constant 288 : index
    %swap3A_430 = tpu.vector_load %arg8[%swap3A_429] {strides = array<i32>} : memref<576xi32, #tpu.memory_space<vmem>>, vector<16xi32>,
    tpu.vector_store %arg8[%swap3A_429], %add3A_428 {strides = array<i32>} : memref<576xi32, #tpu.memory_space<vmem>>, vector<16xi32>,
    %swap3A_431 = arith.constant 304 : index
    %swap3A_432 = tpu.vector_load %arg17[%swap3A_431] {strides = array<i32>} : memref<576xi32, #tpu.memory_space<vmem>>, vector<16xi32>,
    tpu.vector_store %arg17[%swap3A_431], %broadcast_in_dim3A_3 {strides = array<i32>} : memref<576xi32, #tpu.memory_space<vmem>>, vector<16xi32>,
    %add3A_433 = arith.constant 304 : i32
    %add3A_434 = vector.broadcast %add3A_433 : i32 to vector<16xi32>
    %add3A_435 = arith.addi %iota3A, %add3A_434 : vector<16xi32>
    %swap3A_436 = arith.constant 304 : index
    %swap3A_437 = tpu.vector_load %arg8[%swap3A_436] {strides = array<i32>} : memref<576xi32, #tpu.memory_space<vmem>>, vector<16xi32>,
    tpu.vector_store %arg8[%swap3A_436], %add3A_435 {strides = array<i32>} : memref<576xi32, #tpu.memory_space<vmem>>, vector<16xi32>,
    %swap3A_438 = arith.constant 320 : index
    %swap3A_439 = tpu.vector_load %arg17[%swap3A_438] {strides = array<i32>} : memref<576xi32, #tpu.memory_space<vmem>>, vector<16xi32>,
    tpu.vector_store %arg17[%swap3A_438], %broadcast_in_dim3A_3 {strides = array<i32>} : memref<576xi32, #tpu.memory_space<vmem>>, vector<16xi32>,
    %add3A_440 = arith.constant 320 : i32
    %add3A_441 = vector.broadcast %add3A_440 : i32 to vector<16xi32>
    %add3A_442 = arith.addi %iota3A, %add3A_441 : vector<16xi32>
    %swap3A_443 = arith.constant 320 : index
    %swap3A_444 = tpu.vector_load %arg8[%swap3A_443] {strides = array<i32>} : memref<576xi32, #tpu.memory_space<vmem>>, vector<16xi32>,
    tpu.vector_store %arg8[%swap3A_443], %add3A_442 {strides = array<i32>} : memref<576xi32, #tpu.memory_space<vmem>>, vector<16xi32>,
    %swap3A_445 = arith.constant 336 : index
    %swap3A_446 = tpu.vector_load %arg17[%swap3A_445] {strides = array<i32>} : memref<576xi32, #tpu.memory_space<vmem>>, vector<16xi32>,
    tpu.vector_store %arg17[%swap3A_445], %broadcast_in_dim3A_3 {strides = array<i32>} : memref<576xi32, #tpu.memory_space<vmem>>, vector<16xi32>,
    %add3A_447 = arith.constant 336 : i32
    %add3A_448 = vector.broadcast %add3A_447 : i32 to vector<16xi32>
    %add3A_449 = arith.addi %iota3A, %add3A_448 : vector<16xi32>
    %swap3A_450 = arith.constant 336 : index
    %swap3A_451 = tpu.vector_load %arg8[%swap3A_450] {strides = array<i32>} : memref<576xi32, #tpu.memory_space<vmem>>, vector<16xi32>,
    tpu.vector_store %arg8[%swap3A_450], %add3A_449 {strides = array<i32>} : memref<576xi32, #tpu.memory_space<vmem>>, vector<16xi32>,
    %swap3A_452 = arith.constant 352 : index
    %swap3A_453 = tpu.vector_load %arg17[%swap3A_452] {strides = array<i32>} : memref<576xi32, #tpu.memory_space<vmem>>, vector<16xi32>,
    tpu.vector_store %arg17[%swap3A_452], %broadcast_in_dim3A_3 {strides = array<i32>} : memref<576xi32, #tpu.memory_space<vmem>>, vector<16xi32>,
    %add3A_454 = arith.constant 352 : i32
    %add3A_455 = vector.broadcast %add3A_454 : i32 to vector<16xi32>
    %add3A_456 = arith.addi %iota3A, %add3A_455 : vector<16xi32>
    %swap3A_457 = arith.constant 352 : index
    %swap3A_458 = tpu.vector_load %arg8[%swap3A_457] {strides = array<i32>} : memref<576xi32, #tpu.memory_space<vmem>>, vector<16xi32>,
    tpu.vector_store %arg8[%swap3A_457], %add3A_456 {strides = array<i32>} : memref<576xi32, #tpu.memory_space<vmem>>, vector<16xi32>,
    %swap3A_459 = arith.constant 368 : index
    %swap3A_460 = tpu.vector_load %arg17[%swap3A_459] {strides = array<i32>} : memref<576xi32, #tpu.memory_space<vmem>>, vector<16xi32>,
    tpu.vector_store %arg17[%swap3A_459], %broadcast_in_dim3A_3 {strides = array<i32>} : memref<576xi32, #tpu.memory_space<vmem>>, vector<16xi32>,
    %add3A_461 = arith.constant 368 : i32
    %add3A_462 = vector.broadcast %add3A_461 : i32 to vector<16xi32>
    %add3A_463 = arith.addi %iota3A, %add3A_462 : vector<16xi32>
    %swap3A_464 = arith.constant 368 : index
    %swap3A_465 = tpu.vector_load %arg8[%swap3A_464] {strides = array<i32>} : memref<576xi32, #tpu.memory_space<vmem>>, vector<16xi32>,
    tpu.vector_store %arg8[%swap3A_464], %add3A_463 {strides = array<i32>} : memref<576xi32, #tpu.memory_space<vmem>>, vector<16xi32>,
    %swap3A_466 = arith.constant 384 : index
    %swap3A_467 = tpu.vector_load %arg17[%swap3A_466] {strides = array<i32>} : memref<576xi32, #tpu.memory_space<vmem>>, vector<16xi32>,
    tpu.vector_store %arg17[%swap3A_466], %broadcast_in_dim3A_3 {strides = array<i32>} : memref<576xi32, #tpu.memory_space<vmem>>, vector<16xi32>,
    %add3A_468 = arith.constant 384 : i32
    %add3A_469 = vector.broadcast %add3A_468 : i32 to vector<16xi32>
    %add3A_470 = arith.addi %iota3A, %add3A_469 : vector<16xi32>
    %swap3A_471 = arith.constant 384 : index
    %swap3A_472 = tpu.vector_load %arg8[%swap3A_471] {strides = array<i32>} : memref<576xi32, #tpu.memory_space<vmem>>, vector<16xi32>,
    tpu.vector_store %arg8[%swap3A_471], %add3A_470 {strides = array<i32>} : memref<576xi32, #tpu.memory_space<vmem>>, vector<16xi32>,
    %swap3A_473 = arith.constant 400 : index
    %swap3A_474 = tpu.vector_load %arg17[%swap3A_473] {strides = array<i32>} : memref<576xi32, #tpu.memory_space<vmem>>, vector<16xi32>,
    tpu.vector_store %arg17[%swap3A_473], %broadcast_in_dim3A_3 {strides = array<i32>} : memref<576xi32, #tpu.memory_space<vmem>>, vector<16xi32>,
    %add3A_475 = arith.constant 400 : i32
    %add3A_476 = vector.broadcast %add3A_475 : i32 to vector<16xi32>
    %add3A_477 = arith.addi %iota3A, %add3A_476 : vector<16xi32>
    %swap3A_478 = arith.constant 400 : index
    %swap3A_479 = tpu.vector_load %arg8[%swap3A_478] {strides = array<i32>} : memref<576xi32, #tpu.memory_space<vmem>>, vector<16xi32>,
    tpu.vector_store %arg8[%swap3A_478], %add3A_477 {strides = array<i32>} : memref<576xi32, #tpu.memory_space<vmem>>, vector<16xi32>,
    %swap3A_480 = arith.constant 416 : index
    %swap3A_481 = tpu.vector_load %arg17[%swap3A_480] {strides = array<i32>} : memref<576xi32, #tpu.memory_space<vmem>>, vector<16xi32>,
    tpu.vector_store %arg17[%swap3A_480], %broadcast_in_dim3A_3 {strides = array<i32>} : memref<576xi32, #tpu.memory_space<vmem>>, vector<16xi32>,
    %add3A_482 = arith.constant 416 : i32
    %add3A_483 = vector.broadcast %add3A_482 : i32 to vector<16xi32>
    %add3A_484 = arith.addi %iota3A, %add3A_483 : vector<16xi32>
    %swap3A_485 = arith.constant 416 : index
    %swap3A_486 = tpu.vector_load %arg8[%swap3A_485] {strides = array<i32>} : memref<576xi32, #tpu.memory_space<vmem>>, vector<16xi32>,
    tpu.vector_store %arg8[%swap3A_485], %add3A_484 {strides = array<i32>} : memref<576xi32, #tpu.memory_space<vmem>>, vector<16xi32>,
    %swap3A_487 = arith.constant 432 : index
    %swap3A_488 = tpu.vector_load %arg17[%swap3A_487] {strides = array<i32>} : memref<576xi32, #tpu.memory_space<vmem>>, vector<16xi32>,
    tpu.vector_store %arg17[%swap3A_487], %broadcast_in_dim3A_3 {strides = array<i32>} : memref<576xi32, #tpu.memory_space<vmem>>, vector<16xi32>,
    %add3A_489 = arith.constant 432 : i32
    %add3A_490 = vector.broadcast %add3A_489 : i32 to vector<16xi32>
    %add3A_491 = arith.addi %iota3A, %add3A_490 : vector<16xi32>
    %swap3A_492 = arith.constant 432 : index
    %swap3A_493 = tpu.vector_load %arg8[%swap3A_492] {strides = array<i32>} : memref<576xi32, #tpu.memory_space<vmem>>, vector<16xi32>,
    tpu.vector_store %arg8[%swap3A_492], %add3A_491 {strides = array<i32>} : memref<576xi32, #tpu.memory_space<vmem>>, vector<16xi32>,
    %swap3A_494 = arith.constant 448 : index
    %swap3A_495 = tpu.vector_load %arg17[%swap3A_494] {strides = array<i32>} : memref<576xi32, #tpu.memory_space<vmem>>, vector<16xi32>,
    tpu.vector_store %arg17[%swap3A_494], %broadcast_in_dim3A_3 {strides = array<i32>} : memref<576xi32, #tpu.memory_space<vmem>>, vector<16xi32>,
    %add3A_496 = arith.constant 448 : i32
    %add3A_497 = vector.broadcast %add3A_496 : i32 to vector<16xi32>
    %add3A_498 = arith.addi %iota3A, %add3A_497 : vector<16xi32>
    %swap3A_499 = arith.constant 448 : index
    %swap3A_500 = tpu.vector_load %arg8[%swap3A_499] {strides = array<i32>} : memref<576xi32, #tpu.memory_space<vmem>>, vector<16xi32>,
    tpu.vector_store %arg8[%swap3A_499], %add3A_498 {strides = array<i32>} : memref<576xi32, #tpu.memory_space<vmem>>, vector<16xi32>,
    %swap3A_501 = arith.constant 464 : index
    %swap3A_502 = tpu.vector_load %arg17[%swap3A_501] {strides = array<i32>} : memref<576xi32, #tpu.memory_space<vmem>>, vector<16xi32>,
    tpu.vector_store %arg17[%swap3A_501], %broadcast_in_dim3A_3 {strides = array<i32>} : memref<576xi32, #tpu.memory_space<vmem>>, vector<16xi32>,
    %add3A_503 = arith.constant 464 : i32
    %add3A_504 = vector.broadcast %add3A_503 : i32 to vector<16xi32>
    %add3A_505 = arith.addi %iota3A, %add3A_504 : vector<16xi32>
    %swap3A_506 = arith.constant 464 : index
    %swap3A_507 = tpu.vector_load %arg8[%swap3A_506] {strides = array<i32>} : memref<576xi32, #tpu.memory_space<vmem>>, vector<16xi32>,
    tpu.vector_store %arg8[%swap3A_506], %add3A_505 {strides = array<i32>} : memref<576xi32, #tpu.memory_space<vmem>>, vector<16xi32>,
    %swap3A_508 = arith.constant 480 : index
    %swap3A_509 = tpu.vector_load %arg17[%swap3A_508] {strides = array<i32>} : memref<576xi32, #tpu.memory_space<vmem>>, vector<16xi32>,
    tpu.vector_store %arg17[%swap3A_508], %broadcast_in_dim3A_3 {strides = array<i32>} : memref<576xi32, #tpu.memory_space<vmem>>, vector<16xi32>,
    %add3A_510 = arith.constant 480 : i32
    %add3A_511 = vector.broadcast %add3A_510 : i32 to vector<16xi32>
    %add3A_512 = arith.addi %iota3A, %add3A_511 : vector<16xi32>
    %swap3A_513 = arith.constant 480 : index
    %swap3A_514 = tpu.vector_load %arg8[%swap3A_513] {strides = array<i32>} : memref<576xi32, #tpu.memory_space<vmem>>, vector<16xi32>,
    tpu.vector_store %arg8[%swap3A_513], %add3A_512 {strides = array<i32>} : memref<576xi32, #tpu.memory_space<vmem>>, vector<16xi32>,
    %swap3A_515 = arith.constant 496 : index
    %swap3A_516 = tpu.vector_load %arg17[%swap3A_515] {strides = array<i32>} : memref<576xi32, #tpu.memory_space<vmem>>, vector<16xi32>,
    tpu.vector_store %arg17[%swap3A_515], %broadcast_in_dim3A_3 {strides = array<i32>} : memref<576xi32, #tpu.memory_space<vmem>>, vector<16xi32>,
    %add3A_517 = arith.constant 496 : i32
    %add3A_518 = vector.broadcast %add3A_517 : i32 to vector<16xi32>
    %add3A_519 = arith.addi %iota3A, %add3A_518 : vector<16xi32>
    %swap3A_520 = arith.constant 496 : index
    %swap3A_521 = tpu.vector_load %arg8[%swap3A_520] {strides = array<i32>} : memref<576xi32, #tpu.memory_space<vmem>>, vector<16xi32>,
    tpu.vector_store %arg8[%swap3A_520], %add3A_519 {strides = array<i32>} : memref<576xi32, #tpu.memory_space<vmem>>, vector<16xi32>,
    %swap3A_522 = arith.constant 512 : index
    %swap3A_523 = tpu.vector_load %arg17[%swap3A_522] {strides = array<i32>} : memref<576xi32, #tpu.memory_space<vmem>>, vector<16xi32>,
    tpu.vector_store %arg17[%swap3A_522], %broadcast_in_dim3A_3 {strides = array<i32>} : memref<576xi32, #tpu.memory_space<vmem>>, vector<16xi32>,
    %add3A_524 = arith.constant 512 : i32
    %add3A_525 = vector.broadcast %add3A_524 : i32 to vector<16xi32>
    %add3A_526 = arith.addi %iota3A, %add3A_525 : vector<16xi32>
    %swap3A_527 = arith.constant 512 : index
    %swap3A_528 = tpu.vector_load %arg8[%swap3A_527] {strides = array<i32>} : memref<576xi32, #tpu.memory_space<vmem>>, vector<16xi32>,
    tpu.vector_store %arg8[%swap3A_527], %add3A_526 {strides = array<i32>} : memref<576xi32, #tpu.memory_space<vmem>>, vector<16xi32>,
    %swap3A_529 = arith.constant 528 : index
    %swap3A_530 = tpu.vector_load %arg17[%swap3A_529] {strides = array<i32>} : memref<576xi32, #tpu.memory_space<vmem>>, vector<16xi32>,
    tpu.vector_store %arg17[%swap3A_529], %broadcast_in_dim3A_3 {strides = array<i32>} : memref<576xi32, #tpu.memory_space<vmem>>, vector<16xi32>,
    %add3A_531 = arith.constant 528 : i32
    %add3A_532 = vector.broadcast %add3A_531 : i32 to vector<16xi32>
    %add3A_533 = arith.addi %iota3A, %add3A_532 : vector<16xi32>
    %swap3A_534 = arith.constant 528 : index
    %swap3A_535 = tpu.vector_load %arg8[%swap3A_534] {strides = array<i32>} : memref<576xi32, #tpu.memory_space<vmem>>, vector<16xi32>,
    tpu.vector_store %arg8[%swap3A_534], %add3A_533 {strides = array<i32>} : memref<576xi32, #tpu.memory_space<vmem>>, vector<16xi32>,
    %swap3A_536 = arith.constant 544 : index
    %swap3A_537 = tpu.vector_load %arg17[%swap3A_536] {strides = array<i32>} : memref<576xi32, #tpu.memory_space<vmem>>, vector<16xi32>,
    tpu.vector_store %arg17[%swap3A_536], %broadcast_in_dim3A_3 {strides = array<i32>} : memref<576xi32, #tpu.memory_space<vmem>>, vector<16xi32>,
    %add3A_538 = arith.constant 544 : i32
    %add3A_539 = vector.broadcast %add3A_538 : i32 to vector<16xi32>
    %add3A_540 = arith.addi %iota3A, %add3A_539 : vector<16xi32>
    %swap3A_541 = arith.constant 544 : index
    %swap3A_542 = tpu.vector_load %arg8[%swap3A_541] {strides = array<i32>} : memref<576xi32, #tpu.memory_space<vmem>>, vector<16xi32>,
    tpu.vector_store %arg8[%swap3A_541], %add3A_540 {strides = array<i32>} : memref<576xi32, #tpu.memory_space<vmem>>, vector<16xi32>,
    %swap3A_543 = arith.constant 560 : index
    %swap3A_544 = tpu.vector_load %arg17[%swap3A_543] {strides = array<i32>} : memref<576xi32, #tpu.memory_space<vmem>>, vector<16xi32>,
    tpu.vector_store %arg17[%swap3A_543], %broadcast_in_dim3A_3 {strides = array<i32>} : memref<576xi32, #tpu.memory_space<vmem>>, vector<16xi32>,
    %add3A_545 = arith.constant 560 : i32
    %add3A_546 = vector.broadcast %add3A_545 : i32 to vector<16xi32>
    %add3A_547 = arith.addi %iota3A, %add3A_546 : vector<16xi32>
    %swap3A_548 = arith.constant 560 : index
    %swap3A_549 = tpu.vector_load %arg8[%swap3A_548] {strides = array<i32>} : memref<576xi32, #tpu.memory_space<vmem>>, vector<16xi32>,
    tpu.vector_store %arg8[%swap3A_548], %add3A_547 {strides = array<i32>} : memref<576xi32, #tpu.memory_space<vmem>>, vector<16xi32>,
    %dma_start3A_550 = arith.constant 0 : i32
    %dma_start3A_551 = tpu.memref_slice %arg3[%add3A_11, %dma_start3A_550] : memref<96x576xf32, #tpu.memory_space<hbm>> -> memref<1x576xf32, #tpu.memory_space<hbm>>
    %dma_start3A_552 = tpu.memref_squeeze %dma_start3A_551 : memref<1x576xf32, #tpu.memory_space<hbm>> -> memref<576xf32, #tpu.memory_space<hbm>>
    %dma_start3A_553 = arith.constant 0 : i32
    %dma_start3A_554 = tpu.memref_slice %arg3[%add3A_11, %dma_start3A_553] : memref<96x576xf32, #tpu.memory_space<hbm>> -> memref<1x576xf32, #tpu.memory_space<hbm>>
    %dma_start3A_555 = tpu.memref_squeeze %dma_start3A_554 : memref<1x576xf32, #tpu.memory_space<hbm>> -> memref<576xf32, #tpu.memory_space<hbm>>
    tpu.enqueue_dma source(%dma_start3A_555 : memref<576xf32, #tpu.memory_space<hbm>>) target(%arg12 : memref<576xf32, #tpu.memory_space<vmem>>) target_semaphore(%arg30 : memref<!tpu.dma_semaphore, #tpu.memory_space<semaphore_mem>>)
    %dma_start3A_556 = arith.constant 0 : i32
    %dma_start3A_557 = tpu.memref_slice %arg3[%add3A_11, %dma_start3A_556] : memref<96x576xf32, #tpu.memory_space<hbm>> -> memref<1x576xf32, #tpu.memory_space<hbm>>
    %dma_start3A_558 = tpu.memref_squeeze %dma_start3A_557 : memref<1x576xf32, #tpu.memory_space<hbm>> -> memref<576xf32, #tpu.memory_space<hbm>>
    %dma_start3A_559 = arith.constant 0 : i32
    %dma_start3A_560 = tpu.memref_slice %arg3[%add3A_11, %dma_start3A_559] : memref<96x576xf32, #tpu.memory_space<hbm>> -> memref<1x576xf32, #tpu.memory_space<hbm>>
    %dma_start3A_561 = tpu.memref_squeeze %dma_start3A_560 : memref<1x576xf32, #tpu.memory_space<hbm>> -> memref<576xf32, #tpu.memory_space<hbm>>
    tpu.enqueue_dma source(%dma_start3A_561 : memref<576xf32, #tpu.memory_space<hbm>>) target(%arg15 : memref<576xf32, #tpu.memory_space<vmem>>) target_semaphore(%arg33 : memref<!tpu.dma_semaphore, #tpu.memory_space<semaphore_mem>>)
    %dma_start3A_562 = arith.constant 0 : i32
    %dma_start3A_563 = tpu.memref_slice %arg4[%add3A_11, %dma_start3A_562] : memref<96x16xf32, #tpu.memory_space<hbm>> -> memref<1x16xf32, #tpu.memory_space<hbm>>
    %dma_start3A_564 = tpu.memref_squeeze %dma_start3A_563 : memref<1x16xf32, #tpu.memory_space<hbm>> -> memref<16xf32, #tpu.memory_space<hbm>>
    %dma_start3A_565 = arith.constant 0 : i32
    %dma_start3A_566 = tpu.memref_slice %arg4[%add3A_11, %dma_start3A_565] : memref<96x16xf32, #tpu.memory_space<hbm>> -> memref<1x16xf32, #tpu.memory_space<hbm>>
    %dma_start3A_567 = tpu.memref_squeeze %dma_start3A_566 : memref<1x16xf32, #tpu.memory_space<hbm>> -> memref<16xf32, #tpu.memory_space<hbm>>
    tpu.enqueue_dma source(%dma_start3A_567 : memref<16xf32, #tpu.memory_space<hbm>>) target(%arg27 : memref<16xf32, #tpu.memory_space<vmem>>) target_semaphore(%arg30 : memref<!tpu.dma_semaphore, #tpu.memory_space<semaphore_mem>>)
    %swap3A_568 = arith.constant 0 : index
    %swap3A_569 = tpu.vector_load %arg18[%swap3A_568] {strides = array<i32>} : memref<576xi32, #tpu.memory_space<vmem>>, vector<16xi32>,
    tpu.vector_store %arg18[%swap3A_568], %broadcast_in_dim3A_3 {strides = array<i32>} : memref<576xi32, #tpu.memory_space<vmem>>, vector<16xi32>,
    %add3A_570 = arith.constant 0 : i32
    %add3A_571 = vector.broadcast %add3A_570 : i32 to vector<16xi32>
    %add3A_572 = arith.addi %iota3A, %add3A_571 : vector<16xi32>
    %swap3A_573 = arith.constant 0 : index
    %swap3A_574 = tpu.vector_load %arg9[%swap3A_573] {strides = array<i32>} : memref<576xi32, #tpu.memory_space<vmem>>, vector<16xi32>,
    tpu.vector_store %arg9[%swap3A_573], %add3A_572 {strides = array<i32>} : memref<576xi32, #tpu.memory_space<vmem>>, vector<16xi32>,
    %swap3A_575 = arith.constant 16 : index
    %swap3A_576 = tpu.vector_load %arg18[%swap3A_575] {strides = array<i32>} : memref<576xi32, #tpu.memory_space<vmem>>, vector<16xi32>,
    tpu.vector_store %arg18[%swap3A_575], %broadcast_in_dim3A_3 {strides = array<i32>} : memref<576xi32, #tpu.memory_space<vmem>>, vector<16xi32>,
    %add3A_577 = arith.constant 16 : i32
    %add3A_578 = vector.broadcast %add3A_577 : i32 to vector<16xi32>
    %add3A_579 = arith.addi %iota3A, %add3A_578 : vector<16xi32>
    %swap3A_580 = arith.constant 16 : index
    %swap3A_581 = tpu.vector_load %arg9[%swap3A_580] {strides = array<i32>} : memref<576xi32, #tpu.memory_space<vmem>>, vector<16xi32>,
    tpu.vector_store %arg9[%swap3A_580], %add3A_579 {strides = array<i32>} : memref<576xi32, #tpu.memory_space<vmem>>, vector<16xi32>,
    %swap3A_582 = arith.constant 32 : index
    %swap3A_583 = tpu.vector_load %arg18[%swap3A_582] {strides = array<i32>} : memref<576xi32, #tpu.memory_space<vmem>>, vector<16xi32>,
    tpu.vector_store %arg18[%swap3A_582], %broadcast_in_dim3A_3 {strides = array<i32>} : memref<576xi32, #tpu.memory_space<vmem>>, vector<16xi32>,
    %add3A_584 = arith.constant 32 : i32
    %add3A_585 = vector.broadcast %add3A_584 : i32 to vector<16xi32>
    %add3A_586 = arith.addi %iota3A, %add3A_585 : vector<16xi32>
    %swap3A_587 = arith.constant 32 : index
    %swap3A_588 = tpu.vector_load %arg9[%swap3A_587] {strides = array<i32>} : memref<576xi32, #tpu.memory_space<vmem>>, vector<16xi32>,
    tpu.vector_store %arg9[%swap3A_587], %add3A_586 {strides = array<i32>} : memref<576xi32, #tpu.memory_space<vmem>>, vector<16xi32>,
    %swap3A_589 = arith.constant 48 : index
    %swap3A_590 = tpu.vector_load %arg18[%swap3A_589] {strides = array<i32>} : memref<576xi32, #tpu.memory_space<vmem>>, vector<16xi32>,
    tpu.vector_store %arg18[%swap3A_589], %broadcast_in_dim3A_3 {strides = array<i32>} : memref<576xi32, #tpu.memory_space<vmem>>, vector<16xi32>,
    %add3A_591 = arith.constant 48 : i32
    %add3A_592 = vector.broadcast %add3A_591 : i32 to vector<16xi32>
    %add3A_593 = arith.addi %iota3A, %add3A_592 : vector<16xi32>
    %swap3A_594 = arith.constant 48 : index
    %swap3A_595 = tpu.vector_load %arg9[%swap3A_594] {strides = array<i32>} : memref<576xi32, #tpu.memory_space<vmem>>, vector<16xi32>,
    tpu.vector_store %arg9[%swap3A_594], %add3A_593 {strides = array<i32>} : memref<576xi32, #tpu.memory_space<vmem>>, vector<16xi32>,
    %swap3A_596 = arith.constant 64 : index
    %swap3A_597 = tpu.vector_load %arg18[%swap3A_596] {strides = array<i32>} : memref<576xi32, #tpu.memory_space<vmem>>, vector<16xi32>,
    tpu.vector_store %arg18[%swap3A_596], %broadcast_in_dim3A_3 {strides = array<i32>} : memref<576xi32, #tpu.memory_space<vmem>>, vector<16xi32>,
    %add3A_598 = arith.constant 64 : i32
    %add3A_599 = vector.broadcast %add3A_598 : i32 to vector<16xi32>
    %add3A_600 = arith.addi %iota3A, %add3A_599 : vector<16xi32>
    %swap3A_601 = arith.constant 64 : index
    %swap3A_602 = tpu.vector_load %arg9[%swap3A_601] {strides = array<i32>} : memref<576xi32, #tpu.memory_space<vmem>>, vector<16xi32>,
    tpu.vector_store %arg9[%swap3A_601], %add3A_600 {strides = array<i32>} : memref<576xi32, #tpu.memory_space<vmem>>, vector<16xi32>,
    %swap3A_603 = arith.constant 80 : index
    %swap3A_604 = tpu.vector_load %arg18[%swap3A_603] {strides = array<i32>} : memref<576xi32, #tpu.memory_space<vmem>>, vector<16xi32>,
    tpu.vector_store %arg18[%swap3A_603], %broadcast_in_dim3A_3 {strides = array<i32>} : memref<576xi32, #tpu.memory_space<vmem>>, vector<16xi32>,
    %add3A_605 = arith.constant 80 : i32
    %add3A_606 = vector.broadcast %add3A_605 : i32 to vector<16xi32>
    %add3A_607 = arith.addi %iota3A, %add3A_606 : vector<16xi32>
    %swap3A_608 = arith.constant 80 : index
    %swap3A_609 = tpu.vector_load %arg9[%swap3A_608] {strides = array<i32>} : memref<576xi32, #tpu.memory_space<vmem>>, vector<16xi32>,
    tpu.vector_store %arg9[%swap3A_608], %add3A_607 {strides = array<i32>} : memref<576xi32, #tpu.memory_space<vmem>>, vector<16xi32>,
    %swap3A_610 = arith.constant 96 : index
    %swap3A_611 = tpu.vector_load %arg18[%swap3A_610] {strides = array<i32>} : memref<576xi32, #tpu.memory_space<vmem>>, vector<16xi32>,
    tpu.vector_store %arg18[%swap3A_610], %broadcast_in_dim3A_3 {strides = array<i32>} : memref<576xi32, #tpu.memory_space<vmem>>, vector<16xi32>,
    %add3A_612 = arith.constant 96 : i32
    %add3A_613 = vector.broadcast %add3A_612 : i32 to vector<16xi32>
    %add3A_614 = arith.addi %iota3A, %add3A_613 : vector<16xi32>
    %swap3A_615 = arith.constant 96 : index
    %swap3A_616 = tpu.vector_load %arg9[%swap3A_615] {strides = array<i32>} : memref<576xi32, #tpu.memory_space<vmem>>, vector<16xi32>,
    tpu.vector_store %arg9[%swap3A_615], %add3A_614 {strides = array<i32>} : memref<576xi32, #tpu.memory_space<vmem>>, vector<16xi32>,
    %swap3A_617 = arith.constant 112 : index
    %swap3A_618 = tpu.vector_load %arg18[%swap3A_617] {strides = array<i32>} : memref<576xi32, #tpu.memory_space<vmem>>, vector<16xi32>,
    tpu.vector_store %arg18[%swap3A_617], %broadcast_in_dim3A_3 {strides = array<i32>} : memref<576xi32, #tpu.memory_space<vmem>>, vector<16xi32>,
    %add3A_619 = arith.constant 112 : i32
    %add3A_620 = vector.broadcast %add3A_619 : i32 to vector<16xi32>
    %add3A_621 = arith.addi %iota3A, %add3A_620 : vector<16xi32>
    %swap3A_622 = arith.constant 112 : index
    %swap3A_623 = tpu.vector_load %arg9[%swap3A_622] {strides = array<i32>} : memref<576xi32, #tpu.memory_space<vmem>>, vector<16xi32>,
    tpu.vector_store %arg9[%swap3A_622], %add3A_621 {strides = array<i32>} : memref<576xi32, #tpu.memory_space<vmem>>, vector<16xi32>,
    %swap3A_624 = arith.constant 128 : index
    %swap3A_625 = tpu.vector_load %arg18[%swap3A_624] {strides = array<i32>} : memref<576xi32, #tpu.memory_space<vmem>>, vector<16xi32>,
    tpu.vector_store %arg18[%swap3A_624], %broadcast_in_dim3A_3 {strides = array<i32>} : memref<576xi32, #tpu.memory_space<vmem>>, vector<16xi32>,
    %add3A_626 = arith.constant 128 : i32
    %add3A_627 = vector.broadcast %add3A_626 : i32 to vector<16xi32>
    %add3A_628 = arith.addi %iota3A, %add3A_627 : vector<16xi32>
    %swap3A_629 = arith.constant 128 : index
    %swap3A_630 = tpu.vector_load %arg9[%swap3A_629] {strides = array<i32>} : memref<576xi32, #tpu.memory_space<vmem>>, vector<16xi32>,
    tpu.vector_store %arg9[%swap3A_629], %add3A_628 {strides = array<i32>} : memref<576xi32, #tpu.memory_space<vmem>>, vector<16xi32>,
    %swap3A_631 = arith.constant 144 : index
    %swap3A_632 = tpu.vector_load %arg18[%swap3A_631] {strides = array<i32>} : memref<576xi32, #tpu.memory_space<vmem>>, vector<16xi32>,
    tpu.vector_store %arg18[%swap3A_631], %broadcast_in_dim3A_3 {strides = array<i32>} : memref<576xi32, #tpu.memory_space<vmem>>, vector<16xi32>,
    %add3A_633 = arith.constant 144 : i32
    %add3A_634 = vector.broadcast %add3A_633 : i32 to vector<16xi32>
    %add3A_635 = arith.addi %iota3A, %add3A_634 : vector<16xi32>
    %swap3A_636 = arith.constant 144 : index
    %swap3A_637 = tpu.vector_load %arg9[%swap3A_636] {strides = array<i32>} : memref<576xi32, #tpu.memory_space<vmem>>, vector<16xi32>,
    tpu.vector_store %arg9[%swap3A_636], %add3A_635 {strides = array<i32>} : memref<576xi32, #tpu.memory_space<vmem>>, vector<16xi32>,
    %swap3A_638 = arith.constant 160 : index
    %swap3A_639 = tpu.vector_load %arg18[%swap3A_638] {strides = array<i32>} : memref<576xi32, #tpu.memory_space<vmem>>, vector<16xi32>,
    tpu.vector_store %arg18[%swap3A_638], %broadcast_in_dim3A_3 {strides = array<i32>} : memref<576xi32, #tpu.memory_space<vmem>>, vector<16xi32>,
    %add3A_640 = arith.constant 160 : i32
    %add3A_641 = vector.broadcast %add3A_640 : i32 to vector<16xi32>
    %add3A_642 = arith.addi %iota3A, %add3A_641 : vector<16xi32>
    %swap3A_643 = arith.constant 160 : index
    %swap3A_644 = tpu.vector_load %arg9[%swap3A_643] {strides = array<i32>} : memref<576xi32, #tpu.memory_space<vmem>>, vector<16xi32>,
    tpu.vector_store %arg9[%swap3A_643], %add3A_642 {strides = array<i32>} : memref<576xi32, #tpu.memory_space<vmem>>, vector<16xi32>,
    %swap3A_645 = arith.constant 176 : index
    %swap3A_646 = tpu.vector_load %arg18[%swap3A_645] {strides = array<i32>} : memref<576xi32, #tpu.memory_space<vmem>>, vector<16xi32>,
    tpu.vector_store %arg18[%swap3A_645], %broadcast_in_dim3A_3 {strides = array<i32>} : memref<576xi32, #tpu.memory_space<vmem>>, vector<16xi32>,
    %add3A_647 = arith.constant 176 : i32
    %add3A_648 = vector.broadcast %add3A_647 : i32 to vector<16xi32>
    %add3A_649 = arith.addi %iota3A, %add3A_648 : vector<16xi32>
    %swap3A_650 = arith.constant 176 : index
    %swap3A_651 = tpu.vector_load %arg9[%swap3A_650] {strides = array<i32>} : memref<576xi32, #tpu.memory_space<vmem>>, vector<16xi32>,
    tpu.vector_store %arg9[%swap3A_650], %add3A_649 {strides = array<i32>} : memref<576xi32, #tpu.memory_space<vmem>>, vector<16xi32>,
    %swap3A_652 = arith.constant 192 : index
    %swap3A_653 = tpu.vector_load %arg18[%swap3A_652] {strides = array<i32>} : memref<576xi32, #tpu.memory_space<vmem>>, vector<16xi32>,
    tpu.vector_store %arg18[%swap3A_652], %broadcast_in_dim3A_3 {strides = array<i32>} : memref<576xi32, #tpu.memory_space<vmem>>, vector<16xi32>,
    %add3A_654 = arith.constant 192 : i32
    %add3A_655 = vector.broadcast %add3A_654 : i32 to vector<16xi32>
    %add3A_656 = arith.addi %iota3A, %add3A_655 : vector<16xi32>
    %swap3A_657 = arith.constant 192 : index
    %swap3A_658 = tpu.vector_load %arg9[%swap3A_657] {strides = array<i32>} : memref<576xi32, #tpu.memory_space<vmem>>, vector<16xi32>,
    tpu.vector_store %arg9[%swap3A_657], %add3A_656 {strides = array<i32>} : memref<576xi32, #tpu.memory_space<vmem>>, vector<16xi32>,
    %swap3A_659 = arith.constant 208 : index
    %swap3A_660 = tpu.vector_load %arg18[%swap3A_659] {strides = array<i32>} : memref<576xi32, #tpu.memory_space<vmem>>, vector<16xi32>,
    tpu.vector_store %arg18[%swap3A_659], %broadcast_in_dim3A_3 {strides = array<i32>} : memref<576xi32, #tpu.memory_space<vmem>>, vector<16xi32>,
    %add3A_661 = arith.constant 208 : i32
    %add3A_662 = vector.broadcast %add3A_661 : i32 to vector<16xi32>
    %add3A_663 = arith.addi %iota3A, %add3A_662 : vector<16xi32>
    %swap3A_664 = arith.constant 208 : index
    %swap3A_665 = tpu.vector_load %arg9[%swap3A_664] {strides = array<i32>} : memref<576xi32, #tpu.memory_space<vmem>>, vector<16xi32>,
    tpu.vector_store %arg9[%swap3A_664], %add3A_663 {strides = array<i32>} : memref<576xi32, #tpu.memory_space<vmem>>, vector<16xi32>,
    %swap3A_666 = arith.constant 224 : index
    %swap3A_667 = tpu.vector_load %arg18[%swap3A_666] {strides = array<i32>} : memref<576xi32, #tpu.memory_space<vmem>>, vector<16xi32>,
    tpu.vector_store %arg18[%swap3A_666], %broadcast_in_dim3A_3 {strides = array<i32>} : memref<576xi32, #tpu.memory_space<vmem>>, vector<16xi32>,
    %add3A_668 = arith.constant 224 : i32
    %add3A_669 = vector.broadcast %add3A_668 : i32 to vector<16xi32>
    %add3A_670 = arith.addi %iota3A, %add3A_669 : vector<16xi32>
    %swap3A_671 = arith.constant 224 : index
    %swap3A_672 = tpu.vector_load %arg9[%swap3A_671] {strides = array<i32>} : memref<576xi32, #tpu.memory_space<vmem>>, vector<16xi32>,
    tpu.vector_store %arg9[%swap3A_671], %add3A_670 {strides = array<i32>} : memref<576xi32, #tpu.memory_space<vmem>>, vector<16xi32>,
    %swap3A_673 = arith.constant 240 : index
    %swap3A_674 = tpu.vector_load %arg18[%swap3A_673] {strides = array<i32>} : memref<576xi32, #tpu.memory_space<vmem>>, vector<16xi32>,
    tpu.vector_store %arg18[%swap3A_673], %broadcast_in_dim3A_3 {strides = array<i32>} : memref<576xi32, #tpu.memory_space<vmem>>, vector<16xi32>,
    %add3A_675 = arith.constant 240 : i32
    %add3A_676 = vector.broadcast %add3A_675 : i32 to vector<16xi32>
    %add3A_677 = arith.addi %iota3A, %add3A_676 : vector<16xi32>
    %swap3A_678 = arith.constant 240 : index
    %swap3A_679 = tpu.vector_load %arg9[%swap3A_678] {strides = array<i32>} : memref<576xi32, #tpu.memory_space<vmem>>, vector<16xi32>,
    tpu.vector_store %arg9[%swap3A_678], %add3A_677 {strides = array<i32>} : memref<576xi32, #tpu.memory_space<vmem>>, vector<16xi32>,
    %swap3A_680 = arith.constant 256 : index
    %swap3A_681 = tpu.vector_load %arg18[%swap3A_680] {strides = array<i32>} : memref<576xi32, #tpu.memory_space<vmem>>, vector<16xi32>,
    tpu.vector_store %arg18[%swap3A_680], %broadcast_in_dim3A_3 {strides = array<i32>} : memref<576xi32, #tpu.memory_space<vmem>>, vector<16xi32>,
    %add3A_682 = arith.constant 256 : i32
    %add3A_683 = vector.broadcast %add3A_682 : i32 to vector<16xi32>
    %add3A_684 = arith.addi %iota3A, %add3A_683 : vector<16xi32>
    %swap3A_685 = arith.constant 256 : index
    %swap3A_686 = tpu.vector_load %arg9[%swap3A_685] {strides = array<i32>} : memref<576xi32, #tpu.memory_space<vmem>>, vector<16xi32>,
    tpu.vector_store %arg9[%swap3A_685], %add3A_684 {strides = array<i32>} : memref<576xi32, #tpu.memory_space<vmem>>, vector<16xi32>,
    %swap3A_687 = arith.constant 272 : index
    %swap3A_688 = tpu.vector_load %arg18[%swap3A_687] {strides = array<i32>} : memref<576xi32, #tpu.memory_space<vmem>>, vector<16xi32>,
    tpu.vector_store %arg18[%swap3A_687], %broadcast_in_dim3A_3 {strides = array<i32>} : memref<576xi32, #tpu.memory_space<vmem>>, vector<16xi32>,
    %add3A_689 = arith.constant 272 : i32
    %add3A_690 = vector.broadcast %add3A_689 : i32 to vector<16xi32>
    %add3A_691 = arith.addi %iota3A, %add3A_690 : vector<16xi32>
    %swap3A_692 = arith.constant 272 : index
    %swap3A_693 = tpu.vector_load %arg9[%swap3A_692] {strides = array<i32>} : memref<576xi32, #tpu.memory_space<vmem>>, vector<16xi32>,
    tpu.vector_store %arg9[%swap3A_692], %add3A_691 {strides = array<i32>} : memref<576xi32, #tpu.memory_space<vmem>>, vector<16xi32>,
    %swap3A_694 = arith.constant 288 : index
    %swap3A_695 = tpu.vector_load %arg18[%swap3A_694] {strides = array<i32>} : memref<576xi32, #tpu.memory_space<vmem>>, vector<16xi32>,
    tpu.vector_store %arg18[%swap3A_694], %broadcast_in_dim3A_3 {strides = array<i32>} : memref<576xi32, #tpu.memory_space<vmem>>, vector<16xi32>,
    %add3A_696 = arith.constant 288 : i32
    %add3A_697 = vector.broadcast %add3A_696 : i32 to vector<16xi32>
    %add3A_698 = arith.addi %iota3A, %add3A_697 : vector<16xi32>
    %swap3A_699 = arith.constant 288 : index
    %swap3A_700 = tpu.vector_load %arg9[%swap3A_699] {strides = array<i32>} : memref<576xi32, #tpu.memory_space<vmem>>, vector<16xi32>,
    tpu.vector_store %arg9[%swap3A_699], %add3A_698 {strides = array<i32>} : memref<576xi32, #tpu.memory_space<vmem>>, vector<16xi32>,
    %swap3A_701 = arith.constant 304 : index
    %swap3A_702 = tpu.vector_load %arg18[%swap3A_701] {strides = array<i32>} : memref<576xi32, #tpu.memory_space<vmem>>, vector<16xi32>,
    tpu.vector_store %arg18[%swap3A_701], %broadcast_in_dim3A_3 {strides = array<i32>} : memref<576xi32, #tpu.memory_space<vmem>>, vector<16xi32>,
    %add3A_703 = arith.constant 304 : i32
    %add3A_704 = vector.broadcast %add3A_703 : i32 to vector<16xi32>
    %add3A_705 = arith.addi %iota3A, %add3A_704 : vector<16xi32>
    %swap3A_706 = arith.constant 304 : index
    %swap3A_707 = tpu.vector_load %arg9[%swap3A_706] {strides = array<i32>} : memref<576xi32, #tpu.memory_space<vmem>>, vector<16xi32>,
    tpu.vector_store %arg9[%swap3A_706], %add3A_705 {strides = array<i32>} : memref<576xi32, #tpu.memory_space<vmem>>, vector<16xi32>,
    %swap3A_708 = arith.constant 320 : index
    %swap3A_709 = tpu.vector_load %arg18[%swap3A_708] {strides = array<i32>} : memref<576xi32, #tpu.memory_space<vmem>>, vector<16xi32>,
    tpu.vector_store %arg18[%swap3A_708], %broadcast_in_dim3A_3 {strides = array<i32>} : memref<576xi32, #tpu.memory_space<vmem>>, vector<16xi32>,
    %add3A_710 = arith.constant 320 : i32
    %add3A_711 = vector.broadcast %add3A_710 : i32 to vector<16xi32>
    %add3A_712 = arith.addi %iota3A, %add3A_711 : vector<16xi32>
    %swap3A_713 = arith.constant 320 : index
    %swap3A_714 = tpu.vector_load %arg9[%swap3A_713] {strides = array<i32>} : memref<576xi32, #tpu.memory_space<vmem>>, vector<16xi32>,
    tpu.vector_store %arg9[%swap3A_713], %add3A_712 {strides = array<i32>} : memref<576xi32, #tpu.memory_space<vmem>>, vector<16xi32>,
    %swap3A_715 = arith.constant 336 : index
    %swap3A_716 = tpu.vector_load %arg18[%swap3A_715] {strides = array<i32>} : memref<576xi32, #tpu.memory_space<vmem>>, vector<16xi32>,
    tpu.vector_store %arg18[%swap3A_715], %broadcast_in_dim3A_3 {strides = array<i32>} : memref<576xi32, #tpu.memory_space<vmem>>, vector<16xi32>,
    %add3A_717 = arith.constant 336 : i32
    %add3A_718 = vector.broadcast %add3A_717 : i32 to vector<16xi32>
    %add3A_719 = arith.addi %iota3A, %add3A_718 : vector<16xi32>
    %swap3A_720 = arith.constant 336 : index
    %swap3A_721 = tpu.vector_load %arg9[%swap3A_720] {strides = array<i32>} : memref<576xi32, #tpu.memory_space<vmem>>, vector<16xi32>,
    tpu.vector_store %arg9[%swap3A_720], %add3A_719 {strides = array<i32>} : memref<576xi32, #tpu.memory_space<vmem>>, vector<16xi32>,
    %swap3A_722 = arith.constant 352 : index
    %swap3A_723 = tpu.vector_load %arg18[%swap3A_722] {strides = array<i32>} : memref<576xi32, #tpu.memory_space<vmem>>, vector<16xi32>,
    tpu.vector_store %arg18[%swap3A_722], %broadcast_in_dim3A_3 {strides = array<i32>} : memref<576xi32, #tpu.memory_space<vmem>>, vector<16xi32>,
    %add3A_724 = arith.constant 352 : i32
    %add3A_725 = vector.broadcast %add3A_724 : i32 to vector<16xi32>
    %add3A_726 = arith.addi %iota3A, %add3A_725 : vector<16xi32>
    %swap3A_727 = arith.constant 352 : index
    %swap3A_728 = tpu.vector_load %arg9[%swap3A_727] {strides = array<i32>} : memref<576xi32, #tpu.memory_space<vmem>>, vector<16xi32>,
    tpu.vector_store %arg9[%swap3A_727], %add3A_726 {strides = array<i32>} : memref<576xi32, #tpu.memory_space<vmem>>, vector<16xi32>,
    %swap3A_729 = arith.constant 368 : index
    %swap3A_730 = tpu.vector_load %arg18[%swap3A_729] {strides = array<i32>} : memref<576xi32, #tpu.memory_space<vmem>>, vector<16xi32>,
    tpu.vector_store %arg18[%swap3A_729], %broadcast_in_dim3A_3 {strides = array<i32>} : memref<576xi32, #tpu.memory_space<vmem>>, vector<16xi32>,
    %add3A_731 = arith.constant 368 : i32
    %add3A_732 = vector.broadcast %add3A_731 : i32 to vector<16xi32>
    %add3A_733 = arith.addi %iota3A, %add3A_732 : vector<16xi32>
    %swap3A_734 = arith.constant 368 : index
    %swap3A_735 = tpu.vector_load %arg9[%swap3A_734] {strides = array<i32>} : memref<576xi32, #tpu.memory_space<vmem>>, vector<16xi32>,
    tpu.vector_store %arg9[%swap3A_734], %add3A_733 {strides = array<i32>} : memref<576xi32, #tpu.memory_space<vmem>>, vector<16xi32>,
    %swap3A_736 = arith.constant 384 : index
    %swap3A_737 = tpu.vector_load %arg18[%swap3A_736] {strides = array<i32>} : memref<576xi32, #tpu.memory_space<vmem>>, vector<16xi32>,
    tpu.vector_store %arg18[%swap3A_736], %broadcast_in_dim3A_3 {strides = array<i32>} : memref<576xi32, #tpu.memory_space<vmem>>, vector<16xi32>,
    %add3A_738 = arith.constant 384 : i32
    %add3A_739 = vector.broadcast %add3A_738 : i32 to vector<16xi32>
    %add3A_740 = arith.addi %iota3A, %add3A_739 : vector<16xi32>
    %swap3A_741 = arith.constant 384 : index
    %swap3A_742 = tpu.vector_load %arg9[%swap3A_741] {strides = array<i32>} : memref<576xi32, #tpu.memory_space<vmem>>, vector<16xi32>,
    tpu.vector_store %arg9[%swap3A_741], %add3A_740 {strides = array<i32>} : memref<576xi32, #tpu.memory_space<vmem>>, vector<16xi32>,
    %swap3A_743 = arith.constant 400 : index
    %swap3A_744 = tpu.vector_load %arg18[%swap3A_743] {strides = array<i32>} : memref<576xi32, #tpu.memory_space<vmem>>, vector<16xi32>,
    tpu.vector_store %arg18[%swap3A_743], %broadcast_in_dim3A_3 {strides = array<i32>} : memref<576xi32, #tpu.memory_space<vmem>>, vector<16xi32>,
    %add3A_745 = arith.constant 400 : i32
    %add3A_746 = vector.broadcast %add3A_745 : i32 to vector<16xi32>
    %add3A_747 = arith.addi %iota3A, %add3A_746 : vector<16xi32>
    %swap3A_748 = arith.constant 400 : index
    %swap3A_749 = tpu.vector_load %arg9[%swap3A_748] {strides = array<i32>} : memref<576xi32, #tpu.memory_space<vmem>>, vector<16xi32>,
    tpu.vector_store %arg9[%swap3A_748], %add3A_747 {strides = array<i32>} : memref<576xi32, #tpu.memory_space<vmem>>, vector<16xi32>,
    %swap3A_750 = arith.constant 416 : index
    %swap3A_751 = tpu.vector_load %arg18[%swap3A_750] {strides = array<i32>} : memref<576xi32, #tpu.memory_space<vmem>>, vector<16xi32>,
    tpu.vector_store %arg18[%swap3A_750], %broadcast_in_dim3A_3 {strides = array<i32>} : memref<576xi32, #tpu.memory_space<vmem>>, vector<16xi32>,
    %add3A_752 = arith.constant 416 : i32
    %add3A_753 = vector.broadcast %add3A_752 : i32 to vector<16xi32>
    %add3A_754 = arith.addi %iota3A, %add3A_753 : vector<16xi32>
    %swap3A_755 = arith.constant 416 : index
    %swap3A_756 = tpu.vector_load %arg9[%swap3A_755] {strides = array<i32>} : memref<576xi32, #tpu.memory_space<vmem>>, vector<16xi32>,
    tpu.vector_store %arg9[%swap3A_755], %add3A_754 {strides = array<i32>} : memref<576xi32, #tpu.memory_space<vmem>>, vector<16xi32>,
    %swap3A_757 = arith.constant 432 : index
    %swap3A_758 = tpu.vector_load %arg18[%swap3A_757] {strides = array<i32>} : memref<576xi32, #tpu.memory_space<vmem>>, vector<16xi32>,
    tpu.vector_store %arg18[%swap3A_757], %broadcast_in_dim3A_3 {strides = array<i32>} : memref<576xi32, #tpu.memory_space<vmem>>, vector<16xi32>,
    %add3A_759 = arith.constant 432 : i32
    %add3A_760 = vector.broadcast %add3A_759 : i32 to vector<16xi32>
    %add3A_761 = arith.addi %iota3A, %add3A_760 : vector<16xi32>
    %swap3A_762 = arith.constant 432 : index
    %swap3A_763 = tpu.vector_load %arg9[%swap3A_762] {strides = array<i32>} : memref<576xi32, #tpu.memory_space<vmem>>, vector<16xi32>,
    tpu.vector_store %arg9[%swap3A_762], %add3A_761 {strides = array<i32>} : memref<576xi32, #tpu.memory_space<vmem>>, vector<16xi32>,
    %swap3A_764 = arith.constant 448 : index
    %swap3A_765 = tpu.vector_load %arg18[%swap3A_764] {strides = array<i32>} : memref<576xi32, #tpu.memory_space<vmem>>, vector<16xi32>,
    tpu.vector_store %arg18[%swap3A_764], %broadcast_in_dim3A_3 {strides = array<i32>} : memref<576xi32, #tpu.memory_space<vmem>>, vector<16xi32>,
    %add3A_766 = arith.constant 448 : i32
    %add3A_767 = vector.broadcast %add3A_766 : i32 to vector<16xi32>
    %add3A_768 = arith.addi %iota3A, %add3A_767 : vector<16xi32>
    %swap3A_769 = arith.constant 448 : index
    %swap3A_770 = tpu.vector_load %arg9[%swap3A_769] {strides = array<i32>} : memref<576xi32, #tpu.memory_space<vmem>>, vector<16xi32>,
    tpu.vector_store %arg9[%swap3A_769], %add3A_768 {strides = array<i32>} : memref<576xi32, #tpu.memory_space<vmem>>, vector<16xi32>,
    %swap3A_771 = arith.constant 464 : index
    %swap3A_772 = tpu.vector_load %arg18[%swap3A_771] {strides = array<i32>} : memref<576xi32, #tpu.memory_space<vmem>>, vector<16xi32>,
    tpu.vector_store %arg18[%swap3A_771], %broadcast_in_dim3A_3 {strides = array<i32>} : memref<576xi32, #tpu.memory_space<vmem>>, vector<16xi32>,
    %add3A_773 = arith.constant 464 : i32
    %add3A_774 = vector.broadcast %add3A_773 : i32 to vector<16xi32>
    %add3A_775 = arith.addi %iota3A, %add3A_774 : vector<16xi32>
    %swap3A_776 = arith.constant 464 : index
    %swap3A_777 = tpu.vector_load %arg9[%swap3A_776] {strides = array<i32>} : memref<576xi32, #tpu.memory_space<vmem>>, vector<16xi32>,
    tpu.vector_store %arg9[%swap3A_776], %add3A_775 {strides = array<i32>} : memref<576xi32, #tpu.memory_space<vmem>>, vector<16xi32>,
    %swap3A_778 = arith.constant 480 : index
    %swap3A_779 = tpu.vector_load %arg18[%swap3A_778] {strides = array<i32>} : memref<576xi32, #tpu.memory_space<vmem>>, vector<16xi32>,
    tpu.vector_store %arg18[%swap3A_778], %broadcast_in_dim3A_3 {strides = array<i32>} : memref<576xi32, #tpu.memory_space<vmem>>, vector<16xi32>,
    %add3A_780 = arith.constant 480 : i32
    %add3A_781 = vector.broadcast %add3A_780 : i32 to vector<16xi32>
    %add3A_782 = arith.addi %iota3A, %add3A_781 : vector<16xi32>
    %swap3A_783 = arith.constant 480 : index
    %swap3A_784 = tpu.vector_load %arg9[%swap3A_783] {strides = array<i32>} : memref<576xi32, #tpu.memory_space<vmem>>, vector<16xi32>,
    tpu.vector_store %arg9[%swap3A_783], %add3A_782 {strides = array<i32>} : memref<576xi32, #tpu.memory_space<vmem>>, vector<16xi32>,
    %swap3A_785 = arith.constant 496 : index
    %swap3A_786 = tpu.vector_load %arg18[%swap3A_785] {strides = array<i32>} : memref<576xi32, #tpu.memory_space<vmem>>, vector<16xi32>,
    tpu.vector_store %arg18[%swap3A_785], %broadcast_in_dim3A_3 {strides = array<i32>} : memref<576xi32, #tpu.memory_space<vmem>>, vector<16xi32>,
    %add3A_787 = arith.constant 496 : i32
    %add3A_788 = vector.broadcast %add3A_787 : i32 to vector<16xi32>
    %add3A_789 = arith.addi %iota3A, %add3A_788 : vector<16xi32>
    %swap3A_790 = arith.constant 496 : index
    %swap3A_791 = tpu.vector_load %arg9[%swap3A_790] {strides = array<i32>} : memref<576xi32, #tpu.memory_space<vmem>>, vector<16xi32>,
    tpu.vector_store %arg9[%swap3A_790], %add3A_789 {strides = array<i32>} : memref<576xi32, #tpu.memory_space<vmem>>, vector<16xi32>,
    %swap3A_792 = arith.constant 512 : index
    %swap3A_793 = tpu.vector_load %arg18[%swap3A_792] {strides = array<i32>} : memref<576xi32, #tpu.memory_space<vmem>>, vector<16xi32>,
    tpu.vector_store %arg18[%swap3A_792], %broadcast_in_dim3A_3 {strides = array<i32>} : memref<576xi32, #tpu.memory_space<vmem>>, vector<16xi32>,
    %add3A_794 = arith.constant 512 : i32
    %add3A_795 = vector.broadcast %add3A_794 : i32 to vector<16xi32>
    %add3A_796 = arith.addi %iota3A, %add3A_795 : vector<16xi32>
    %swap3A_797 = arith.constant 512 : index
    %swap3A_798 = tpu.vector_load %arg9[%swap3A_797] {strides = array<i32>} : memref<576xi32, #tpu.memory_space<vmem>>, vector<16xi32>,
    tpu.vector_store %arg9[%swap3A_797], %add3A_796 {strides = array<i32>} : memref<576xi32, #tpu.memory_space<vmem>>, vector<16xi32>,
    %swap3A_799 = arith.constant 528 : index
    %swap3A_800 = tpu.vector_load %arg18[%swap3A_799] {strides = array<i32>} : memref<576xi32, #tpu.memory_space<vmem>>, vector<16xi32>,
    tpu.vector_store %arg18[%swap3A_799], %broadcast_in_dim3A_3 {strides = array<i32>} : memref<576xi32, #tpu.memory_space<vmem>>, vector<16xi32>,
    %add3A_801 = arith.constant 528 : i32
    %add3A_802 = vector.broadcast %add3A_801 : i32 to vector<16xi32>
    %add3A_803 = arith.addi %iota3A, %add3A_802 : vector<16xi32>
    %swap3A_804 = arith.constant 528 : index
    %swap3A_805 = tpu.vector_load %arg9[%swap3A_804] {strides = array<i32>} : memref<576xi32, #tpu.memory_space<vmem>>, vector<16xi32>,
    tpu.vector_store %arg9[%swap3A_804], %add3A_803 {strides = array<i32>} : memref<576xi32, #tpu.memory_space<vmem>>, vector<16xi32>,
    %swap3A_806 = arith.constant 544 : index
    %swap3A_807 = tpu.vector_load %arg18[%swap3A_806] {strides = array<i32>} : memref<576xi32, #tpu.memory_space<vmem>>, vector<16xi32>,
    tpu.vector_store %arg18[%swap3A_806], %broadcast_in_dim3A_3 {strides = array<i32>} : memref<576xi32, #tpu.memory_space<vmem>>, vector<16xi32>,
    %add3A_808 = arith.constant 544 : i32
    %add3A_809 = vector.broadcast %add3A_808 : i32 to vector<16xi32>
    %add3A_810 = arith.addi %iota3A, %add3A_809 : vector<16xi32>
    %swap3A_811 = arith.constant 544 : index
    %swap3A_812 = tpu.vector_load %arg9[%swap3A_811] {strides = array<i32>} : memref<576xi32, #tpu.memory_space<vmem>>, vector<16xi32>,
    tpu.vector_store %arg9[%swap3A_811], %add3A_810 {strides = array<i32>} : memref<576xi32, #tpu.memory_space<vmem>>, vector<16xi32>,
    %swap3A_813 = arith.constant 560 : index
    %swap3A_814 = tpu.vector_load %arg18[%swap3A_813] {strides = array<i32>} : memref<576xi32, #tpu.memory_space<vmem>>, vector<16xi32>,
    tpu.vector_store %arg18[%swap3A_813], %broadcast_in_dim3A_3 {strides = array<i32>} : memref<576xi32, #tpu.memory_space<vmem>>, vector<16xi32>,
    %add3A_815 = arith.constant 560 : i32
    %add3A_816 = vector.broadcast %add3A_815 : i32 to vector<16xi32>
    %add3A_817 = arith.addi %iota3A, %add3A_816 : vector<16xi32>
    %swap3A_818 = arith.constant 560 : index
    %swap3A_819 = tpu.vector_load %arg9[%swap3A_818] {strides = array<i32>} : memref<576xi32, #tpu.memory_space<vmem>>, vector<16xi32>,
    tpu.vector_store %arg9[%swap3A_818], %add3A_817 {strides = array<i32>} : memref<576xi32, #tpu.memory_space<vmem>>, vector<16xi32>,
    %dma_wait3A = arith.constant 0 : i32
    %dma_wait3A_820 = tpu.memref_slice %arg3[%add3A_7, %dma_wait3A] : memref<96x576xf32, #tpu.memory_space<hbm>> -> memref<1x576xf32, #tpu.memory_space<hbm>>
    %dma_wait3A_821 = tpu.memref_squeeze %dma_wait3A_820 : memref<1x576xf32, #tpu.memory_space<hbm>> -> memref<576xf32, #tpu.memory_space<hbm>>
    %dma_wait3A_822 = arith.constant 0 : i32
    %dma_wait3A_823 = tpu.memref_slice %arg3[%add3A_7, %dma_wait3A_822] : memref<96x576xf32, #tpu.memory_space<hbm>> -> memref<1x576xf32, #tpu.memory_space<hbm>>
    %dma_wait3A_824 = tpu.memref_squeeze %dma_wait3A_823 : memref<1x576xf32, #tpu.memory_space<hbm>> -> memref<576xf32, #tpu.memory_space<hbm>>
    tpu.wait_dma2 semaphore(%arg28 : memref<!tpu.dma_semaphore, #tpu.memory_space<semaphore_mem>>) src(%dma_wait3A_824 : memref<576xf32, #tpu.memory_space<hbm>>) dst(%arg10 : memref<576xf32, #tpu.memory_space<vmem>>)
    %dma_wait3A_825 = arith.constant 0 : i32
    %dma_wait3A_826 = tpu.memref_slice %arg4[%add3A_7, %dma_wait3A_825] : memref<96x16xf32, #tpu.memory_space<hbm>> -> memref<1x16xf32, #tpu.memory_space<hbm>>
    %dma_wait3A_827 = tpu.memref_squeeze %dma_wait3A_826 : memref<1x16xf32, #tpu.memory_space<hbm>> -> memref<16xf32, #tpu.memory_space<hbm>>
    %dma_wait3A_828 = arith.constant 0 : i32
    %dma_wait3A_829 = tpu.memref_slice %arg4[%add3A_7, %dma_wait3A_828] : memref<96x16xf32, #tpu.memory_space<hbm>> -> memref<1x16xf32, #tpu.memory_space<hbm>>
    %dma_wait3A_830 = tpu.memref_squeeze %dma_wait3A_829 : memref<1x16xf32, #tpu.memory_space<hbm>> -> memref<16xf32, #tpu.memory_space<hbm>>
    tpu.wait_dma2 semaphore(%arg28 : memref<!tpu.dma_semaphore, #tpu.memory_space<semaphore_mem>>) src(%dma_wait3A_830 : memref<16xf32, #tpu.memory_space<hbm>>) dst(%arg25 : memref<16xf32, #tpu.memory_space<vmem>>)
    %dma_wait3A_831 = arith.constant 0 : i32
    %dma_wait3A_832 = tpu.memref_slice %arg3[%add3A_7, %dma_wait3A_831] : memref<96x576xf32, #tpu.memory_space<hbm>> -> memref<1x576xf32, #tpu.memory_space<hbm>>
    %dma_wait3A_833 = tpu.memref_squeeze %dma_wait3A_832 : memref<1x576xf32, #tpu.memory_space<hbm>> -> memref<576xf32, #tpu.memory_space<hbm>>
    %dma_wait3A_834 = arith.constant 0 : i32
    %dma_wait3A_835 = tpu.memref_slice %arg3[%add3A_7, %dma_wait3A_834] : memref<96x576xf32, #tpu.memory_space<hbm>> -> memref<1x576xf32, #tpu.memory_space<hbm>>
    %dma_wait3A_836 = tpu.memref_squeeze %dma_wait3A_835 : memref<1x576xf32, #tpu.memory_space<hbm>> -> memref<576xf32, #tpu.memory_space<hbm>>
    tpu.wait_dma2 semaphore(%arg31 : memref<!tpu.dma_semaphore, #tpu.memory_space<semaphore_mem>>) src(%dma_wait3A_836 : memref<576xf32, #tpu.memory_space<hbm>>) dst(%arg13 : memref<576xf32, #tpu.memory_space<vmem>>)
    %broadcast_in_dim3A_837 = arith.constant 0 : i32
    %broadcast_in_dim3A_838 = vector.broadcast %broadcast_in_dim3A_837 : i32 to vector<16xi32>
    %broadcast_in_dim3A_839 = arith.constant 0 : i32
    %broadcast_in_dim3A_840 = vector.broadcast %broadcast_in_dim3A_839 : i32 to vector<16xi32>
    %get3A = arith.constant 0 : index
    %get3A_841 = tpu.vector_load %arg10[%get3A] {strides = array<i32>} : memref<576xf32, #tpu.memory_space<vmem>>, vector<16xf32>,
    %add3A_842 = arith.constant 0 : i32
    %add3A_843 = vector.broadcast %add3A_842 : i32 to vector<16xi32>
    %add3A_844 = arith.addi %iota3A, %add3A_843 : vector<16xi32>
    %get3A_845 = arith.constant 16 : index
    %get3A_846 = tpu.vector_load %arg10[%get3A_845] {strides = array<i32>} : memref<576xf32, #tpu.memory_space<vmem>>, vector<16xf32>,
    %add3A_847 = arith.constant 16 : i32
    %add3A_848 = vector.broadcast %add3A_847 : i32 to vector<16xi32>
    %add3A_849 = arith.addi %iota3A, %add3A_848 : vector<16xi32>
    %gt3A = arith.cmpf ogt, %get3A_846, %get3A_841 : vector<16xf32>
    %gt3A_850 = arith.cmpf ogt, %get3A_846, %broadcast_in_dim3A_5 : vector<16xf32>
    %select_n3A = arith.select %gt3A_850, %get3A_846, %broadcast_in_dim3A_5 : vector<16xi1>, vector<16xf32>
    %select_n3A_851 = arith.select %gt3A, %get3A_841, %select_n3A : vector<16xi1>, vector<16xf32>
    %select_n3A_852 = arith.select %gt3A_850, %add3A_849, %broadcast_in_dim3A_840 : vector<16xi1>, vector<16xi32>
    %select_n3A_853 = arith.select %gt3A, %add3A_844, %select_n3A_852 : vector<16xi1>, vector<16xi32>
    %select_n3A_854 = arith.select %gt3A, %get3A_846, %get3A_841 : vector<16xi1>, vector<16xf32>
    %select_n3A_855 = arith.select %gt3A, %add3A_849, %add3A_844 : vector<16xi1>, vector<16xi32>
    %get3A_856 = arith.constant 32 : index
    %get3A_857 = tpu.vector_load %arg10[%get3A_856] {strides = array<i32>} : memref<576xf32, #tpu.memory_space<vmem>>, vector<16xf32>,
    %add3A_858 = arith.constant 32 : i32
    %add3A_859 = vector.broadcast %add3A_858 : i32 to vector<16xi32>
    %add3A_860 = arith.addi %iota3A, %add3A_859 : vector<16xi32>
    %gt3A_861 = arith.cmpf ogt, %get3A_857, %select_n3A_854 : vector<16xf32>
    %gt3A_862 = arith.cmpf ogt, %get3A_857, %select_n3A_851 : vector<16xf32>
    %select_n3A_863 = arith.select %gt3A_862, %get3A_857, %select_n3A_851 : vector<16xi1>, vector<16xf32>
    %select_n3A_864 = arith.select %gt3A_861, %select_n3A_854, %select_n3A_863 : vector<16xi1>, vector<16xf32>
    %select_n3A_865 = arith.select %gt3A_862, %add3A_860, %select_n3A_853 : vector<16xi1>, vector<16xi32>
    %select_n3A_866 = arith.select %gt3A_861, %select_n3A_855, %select_n3A_865 : vector<16xi1>, vector<16xi32>
    %select_n3A_867 = arith.select %gt3A_861, %get3A_857, %select_n3A_854 : vector<16xi1>, vector<16xf32>
    %select_n3A_868 = arith.select %gt3A_861, %add3A_860, %select_n3A_855 : vector<16xi1>, vector<16xi32>
    %get3A_869 = arith.constant 48 : index
    %get3A_870 = tpu.vector_load %arg10[%get3A_869] {strides = array<i32>} : memref<576xf32, #tpu.memory_space<vmem>>, vector<16xf32>,
    %add3A_871 = arith.constant 48 : i32
    %add3A_872 = vector.broadcast %add3A_871 : i32 to vector<16xi32>
    %add3A_873 = arith.addi %iota3A, %add3A_872 : vector<16xi32>
    %gt3A_874 = arith.cmpf ogt, %get3A_870, %select_n3A_867 : vector<16xf32>
    %gt3A_875 = arith.cmpf ogt, %get3A_870, %select_n3A_864 : vector<16xf32>
    %select_n3A_876 = arith.select %gt3A_875, %get3A_870, %select_n3A_864 : vector<16xi1>, vector<16xf32>
    %select_n3A_877 = arith.select %gt3A_874, %select_n3A_867, %select_n3A_876 : vector<16xi1>, vector<16xf32>
    %select_n3A_878 = arith.select %gt3A_875, %add3A_873, %select_n3A_866 : vector<16xi1>, vector<16xi32>
    %select_n3A_879 = arith.select %gt3A_874, %select_n3A_868, %select_n3A_878 : vector<16xi1>, vector<16xi32>
    %select_n3A_880 = arith.select %gt3A_874, %get3A_870, %select_n3A_867 : vector<16xi1>, vector<16xf32>
    %select_n3A_881 = arith.select %gt3A_874, %add3A_873, %select_n3A_868 : vector<16xi1>, vector<16xi32>
    %get3A_882 = arith.constant 64 : index
    %get3A_883 = tpu.vector_load %arg10[%get3A_882] {strides = array<i32>} : memref<576xf32, #tpu.memory_space<vmem>>, vector<16xf32>,
    %add3A_884 = arith.constant 64 : i32
    %add3A_885 = vector.broadcast %add3A_884 : i32 to vector<16xi32>
    %add3A_886 = arith.addi %iota3A, %add3A_885 : vector<16xi32>
    %gt3A_887 = arith.cmpf ogt, %get3A_883, %select_n3A_880 : vector<16xf32>
    %gt3A_888 = arith.cmpf ogt, %get3A_883, %select_n3A_877 : vector<16xf32>
    %select_n3A_889 = arith.select %gt3A_888, %get3A_883, %select_n3A_877 : vector<16xi1>, vector<16xf32>
    %select_n3A_890 = arith.select %gt3A_887, %select_n3A_880, %select_n3A_889 : vector<16xi1>, vector<16xf32>
    %select_n3A_891 = arith.select %gt3A_888, %add3A_886, %select_n3A_879 : vector<16xi1>, vector<16xi32>
    %select_n3A_892 = arith.select %gt3A_887, %select_n3A_881, %select_n3A_891 : vector<16xi1>, vector<16xi32>
    %select_n3A_893 = arith.select %gt3A_887, %get3A_883, %select_n3A_880 : vector<16xi1>, vector<16xf32>
    %select_n3A_894 = arith.select %gt3A_887, %add3A_886, %select_n3A_881 : vector<16xi1>, vector<16xi32>
    %get3A_895 = arith.constant 80 : index
    %get3A_896 = tpu.vector_load %arg10[%get3A_895] {strides = array<i32>} : memref<576xf32, #tpu.memory_space<vmem>>, vector<16xf32>,
    %add3A_897 = arith.constant 80 : i32
    %add3A_898 = vector.broadcast %add3A_897 : i32 to vector<16xi32>
    %add3A_899 = arith.addi %iota3A, %add3A_898 : vector<16xi32>
    %gt3A_900 = arith.cmpf ogt, %get3A_896, %select_n3A_893 : vector<16xf32>
    %gt3A_901 = arith.cmpf ogt, %get3A_896, %select_n3A_890 : vector<16xf32>
    %select_n3A_902 = arith.select %gt3A_901, %get3A_896, %select_n3A_890 : vector<16xi1>, vector<16xf32>
    %select_n3A_903 = arith.select %gt3A_900, %select_n3A_893, %select_n3A_902 : vector<16xi1>, vector<16xf32>
    %select_n3A_904 = arith.select %gt3A_901, %add3A_899, %select_n3A_892 : vector<16xi1>, vector<16xi32>
    %select_n3A_905 = arith.select %gt3A_900, %select_n3A_894, %select_n3A_904 : vector<16xi1>, vector<16xi32>
    %select_n3A_906 = arith.select %gt3A_900, %get3A_896, %select_n3A_893 : vector<16xi1>, vector<16xf32>
    %select_n3A_907 = arith.select %gt3A_900, %add3A_899, %select_n3A_894 : vector<16xi1>, vector<16xi32>
    %get3A_908 = arith.constant 96 : index
    %get3A_909 = tpu.vector_load %arg10[%get3A_908] {strides = array<i32>} : memref<576xf32, #tpu.memory_space<vmem>>, vector<16xf32>,
    %add3A_910 = arith.constant 96 : i32
    %add3A_911 = vector.broadcast %add3A_910 : i32 to vector<16xi32>
    %add3A_912 = arith.addi %iota3A, %add3A_911 : vector<16xi32>
    %gt3A_913 = arith.cmpf ogt, %get3A_909, %select_n3A_906 : vector<16xf32>
    %gt3A_914 = arith.cmpf ogt, %get3A_909, %select_n3A_903 : vector<16xf32>
    %select_n3A_915 = arith.select %gt3A_914, %get3A_909, %select_n3A_903 : vector<16xi1>, vector<16xf32>
    %select_n3A_916 = arith.select %gt3A_913, %select_n3A_906, %select_n3A_915 : vector<16xi1>, vector<16xf32>
    %select_n3A_917 = arith.select %gt3A_914, %add3A_912, %select_n3A_905 : vector<16xi1>, vector<16xi32>
    %select_n3A_918 = arith.select %gt3A_913, %select_n3A_907, %select_n3A_917 : vector<16xi1>, vector<16xi32>
    %select_n3A_919 = arith.select %gt3A_913, %get3A_909, %select_n3A_906 : vector<16xi1>, vector<16xf32>
    %select_n3A_920 = arith.select %gt3A_913, %add3A_912, %select_n3A_907 : vector<16xi1>, vector<16xi32>
    %get3A_921 = arith.constant 112 : index
    %get3A_922 = tpu.vector_load %arg10[%get3A_921] {strides = array<i32>} : memref<576xf32, #tpu.memory_space<vmem>>, vector<16xf32>,
    %add3A_923 = arith.constant 112 : i32
    %add3A_924 = vector.broadcast %add3A_923 : i32 to vector<16xi32>
    %add3A_925 = arith.addi %iota3A, %add3A_924 : vector<16xi32>
    %gt3A_926 = arith.cmpf ogt, %get3A_922, %select_n3A_919 : vector<16xf32>
    %gt3A_927 = arith.cmpf ogt, %get3A_922, %select_n3A_916 : vector<16xf32>
    %select_n3A_928 = arith.select %gt3A_927, %get3A_922, %select_n3A_916 : vector<16xi1>, vector<16xf32>
    %select_n3A_929 = arith.select %gt3A_926, %select_n3A_919, %select_n3A_928 : vector<16xi1>, vector<16xf32>
    %select_n3A_930 = arith.select %gt3A_927, %add3A_925, %select_n3A_918 : vector<16xi1>, vector<16xi32>
    %select_n3A_931 = arith.select %gt3A_926, %select_n3A_920, %select_n3A_930 : vector<16xi1>, vector<16xi32>
    %select_n3A_932 = arith.select %gt3A_926, %get3A_922, %select_n3A_919 : vector<16xi1>, vector<16xf32>
    %select_n3A_933 = arith.select %gt3A_926, %add3A_925, %select_n3A_920 : vector<16xi1>, vector<16xi32>
    %get3A_934 = arith.constant 128 : index
    %get3A_935 = tpu.vector_load %arg10[%get3A_934] {strides = array<i32>} : memref<576xf32, #tpu.memory_space<vmem>>, vector<16xf32>,
    %add3A_936 = arith.constant 128 : i32
    %add3A_937 = vector.broadcast %add3A_936 : i32 to vector<16xi32>
    %add3A_938 = arith.addi %iota3A, %add3A_937 : vector<16xi32>
    %gt3A_939 = arith.cmpf ogt, %get3A_935, %select_n3A_932 : vector<16xf32>
    %gt3A_940 = arith.cmpf ogt, %get3A_935, %select_n3A_929 : vector<16xf32>
    %select_n3A_941 = arith.select %gt3A_940, %get3A_935, %select_n3A_929 : vector<16xi1>, vector<16xf32>
    %select_n3A_942 = arith.select %gt3A_939, %select_n3A_932, %select_n3A_941 : vector<16xi1>, vector<16xf32>
    %select_n3A_943 = arith.select %gt3A_940, %add3A_938, %select_n3A_931 : vector<16xi1>, vector<16xi32>
    %select_n3A_944 = arith.select %gt3A_939, %select_n3A_933, %select_n3A_943 : vector<16xi1>, vector<16xi32>
    %select_n3A_945 = arith.select %gt3A_939, %get3A_935, %select_n3A_932 : vector<16xi1>, vector<16xf32>
    %select_n3A_946 = arith.select %gt3A_939, %add3A_938, %select_n3A_933 : vector<16xi1>, vector<16xi32>
    %get3A_947 = arith.constant 144 : index
    %get3A_948 = tpu.vector_load %arg10[%get3A_947] {strides = array<i32>} : memref<576xf32, #tpu.memory_space<vmem>>, vector<16xf32>,
    %add3A_949 = arith.constant 144 : i32
    %add3A_950 = vector.broadcast %add3A_949 : i32 to vector<16xi32>
    %add3A_951 = arith.addi %iota3A, %add3A_950 : vector<16xi32>
    %gt3A_952 = arith.cmpf ogt, %get3A_948, %select_n3A_945 : vector<16xf32>
    %gt3A_953 = arith.cmpf ogt, %get3A_948, %select_n3A_942 : vector<16xf32>
    %select_n3A_954 = arith.select %gt3A_953, %get3A_948, %select_n3A_942 : vector<16xi1>, vector<16xf32>
    %select_n3A_955 = arith.select %gt3A_952, %select_n3A_945, %select_n3A_954 : vector<16xi1>, vector<16xf32>
    %select_n3A_956 = arith.select %gt3A_953, %add3A_951, %select_n3A_944 : vector<16xi1>, vector<16xi32>
    %select_n3A_957 = arith.select %gt3A_952, %select_n3A_946, %select_n3A_956 : vector<16xi1>, vector<16xi32>
    %select_n3A_958 = arith.select %gt3A_952, %get3A_948, %select_n3A_945 : vector<16xi1>, vector<16xf32>
    %select_n3A_959 = arith.select %gt3A_952, %add3A_951, %select_n3A_946 : vector<16xi1>, vector<16xi32>
    %get3A_960 = arith.constant 160 : index
    %get3A_961 = tpu.vector_load %arg10[%get3A_960] {strides = array<i32>} : memref<576xf32, #tpu.memory_space<vmem>>, vector<16xf32>,
    %add3A_962 = arith.constant 160 : i32
    %add3A_963 = vector.broadcast %add3A_962 : i32 to vector<16xi32>
    %add3A_964 = arith.addi %iota3A, %add3A_963 : vector<16xi32>
    %gt3A_965 = arith.cmpf ogt, %get3A_961, %select_n3A_958 : vector<16xf32>
    %gt3A_966 = arith.cmpf ogt, %get3A_961, %select_n3A_955 : vector<16xf32>
    %select_n3A_967 = arith.select %gt3A_966, %get3A_961, %select_n3A_955 : vector<16xi1>, vector<16xf32>
    %select_n3A_968 = arith.select %gt3A_965, %select_n3A_958, %select_n3A_967 : vector<16xi1>, vector<16xf32>
    %select_n3A_969 = arith.select %gt3A_966, %add3A_964, %select_n3A_957 : vector<16xi1>, vector<16xi32>
    %select_n3A_970 = arith.select %gt3A_965, %select_n3A_959, %select_n3A_969 : vector<16xi1>, vector<16xi32>
    %select_n3A_971 = arith.select %gt3A_965, %get3A_961, %select_n3A_958 : vector<16xi1>, vector<16xf32>
    %select_n3A_972 = arith.select %gt3A_965, %add3A_964, %select_n3A_959 : vector<16xi1>, vector<16xi32>
    %get3A_973 = arith.constant 176 : index
    %get3A_974 = tpu.vector_load %arg10[%get3A_973] {strides = array<i32>} : memref<576xf32, #tpu.memory_space<vmem>>, vector<16xf32>,
    %add3A_975 = arith.constant 176 : i32
    %add3A_976 = vector.broadcast %add3A_975 : i32 to vector<16xi32>
    %add3A_977 = arith.addi %iota3A, %add3A_976 : vector<16xi32>
    %gt3A_978 = arith.cmpf ogt, %get3A_974, %select_n3A_971 : vector<16xf32>
    %gt3A_979 = arith.cmpf ogt, %get3A_974, %select_n3A_968 : vector<16xf32>
    %select_n3A_980 = arith.select %gt3A_979, %get3A_974, %select_n3A_968 : vector<16xi1>, vector<16xf32>
    %select_n3A_981 = arith.select %gt3A_978, %select_n3A_971, %select_n3A_980 : vector<16xi1>, vector<16xf32>
    %select_n3A_982 = arith.select %gt3A_979, %add3A_977, %select_n3A_970 : vector<16xi1>, vector<16xi32>
    %select_n3A_983 = arith.select %gt3A_978, %select_n3A_972, %select_n3A_982 : vector<16xi1>, vector<16xi32>
    %select_n3A_984 = arith.select %gt3A_978, %get3A_974, %select_n3A_971 : vector<16xi1>, vector<16xf32>
    %select_n3A_985 = arith.select %gt3A_978, %add3A_977, %select_n3A_972 : vector<16xi1>, vector<16xi32>
    %get3A_986 = arith.constant 192 : index
    %get3A_987 = tpu.vector_load %arg10[%get3A_986] {strides = array<i32>} : memref<576xf32, #tpu.memory_space<vmem>>, vector<16xf32>,
    %add3A_988 = arith.constant 192 : i32
    %add3A_989 = vector.broadcast %add3A_988 : i32 to vector<16xi32>
    %add3A_990 = arith.addi %iota3A, %add3A_989 : vector<16xi32>
    %gt3A_991 = arith.cmpf ogt, %get3A_987, %select_n3A_984 : vector<16xf32>
    %gt3A_992 = arith.cmpf ogt, %get3A_987, %select_n3A_981 : vector<16xf32>
    %select_n3A_993 = arith.select %gt3A_992, %get3A_987, %select_n3A_981 : vector<16xi1>, vector<16xf32>
    %select_n3A_994 = arith.select %gt3A_991, %select_n3A_984, %select_n3A_993 : vector<16xi1>, vector<16xf32>
    %select_n3A_995 = arith.select %gt3A_992, %add3A_990, %select_n3A_983 : vector<16xi1>, vector<16xi32>
    %select_n3A_996 = arith.select %gt3A_991, %select_n3A_985, %select_n3A_995 : vector<16xi1>, vector<16xi32>
    %select_n3A_997 = arith.select %gt3A_991, %get3A_987, %select_n3A_984 : vector<16xi1>, vector<16xf32>
    %select_n3A_998 = arith.select %gt3A_991, %add3A_990, %select_n3A_985 : vector<16xi1>, vector<16xi32>
    %get3A_999 = arith.constant 208 : index
    %get3A_1000 = tpu.vector_load %arg10[%get3A_999] {strides = array<i32>} : memref<576xf32, #tpu.memory_space<vmem>>, vector<16xf32>,
    %add3A_1001 = arith.constant 208 : i32
    %add3A_1002 = vector.broadcast %add3A_1001 : i32 to vector<16xi32>
    %add3A_1003 = arith.addi %iota3A, %add3A_1002 : vector<16xi32>
    %gt3A_1004 = arith.cmpf ogt, %get3A_1000, %select_n3A_997 : vector<16xf32>
    %gt3A_1005 = arith.cmpf ogt, %get3A_1000, %select_n3A_994 : vector<16xf32>
    %select_n3A_1006 = arith.select %gt3A_1005, %get3A_1000, %select_n3A_994 : vector<16xi1>, vector<16xf32>
    %select_n3A_1007 = arith.select %gt3A_1004, %select_n3A_997, %select_n3A_1006 : vector<16xi1>, vector<16xf32>
    %select_n3A_1008 = arith.select %gt3A_1005, %add3A_1003, %select_n3A_996 : vector<16xi1>, vector<16xi32>
    %select_n3A_1009 = arith.select %gt3A_1004, %select_n3A_998, %select_n3A_1008 : vector<16xi1>, vector<16xi32>
    %select_n3A_1010 = arith.select %gt3A_1004, %get3A_1000, %select_n3A_997 : vector<16xi1>, vector<16xf32>
    %select_n3A_1011 = arith.select %gt3A_1004, %add3A_1003, %select_n3A_998 : vector<16xi1>, vector<16xi32>
    %get3A_1012 = arith.constant 224 : index
    %get3A_1013 = tpu.vector_load %arg10[%get3A_1012] {strides = array<i32>} : memref<576xf32, #tpu.memory_space<vmem>>, vector<16xf32>,
    %add3A_1014 = arith.constant 224 : i32
    %add3A_1015 = vector.broadcast %add3A_1014 : i32 to vector<16xi32>
    %add3A_1016 = arith.addi %iota3A, %add3A_1015 : vector<16xi32>
    %gt3A_1017 = arith.cmpf ogt, %get3A_1013, %select_n3A_1010 : vector<16xf32>
    %gt3A_1018 = arith.cmpf ogt, %get3A_1013, %select_n3A_1007 : vector<16xf32>
    %select_n3A_1019 = arith.select %gt3A_1018, %get3A_1013, %select_n3A_1007 : vector<16xi1>, vector<16xf32>
    %select_n3A_1020 = arith.select %gt3A_1017, %select_n3A_1010, %select_n3A_1019 : vector<16xi1>, vector<16xf32>
    %select_n3A_1021 = arith.select %gt3A_1018, %add3A_1016, %select_n3A_1009 : vector<16xi1>, vector<16xi32>
    %select_n3A_1022 = arith.select %gt3A_1017, %select_n3A_1011, %select_n3A_1021 : vector<16xi1>, vector<16xi32>
    %select_n3A_1023 = arith.select %gt3A_1017, %get3A_1013, %select_n3A_1010 : vector<16xi1>, vector<16xf32>
    %select_n3A_1024 = arith.select %gt3A_1017, %add3A_1016, %select_n3A_1011 : vector<16xi1>, vector<16xi32>
    %get3A_1025 = arith.constant 240 : index
    %get3A_1026 = tpu.vector_load %arg10[%get3A_1025] {strides = array<i32>} : memref<576xf32, #tpu.memory_space<vmem>>, vector<16xf32>,
    %add3A_1027 = arith.constant 240 : i32
    %add3A_1028 = vector.broadcast %add3A_1027 : i32 to vector<16xi32>
    %add3A_1029 = arith.addi %iota3A, %add3A_1028 : vector<16xi32>
    %gt3A_1030 = arith.cmpf ogt, %get3A_1026, %select_n3A_1023 : vector<16xf32>
    %gt3A_1031 = arith.cmpf ogt, %get3A_1026, %select_n3A_1020 : vector<16xf32>
    %select_n3A_1032 = arith.select %gt3A_1031, %get3A_1026, %select_n3A_1020 : vector<16xi1>, vector<16xf32>
    %select_n3A_1033 = arith.select %gt3A_1030, %select_n3A_1023, %select_n3A_1032 : vector<16xi1>, vector<16xf32>
    %select_n3A_1034 = arith.select %gt3A_1031, %add3A_1029, %select_n3A_1022 : vector<16xi1>, vector<16xi32>
    %select_n3A_1035 = arith.select %gt3A_1030, %select_n3A_1024, %select_n3A_1034 : vector<16xi1>, vector<16xi32>
    %select_n3A_1036 = arith.select %gt3A_1030, %get3A_1026, %select_n3A_1023 : vector<16xi1>, vector<16xf32>
    %select_n3A_1037 = arith.select %gt3A_1030, %add3A_1029, %select_n3A_1024 : vector<16xi1>, vector<16xi32>
    %get3A_1038 = arith.constant 256 : index
    %get3A_1039 = tpu.vector_load %arg10[%get3A_1038] {strides = array<i32>} : memref<576xf32, #tpu.memory_space<vmem>>, vector<16xf32>,
    %add3A_1040 = arith.constant 256 : i32
    %add3A_1041 = vector.broadcast %add3A_1040 : i32 to vector<16xi32>
    %add3A_1042 = arith.addi %iota3A, %add3A_1041 : vector<16xi32>
    %gt3A_1043 = arith.cmpf ogt, %get3A_1039, %select_n3A_1036 : vector<16xf32>
    %gt3A_1044 = arith.cmpf ogt, %get3A_1039, %select_n3A_1033 : vector<16xf32>
    %select_n3A_1045 = arith.select %gt3A_1044, %get3A_1039, %select_n3A_1033 : vector<16xi1>, vector<16xf32>
    %select_n3A_1046 = arith.select %gt3A_1043, %select_n3A_1036, %select_n3A_1045 : vector<16xi1>, vector<16xf32>
    %select_n3A_1047 = arith.select %gt3A_1044, %add3A_1042, %select_n3A_1035 : vector<16xi1>, vector<16xi32>
    %select_n3A_1048 = arith.select %gt3A_1043, %select_n3A_1037, %select_n3A_1047 : vector<16xi1>, vector<16xi32>
    %select_n3A_1049 = arith.select %gt3A_1043, %get3A_1039, %select_n3A_1036 : vector<16xi1>, vector<16xf32>
    %select_n3A_1050 = arith.select %gt3A_1043, %add3A_1042, %select_n3A_1037 : vector<16xi1>, vector<16xi32>
    %get3A_1051 = arith.constant 272 : index
    %get3A_1052 = tpu.vector_load %arg10[%get3A_1051] {strides = array<i32>} : memref<576xf32, #tpu.memory_space<vmem>>, vector<16xf32>,
    %add3A_1053 = arith.constant 272 : i32
    %add3A_1054 = vector.broadcast %add3A_1053 : i32 to vector<16xi32>
    %add3A_1055 = arith.addi %iota3A, %add3A_1054 : vector<16xi32>
    %gt3A_1056 = arith.cmpf ogt, %get3A_1052, %select_n3A_1049 : vector<16xf32>
    %gt3A_1057 = arith.cmpf ogt, %get3A_1052, %select_n3A_1046 : vector<16xf32>
    %select_n3A_1058 = arith.select %gt3A_1057, %get3A_1052, %select_n3A_1046 : vector<16xi1>, vector<16xf32>
    %select_n3A_1059 = arith.select %gt3A_1056, %select_n3A_1049, %select_n3A_1058 : vector<16xi1>, vector<16xf32>
    %select_n3A_1060 = arith.select %gt3A_1057, %add3A_1055, %select_n3A_1048 : vector<16xi1>, vector<16xi32>
    %select_n3A_1061 = arith.select %gt3A_1056, %select_n3A_1050, %select_n3A_1060 : vector<16xi1>, vector<16xi32>
    %select_n3A_1062 = arith.select %gt3A_1056, %get3A_1052, %select_n3A_1049 : vector<16xi1>, vector<16xf32>
    %select_n3A_1063 = arith.select %gt3A_1056, %add3A_1055, %select_n3A_1050 : vector<16xi1>, vector<16xi32>
    %get3A_1064 = arith.constant 288 : index
    %get3A_1065 = tpu.vector_load %arg10[%get3A_1064] {strides = array<i32>} : memref<576xf32, #tpu.memory_space<vmem>>, vector<16xf32>,
    %add3A_1066 = arith.constant 288 : i32
    %add3A_1067 = vector.broadcast %add3A_1066 : i32 to vector<16xi32>
    %add3A_1068 = arith.addi %iota3A, %add3A_1067 : vector<16xi32>
    %gt3A_1069 = arith.cmpf ogt, %get3A_1065, %select_n3A_1062 : vector<16xf32>
    %gt3A_1070 = arith.cmpf ogt, %get3A_1065, %select_n3A_1059 : vector<16xf32>
    %select_n3A_1071 = arith.select %gt3A_1070, %get3A_1065, %select_n3A_1059 : vector<16xi1>, vector<16xf32>
    %select_n3A_1072 = arith.select %gt3A_1069, %select_n3A_1062, %select_n3A_1071 : vector<16xi1>, vector<16xf32>
    %select_n3A_1073 = arith.select %gt3A_1070, %add3A_1068, %select_n3A_1061 : vector<16xi1>, vector<16xi32>
    %select_n3A_1074 = arith.select %gt3A_1069, %select_n3A_1063, %select_n3A_1073 : vector<16xi1>, vector<16xi32>
    %select_n3A_1075 = arith.select %gt3A_1069, %get3A_1065, %select_n3A_1062 : vector<16xi1>, vector<16xf32>
    %select_n3A_1076 = arith.select %gt3A_1069, %add3A_1068, %select_n3A_1063 : vector<16xi1>, vector<16xi32>
    %get3A_1077 = arith.constant 304 : index
    %get3A_1078 = tpu.vector_load %arg10[%get3A_1077] {strides = array<i32>} : memref<576xf32, #tpu.memory_space<vmem>>, vector<16xf32>,
    %add3A_1079 = arith.constant 304 : i32
    %add3A_1080 = vector.broadcast %add3A_1079 : i32 to vector<16xi32>
    %add3A_1081 = arith.addi %iota3A, %add3A_1080 : vector<16xi32>
    %gt3A_1082 = arith.cmpf ogt, %get3A_1078, %select_n3A_1075 : vector<16xf32>
    %gt3A_1083 = arith.cmpf ogt, %get3A_1078, %select_n3A_1072 : vector<16xf32>
    %select_n3A_1084 = arith.select %gt3A_1083, %get3A_1078, %select_n3A_1072 : vector<16xi1>, vector<16xf32>
    %select_n3A_1085 = arith.select %gt3A_1082, %select_n3A_1075, %select_n3A_1084 : vector<16xi1>, vector<16xf32>
    %select_n3A_1086 = arith.select %gt3A_1083, %add3A_1081, %select_n3A_1074 : vector<16xi1>, vector<16xi32>
    %select_n3A_1087 = arith.select %gt3A_1082, %select_n3A_1076, %select_n3A_1086 : vector<16xi1>, vector<16xi32>
    %select_n3A_1088 = arith.select %gt3A_1082, %get3A_1078, %select_n3A_1075 : vector<16xi1>, vector<16xf32>
    %select_n3A_1089 = arith.select %gt3A_1082, %add3A_1081, %select_n3A_1076 : vector<16xi1>, vector<16xi32>
    %get3A_1090 = arith.constant 320 : index
    %get3A_1091 = tpu.vector_load %arg10[%get3A_1090] {strides = array<i32>} : memref<576xf32, #tpu.memory_space<vmem>>, vector<16xf32>,
    %add3A_1092 = arith.constant 320 : i32
    %add3A_1093 = vector.broadcast %add3A_1092 : i32 to vector<16xi32>
    %add3A_1094 = arith.addi %iota3A, %add3A_1093 : vector<16xi32>
    %gt3A_1095 = arith.cmpf ogt, %get3A_1091, %select_n3A_1088 : vector<16xf32>
    %gt3A_1096 = arith.cmpf ogt, %get3A_1091, %select_n3A_1085 : vector<16xf32>
    %select_n3A_1097 = arith.select %gt3A_1096, %get3A_1091, %select_n3A_1085 : vector<16xi1>, vector<16xf32>
    %select_n3A_1098 = arith.select %gt3A_1095, %select_n3A_1088, %select_n3A_1097 : vector<16xi1>, vector<16xf32>
    %select_n3A_1099 = arith.select %gt3A_1096, %add3A_1094, %select_n3A_1087 : vector<16xi1>, vector<16xi32>
    %select_n3A_1100 = arith.select %gt3A_1095, %select_n3A_1089, %select_n3A_1099 : vector<16xi1>, vector<16xi32>
    %select_n3A_1101 = arith.select %gt3A_1095, %get3A_1091, %select_n3A_1088 : vector<16xi1>, vector<16xf32>
    %select_n3A_1102 = arith.select %gt3A_1095, %add3A_1094, %select_n3A_1089 : vector<16xi1>, vector<16xi32>
    %get3A_1103 = arith.constant 336 : index
    %get3A_1104 = tpu.vector_load %arg10[%get3A_1103] {strides = array<i32>} : memref<576xf32, #tpu.memory_space<vmem>>, vector<16xf32>,
    %add3A_1105 = arith.constant 336 : i32
    %add3A_1106 = vector.broadcast %add3A_1105 : i32 to vector<16xi32>
    %add3A_1107 = arith.addi %iota3A, %add3A_1106 : vector<16xi32>
    %gt3A_1108 = arith.cmpf ogt, %get3A_1104, %select_n3A_1101 : vector<16xf32>
    %gt3A_1109 = arith.cmpf ogt, %get3A_1104, %select_n3A_1098 : vector<16xf32>
    %select_n3A_1110 = arith.select %gt3A_1109, %get3A_1104, %select_n3A_1098 : vector<16xi1>, vector<16xf32>
    %select_n3A_1111 = arith.select %gt3A_1108, %select_n3A_1101, %select_n3A_1110 : vector<16xi1>, vector<16xf32>
    %select_n3A_1112 = arith.select %gt3A_1109, %add3A_1107, %select_n3A_1100 : vector<16xi1>, vector<16xi32>
    %select_n3A_1113 = arith.select %gt3A_1108, %select_n3A_1102, %select_n3A_1112 : vector<16xi1>, vector<16xi32>
    %select_n3A_1114 = arith.select %gt3A_1108, %get3A_1104, %select_n3A_1101 : vector<16xi1>, vector<16xf32>
    %select_n3A_1115 = arith.select %gt3A_1108, %add3A_1107, %select_n3A_1102 : vector<16xi1>, vector<16xi32>
    %get3A_1116 = arith.constant 352 : index
    %get3A_1117 = tpu.vector_load %arg10[%get3A_1116] {strides = array<i32>} : memref<576xf32, #tpu.memory_space<vmem>>, vector<16xf32>,
    %add3A_1118 = arith.constant 352 : i32
    %add3A_1119 = vector.broadcast %add3A_1118 : i32 to vector<16xi32>
    %add3A_1120 = arith.addi %iota3A, %add3A_1119 : vector<16xi32>
    %gt3A_1121 = arith.cmpf ogt, %get3A_1117, %select_n3A_1114 : vector<16xf32>
    %gt3A_1122 = arith.cmpf ogt, %get3A_1117, %select_n3A_1111 : vector<16xf32>
    %select_n3A_1123 = arith.select %gt3A_1122, %get3A_1117, %select_n3A_1111 : vector<16xi1>, vector<16xf32>
    %select_n3A_1124 = arith.select %gt3A_1121, %select_n3A_1114, %select_n3A_1123 : vector<16xi1>, vector<16xf32>
    %select_n3A_1125 = arith.select %gt3A_1122, %add3A_1120, %select_n3A_1113 : vector<16xi1>, vector<16xi32>
    %select_n3A_1126 = arith.select %gt3A_1121, %select_n3A_1115, %select_n3A_1125 : vector<16xi1>, vector<16xi32>
    %select_n3A_1127 = arith.select %gt3A_1121, %get3A_1117, %select_n3A_1114 : vector<16xi1>, vector<16xf32>
    %select_n3A_1128 = arith.select %gt3A_1121, %add3A_1120, %select_n3A_1115 : vector<16xi1>, vector<16xi32>
    %get3A_1129 = arith.constant 368 : index
    %get3A_1130 = tpu.vector_load %arg10[%get3A_1129] {strides = array<i32>} : memref<576xf32, #tpu.memory_space<vmem>>, vector<16xf32>,
    %add3A_1131 = arith.constant 368 : i32
    %add3A_1132 = vector.broadcast %add3A_1131 : i32 to vector<16xi32>
    %add3A_1133 = arith.addi %iota3A, %add3A_1132 : vector<16xi32>
    %gt3A_1134 = arith.cmpf ogt, %get3A_1130, %select_n3A_1127 : vector<16xf32>
    %gt3A_1135 = arith.cmpf ogt, %get3A_1130, %select_n3A_1124 : vector<16xf32>
    %select_n3A_1136 = arith.select %gt3A_1135, %get3A_1130, %select_n3A_1124 : vector<16xi1>, vector<16xf32>
    %select_n3A_1137 = arith.select %gt3A_1134, %select_n3A_1127, %select_n3A_1136 : vector<16xi1>, vector<16xf32>
    %select_n3A_1138 = arith.select %gt3A_1135, %add3A_1133, %select_n3A_1126 : vector<16xi1>, vector<16xi32>
    %select_n3A_1139 = arith.select %gt3A_1134, %select_n3A_1128, %select_n3A_1138 : vector<16xi1>, vector<16xi32>
    %select_n3A_1140 = arith.select %gt3A_1134, %get3A_1130, %select_n3A_1127 : vector<16xi1>, vector<16xf32>
    %select_n3A_1141 = arith.select %gt3A_1134, %add3A_1133, %select_n3A_1128 : vector<16xi1>, vector<16xi32>
    %get3A_1142 = arith.constant 384 : index
    %get3A_1143 = tpu.vector_load %arg10[%get3A_1142] {strides = array<i32>} : memref<576xf32, #tpu.memory_space<vmem>>, vector<16xf32>,
    %add3A_1144 = arith.constant 384 : i32
    %add3A_1145 = vector.broadcast %add3A_1144 : i32 to vector<16xi32>
    %add3A_1146 = arith.addi %iota3A, %add3A_1145 : vector<16xi32>
    %gt3A_1147 = arith.cmpf ogt, %get3A_1143, %select_n3A_1140 : vector<16xf32>
    %gt3A_1148 = arith.cmpf ogt, %get3A_1143, %select_n3A_1137 : vector<16xf32>
    %select_n3A_1149 = arith.select %gt3A_1148, %get3A_1143, %select_n3A_1137 : vector<16xi1>, vector<16xf32>
    %select_n3A_1150 = arith.select %gt3A_1147, %select_n3A_1140, %select_n3A_1149 : vector<16xi1>, vector<16xf32>
    %select_n3A_1151 = arith.select %gt3A_1148, %add3A_1146, %select_n3A_1139 : vector<16xi1>, vector<16xi32>
    %select_n3A_1152 = arith.select %gt3A_1147, %select_n3A_1141, %select_n3A_1151 : vector<16xi1>, vector<16xi32>
    %select_n3A_1153 = arith.select %gt3A_1147, %get3A_1143, %select_n3A_1140 : vector<16xi1>, vector<16xf32>
    %select_n3A_1154 = arith.select %gt3A_1147, %add3A_1146, %select_n3A_1141 : vector<16xi1>, vector<16xi32>
    %get3A_1155 = arith.constant 400 : index
    %get3A_1156 = tpu.vector_load %arg10[%get3A_1155] {strides = array<i32>} : memref<576xf32, #tpu.memory_space<vmem>>, vector<16xf32>,
    %add3A_1157 = arith.constant 400 : i32
    %add3A_1158 = vector.broadcast %add3A_1157 : i32 to vector<16xi32>
    %add3A_1159 = arith.addi %iota3A, %add3A_1158 : vector<16xi32>
    %gt3A_1160 = arith.cmpf ogt, %get3A_1156, %select_n3A_1153 : vector<16xf32>
    %gt3A_1161 = arith.cmpf ogt, %get3A_1156, %select_n3A_1150 : vector<16xf32>
    %select_n3A_1162 = arith.select %gt3A_1161, %get3A_1156, %select_n3A_1150 : vector<16xi1>, vector<16xf32>
    %select_n3A_1163 = arith.select %gt3A_1160, %select_n3A_1153, %select_n3A_1162 : vector<16xi1>, vector<16xf32>
    %select_n3A_1164 = arith.select %gt3A_1161, %add3A_1159, %select_n3A_1152 : vector<16xi1>, vector<16xi32>
    %select_n3A_1165 = arith.select %gt3A_1160, %select_n3A_1154, %select_n3A_1164 : vector<16xi1>, vector<16xi32>
    %select_n3A_1166 = arith.select %gt3A_1160, %get3A_1156, %select_n3A_1153 : vector<16xi1>, vector<16xf32>
    %select_n3A_1167 = arith.select %gt3A_1160, %add3A_1159, %select_n3A_1154 : vector<16xi1>, vector<16xi32>
    %get3A_1168 = arith.constant 416 : index
    %get3A_1169 = tpu.vector_load %arg10[%get3A_1168] {strides = array<i32>} : memref<576xf32, #tpu.memory_space<vmem>>, vector<16xf32>,
    %add3A_1170 = arith.constant 416 : i32
    %add3A_1171 = vector.broadcast %add3A_1170 : i32 to vector<16xi32>
    %add3A_1172 = arith.addi %iota3A, %add3A_1171 : vector<16xi32>
    %gt3A_1173 = arith.cmpf ogt, %get3A_1169, %select_n3A_1166 : vector<16xf32>
    %gt3A_1174 = arith.cmpf ogt, %get3A_1169, %select_n3A_1163 : vector<16xf32>
    %select_n3A_1175 = arith.select %gt3A_1174, %get3A_1169, %select_n3A_1163 : vector<16xi1>, vector<16xf32>
    %select_n3A_1176 = arith.select %gt3A_1173, %select_n3A_1166, %select_n3A_1175 : vector<16xi1>, vector<16xf32>
    %select_n3A_1177 = arith.select %gt3A_1174, %add3A_1172, %select_n3A_1165 : vector<16xi1>, vector<16xi32>
    %select_n3A_1178 = arith.select %gt3A_1173, %select_n3A_1167, %select_n3A_1177 : vector<16xi1>, vector<16xi32>
    %select_n3A_1179 = arith.select %gt3A_1173, %get3A_1169, %select_n3A_1166 : vector<16xi1>, vector<16xf32>
    %select_n3A_1180 = arith.select %gt3A_1173, %add3A_1172, %select_n3A_1167 : vector<16xi1>, vector<16xi32>
    %get3A_1181 = arith.constant 432 : index
    %get3A_1182 = tpu.vector_load %arg10[%get3A_1181] {strides = array<i32>} : memref<576xf32, #tpu.memory_space<vmem>>, vector<16xf32>,
    %add3A_1183 = arith.constant 432 : i32
    %add3A_1184 = vector.broadcast %add3A_1183 : i32 to vector<16xi32>
    %add3A_1185 = arith.addi %iota3A, %add3A_1184 : vector<16xi32>
    %gt3A_1186 = arith.cmpf ogt, %get3A_1182, %select_n3A_1179 : vector<16xf32>
    %gt3A_1187 = arith.cmpf ogt, %get3A_1182, %select_n3A_1176 : vector<16xf32>
    %select_n3A_1188 = arith.select %gt3A_1187, %get3A_1182, %select_n3A_1176 : vector<16xi1>, vector<16xf32>
    %select_n3A_1189 = arith.select %gt3A_1186, %select_n3A_1179, %select_n3A_1188 : vector<16xi1>, vector<16xf32>
    %select_n3A_1190 = arith.select %gt3A_1187, %add3A_1185, %select_n3A_1178 : vector<16xi1>, vector<16xi32>
    %select_n3A_1191 = arith.select %gt3A_1186, %select_n3A_1180, %select_n3A_1190 : vector<16xi1>, vector<16xi32>
    %select_n3A_1192 = arith.select %gt3A_1186, %get3A_1182, %select_n3A_1179 : vector<16xi1>, vector<16xf32>
    %select_n3A_1193 = arith.select %gt3A_1186, %add3A_1185, %select_n3A_1180 : vector<16xi1>, vector<16xi32>
    %get3A_1194 = arith.constant 448 : index
    %get3A_1195 = tpu.vector_load %arg10[%get3A_1194] {strides = array<i32>} : memref<576xf32, #tpu.memory_space<vmem>>, vector<16xf32>,
    %add3A_1196 = arith.constant 448 : i32
    %add3A_1197 = vector.broadcast %add3A_1196 : i32 to vector<16xi32>
    %add3A_1198 = arith.addi %iota3A, %add3A_1197 : vector<16xi32>
    %gt3A_1199 = arith.cmpf ogt, %get3A_1195, %select_n3A_1192 : vector<16xf32>
    %gt3A_1200 = arith.cmpf ogt, %get3A_1195, %select_n3A_1189 : vector<16xf32>
    %select_n3A_1201 = arith.select %gt3A_1200, %get3A_1195, %select_n3A_1189 : vector<16xi1>, vector<16xf32>
    %select_n3A_1202 = arith.select %gt3A_1199, %select_n3A_1192, %select_n3A_1201 : vector<16xi1>, vector<16xf32>
    %select_n3A_1203 = arith.select %gt3A_1200, %add3A_1198, %select_n3A_1191 : vector<16xi1>, vector<16xi32>
    %select_n3A_1204 = arith.select %gt3A_1199, %select_n3A_1193, %select_n3A_1203 : vector<16xi1>, vector<16xi32>
    %select_n3A_1205 = arith.select %gt3A_1199, %get3A_1195, %select_n3A_1192 : vector<16xi1>, vector<16xf32>
    %select_n3A_1206 = arith.select %gt3A_1199, %add3A_1198, %select_n3A_1193 : vector<16xi1>, vector<16xi32>
    %get3A_1207 = arith.constant 464 : index
    %get3A_1208 = tpu.vector_load %arg10[%get3A_1207] {strides = array<i32>} : memref<576xf32, #tpu.memory_space<vmem>>, vector<16xf32>,
    %add3A_1209 = arith.constant 464 : i32
    %add3A_1210 = vector.broadcast %add3A_1209 : i32 to vector<16xi32>
    %add3A_1211 = arith.addi %iota3A, %add3A_1210 : vector<16xi32>
    %gt3A_1212 = arith.cmpf ogt, %get3A_1208, %select_n3A_1205 : vector<16xf32>
    %gt3A_1213 = arith.cmpf ogt, %get3A_1208, %select_n3A_1202 : vector<16xf32>
    %select_n3A_1214 = arith.select %gt3A_1213, %get3A_1208, %select_n3A_1202 : vector<16xi1>, vector<16xf32>
    %select_n3A_1215 = arith.select %gt3A_1212, %select_n3A_1205, %select_n3A_1214 : vector<16xi1>, vector<16xf32>
    %select_n3A_1216 = arith.select %gt3A_1213, %add3A_1211, %select_n3A_1204 : vector<16xi1>, vector<16xi32>
    %select_n3A_1217 = arith.select %gt3A_1212, %select_n3A_1206, %select_n3A_1216 : vector<16xi1>, vector<16xi32>
    %select_n3A_1218 = arith.select %gt3A_1212, %get3A_1208, %select_n3A_1205 : vector<16xi1>, vector<16xf32>
    %select_n3A_1219 = arith.select %gt3A_1212, %add3A_1211, %select_n3A_1206 : vector<16xi1>, vector<16xi32>
    %get3A_1220 = arith.constant 480 : index
    %get3A_1221 = tpu.vector_load %arg10[%get3A_1220] {strides = array<i32>} : memref<576xf32, #tpu.memory_space<vmem>>, vector<16xf32>,
    %add3A_1222 = arith.constant 480 : i32
    %add3A_1223 = vector.broadcast %add3A_1222 : i32 to vector<16xi32>
    %add3A_1224 = arith.addi %iota3A, %add3A_1223 : vector<16xi32>
    %gt3A_1225 = arith.cmpf ogt, %get3A_1221, %select_n3A_1218 : vector<16xf32>
    %gt3A_1226 = arith.cmpf ogt, %get3A_1221, %select_n3A_1215 : vector<16xf32>
    %select_n3A_1227 = arith.select %gt3A_1226, %get3A_1221, %select_n3A_1215 : vector<16xi1>, vector<16xf32>
    %select_n3A_1228 = arith.select %gt3A_1225, %select_n3A_1218, %select_n3A_1227 : vector<16xi1>, vector<16xf32>
    %select_n3A_1229 = arith.select %gt3A_1226, %add3A_1224, %select_n3A_1217 : vector<16xi1>, vector<16xi32>
    %select_n3A_1230 = arith.select %gt3A_1225, %select_n3A_1219, %select_n3A_1229 : vector<16xi1>, vector<16xi32>
    %select_n3A_1231 = arith.select %gt3A_1225, %get3A_1221, %select_n3A_1218 : vector<16xi1>, vector<16xf32>
    %select_n3A_1232 = arith.select %gt3A_1225, %add3A_1224, %select_n3A_1219 : vector<16xi1>, vector<16xi32>
    %get3A_1233 = arith.constant 496 : index
    %get3A_1234 = tpu.vector_load %arg10[%get3A_1233] {strides = array<i32>} : memref<576xf32, #tpu.memory_space<vmem>>, vector<16xf32>,
    %add3A_1235 = arith.constant 496 : i32
    %add3A_1236 = vector.broadcast %add3A_1235 : i32 to vector<16xi32>
    %add3A_1237 = arith.addi %iota3A, %add3A_1236 : vector<16xi32>
    %gt3A_1238 = arith.cmpf ogt, %get3A_1234, %select_n3A_1231 : vector<16xf32>
    %gt3A_1239 = arith.cmpf ogt, %get3A_1234, %select_n3A_1228 : vector<16xf32>
    %select_n3A_1240 = arith.select %gt3A_1239, %get3A_1234, %select_n3A_1228 : vector<16xi1>, vector<16xf32>
    %select_n3A_1241 = arith.select %gt3A_1238, %select_n3A_1231, %select_n3A_1240 : vector<16xi1>, vector<16xf32>
    %select_n3A_1242 = arith.select %gt3A_1239, %add3A_1237, %select_n3A_1230 : vector<16xi1>, vector<16xi32>
    %select_n3A_1243 = arith.select %gt3A_1238, %select_n3A_1232, %select_n3A_1242 : vector<16xi1>, vector<16xi32>
    %select_n3A_1244 = arith.select %gt3A_1238, %get3A_1234, %select_n3A_1231 : vector<16xi1>, vector<16xf32>
    %select_n3A_1245 = arith.select %gt3A_1238, %add3A_1237, %select_n3A_1232 : vector<16xi1>, vector<16xi32>
    %get3A_1246 = arith.constant 512 : index
    %get3A_1247 = tpu.vector_load %arg10[%get3A_1246] {strides = array<i32>} : memref<576xf32, #tpu.memory_space<vmem>>, vector<16xf32>,
    %add3A_1248 = arith.constant 512 : i32
    %add3A_1249 = vector.broadcast %add3A_1248 : i32 to vector<16xi32>
    %add3A_1250 = arith.addi %iota3A, %add3A_1249 : vector<16xi32>
    %gt3A_1251 = arith.cmpf ogt, %get3A_1247, %select_n3A_1244 : vector<16xf32>
    %gt3A_1252 = arith.cmpf ogt, %get3A_1247, %select_n3A_1241 : vector<16xf32>
    %select_n3A_1253 = arith.select %gt3A_1252, %get3A_1247, %select_n3A_1241 : vector<16xi1>, vector<16xf32>
    %select_n3A_1254 = arith.select %gt3A_1251, %select_n3A_1244, %select_n3A_1253 : vector<16xi1>, vector<16xf32>
    %select_n3A_1255 = arith.select %gt3A_1252, %add3A_1250, %select_n3A_1243 : vector<16xi1>, vector<16xi32>
    %select_n3A_1256 = arith.select %gt3A_1251, %select_n3A_1245, %select_n3A_1255 : vector<16xi1>, vector<16xi32>
    %select_n3A_1257 = arith.select %gt3A_1251, %get3A_1247, %select_n3A_1244 : vector<16xi1>, vector<16xf32>
    %select_n3A_1258 = arith.select %gt3A_1251, %add3A_1250, %select_n3A_1245 : vector<16xi1>, vector<16xi32>
    %get3A_1259 = arith.constant 528 : index
    %get3A_1260 = tpu.vector_load %arg10[%get3A_1259] {strides = array<i32>} : memref<576xf32, #tpu.memory_space<vmem>>, vector<16xf32>,
    %add3A_1261 = arith.constant 528 : i32
    %add3A_1262 = vector.broadcast %add3A_1261 : i32 to vector<16xi32>
    %add3A_1263 = arith.addi %iota3A, %add3A_1262 : vector<16xi32>
    %gt3A_1264 = arith.cmpf ogt, %get3A_1260, %select_n3A_1257 : vector<16xf32>
    %gt3A_1265 = arith.cmpf ogt, %get3A_1260, %select_n3A_1254 : vector<16xf32>
    %select_n3A_1266 = arith.select %gt3A_1265, %get3A_1260, %select_n3A_1254 : vector<16xi1>, vector<16xf32>
    %select_n3A_1267 = arith.select %gt3A_1264, %select_n3A_1257, %select_n3A_1266 : vector<16xi1>, vector<16xf32>
    %select_n3A_1268 = arith.select %gt3A_1265, %add3A_1263, %select_n3A_1256 : vector<16xi1>, vector<16xi32>
    %select_n3A_1269 = arith.select %gt3A_1264, %select_n3A_1258, %select_n3A_1268 : vector<16xi1>, vector<16xi32>
    %select_n3A_1270 = arith.select %gt3A_1264, %get3A_1260, %select_n3A_1257 : vector<16xi1>, vector<16xf32>
    %select_n3A_1271 = arith.select %gt3A_1264, %add3A_1263, %select_n3A_1258 : vector<16xi1>, vector<16xi32>
    %get3A_1272 = arith.constant 544 : index
    %get3A_1273 = tpu.vector_load %arg10[%get3A_1272] {strides = array<i32>} : memref<576xf32, #tpu.memory_space<vmem>>, vector<16xf32>,
    %add3A_1274 = arith.constant 544 : i32
    %add3A_1275 = vector.broadcast %add3A_1274 : i32 to vector<16xi32>
    %add3A_1276 = arith.addi %iota3A, %add3A_1275 : vector<16xi32>
    %gt3A_1277 = arith.cmpf ogt, %get3A_1273, %select_n3A_1270 : vector<16xf32>
    %gt3A_1278 = arith.cmpf ogt, %get3A_1273, %select_n3A_1267 : vector<16xf32>
    %select_n3A_1279 = arith.select %gt3A_1278, %get3A_1273, %select_n3A_1267 : vector<16xi1>, vector<16xf32>
    %select_n3A_1280 = arith.select %gt3A_1277, %select_n3A_1270, %select_n3A_1279 : vector<16xi1>, vector<16xf32>
    %select_n3A_1281 = arith.select %gt3A_1278, %add3A_1276, %select_n3A_1269 : vector<16xi1>, vector<16xi32>
    %select_n3A_1282 = arith.select %gt3A_1277, %select_n3A_1271, %select_n3A_1281 : vector<16xi1>, vector<16xi32>
    %select_n3A_1283 = arith.select %gt3A_1277, %get3A_1273, %select_n3A_1270 : vector<16xi1>, vector<16xf32>
    %select_n3A_1284 = arith.select %gt3A_1277, %add3A_1276, %select_n3A_1271 : vector<16xi1>, vector<16xi32>
    %get3A_1285 = arith.constant 560 : index
    %get3A_1286 = tpu.vector_load %arg10[%get3A_1285] {strides = array<i32>} : memref<576xf32, #tpu.memory_space<vmem>>, vector<16xf32>,
    %add3A_1287 = arith.constant 560 : i32
    %add3A_1288 = vector.broadcast %add3A_1287 : i32 to vector<16xi32>
    %add3A_1289 = arith.addi %iota3A, %add3A_1288 : vector<16xi32>
    %gt3A_1290 = arith.cmpf ogt, %get3A_1286, %select_n3A_1283 : vector<16xf32>
    %gt3A_1291 = arith.cmpf ogt, %get3A_1286, %select_n3A_1280 : vector<16xf32>
    %select_n3A_1292 = arith.select %gt3A_1291, %get3A_1286, %select_n3A_1280 : vector<16xi1>, vector<16xf32>
    %select_n3A_1293 = arith.select %gt3A_1290, %select_n3A_1283, %select_n3A_1292 : vector<16xi1>, vector<16xf32>
    %select_n3A_1294 = arith.select %gt3A_1291, %add3A_1289, %select_n3A_1282 : vector<16xi1>, vector<16xi32>
    %select_n3A_1295 = arith.select %gt3A_1290, %select_n3A_1284, %select_n3A_1294 : vector<16xi1>, vector<16xi32>
    %select_n3A_1296 = arith.select %gt3A_1290, %get3A_1286, %select_n3A_1283 : vector<16xi1>, vector<16xf32>
    %select_n3A_1297 = arith.select %gt3A_1290, %add3A_1289, %select_n3A_1284 : vector<16xi1>, vector<16xi32>
    %broadcast_in_dim3A_1298 = arith.constant true
    %broadcast_in_dim3A_1299 = vector.broadcast %broadcast_in_dim3A_1298 : i1 to vector<16xi1>
    %masked_cummax3A = tpu.scan <max>, %select_n3A_1296 masked %broadcast_in_dim3A_1299 : vector<16xf32>, vector<16xi1> -> vector<16xf32>
    %slice3A = vector.extract_strided_slice %masked_cummax3A {offsets = [15], sizes = [1], strides = [1]} : vector<16xf32> to vector<1xf32>
    %squeeze3A = vector.extract %slice3A[0] : f32 from vector<1xf32>
    %eq3A_1300 = vector.broadcast %squeeze3A : f32 to vector<16xf32>
    %eq3A_1301 = arith.cmpf oeq, %select_n3A_1296, %eq3A_1300 : vector<16xf32>
    %jit3A = arith.constant 576 : i32
    %broadcast_in_dim3A_1302 = vector.broadcast %jit3A : i32 to vector<16xi32>
    %select_n3A_1303 = arith.select %eq3A_1301, %select_n3A_1297, %broadcast_in_dim3A_1302 : vector<16xi1>, vector<16xi32>
    %neg3A = arith.constant 0 : i32
    %neg3A_1304 = vector.broadcast %neg3A : i32 to vector<16xi32>
    %neg3A_1305 = arith.subi %neg3A_1304, %select_n3A_1303 : vector<16xi32>
    %broadcast_in_dim3A_1306 = arith.constant true
    %broadcast_in_dim3A_1307 = vector.broadcast %broadcast_in_dim3A_1306 : i1 to vector<16xi1>
    %masked_cummax3A_1308 = arith.constant -2147483648 : i32
    %masked_cummax3A_1309 = vector.broadcast %masked_cummax3A_1308 : i32 to vector<16xi32>
    %masked_cummax3A_1310 = arith.xori %neg3A_1305, %masked_cummax3A_1309 : vector<16xi32>
    %masked_cummax3A_1311 = tpu.scan <max>, %masked_cummax3A_1310 masked %broadcast_in_dim3A_1307 : vector<16xi32>, vector<16xi1> -> vector<16xi32>
    %masked_cummax3A_1312 = arith.xori %masked_cummax3A_1311, %masked_cummax3A_1309 : vector<16xi32>
    %slice3A_1313 = vector.extract_strided_slice %masked_cummax3A_1312 {offsets = [15], sizes = [1], strides = [1]} : vector<16xi32> to vector<1xi32>
    %squeeze3A_1314 = vector.extract %slice3A_1313[0] : i32 from vector<1xi32>
    %neg3A_1315 = arith.constant 0 : i32
    %neg3A_1316 = arith.subi %neg3A_1315, %squeeze3A_1314 : i32
    %broadcast_in_dim3A_1317 = vector.broadcast %neg3A_1316 : i32 to vector<16xi32>
    %eq3A_1318 = arith.cmpi eq, %select_n3A_1297, %broadcast_in_dim3A_1317 : vector<16xi32>
    %select_n3A_1319 = arith.select %eq3A_1318, %select_n3A_1293, %select_n3A_1296 : vector<16xi1>, vector<16xf32>
    %select_n3A_1320 = arith.select %eq3A_1318, %select_n3A_1295, %select_n3A_1297 : vector<16xi1>, vector<16xi32>
    %broadcast_in_dim3A_1321 = arith.constant true
    %broadcast_in_dim3A_1322 = vector.broadcast %broadcast_in_dim3A_1321 : i1 to vector<16xi1>
    %masked_cummax3A_1323 = tpu.scan <max>, %select_n3A_1319 masked %broadcast_in_dim3A_1322 : vector<16xf32>, vector<16xi1> -> vector<16xf32>
    %slice3A_1324 = vector.extract_strided_slice %masked_cummax3A_1323 {offsets = [15], sizes = [1], strides = [1]} : vector<16xf32> to vector<1xf32>
    %squeeze3A_1325 = vector.extract %slice3A_1324[0] : f32 from vector<1xf32>
    %eq3A_1326 = vector.broadcast %squeeze3A_1325 : f32 to vector<16xf32>
    %eq3A_1327 = arith.cmpf oeq, %select_n3A_1319, %eq3A_1326 : vector<16xf32>
    %jit3A_1328 = arith.constant 576 : i32
    %broadcast_in_dim3A_1329 = vector.broadcast %jit3A_1328 : i32 to vector<16xi32>
    %select_n3A_1330 = arith.select %eq3A_1327, %select_n3A_1320, %broadcast_in_dim3A_1329 : vector<16xi1>, vector<16xi32>
    %neg3A_1331 = arith.constant 0 : i32
    %neg3A_1332 = vector.broadcast %neg3A_1331 : i32 to vector<16xi32>
    %neg3A_1333 = arith.subi %neg3A_1332, %select_n3A_1330 : vector<16xi32>
    %broadcast_in_dim3A_1334 = arith.constant true
    %broadcast_in_dim3A_1335 = vector.broadcast %broadcast_in_dim3A_1334 : i1 to vector<16xi1>
    %masked_cummax3A_1336 = arith.constant -2147483648 : i32
    %masked_cummax3A_1337 = vector.broadcast %masked_cummax3A_1336 : i32 to vector<16xi32>
    %masked_cummax3A_1338 = arith.xori %neg3A_1333, %masked_cummax3A_1337 : vector<16xi32>
    %masked_cummax3A_1339 = tpu.scan <max>, %masked_cummax3A_1338 masked %broadcast_in_dim3A_1335 : vector<16xi32>, vector<16xi1> -> vector<16xi32>
    %masked_cummax3A_1340 = arith.xori %masked_cummax3A_1339, %masked_cummax3A_1337 : vector<16xi32>
    %slice3A_1341 = vector.extract_strided_slice %masked_cummax3A_1340 {offsets = [15], sizes = [1], strides = [1]} : vector<16xi32> to vector<1xi32>
    %squeeze3A_1342 = vector.extract %slice3A_1341[0] : i32 from vector<1xi32>
    %neg3A_1343 = arith.constant 0 : i32
    %neg3A_1344 = arith.subi %neg3A_1343, %squeeze3A_1342 : i32
    %ne3A = arith.constant 0.000000e+00 : f32
    %ne3A_1345 = arith.cmpf one, %squeeze3A, %ne3A : f32
    %convert_element_type3A = arith.extui %ne3A_1345 : i1 to i32
    %cond3A = arith.constant 0 : i32
    %cond3A_1346 = arith.cmpi ne, %convert_element_type3A, %cond3A : i32
    scf.if %cond3A_1346 {
      %broadcast_in_dim3A_2605 = arith.constant 0 : i32
      %broadcast_in_dim3A_2606 = vector.broadcast %broadcast_in_dim3A_2605 : i32 to vector<16xi32>
      %broadcast_in_dim3A_2607 = vector.broadcast %neg3A_1316 : i32 to vector<16xi32>
      tpu.vector_store_idx %arg16[%broadcast_in_dim3A_2606], %broadcast_in_dim3A_2607 masked %eq3A_2 : memref<576xi32, #tpu.memory_space<vmem>>[vector<16xi32>], vector<16xi32>, vector<16xi1>
      %broadcast_in_dim3A_2608 = vector.broadcast %neg3A_1316 : i32 to vector<16xi32>
      %sub3A = arith.constant 1.000000e+03 : f32
      %sub3A_2609 = arith.constant 0.000000e+00 : f32
      %sub3A_2610 = arith.subf %sub3A, %sub3A_2609 : f32
      %broadcast_in_dim3A_2611 = vector.broadcast %sub3A_2610 : f32 to vector<16xf32>
      tpu.vector_store_idx %arg13[%broadcast_in_dim3A_2608], %broadcast_in_dim3A_2611 masked %eq3A_2 : memref<576xf32, #tpu.memory_space<vmem>>[vector<16xi32>], vector<16xf32>, vector<16xi1>
    } else {
    }
    %mul3A_1347 = arith.constant 576 : i32
    %mul3A_1348 = arith.muli %add3A_7, %mul3A_1347 : i32
    %add3A_1349 = arith.addi %mul3A_1348, %neg3A_1316 : i32
    %dma_start3A_1350 = arith.constant 0 : i32
    %dma_start3A_1351 = tpu.memref_slice %arg2[%add3A_1349, %dma_start3A_1350] : memref<55296x576xf32, #tpu.memory_space<hbm>> -> memref<1x576xf32, #tpu.memory_space<hbm>>
    %dma_start3A_1352 = tpu.memref_squeeze %dma_start3A_1351 : memref<1x576xf32, #tpu.memory_space<hbm>> -> memref<576xf32, #tpu.memory_space<hbm>>
    %dma_start3A_1353 = arith.constant 0 : i32
    %dma_start3A_1354 = tpu.memref_slice %arg2[%add3A_1349, %dma_start3A_1353] : memref<55296x576xf32, #tpu.memory_space<hbm>> -> memref<1x576xf32, #tpu.memory_space<hbm>>
    %dma_start3A_1355 = tpu.memref_squeeze %dma_start3A_1354 : memref<1x576xf32, #tpu.memory_space<hbm>> -> memref<576xf32, #tpu.memory_space<hbm>>
    tpu.enqueue_dma source(%dma_start3A_1355 : memref<576xf32, #tpu.memory_space<hbm>>) target(%arg19 : memref<576xf32, #tpu.memory_space<vmem>>) target_semaphore(%arg28 : memref<!tpu.dma_semaphore, #tpu.memory_space<semaphore_mem>>)
    %mul3A_1356 = arith.constant 576 : i32
    %mul3A_1357 = arith.muli %add3A_7, %mul3A_1356 : i32
    %add3A_1358 = arith.addi %mul3A_1357, %neg3A_1344 : i32
    %dma_start3A_1359 = arith.constant 0 : i32
    %dma_start3A_1360 = tpu.memref_slice %arg2[%add3A_1358, %dma_start3A_1359] : memref<55296x576xf32, #tpu.memory_space<hbm>> -> memref<1x576xf32, #tpu.memory_space<hbm>>
    %dma_start3A_1361 = tpu.memref_squeeze %dma_start3A_1360 : memref<1x576xf32, #tpu.memory_space<hbm>> -> memref<576xf32, #tpu.memory_space<hbm>>
    %dma_start3A_1362 = arith.constant 0 : i32
    %dma_start3A_1363 = tpu.memref_slice %arg2[%add3A_1358, %dma_start3A_1362] : memref<55296x576xf32, #tpu.memory_space<hbm>> -> memref<1x576xf32, #tpu.memory_space<hbm>>
    %dma_start3A_1364 = tpu.memref_squeeze %dma_start3A_1363 : memref<1x576xf32, #tpu.memory_space<hbm>> -> memref<576xf32, #tpu.memory_space<hbm>>
    tpu.enqueue_dma source(%dma_start3A_1364 : memref<576xf32, #tpu.memory_space<hbm>>) target(%arg22 : memref<576xf32, #tpu.memory_space<vmem>>) target_semaphore(%arg31 : memref<!tpu.dma_semaphore, #tpu.memory_space<semaphore_mem>>)
    %dma_wait3A_1365 = arith.constant 0 : i32
    %dma_wait3A_1366 = tpu.memref_slice %arg3[%add3A_9, %dma_wait3A_1365] : memref<96x576xf32, #tpu.memory_space<hbm>> -> memref<1x576xf32, #tpu.memory_space<hbm>>
    %dma_wait3A_1367 = tpu.memref_squeeze %dma_wait3A_1366 : memref<1x576xf32, #tpu.memory_space<hbm>> -> memref<576xf32, #tpu.memory_space<hbm>>
    %dma_wait3A_1368 = arith.constant 0 : i32
    %dma_wait3A_1369 = tpu.memref_slice %arg3[%add3A_9, %dma_wait3A_1368] : memref<96x576xf32, #tpu.memory_space<hbm>> -> memref<1x576xf32, #tpu.memory_space<hbm>>
    %dma_wait3A_1370 = tpu.memref_squeeze %dma_wait3A_1369 : memref<1x576xf32, #tpu.memory_space<hbm>> -> memref<576xf32, #tpu.memory_space<hbm>>
    tpu.wait_dma2 semaphore(%arg29 : memref<!tpu.dma_semaphore, #tpu.memory_space<semaphore_mem>>) src(%dma_wait3A_1370 : memref<576xf32, #tpu.memory_space<hbm>>) dst(%arg11 : memref<576xf32, #tpu.memory_space<vmem>>)
    %dma_wait3A_1371 = arith.constant 0 : i32
    %dma_wait3A_1372 = tpu.memref_slice %arg4[%add3A_9, %dma_wait3A_1371] : memref<96x16xf32, #tpu.memory_space<hbm>> -> memref<1x16xf32, #tpu.memory_space<hbm>>
    %dma_wait3A_1373 = tpu.memref_squeeze %dma_wait3A_1372 : memref<1x16xf32, #tpu.memory_space<hbm>> -> memref<16xf32, #tpu.memory_space<hbm>>
    %dma_wait3A_1374 = arith.constant 0 : i32
    %dma_wait3A_1375 = tpu.memref_slice %arg4[%add3A_9, %dma_wait3A_1374] : memref<96x16xf32, #tpu.memory_space<hbm>> -> memref<1x16xf32, #tpu.memory_space<hbm>>
    %dma_wait3A_1376 = tpu.memref_squeeze %dma_wait3A_1375 : memref<1x16xf32, #tpu.memory_space<hbm>> -> memref<16xf32, #tpu.memory_space<hbm>>
    tpu.wait_dma2 semaphore(%arg29 : memref<!tpu.dma_semaphore, #tpu.memory_space<semaphore_mem>>) src(%dma_wait3A_1376 : memref<16xf32, #tpu.memory_space<hbm>>) dst(%arg26 : memref<16xf32, #tpu.memory_space<vmem>>)
    %dma_wait3A_1377 = arith.constant 0 : i32
    %dma_wait3A_1378 = tpu.memref_slice %arg3[%add3A_9, %dma_wait3A_1377] : memref<96x576xf32, #tpu.memory_space<hbm>> -> memref<1x576xf32, #tpu.memory_space<hbm>>
    %dma_wait3A_1379 = tpu.memref_squeeze %dma_wait3A_1378 : memref<1x576xf32, #tpu.memory_space<hbm>> -> memref<576xf32, #tpu.memory_space<hbm>>
    %dma_wait3A_1380 = arith.constant 0 : i32
    %dma_wait3A_1381 = tpu.memref_slice %arg3[%add3A_9, %dma_wait3A_1380] : memref<96x576xf32, #tpu.memory_space<hbm>> -> memref<1x576xf32, #tpu.memory_space<hbm>>
    %dma_wait3A_1382 = tpu.memref_squeeze %dma_wait3A_1381 : memref<1x576xf32, #tpu.memory_space<hbm>> -> memref<576xf32, #tpu.memory_space<hbm>>
    tpu.wait_dma2 semaphore(%arg32 : memref<!tpu.dma_semaphore, #tpu.memory_space<semaphore_mem>>) src(%dma_wait3A_1382 : memref<576xf32, #tpu.memory_space<hbm>>) dst(%arg14 : memref<576xf32, #tpu.memory_space<vmem>>)
    %broadcast_in_dim3A_1383 = arith.constant 0 : i32
    %broadcast_in_dim3A_1384 = vector.broadcast %broadcast_in_dim3A_1383 : i32 to vector<16xi32>
    %broadcast_in_dim3A_1385 = arith.constant 0 : i32
    %broadcast_in_dim3A_1386 = vector.broadcast %broadcast_in_dim3A_1385 : i32 to vector<16xi32>
    %get3A_1387 = arith.constant 0 : index
    %get3A_1388 = tpu.vector_load %arg11[%get3A_1387] {strides = array<i32>} : memref<576xf32, #tpu.memory_space<vmem>>, vector<16xf32>,
    %add3A_1389 = arith.constant 0 : i32
    %add3A_1390 = vector.broadcast %add3A_1389 : i32 to vector<16xi32>
    %add3A_1391 = arith.addi %iota3A, %add3A_1390 : vector<16xi32>
    %get3A_1392 = arith.constant 16 : index
    %get3A_1393 = tpu.vector_load %arg11[%get3A_1392] {strides = array<i32>} : memref<576xf32, #tpu.memory_space<vmem>>, vector<16xf32>,
    %add3A_1394 = arith.constant 16 : i32
    %add3A_1395 = vector.broadcast %add3A_1394 : i32 to vector<16xi32>
    %add3A_1396 = arith.addi %iota3A, %add3A_1395 : vector<16xi32>
    %gt3A_1397 = arith.cmpf ogt, %get3A_1393, %get3A_1388 : vector<16xf32>
    %gt3A_1398 = arith.cmpf ogt, %get3A_1393, %broadcast_in_dim3A_5 : vector<16xf32>
    %select_n3A_1399 = arith.select %gt3A_1398, %get3A_1393, %broadcast_in_dim3A_5 : vector<16xi1>, vector<16xf32>
    %select_n3A_1400 = arith.select %gt3A_1397, %get3A_1388, %select_n3A_1399 : vector<16xi1>, vector<16xf32>
    %select_n3A_1401 = arith.select %gt3A_1398, %add3A_1396, %broadcast_in_dim3A_1386 : vector<16xi1>, vector<16xi32>
    %select_n3A_1402 = arith.select %gt3A_1397, %add3A_1391, %select_n3A_1401 : vector<16xi1>, vector<16xi32>
    %select_n3A_1403 = arith.select %gt3A_1397, %get3A_1393, %get3A_1388 : vector<16xi1>, vector<16xf32>
    %select_n3A_1404 = arith.select %gt3A_1397, %add3A_1396, %add3A_1391 : vector<16xi1>, vector<16xi32>
    %get3A_1405 = arith.constant 32 : index
    %get3A_1406 = tpu.vector_load %arg11[%get3A_1405] {strides = array<i32>} : memref<576xf32, #tpu.memory_space<vmem>>, vector<16xf32>,
    %add3A_1407 = arith.constant 32 : i32
    %add3A_1408 = vector.broadcast %add3A_1407 : i32 to vector<16xi32>
    %add3A_1409 = arith.addi %iota3A, %add3A_1408 : vector<16xi32>
    %gt3A_1410 = arith.cmpf ogt, %get3A_1406, %select_n3A_1403 : vector<16xf32>
    %gt3A_1411 = arith.cmpf ogt, %get3A_1406, %select_n3A_1400 : vector<16xf32>
    %select_n3A_1412 = arith.select %gt3A_1411, %get3A_1406, %select_n3A_1400 : vector<16xi1>, vector<16xf32>
    %select_n3A_1413 = arith.select %gt3A_1410, %select_n3A_1403, %select_n3A_1412 : vector<16xi1>, vector<16xf32>
    %select_n3A_1414 = arith.select %gt3A_1411, %add3A_1409, %select_n3A_1402 : vector<16xi1>, vector<16xi32>
    %select_n3A_1415 = arith.select %gt3A_1410, %select_n3A_1404, %select_n3A_1414 : vector<16xi1>, vector<16xi32>
    %select_n3A_1416 = arith.select %gt3A_1410, %get3A_1406, %select_n3A_1403 : vector<16xi1>, vector<16xf32>
    %select_n3A_1417 = arith.select %gt3A_1410, %add3A_1409, %select_n3A_1404 : vector<16xi1>, vector<16xi32>
    %get3A_1418 = arith.constant 48 : index
    %get3A_1419 = tpu.vector_load %arg11[%get3A_1418] {strides = array<i32>} : memref<576xf32, #tpu.memory_space<vmem>>, vector<16xf32>,
    %add3A_1420 = arith.constant 48 : i32
    %add3A_1421 = vector.broadcast %add3A_1420 : i32 to vector<16xi32>
    %add3A_1422 = arith.addi %iota3A, %add3A_1421 : vector<16xi32>
    %gt3A_1423 = arith.cmpf ogt, %get3A_1419, %select_n3A_1416 : vector<16xf32>
    %gt3A_1424 = arith.cmpf ogt, %get3A_1419, %select_n3A_1413 : vector<16xf32>
    %select_n3A_1425 = arith.select %gt3A_1424, %get3A_1419, %select_n3A_1413 : vector<16xi1>, vector<16xf32>
    %select_n3A_1426 = arith.select %gt3A_1423, %select_n3A_1416, %select_n3A_1425 : vector<16xi1>, vector<16xf32>
    %select_n3A_1427 = arith.select %gt3A_1424, %add3A_1422, %select_n3A_1415 : vector<16xi1>, vector<16xi32>
    %select_n3A_1428 = arith.select %gt3A_1423, %select_n3A_1417, %select_n3A_1427 : vector<16xi1>, vector<16xi32>
    %select_n3A_1429 = arith.select %gt3A_1423, %get3A_1419, %select_n3A_1416 : vector<16xi1>, vector<16xf32>
    %select_n3A_1430 = arith.select %gt3A_1423, %add3A_1422, %select_n3A_1417 : vector<16xi1>, vector<16xi32>
    %get3A_1431 = arith.constant 64 : index
    %get3A_1432 = tpu.vector_load %arg11[%get3A_1431] {strides = array<i32>} : memref<576xf32, #tpu.memory_space<vmem>>, vector<16xf32>,
    %add3A_1433 = arith.constant 64 : i32
    %add3A_1434 = vector.broadcast %add3A_1433 : i32 to vector<16xi32>
    %add3A_1435 = arith.addi %iota3A, %add3A_1434 : vector<16xi32>
    %gt3A_1436 = arith.cmpf ogt, %get3A_1432, %select_n3A_1429 : vector<16xf32>
    %gt3A_1437 = arith.cmpf ogt, %get3A_1432, %select_n3A_1426 : vector<16xf32>
    %select_n3A_1438 = arith.select %gt3A_1437, %get3A_1432, %select_n3A_1426 : vector<16xi1>, vector<16xf32>
    %select_n3A_1439 = arith.select %gt3A_1436, %select_n3A_1429, %select_n3A_1438 : vector<16xi1>, vector<16xf32>
    %select_n3A_1440 = arith.select %gt3A_1437, %add3A_1435, %select_n3A_1428 : vector<16xi1>, vector<16xi32>
    %select_n3A_1441 = arith.select %gt3A_1436, %select_n3A_1430, %select_n3A_1440 : vector<16xi1>, vector<16xi32>
    %select_n3A_1442 = arith.select %gt3A_1436, %get3A_1432, %select_n3A_1429 : vector<16xi1>, vector<16xf32>
    %select_n3A_1443 = arith.select %gt3A_1436, %add3A_1435, %select_n3A_1430 : vector<16xi1>, vector<16xi32>
    %get3A_1444 = arith.constant 80 : index
    %get3A_1445 = tpu.vector_load %arg11[%get3A_1444] {strides = array<i32>} : memref<576xf32, #tpu.memory_space<vmem>>, vector<16xf32>,
    %add3A_1446 = arith.constant 80 : i32
    %add3A_1447 = vector.broadcast %add3A_1446 : i32 to vector<16xi32>
    %add3A_1448 = arith.addi %iota3A, %add3A_1447 : vector<16xi32>
    %gt3A_1449 = arith.cmpf ogt, %get3A_1445, %select_n3A_1442 : vector<16xf32>
    %gt3A_1450 = arith.cmpf ogt, %get3A_1445, %select_n3A_1439 : vector<16xf32>
    %select_n3A_1451 = arith.select %gt3A_1450, %get3A_1445, %select_n3A_1439 : vector<16xi1>, vector<16xf32>
    %select_n3A_1452 = arith.select %gt3A_1449, %select_n3A_1442, %select_n3A_1451 : vector<16xi1>, vector<16xf32>
    %select_n3A_1453 = arith.select %gt3A_1450, %add3A_1448, %select_n3A_1441 : vector<16xi1>, vector<16xi32>
    %select_n3A_1454 = arith.select %gt3A_1449, %select_n3A_1443, %select_n3A_1453 : vector<16xi1>, vector<16xi32>
    %select_n3A_1455 = arith.select %gt3A_1449, %get3A_1445, %select_n3A_1442 : vector<16xi1>, vector<16xf32>
    %select_n3A_1456 = arith.select %gt3A_1449, %add3A_1448, %select_n3A_1443 : vector<16xi1>, vector<16xi32>
    %get3A_1457 = arith.constant 96 : index
    %get3A_1458 = tpu.vector_load %arg11[%get3A_1457] {strides = array<i32>} : memref<576xf32, #tpu.memory_space<vmem>>, vector<16xf32>,
    %add3A_1459 = arith.constant 96 : i32
    %add3A_1460 = vector.broadcast %add3A_1459 : i32 to vector<16xi32>
    %add3A_1461 = arith.addi %iota3A, %add3A_1460 : vector<16xi32>
    %gt3A_1462 = arith.cmpf ogt, %get3A_1458, %select_n3A_1455 : vector<16xf32>
    %gt3A_1463 = arith.cmpf ogt, %get3A_1458, %select_n3A_1452 : vector<16xf32>
    %select_n3A_1464 = arith.select %gt3A_1463, %get3A_1458, %select_n3A_1452 : vector<16xi1>, vector<16xf32>
    %select_n3A_1465 = arith.select %gt3A_1462, %select_n3A_1455, %select_n3A_1464 : vector<16xi1>, vector<16xf32>
    %select_n3A_1466 = arith.select %gt3A_1463, %add3A_1461, %select_n3A_1454 : vector<16xi1>, vector<16xi32>
    %select_n3A_1467 = arith.select %gt3A_1462, %select_n3A_1456, %select_n3A_1466 : vector<16xi1>, vector<16xi32>
    %select_n3A_1468 = arith.select %gt3A_1462, %get3A_1458, %select_n3A_1455 : vector<16xi1>, vector<16xf32>
    %select_n3A_1469 = arith.select %gt3A_1462, %add3A_1461, %select_n3A_1456 : vector<16xi1>, vector<16xi32>
    %get3A_1470 = arith.constant 112 : index
    %get3A_1471 = tpu.vector_load %arg11[%get3A_1470] {strides = array<i32>} : memref<576xf32, #tpu.memory_space<vmem>>, vector<16xf32>,
    %add3A_1472 = arith.constant 112 : i32
    %add3A_1473 = vector.broadcast %add3A_1472 : i32 to vector<16xi32>
    %add3A_1474 = arith.addi %iota3A, %add3A_1473 : vector<16xi32>
    %gt3A_1475 = arith.cmpf ogt, %get3A_1471, %select_n3A_1468 : vector<16xf32>
    %gt3A_1476 = arith.cmpf ogt, %get3A_1471, %select_n3A_1465 : vector<16xf32>
    %select_n3A_1477 = arith.select %gt3A_1476, %get3A_1471, %select_n3A_1465 : vector<16xi1>, vector<16xf32>
    %select_n3A_1478 = arith.select %gt3A_1475, %select_n3A_1468, %select_n3A_1477 : vector<16xi1>, vector<16xf32>
    %select_n3A_1479 = arith.select %gt3A_1476, %add3A_1474, %select_n3A_1467 : vector<16xi1>, vector<16xi32>
    %select_n3A_1480 = arith.select %gt3A_1475, %select_n3A_1469, %select_n3A_1479 : vector<16xi1>, vector<16xi32>
    %select_n3A_1481 = arith.select %gt3A_1475, %get3A_1471, %select_n3A_1468 : vector<16xi1>, vector<16xf32>
    %select_n3A_1482 = arith.select %gt3A_1475, %add3A_1474, %select_n3A_1469 : vector<16xi1>, vector<16xi32>
    %get3A_1483 = arith.constant 128 : index
    %get3A_1484 = tpu.vector_load %arg11[%get3A_1483] {strides = array<i32>} : memref<576xf32, #tpu.memory_space<vmem>>, vector<16xf32>,
    %add3A_1485 = arith.constant 128 : i32
    %add3A_1486 = vector.broadcast %add3A_1485 : i32 to vector<16xi32>
    %add3A_1487 = arith.addi %iota3A, %add3A_1486 : vector<16xi32>
    %gt3A_1488 = arith.cmpf ogt, %get3A_1484, %select_n3A_1481 : vector<16xf32>
    %gt3A_1489 = arith.cmpf ogt, %get3A_1484, %select_n3A_1478 : vector<16xf32>
    %select_n3A_1490 = arith.select %gt3A_1489, %get3A_1484, %select_n3A_1478 : vector<16xi1>, vector<16xf32>
    %select_n3A_1491 = arith.select %gt3A_1488, %select_n3A_1481, %select_n3A_1490 : vector<16xi1>, vector<16xf32>
    %select_n3A_1492 = arith.select %gt3A_1489, %add3A_1487, %select_n3A_1480 : vector<16xi1>, vector<16xi32>
    %select_n3A_1493 = arith.select %gt3A_1488, %select_n3A_1482, %select_n3A_1492 : vector<16xi1>, vector<16xi32>
    %select_n3A_1494 = arith.select %gt3A_1488, %get3A_1484, %select_n3A_1481 : vector<16xi1>, vector<16xf32>
    %select_n3A_1495 = arith.select %gt3A_1488, %add3A_1487, %select_n3A_1482 : vector<16xi1>, vector<16xi32>
    %get3A_1496 = arith.constant 144 : index
    %get3A_1497 = tpu.vector_load %arg11[%get3A_1496] {strides = array<i32>} : memref<576xf32, #tpu.memory_space<vmem>>, vector<16xf32>,
    %add3A_1498 = arith.constant 144 : i32
    %add3A_1499 = vector.broadcast %add3A_1498 : i32 to vector<16xi32>
    %add3A_1500 = arith.addi %iota3A, %add3A_1499 : vector<16xi32>
    %gt3A_1501 = arith.cmpf ogt, %get3A_1497, %select_n3A_1494 : vector<16xf32>
    %gt3A_1502 = arith.cmpf ogt, %get3A_1497, %select_n3A_1491 : vector<16xf32>
    %select_n3A_1503 = arith.select %gt3A_1502, %get3A_1497, %select_n3A_1491 : vector<16xi1>, vector<16xf32>
    %select_n3A_1504 = arith.select %gt3A_1501, %select_n3A_1494, %select_n3A_1503 : vector<16xi1>, vector<16xf32>
    %select_n3A_1505 = arith.select %gt3A_1502, %add3A_1500, %select_n3A_1493 : vector<16xi1>, vector<16xi32>
    %select_n3A_1506 = arith.select %gt3A_1501, %select_n3A_1495, %select_n3A_1505 : vector<16xi1>, vector<16xi32>
    %select_n3A_1507 = arith.select %gt3A_1501, %get3A_1497, %select_n3A_1494 : vector<16xi1>, vector<16xf32>
    %select_n3A_1508 = arith.select %gt3A_1501, %add3A_1500, %select_n3A_1495 : vector<16xi1>, vector<16xi32>
    %get3A_1509 = arith.constant 160 : index
    %get3A_1510 = tpu.vector_load %arg11[%get3A_1509] {strides = array<i32>} : memref<576xf32, #tpu.memory_space<vmem>>, vector<16xf32>,
    %add3A_1511 = arith.constant 160 : i32
    %add3A_1512 = vector.broadcast %add3A_1511 : i32 to vector<16xi32>
    %add3A_1513 = arith.addi %iota3A, %add3A_1512 : vector<16xi32>
    %gt3A_1514 = arith.cmpf ogt, %get3A_1510, %select_n3A_1507 : vector<16xf32>
    %gt3A_1515 = arith.cmpf ogt, %get3A_1510, %select_n3A_1504 : vector<16xf32>
    %select_n3A_1516 = arith.select %gt3A_1515, %get3A_1510, %select_n3A_1504 : vector<16xi1>, vector<16xf32>
    %select_n3A_1517 = arith.select %gt3A_1514, %select_n3A_1507, %select_n3A_1516 : vector<16xi1>, vector<16xf32>
    %select_n3A_1518 = arith.select %gt3A_1515, %add3A_1513, %select_n3A_1506 : vector<16xi1>, vector<16xi32>
    %select_n3A_1519 = arith.select %gt3A_1514, %select_n3A_1508, %select_n3A_1518 : vector<16xi1>, vector<16xi32>
    %select_n3A_1520 = arith.select %gt3A_1514, %get3A_1510, %select_n3A_1507 : vector<16xi1>, vector<16xf32>
    %select_n3A_1521 = arith.select %gt3A_1514, %add3A_1513, %select_n3A_1508 : vector<16xi1>, vector<16xi32>
    %get3A_1522 = arith.constant 176 : index
    %get3A_1523 = tpu.vector_load %arg11[%get3A_1522] {strides = array<i32>} : memref<576xf32, #tpu.memory_space<vmem>>, vector<16xf32>,
    %add3A_1524 = arith.constant 176 : i32
    %add3A_1525 = vector.broadcast %add3A_1524 : i32 to vector<16xi32>
    %add3A_1526 = arith.addi %iota3A, %add3A_1525 : vector<16xi32>
    %gt3A_1527 = arith.cmpf ogt, %get3A_1523, %select_n3A_1520 : vector<16xf32>
    %gt3A_1528 = arith.cmpf ogt, %get3A_1523, %select_n3A_1517 : vector<16xf32>
    %select_n3A_1529 = arith.select %gt3A_1528, %get3A_1523, %select_n3A_1517 : vector<16xi1>, vector<16xf32>
    %select_n3A_1530 = arith.select %gt3A_1527, %select_n3A_1520, %select_n3A_1529 : vector<16xi1>, vector<16xf32>
    %select_n3A_1531 = arith.select %gt3A_1528, %add3A_1526, %select_n3A_1519 : vector<16xi1>, vector<16xi32>
    %select_n3A_1532 = arith.select %gt3A_1527, %select_n3A_1521, %select_n3A_1531 : vector<16xi1>, vector<16xi32>
    %select_n3A_1533 = arith.select %gt3A_1527, %get3A_1523, %select_n3A_1520 : vector<16xi1>, vector<16xf32>
    %select_n3A_1534 = arith.select %gt3A_1527, %add3A_1526, %select_n3A_1521 : vector<16xi1>, vector<16xi32>
    %get3A_1535 = arith.constant 192 : index
    %get3A_1536 = tpu.vector_load %arg11[%get3A_1535] {strides = array<i32>} : memref<576xf32, #tpu.memory_space<vmem>>, vector<16xf32>,
    %add3A_1537 = arith.constant 192 : i32
    %add3A_1538 = vector.broadcast %add3A_1537 : i32 to vector<16xi32>
    %add3A_1539 = arith.addi %iota3A, %add3A_1538 : vector<16xi32>
    %gt3A_1540 = arith.cmpf ogt, %get3A_1536, %select_n3A_1533 : vector<16xf32>
    %gt3A_1541 = arith.cmpf ogt, %get3A_1536, %select_n3A_1530 : vector<16xf32>
    %select_n3A_1542 = arith.select %gt3A_1541, %get3A_1536, %select_n3A_1530 : vector<16xi1>, vector<16xf32>
    %select_n3A_1543 = arith.select %gt3A_1540, %select_n3A_1533, %select_n3A_1542 : vector<16xi1>, vector<16xf32>
    %select_n3A_1544 = arith.select %gt3A_1541, %add3A_1539, %select_n3A_1532 : vector<16xi1>, vector<16xi32>
    %select_n3A_1545 = arith.select %gt3A_1540, %select_n3A_1534, %select_n3A_1544 : vector<16xi1>, vector<16xi32>
    %select_n3A_1546 = arith.select %gt3A_1540, %get3A_1536, %select_n3A_1533 : vector<16xi1>, vector<16xf32>
    %select_n3A_1547 = arith.select %gt3A_1540, %add3A_1539, %select_n3A_1534 : vector<16xi1>, vector<16xi32>
    %get3A_1548 = arith.constant 208 : index
    %get3A_1549 = tpu.vector_load %arg11[%get3A_1548] {strides = array<i32>} : memref<576xf32, #tpu.memory_space<vmem>>, vector<16xf32>,
    %add3A_1550 = arith.constant 208 : i32
    %add3A_1551 = vector.broadcast %add3A_1550 : i32 to vector<16xi32>
    %add3A_1552 = arith.addi %iota3A, %add3A_1551 : vector<16xi32>
    %gt3A_1553 = arith.cmpf ogt, %get3A_1549, %select_n3A_1546 : vector<16xf32>
    %gt3A_1554 = arith.cmpf ogt, %get3A_1549, %select_n3A_1543 : vector<16xf32>
    %select_n3A_1555 = arith.select %gt3A_1554, %get3A_1549, %select_n3A_1543 : vector<16xi1>, vector<16xf32>
    %select_n3A_1556 = arith.select %gt3A_1553, %select_n3A_1546, %select_n3A_1555 : vector<16xi1>, vector<16xf32>
    %select_n3A_1557 = arith.select %gt3A_1554, %add3A_1552, %select_n3A_1545 : vector<16xi1>, vector<16xi32>
    %select_n3A_1558 = arith.select %gt3A_1553, %select_n3A_1547, %select_n3A_1557 : vector<16xi1>, vector<16xi32>
    %select_n3A_1559 = arith.select %gt3A_1553, %get3A_1549, %select_n3A_1546 : vector<16xi1>, vector<16xf32>
    %select_n3A_1560 = arith.select %gt3A_1553, %add3A_1552, %select_n3A_1547 : vector<16xi1>, vector<16xi32>
    %get3A_1561 = arith.constant 224 : index
    %get3A_1562 = tpu.vector_load %arg11[%get3A_1561] {strides = array<i32>} : memref<576xf32, #tpu.memory_space<vmem>>, vector<16xf32>,
    %add3A_1563 = arith.constant 224 : i32
    %add3A_1564 = vector.broadcast %add3A_1563 : i32 to vector<16xi32>
    %add3A_1565 = arith.addi %iota3A, %add3A_1564 : vector<16xi32>
    %gt3A_1566 = arith.cmpf ogt, %get3A_1562, %select_n3A_1559 : vector<16xf32>
    %gt3A_1567 = arith.cmpf ogt, %get3A_1562, %select_n3A_1556 : vector<16xf32>
    %select_n3A_1568 = arith.select %gt3A_1567, %get3A_1562, %select_n3A_1556 : vector<16xi1>, vector<16xf32>
    %select_n3A_1569 = arith.select %gt3A_1566, %select_n3A_1559, %select_n3A_1568 : vector<16xi1>, vector<16xf32>
    %select_n3A_1570 = arith.select %gt3A_1567, %add3A_1565, %select_n3A_1558 : vector<16xi1>, vector<16xi32>
    %select_n3A_1571 = arith.select %gt3A_1566, %select_n3A_1560, %select_n3A_1570 : vector<16xi1>, vector<16xi32>
    %select_n3A_1572 = arith.select %gt3A_1566, %get3A_1562, %select_n3A_1559 : vector<16xi1>, vector<16xf32>
    %select_n3A_1573 = arith.select %gt3A_1566, %add3A_1565, %select_n3A_1560 : vector<16xi1>, vector<16xi32>
    %get3A_1574 = arith.constant 240 : index
    %get3A_1575 = tpu.vector_load %arg11[%get3A_1574] {strides = array<i32>} : memref<576xf32, #tpu.memory_space<vmem>>, vector<16xf32>,
    %add3A_1576 = arith.constant 240 : i32
    %add3A_1577 = vector.broadcast %add3A_1576 : i32 to vector<16xi32>
    %add3A_1578 = arith.addi %iota3A, %add3A_1577 : vector<16xi32>
    %gt3A_1579 = arith.cmpf ogt, %get3A_1575, %select_n3A_1572 : vector<16xf32>
    %gt3A_1580 = arith.cmpf ogt, %get3A_1575, %select_n3A_1569 : vector<16xf32>
    %select_n3A_1581 = arith.select %gt3A_1580, %get3A_1575, %select_n3A_1569 : vector<16xi1>, vector<16xf32>
    %select_n3A_1582 = arith.select %gt3A_1579, %select_n3A_1572, %select_n3A_1581 : vector<16xi1>, vector<16xf32>
    %select_n3A_1583 = arith.select %gt3A_1580, %add3A_1578, %select_n3A_1571 : vector<16xi1>, vector<16xi32>
    %select_n3A_1584 = arith.select %gt3A_1579, %select_n3A_1573, %select_n3A_1583 : vector<16xi1>, vector<16xi32>
    %select_n3A_1585 = arith.select %gt3A_1579, %get3A_1575, %select_n3A_1572 : vector<16xi1>, vector<16xf32>
    %select_n3A_1586 = arith.select %gt3A_1579, %add3A_1578, %select_n3A_1573 : vector<16xi1>, vector<16xi32>
    %get3A_1587 = arith.constant 256 : index
    %get3A_1588 = tpu.vector_load %arg11[%get3A_1587] {strides = array<i32>} : memref<576xf32, #tpu.memory_space<vmem>>, vector<16xf32>,
    %add3A_1589 = arith.constant 256 : i32
    %add3A_1590 = vector.broadcast %add3A_1589 : i32 to vector<16xi32>
    %add3A_1591 = arith.addi %iota3A, %add3A_1590 : vector<16xi32>
    %gt3A_1592 = arith.cmpf ogt, %get3A_1588, %select_n3A_1585 : vector<16xf32>
    %gt3A_1593 = arith.cmpf ogt, %get3A_1588, %select_n3A_1582 : vector<16xf32>
    %select_n3A_1594 = arith.select %gt3A_1593, %get3A_1588, %select_n3A_1582 : vector<16xi1>, vector<16xf32>
    %select_n3A_1595 = arith.select %gt3A_1592, %select_n3A_1585, %select_n3A_1594 : vector<16xi1>, vector<16xf32>
    %select_n3A_1596 = arith.select %gt3A_1593, %add3A_1591, %select_n3A_1584 : vector<16xi1>, vector<16xi32>
    %select_n3A_1597 = arith.select %gt3A_1592, %select_n3A_1586, %select_n3A_1596 : vector<16xi1>, vector<16xi32>
    %select_n3A_1598 = arith.select %gt3A_1592, %get3A_1588, %select_n3A_1585 : vector<16xi1>, vector<16xf32>
    %select_n3A_1599 = arith.select %gt3A_1592, %add3A_1591, %select_n3A_1586 : vector<16xi1>, vector<16xi32>
    %get3A_1600 = arith.constant 272 : index
    %get3A_1601 = tpu.vector_load %arg11[%get3A_1600] {strides = array<i32>} : memref<576xf32, #tpu.memory_space<vmem>>, vector<16xf32>,
    %add3A_1602 = arith.constant 272 : i32
    %add3A_1603 = vector.broadcast %add3A_1602 : i32 to vector<16xi32>
    %add3A_1604 = arith.addi %iota3A, %add3A_1603 : vector<16xi32>
    %gt3A_1605 = arith.cmpf ogt, %get3A_1601, %select_n3A_1598 : vector<16xf32>
    %gt3A_1606 = arith.cmpf ogt, %get3A_1601, %select_n3A_1595 : vector<16xf32>
    %select_n3A_1607 = arith.select %gt3A_1606, %get3A_1601, %select_n3A_1595 : vector<16xi1>, vector<16xf32>
    %select_n3A_1608 = arith.select %gt3A_1605, %select_n3A_1598, %select_n3A_1607 : vector<16xi1>, vector<16xf32>
    %select_n3A_1609 = arith.select %gt3A_1606, %add3A_1604, %select_n3A_1597 : vector<16xi1>, vector<16xi32>
    %select_n3A_1610 = arith.select %gt3A_1605, %select_n3A_1599, %select_n3A_1609 : vector<16xi1>, vector<16xi32>
    %select_n3A_1611 = arith.select %gt3A_1605, %get3A_1601, %select_n3A_1598 : vector<16xi1>, vector<16xf32>
    %select_n3A_1612 = arith.select %gt3A_1605, %add3A_1604, %select_n3A_1599 : vector<16xi1>, vector<16xi32>
    %get3A_1613 = arith.constant 288 : index
    %get3A_1614 = tpu.vector_load %arg11[%get3A_1613] {strides = array<i32>} : memref<576xf32, #tpu.memory_space<vmem>>, vector<16xf32>,
    %add3A_1615 = arith.constant 288 : i32
    %add3A_1616 = vector.broadcast %add3A_1615 : i32 to vector<16xi32>
    %add3A_1617 = arith.addi %iota3A, %add3A_1616 : vector<16xi32>
    %gt3A_1618 = arith.cmpf ogt, %get3A_1614, %select_n3A_1611 : vector<16xf32>
    %gt3A_1619 = arith.cmpf ogt, %get3A_1614, %select_n3A_1608 : vector<16xf32>
    %select_n3A_1620 = arith.select %gt3A_1619, %get3A_1614, %select_n3A_1608 : vector<16xi1>, vector<16xf32>
    %select_n3A_1621 = arith.select %gt3A_1618, %select_n3A_1611, %select_n3A_1620 : vector<16xi1>, vector<16xf32>
    %select_n3A_1622 = arith.select %gt3A_1619, %add3A_1617, %select_n3A_1610 : vector<16xi1>, vector<16xi32>
    %select_n3A_1623 = arith.select %gt3A_1618, %select_n3A_1612, %select_n3A_1622 : vector<16xi1>, vector<16xi32>
    %select_n3A_1624 = arith.select %gt3A_1618, %get3A_1614, %select_n3A_1611 : vector<16xi1>, vector<16xf32>
    %select_n3A_1625 = arith.select %gt3A_1618, %add3A_1617, %select_n3A_1612 : vector<16xi1>, vector<16xi32>
    %get3A_1626 = arith.constant 304 : index
    %get3A_1627 = tpu.vector_load %arg11[%get3A_1626] {strides = array<i32>} : memref<576xf32, #tpu.memory_space<vmem>>, vector<16xf32>,
    %add3A_1628 = arith.constant 304 : i32
    %add3A_1629 = vector.broadcast %add3A_1628 : i32 to vector<16xi32>
    %add3A_1630 = arith.addi %iota3A, %add3A_1629 : vector<16xi32>
    %gt3A_1631 = arith.cmpf ogt, %get3A_1627, %select_n3A_1624 : vector<16xf32>
    %gt3A_1632 = arith.cmpf ogt, %get3A_1627, %select_n3A_1621 : vector<16xf32>
    %select_n3A_1633 = arith.select %gt3A_1632, %get3A_1627, %select_n3A_1621 : vector<16xi1>, vector<16xf32>
    %select_n3A_1634 = arith.select %gt3A_1631, %select_n3A_1624, %select_n3A_1633 : vector<16xi1>, vector<16xf32>
    %select_n3A_1635 = arith.select %gt3A_1632, %add3A_1630, %select_n3A_1623 : vector<16xi1>, vector<16xi32>
    %select_n3A_1636 = arith.select %gt3A_1631, %select_n3A_1625, %select_n3A_1635 : vector<16xi1>, vector<16xi32>
    %select_n3A_1637 = arith.select %gt3A_1631, %get3A_1627, %select_n3A_1624 : vector<16xi1>, vector<16xf32>
    %select_n3A_1638 = arith.select %gt3A_1631, %add3A_1630, %select_n3A_1625 : vector<16xi1>, vector<16xi32>
    %get3A_1639 = arith.constant 320 : index
    %get3A_1640 = tpu.vector_load %arg11[%get3A_1639] {strides = array<i32>} : memref<576xf32, #tpu.memory_space<vmem>>, vector<16xf32>,
    %add3A_1641 = arith.constant 320 : i32
    %add3A_1642 = vector.broadcast %add3A_1641 : i32 to vector<16xi32>
    %add3A_1643 = arith.addi %iota3A, %add3A_1642 : vector<16xi32>
    %gt3A_1644 = arith.cmpf ogt, %get3A_1640, %select_n3A_1637 : vector<16xf32>
    %gt3A_1645 = arith.cmpf ogt, %get3A_1640, %select_n3A_1634 : vector<16xf32>
    %select_n3A_1646 = arith.select %gt3A_1645, %get3A_1640, %select_n3A_1634 : vector<16xi1>, vector<16xf32>
    %select_n3A_1647 = arith.select %gt3A_1644, %select_n3A_1637, %select_n3A_1646 : vector<16xi1>, vector<16xf32>
    %select_n3A_1648 = arith.select %gt3A_1645, %add3A_1643, %select_n3A_1636 : vector<16xi1>, vector<16xi32>
    %select_n3A_1649 = arith.select %gt3A_1644, %select_n3A_1638, %select_n3A_1648 : vector<16xi1>, vector<16xi32>
    %select_n3A_1650 = arith.select %gt3A_1644, %get3A_1640, %select_n3A_1637 : vector<16xi1>, vector<16xf32>
    %select_n3A_1651 = arith.select %gt3A_1644, %add3A_1643, %select_n3A_1638 : vector<16xi1>, vector<16xi32>
    %get3A_1652 = arith.constant 336 : index
    %get3A_1653 = tpu.vector_load %arg11[%get3A_1652] {strides = array<i32>} : memref<576xf32, #tpu.memory_space<vmem>>, vector<16xf32>,
    %add3A_1654 = arith.constant 336 : i32
    %add3A_1655 = vector.broadcast %add3A_1654 : i32 to vector<16xi32>
    %add3A_1656 = arith.addi %iota3A, %add3A_1655 : vector<16xi32>
    %gt3A_1657 = arith.cmpf ogt, %get3A_1653, %select_n3A_1650 : vector<16xf32>
    %gt3A_1658 = arith.cmpf ogt, %get3A_1653, %select_n3A_1647 : vector<16xf32>
    %select_n3A_1659 = arith.select %gt3A_1658, %get3A_1653, %select_n3A_1647 : vector<16xi1>, vector<16xf32>
    %select_n3A_1660 = arith.select %gt3A_1657, %select_n3A_1650, %select_n3A_1659 : vector<16xi1>, vector<16xf32>
    %select_n3A_1661 = arith.select %gt3A_1658, %add3A_1656, %select_n3A_1649 : vector<16xi1>, vector<16xi32>
    %select_n3A_1662 = arith.select %gt3A_1657, %select_n3A_1651, %select_n3A_1661 : vector<16xi1>, vector<16xi32>
    %select_n3A_1663 = arith.select %gt3A_1657, %get3A_1653, %select_n3A_1650 : vector<16xi1>, vector<16xf32>
    %select_n3A_1664 = arith.select %gt3A_1657, %add3A_1656, %select_n3A_1651 : vector<16xi1>, vector<16xi32>
    %get3A_1665 = arith.constant 352 : index
    %get3A_1666 = tpu.vector_load %arg11[%get3A_1665] {strides = array<i32>} : memref<576xf32, #tpu.memory_space<vmem>>, vector<16xf32>,
    %add3A_1667 = arith.constant 352 : i32
    %add3A_1668 = vector.broadcast %add3A_1667 : i32 to vector<16xi32>
    %add3A_1669 = arith.addi %iota3A, %add3A_1668 : vector<16xi32>
    %gt3A_1670 = arith.cmpf ogt, %get3A_1666, %select_n3A_1663 : vector<16xf32>
    %gt3A_1671 = arith.cmpf ogt, %get3A_1666, %select_n3A_1660 : vector<16xf32>
    %select_n3A_1672 = arith.select %gt3A_1671, %get3A_1666, %select_n3A_1660 : vector<16xi1>, vector<16xf32>
    %select_n3A_1673 = arith.select %gt3A_1670, %select_n3A_1663, %select_n3A_1672 : vector<16xi1>, vector<16xf32>
    %select_n3A_1674 = arith.select %gt3A_1671, %add3A_1669, %select_n3A_1662 : vector<16xi1>, vector<16xi32>
    %select_n3A_1675 = arith.select %gt3A_1670, %select_n3A_1664, %select_n3A_1674 : vector<16xi1>, vector<16xi32>
    %select_n3A_1676 = arith.select %gt3A_1670, %get3A_1666, %select_n3A_1663 : vector<16xi1>, vector<16xf32>
    %select_n3A_1677 = arith.select %gt3A_1670, %add3A_1669, %select_n3A_1664 : vector<16xi1>, vector<16xi32>
    %get3A_1678 = arith.constant 368 : index
    %get3A_1679 = tpu.vector_load %arg11[%get3A_1678] {strides = array<i32>} : memref<576xf32, #tpu.memory_space<vmem>>, vector<16xf32>,
    %add3A_1680 = arith.constant 368 : i32
    %add3A_1681 = vector.broadcast %add3A_1680 : i32 to vector<16xi32>
    %add3A_1682 = arith.addi %iota3A, %add3A_1681 : vector<16xi32>
    %gt3A_1683 = arith.cmpf ogt, %get3A_1679, %select_n3A_1676 : vector<16xf32>
    %gt3A_1684 = arith.cmpf ogt, %get3A_1679, %select_n3A_1673 : vector<16xf32>
    %select_n3A_1685 = arith.select %gt3A_1684, %get3A_1679, %select_n3A_1673 : vector<16xi1>, vector<16xf32>
    %select_n3A_1686 = arith.select %gt3A_1683, %select_n3A_1676, %select_n3A_1685 : vector<16xi1>, vector<16xf32>
    %select_n3A_1687 = arith.select %gt3A_1684, %add3A_1682, %select_n3A_1675 : vector<16xi1>, vector<16xi32>
    %select_n3A_1688 = arith.select %gt3A_1683, %select_n3A_1677, %select_n3A_1687 : vector<16xi1>, vector<16xi32>
    %select_n3A_1689 = arith.select %gt3A_1683, %get3A_1679, %select_n3A_1676 : vector<16xi1>, vector<16xf32>
    %select_n3A_1690 = arith.select %gt3A_1683, %add3A_1682, %select_n3A_1677 : vector<16xi1>, vector<16xi32>
    %get3A_1691 = arith.constant 384 : index
    %get3A_1692 = tpu.vector_load %arg11[%get3A_1691] {strides = array<i32>} : memref<576xf32, #tpu.memory_space<vmem>>, vector<16xf32>,
    %add3A_1693 = arith.constant 384 : i32
    %add3A_1694 = vector.broadcast %add3A_1693 : i32 to vector<16xi32>
    %add3A_1695 = arith.addi %iota3A, %add3A_1694 : vector<16xi32>
    %gt3A_1696 = arith.cmpf ogt, %get3A_1692, %select_n3A_1689 : vector<16xf32>
    %gt3A_1697 = arith.cmpf ogt, %get3A_1692, %select_n3A_1686 : vector<16xf32>
    %select_n3A_1698 = arith.select %gt3A_1697, %get3A_1692, %select_n3A_1686 : vector<16xi1>, vector<16xf32>
    %select_n3A_1699 = arith.select %gt3A_1696, %select_n3A_1689, %select_n3A_1698 : vector<16xi1>, vector<16xf32>
    %select_n3A_1700 = arith.select %gt3A_1697, %add3A_1695, %select_n3A_1688 : vector<16xi1>, vector<16xi32>
    %select_n3A_1701 = arith.select %gt3A_1696, %select_n3A_1690, %select_n3A_1700 : vector<16xi1>, vector<16xi32>
    %select_n3A_1702 = arith.select %gt3A_1696, %get3A_1692, %select_n3A_1689 : vector<16xi1>, vector<16xf32>
    %select_n3A_1703 = arith.select %gt3A_1696, %add3A_1695, %select_n3A_1690 : vector<16xi1>, vector<16xi32>
    %get3A_1704 = arith.constant 400 : index
    %get3A_1705 = tpu.vector_load %arg11[%get3A_1704] {strides = array<i32>} : memref<576xf32, #tpu.memory_space<vmem>>, vector<16xf32>,
    %add3A_1706 = arith.constant 400 : i32
    %add3A_1707 = vector.broadcast %add3A_1706 : i32 to vector<16xi32>
    %add3A_1708 = arith.addi %iota3A, %add3A_1707 : vector<16xi32>
    %gt3A_1709 = arith.cmpf ogt, %get3A_1705, %select_n3A_1702 : vector<16xf32>
    %gt3A_1710 = arith.cmpf ogt, %get3A_1705, %select_n3A_1699 : vector<16xf32>
    %select_n3A_1711 = arith.select %gt3A_1710, %get3A_1705, %select_n3A_1699 : vector<16xi1>, vector<16xf32>
    %select_n3A_1712 = arith.select %gt3A_1709, %select_n3A_1702, %select_n3A_1711 : vector<16xi1>, vector<16xf32>
    %select_n3A_1713 = arith.select %gt3A_1710, %add3A_1708, %select_n3A_1701 : vector<16xi1>, vector<16xi32>
    %select_n3A_1714 = arith.select %gt3A_1709, %select_n3A_1703, %select_n3A_1713 : vector<16xi1>, vector<16xi32>
    %select_n3A_1715 = arith.select %gt3A_1709, %get3A_1705, %select_n3A_1702 : vector<16xi1>, vector<16xf32>
    %select_n3A_1716 = arith.select %gt3A_1709, %add3A_1708, %select_n3A_1703 : vector<16xi1>, vector<16xi32>
    %get3A_1717 = arith.constant 416 : index
    %get3A_1718 = tpu.vector_load %arg11[%get3A_1717] {strides = array<i32>} : memref<576xf32, #tpu.memory_space<vmem>>, vector<16xf32>,
    %add3A_1719 = arith.constant 416 : i32
    %add3A_1720 = vector.broadcast %add3A_1719 : i32 to vector<16xi32>
    %add3A_1721 = arith.addi %iota3A, %add3A_1720 : vector<16xi32>
    %gt3A_1722 = arith.cmpf ogt, %get3A_1718, %select_n3A_1715 : vector<16xf32>
    %gt3A_1723 = arith.cmpf ogt, %get3A_1718, %select_n3A_1712 : vector<16xf32>
    %select_n3A_1724 = arith.select %gt3A_1723, %get3A_1718, %select_n3A_1712 : vector<16xi1>, vector<16xf32>
    %select_n3A_1725 = arith.select %gt3A_1722, %select_n3A_1715, %select_n3A_1724 : vector<16xi1>, vector<16xf32>
    %select_n3A_1726 = arith.select %gt3A_1723, %add3A_1721, %select_n3A_1714 : vector<16xi1>, vector<16xi32>
    %select_n3A_1727 = arith.select %gt3A_1722, %select_n3A_1716, %select_n3A_1726 : vector<16xi1>, vector<16xi32>
    %select_n3A_1728 = arith.select %gt3A_1722, %get3A_1718, %select_n3A_1715 : vector<16xi1>, vector<16xf32>
    %select_n3A_1729 = arith.select %gt3A_1722, %add3A_1721, %select_n3A_1716 : vector<16xi1>, vector<16xi32>
    %get3A_1730 = arith.constant 432 : index
    %get3A_1731 = tpu.vector_load %arg11[%get3A_1730] {strides = array<i32>} : memref<576xf32, #tpu.memory_space<vmem>>, vector<16xf32>,
    %add3A_1732 = arith.constant 432 : i32
    %add3A_1733 = vector.broadcast %add3A_1732 : i32 to vector<16xi32>
    %add3A_1734 = arith.addi %iota3A, %add3A_1733 : vector<16xi32>
    %gt3A_1735 = arith.cmpf ogt, %get3A_1731, %select_n3A_1728 : vector<16xf32>
    %gt3A_1736 = arith.cmpf ogt, %get3A_1731, %select_n3A_1725 : vector<16xf32>
    %select_n3A_1737 = arith.select %gt3A_1736, %get3A_1731, %select_n3A_1725 : vector<16xi1>, vector<16xf32>
    %select_n3A_1738 = arith.select %gt3A_1735, %select_n3A_1728, %select_n3A_1737 : vector<16xi1>, vector<16xf32>
    %select_n3A_1739 = arith.select %gt3A_1736, %add3A_1734, %select_n3A_1727 : vector<16xi1>, vector<16xi32>
    %select_n3A_1740 = arith.select %gt3A_1735, %select_n3A_1729, %select_n3A_1739 : vector<16xi1>, vector<16xi32>
    %select_n3A_1741 = arith.select %gt3A_1735, %get3A_1731, %select_n3A_1728 : vector<16xi1>, vector<16xf32>
    %select_n3A_1742 = arith.select %gt3A_1735, %add3A_1734, %select_n3A_1729 : vector<16xi1>, vector<16xi32>
    %get3A_1743 = arith.constant 448 : index
    %get3A_1744 = tpu.vector_load %arg11[%get3A_1743] {strides = array<i32>} : memref<576xf32, #tpu.memory_space<vmem>>, vector<16xf32>,
    %add3A_1745 = arith.constant 448 : i32
    %add3A_1746 = vector.broadcast %add3A_1745 : i32 to vector<16xi32>
    %add3A_1747 = arith.addi %iota3A, %add3A_1746 : vector<16xi32>
    %gt3A_1748 = arith.cmpf ogt, %get3A_1744, %select_n3A_1741 : vector<16xf32>
    %gt3A_1749 = arith.cmpf ogt, %get3A_1744, %select_n3A_1738 : vector<16xf32>
    %select_n3A_1750 = arith.select %gt3A_1749, %get3A_1744, %select_n3A_1738 : vector<16xi1>, vector<16xf32>
    %select_n3A_1751 = arith.select %gt3A_1748, %select_n3A_1741, %select_n3A_1750 : vector<16xi1>, vector<16xf32>
    %select_n3A_1752 = arith.select %gt3A_1749, %add3A_1747, %select_n3A_1740 : vector<16xi1>, vector<16xi32>
    %select_n3A_1753 = arith.select %gt3A_1748, %select_n3A_1742, %select_n3A_1752 : vector<16xi1>, vector<16xi32>
    %select_n3A_1754 = arith.select %gt3A_1748, %get3A_1744, %select_n3A_1741 : vector<16xi1>, vector<16xf32>
    %select_n3A_1755 = arith.select %gt3A_1748, %add3A_1747, %select_n3A_1742 : vector<16xi1>, vector<16xi32>
    %get3A_1756 = arith.constant 464 : index
    %get3A_1757 = tpu.vector_load %arg11[%get3A_1756] {strides = array<i32>} : memref<576xf32, #tpu.memory_space<vmem>>, vector<16xf32>,
    %add3A_1758 = arith.constant 464 : i32
    %add3A_1759 = vector.broadcast %add3A_1758 : i32 to vector<16xi32>
    %add3A_1760 = arith.addi %iota3A, %add3A_1759 : vector<16xi32>
    %gt3A_1761 = arith.cmpf ogt, %get3A_1757, %select_n3A_1754 : vector<16xf32>
    %gt3A_1762 = arith.cmpf ogt, %get3A_1757, %select_n3A_1751 : vector<16xf32>
    %select_n3A_1763 = arith.select %gt3A_1762, %get3A_1757, %select_n3A_1751 : vector<16xi1>, vector<16xf32>
    %select_n3A_1764 = arith.select %gt3A_1761, %select_n3A_1754, %select_n3A_1763 : vector<16xi1>, vector<16xf32>
    %select_n3A_1765 = arith.select %gt3A_1762, %add3A_1760, %select_n3A_1753 : vector<16xi1>, vector<16xi32>
    %select_n3A_1766 = arith.select %gt3A_1761, %select_n3A_1755, %select_n3A_1765 : vector<16xi1>, vector<16xi32>
    %select_n3A_1767 = arith.select %gt3A_1761, %get3A_1757, %select_n3A_1754 : vector<16xi1>, vector<16xf32>
    %select_n3A_1768 = arith.select %gt3A_1761, %add3A_1760, %select_n3A_1755 : vector<16xi1>, vector<16xi32>
    %get3A_1769 = arith.constant 480 : index
    %get3A_1770 = tpu.vector_load %arg11[%get3A_1769] {strides = array<i32>} : memref<576xf32, #tpu.memory_space<vmem>>, vector<16xf32>,
    %add3A_1771 = arith.constant 480 : i32
    %add3A_1772 = vector.broadcast %add3A_1771 : i32 to vector<16xi32>
    %add3A_1773 = arith.addi %iota3A, %add3A_1772 : vector<16xi32>
    %gt3A_1774 = arith.cmpf ogt, %get3A_1770, %select_n3A_1767 : vector<16xf32>
    %gt3A_1775 = arith.cmpf ogt, %get3A_1770, %select_n3A_1764 : vector<16xf32>
    %select_n3A_1776 = arith.select %gt3A_1775, %get3A_1770, %select_n3A_1764 : vector<16xi1>, vector<16xf32>
    %select_n3A_1777 = arith.select %gt3A_1774, %select_n3A_1767, %select_n3A_1776 : vector<16xi1>, vector<16xf32>
    %select_n3A_1778 = arith.select %gt3A_1775, %add3A_1773, %select_n3A_1766 : vector<16xi1>, vector<16xi32>
    %select_n3A_1779 = arith.select %gt3A_1774, %select_n3A_1768, %select_n3A_1778 : vector<16xi1>, vector<16xi32>
    %select_n3A_1780 = arith.select %gt3A_1774, %get3A_1770, %select_n3A_1767 : vector<16xi1>, vector<16xf32>
    %select_n3A_1781 = arith.select %gt3A_1774, %add3A_1773, %select_n3A_1768 : vector<16xi1>, vector<16xi32>
    %get3A_1782 = arith.constant 496 : index
    %get3A_1783 = tpu.vector_load %arg11[%get3A_1782] {strides = array<i32>} : memref<576xf32, #tpu.memory_space<vmem>>, vector<16xf32>,
    %add3A_1784 = arith.constant 496 : i32
    %add3A_1785 = vector.broadcast %add3A_1784 : i32 to vector<16xi32>
    %add3A_1786 = arith.addi %iota3A, %add3A_1785 : vector<16xi32>
    %gt3A_1787 = arith.cmpf ogt, %get3A_1783, %select_n3A_1780 : vector<16xf32>
    %gt3A_1788 = arith.cmpf ogt, %get3A_1783, %select_n3A_1777 : vector<16xf32>
    %select_n3A_1789 = arith.select %gt3A_1788, %get3A_1783, %select_n3A_1777 : vector<16xi1>, vector<16xf32>
    %select_n3A_1790 = arith.select %gt3A_1787, %select_n3A_1780, %select_n3A_1789 : vector<16xi1>, vector<16xf32>
    %select_n3A_1791 = arith.select %gt3A_1788, %add3A_1786, %select_n3A_1779 : vector<16xi1>, vector<16xi32>
    %select_n3A_1792 = arith.select %gt3A_1787, %select_n3A_1781, %select_n3A_1791 : vector<16xi1>, vector<16xi32>
    %select_n3A_1793 = arith.select %gt3A_1787, %get3A_1783, %select_n3A_1780 : vector<16xi1>, vector<16xf32>
    %select_n3A_1794 = arith.select %gt3A_1787, %add3A_1786, %select_n3A_1781 : vector<16xi1>, vector<16xi32>
    %get3A_1795 = arith.constant 512 : index
    %get3A_1796 = tpu.vector_load %arg11[%get3A_1795] {strides = array<i32>} : memref<576xf32, #tpu.memory_space<vmem>>, vector<16xf32>,
    %add3A_1797 = arith.constant 512 : i32
    %add3A_1798 = vector.broadcast %add3A_1797 : i32 to vector<16xi32>
    %add3A_1799 = arith.addi %iota3A, %add3A_1798 : vector<16xi32>
    %gt3A_1800 = arith.cmpf ogt, %get3A_1796, %select_n3A_1793 : vector<16xf32>
    %gt3A_1801 = arith.cmpf ogt, %get3A_1796, %select_n3A_1790 : vector<16xf32>
    %select_n3A_1802 = arith.select %gt3A_1801, %get3A_1796, %select_n3A_1790 : vector<16xi1>, vector<16xf32>
    %select_n3A_1803 = arith.select %gt3A_1800, %select_n3A_1793, %select_n3A_1802 : vector<16xi1>, vector<16xf32>
    %select_n3A_1804 = arith.select %gt3A_1801, %add3A_1799, %select_n3A_1792 : vector<16xi1>, vector<16xi32>
    %select_n3A_1805 = arith.select %gt3A_1800, %select_n3A_1794, %select_n3A_1804 : vector<16xi1>, vector<16xi32>
    %select_n3A_1806 = arith.select %gt3A_1800, %get3A_1796, %select_n3A_1793 : vector<16xi1>, vector<16xf32>
    %select_n3A_1807 = arith.select %gt3A_1800, %add3A_1799, %select_n3A_1794 : vector<16xi1>, vector<16xi32>
    %get3A_1808 = arith.constant 528 : index
    %get3A_1809 = tpu.vector_load %arg11[%get3A_1808] {strides = array<i32>} : memref<576xf32, #tpu.memory_space<vmem>>, vector<16xf32>,
    %add3A_1810 = arith.constant 528 : i32
    %add3A_1811 = vector.broadcast %add3A_1810 : i32 to vector<16xi32>
    %add3A_1812 = arith.addi %iota3A, %add3A_1811 : vector<16xi32>
    %gt3A_1813 = arith.cmpf ogt, %get3A_1809, %select_n3A_1806 : vector<16xf32>
    %gt3A_1814 = arith.cmpf ogt, %get3A_1809, %select_n3A_1803 : vector<16xf32>
    %select_n3A_1815 = arith.select %gt3A_1814, %get3A_1809, %select_n3A_1803 : vector<16xi1>, vector<16xf32>
    %select_n3A_1816 = arith.select %gt3A_1813, %select_n3A_1806, %select_n3A_1815 : vector<16xi1>, vector<16xf32>
    %select_n3A_1817 = arith.select %gt3A_1814, %add3A_1812, %select_n3A_1805 : vector<16xi1>, vector<16xi32>
    %select_n3A_1818 = arith.select %gt3A_1813, %select_n3A_1807, %select_n3A_1817 : vector<16xi1>, vector<16xi32>
    %select_n3A_1819 = arith.select %gt3A_1813, %get3A_1809, %select_n3A_1806 : vector<16xi1>, vector<16xf32>
    %select_n3A_1820 = arith.select %gt3A_1813, %add3A_1812, %select_n3A_1807 : vector<16xi1>, vector<16xi32>
    %get3A_1821 = arith.constant 544 : index
    %get3A_1822 = tpu.vector_load %arg11[%get3A_1821] {strides = array<i32>} : memref<576xf32, #tpu.memory_space<vmem>>, vector<16xf32>,
    %add3A_1823 = arith.constant 544 : i32
    %add3A_1824 = vector.broadcast %add3A_1823 : i32 to vector<16xi32>
    %add3A_1825 = arith.addi %iota3A, %add3A_1824 : vector<16xi32>
    %gt3A_1826 = arith.cmpf ogt, %get3A_1822, %select_n3A_1819 : vector<16xf32>
    %gt3A_1827 = arith.cmpf ogt, %get3A_1822, %select_n3A_1816 : vector<16xf32>
    %select_n3A_1828 = arith.select %gt3A_1827, %get3A_1822, %select_n3A_1816 : vector<16xi1>, vector<16xf32>
    %select_n3A_1829 = arith.select %gt3A_1826, %select_n3A_1819, %select_n3A_1828 : vector<16xi1>, vector<16xf32>
    %select_n3A_1830 = arith.select %gt3A_1827, %add3A_1825, %select_n3A_1818 : vector<16xi1>, vector<16xi32>
    %select_n3A_1831 = arith.select %gt3A_1826, %select_n3A_1820, %select_n3A_1830 : vector<16xi1>, vector<16xi32>
    %select_n3A_1832 = arith.select %gt3A_1826, %get3A_1822, %select_n3A_1819 : vector<16xi1>, vector<16xf32>
    %select_n3A_1833 = arith.select %gt3A_1826, %add3A_1825, %select_n3A_1820 : vector<16xi1>, vector<16xi32>
    %get3A_1834 = arith.constant 560 : index
    %get3A_1835 = tpu.vector_load %arg11[%get3A_1834] {strides = array<i32>} : memref<576xf32, #tpu.memory_space<vmem>>, vector<16xf32>,
    %add3A_1836 = arith.constant 560 : i32
    %add3A_1837 = vector.broadcast %add3A_1836 : i32 to vector<16xi32>
    %add3A_1838 = arith.addi %iota3A, %add3A_1837 : vector<16xi32>
    %gt3A_1839 = arith.cmpf ogt, %get3A_1835, %select_n3A_1832 : vector<16xf32>
    %gt3A_1840 = arith.cmpf ogt, %get3A_1835, %select_n3A_1829 : vector<16xf32>
    %select_n3A_1841 = arith.select %gt3A_1840, %get3A_1835, %select_n3A_1829 : vector<16xi1>, vector<16xf32>
    %select_n3A_1842 = arith.select %gt3A_1839, %select_n3A_1832, %select_n3A_1841 : vector<16xi1>, vector<16xf32>
    %select_n3A_1843 = arith.select %gt3A_1840, %add3A_1838, %select_n3A_1831 : vector<16xi1>, vector<16xi32>
    %select_n3A_1844 = arith.select %gt3A_1839, %select_n3A_1833, %select_n3A_1843 : vector<16xi1>, vector<16xi32>
    %select_n3A_1845 = arith.select %gt3A_1839, %get3A_1835, %select_n3A_1832 : vector<16xi1>, vector<16xf32>
    %select_n3A_1846 = arith.select %gt3A_1839, %add3A_1838, %select_n3A_1833 : vector<16xi1>, vector<16xi32>
    %broadcast_in_dim3A_1847 = arith.constant true
    %broadcast_in_dim3A_1848 = vector.broadcast %broadcast_in_dim3A_1847 : i1 to vector<16xi1>
    %masked_cummax3A_1849 = tpu.scan <max>, %select_n3A_1845 masked %broadcast_in_dim3A_1848 : vector<16xf32>, vector<16xi1> -> vector<16xf32>
    %slice3A_1850 = vector.extract_strided_slice %masked_cummax3A_1849 {offsets = [15], sizes = [1], strides = [1]} : vector<16xf32> to vector<1xf32>
    %squeeze3A_1851 = vector.extract %slice3A_1850[0] : f32 from vector<1xf32>
    %eq3A_1852 = vector.broadcast %squeeze3A_1851 : f32 to vector<16xf32>
    %eq3A_1853 = arith.cmpf oeq, %select_n3A_1845, %eq3A_1852 : vector<16xf32>
    %jit3A_1854 = arith.constant 576 : i32
    %broadcast_in_dim3A_1855 = vector.broadcast %jit3A_1854 : i32 to vector<16xi32>
    %select_n3A_1856 = arith.select %eq3A_1853, %select_n3A_1846, %broadcast_in_dim3A_1855 : vector<16xi1>, vector<16xi32>
    %neg3A_1857 = arith.constant 0 : i32
    %neg3A_1858 = vector.broadcast %neg3A_1857 : i32 to vector<16xi32>
    %neg3A_1859 = arith.subi %neg3A_1858, %select_n3A_1856 : vector<16xi32>
    %broadcast_in_dim3A_1860 = arith.constant true
    %broadcast_in_dim3A_1861 = vector.broadcast %broadcast_in_dim3A_1860 : i1 to vector<16xi1>
    %masked_cummax3A_1862 = arith.constant -2147483648 : i32
    %masked_cummax3A_1863 = vector.broadcast %masked_cummax3A_1862 : i32 to vector<16xi32>
    %masked_cummax3A_1864 = arith.xori %neg3A_1859, %masked_cummax3A_1863 : vector<16xi32>
    %masked_cummax3A_1865 = tpu.scan <max>, %masked_cummax3A_1864 masked %broadcast_in_dim3A_1861 : vector<16xi32>, vector<16xi1> -> vector<16xi32>
    %masked_cummax3A_1866 = arith.xori %masked_cummax3A_1865, %masked_cummax3A_1863 : vector<16xi32>
    %slice3A_1867 = vector.extract_strided_slice %masked_cummax3A_1866 {offsets = [15], sizes = [1], strides = [1]} : vector<16xi32> to vector<1xi32>
    %squeeze3A_1868 = vector.extract %slice3A_1867[0] : i32 from vector<1xi32>
    %neg3A_1869 = arith.constant 0 : i32
    %neg3A_1870 = arith.subi %neg3A_1869, %squeeze3A_1868 : i32
    %broadcast_in_dim3A_1871 = vector.broadcast %neg3A_1870 : i32 to vector<16xi32>
    %eq3A_1872 = arith.cmpi eq, %select_n3A_1846, %broadcast_in_dim3A_1871 : vector<16xi32>
    %select_n3A_1873 = arith.select %eq3A_1872, %select_n3A_1842, %select_n3A_1845 : vector<16xi1>, vector<16xf32>
    %select_n3A_1874 = arith.select %eq3A_1872, %select_n3A_1844, %select_n3A_1846 : vector<16xi1>, vector<16xi32>
    %broadcast_in_dim3A_1875 = arith.constant true
    %broadcast_in_dim3A_1876 = vector.broadcast %broadcast_in_dim3A_1875 : i1 to vector<16xi1>
    %masked_cummax3A_1877 = tpu.scan <max>, %select_n3A_1873 masked %broadcast_in_dim3A_1876 : vector<16xf32>, vector<16xi1> -> vector<16xf32>
    %slice3A_1878 = vector.extract_strided_slice %masked_cummax3A_1877 {offsets = [15], sizes = [1], strides = [1]} : vector<16xf32> to vector<1xf32>
    %squeeze3A_1879 = vector.extract %slice3A_1878[0] : f32 from vector<1xf32>
    %eq3A_1880 = vector.broadcast %squeeze3A_1879 : f32 to vector<16xf32>
    %eq3A_1881 = arith.cmpf oeq, %select_n3A_1873, %eq3A_1880 : vector<16xf32>
    %jit3A_1882 = arith.constant 576 : i32
    %broadcast_in_dim3A_1883 = vector.broadcast %jit3A_1882 : i32 to vector<16xi32>
    %select_n3A_1884 = arith.select %eq3A_1881, %select_n3A_1874, %broadcast_in_dim3A_1883 : vector<16xi1>, vector<16xi32>
    %neg3A_1885 = arith.constant 0 : i32
    %neg3A_1886 = vector.broadcast %neg3A_1885 : i32 to vector<16xi32>
    %neg3A_1887 = arith.subi %neg3A_1886, %select_n3A_1884 : vector<16xi32>
    %broadcast_in_dim3A_1888 = arith.constant true
    %broadcast_in_dim3A_1889 = vector.broadcast %broadcast_in_dim3A_1888 : i1 to vector<16xi1>
    %masked_cummax3A_1890 = arith.constant -2147483648 : i32
    %masked_cummax3A_1891 = vector.broadcast %masked_cummax3A_1890 : i32 to vector<16xi32>
    %masked_cummax3A_1892 = arith.xori %neg3A_1887, %masked_cummax3A_1891 : vector<16xi32>
    %masked_cummax3A_1893 = tpu.scan <max>, %masked_cummax3A_1892 masked %broadcast_in_dim3A_1889 : vector<16xi32>, vector<16xi1> -> vector<16xi32>
    %masked_cummax3A_1894 = arith.xori %masked_cummax3A_1893, %masked_cummax3A_1891 : vector<16xi32>
    %slice3A_1895 = vector.extract_strided_slice %masked_cummax3A_1894 {offsets = [15], sizes = [1], strides = [1]} : vector<16xi32> to vector<1xi32>
    %squeeze3A_1896 = vector.extract %slice3A_1895[0] : i32 from vector<1xi32>
    %neg3A_1897 = arith.constant 0 : i32
    %neg3A_1898 = arith.subi %neg3A_1897, %squeeze3A_1896 : i32
    %ne3A_1899 = arith.constant 0.000000e+00 : f32
    %ne3A_1900 = arith.cmpf one, %squeeze3A_1851, %ne3A_1899 : f32
    %convert_element_type3A_1901 = arith.extui %ne3A_1900 : i1 to i32
    %cond3A_1902 = arith.constant 0 : i32
    %cond3A_1903 = arith.cmpi ne, %convert_element_type3A_1901, %cond3A_1902 : i32
    scf.if %cond3A_1903 {
      %broadcast_in_dim3A_2605 = arith.constant 0 : i32
      %broadcast_in_dim3A_2606 = vector.broadcast %broadcast_in_dim3A_2605 : i32 to vector<16xi32>
      %broadcast_in_dim3A_2607 = vector.broadcast %neg3A_1870 : i32 to vector<16xi32>
      tpu.vector_store_idx %arg17[%broadcast_in_dim3A_2606], %broadcast_in_dim3A_2607 masked %eq3A_2 : memref<576xi32, #tpu.memory_space<vmem>>[vector<16xi32>], vector<16xi32>, vector<16xi1>
      %broadcast_in_dim3A_2608 = vector.broadcast %neg3A_1870 : i32 to vector<16xi32>
      %sub3A = arith.constant 1.000000e+03 : f32
      %sub3A_2609 = arith.constant 0.000000e+00 : f32
      %sub3A_2610 = arith.subf %sub3A, %sub3A_2609 : f32
      %broadcast_in_dim3A_2611 = vector.broadcast %sub3A_2610 : f32 to vector<16xf32>
      tpu.vector_store_idx %arg14[%broadcast_in_dim3A_2608], %broadcast_in_dim3A_2611 masked %eq3A_2 : memref<576xf32, #tpu.memory_space<vmem>>[vector<16xi32>], vector<16xf32>, vector<16xi1>
    } else {
    }
    %mul3A_1904 = arith.constant 576 : i32
    %mul3A_1905 = arith.muli %add3A_9, %mul3A_1904 : i32
    %add3A_1906 = arith.addi %mul3A_1905, %neg3A_1870 : i32
    %dma_start3A_1907 = arith.constant 0 : i32
    %dma_start3A_1908 = tpu.memref_slice %arg2[%add3A_1906, %dma_start3A_1907] : memref<55296x576xf32, #tpu.memory_space<hbm>> -> memref<1x576xf32, #tpu.memory_space<hbm>>
    %dma_start3A_1909 = tpu.memref_squeeze %dma_start3A_1908 : memref<1x576xf32, #tpu.memory_space<hbm>> -> memref<576xf32, #tpu.memory_space<hbm>>
    %dma_start3A_1910 = arith.constant 0 : i32
    %dma_start3A_1911 = tpu.memref_slice %arg2[%add3A_1906, %dma_start3A_1910] : memref<55296x576xf32, #tpu.memory_space<hbm>> -> memref<1x576xf32, #tpu.memory_space<hbm>>
    %dma_start3A_1912 = tpu.memref_squeeze %dma_start3A_1911 : memref<1x576xf32, #tpu.memory_space<hbm>> -> memref<576xf32, #tpu.memory_space<hbm>>
    tpu.enqueue_dma source(%dma_start3A_1912 : memref<576xf32, #tpu.memory_space<hbm>>) target(%arg20 : memref<576xf32, #tpu.memory_space<vmem>>) target_semaphore(%arg29 : memref<!tpu.dma_semaphore, #tpu.memory_space<semaphore_mem>>)
    %mul3A_1913 = arith.constant 576 : i32
    %mul3A_1914 = arith.muli %add3A_9, %mul3A_1913 : i32
    %add3A_1915 = arith.addi %mul3A_1914, %neg3A_1898 : i32
    %dma_start3A_1916 = arith.constant 0 : i32
    %dma_start3A_1917 = tpu.memref_slice %arg2[%add3A_1915, %dma_start3A_1916] : memref<55296x576xf32, #tpu.memory_space<hbm>> -> memref<1x576xf32, #tpu.memory_space<hbm>>
    %dma_start3A_1918 = tpu.memref_squeeze %dma_start3A_1917 : memref<1x576xf32, #tpu.memory_space<hbm>> -> memref<576xf32, #tpu.memory_space<hbm>>
    %dma_start3A_1919 = arith.constant 0 : i32
    %dma_start3A_1920 = tpu.memref_slice %arg2[%add3A_1915, %dma_start3A_1919] : memref<55296x576xf32, #tpu.memory_space<hbm>> -> memref<1x576xf32, #tpu.memory_space<hbm>>
    %dma_start3A_1921 = tpu.memref_squeeze %dma_start3A_1920 : memref<1x576xf32, #tpu.memory_space<hbm>> -> memref<576xf32, #tpu.memory_space<hbm>>
    tpu.enqueue_dma source(%dma_start3A_1921 : memref<576xf32, #tpu.memory_space<hbm>>) target(%arg23 : memref<576xf32, #tpu.memory_space<vmem>>) target_semaphore(%arg32 : memref<!tpu.dma_semaphore, #tpu.memory_space<semaphore_mem>>)
    %dma_wait3A_1922 = arith.constant 0 : i32
    %dma_wait3A_1923 = tpu.memref_slice %arg3[%add3A_11, %dma_wait3A_1922] : memref<96x576xf32, #tpu.memory_space<hbm>> -> memref<1x576xf32, #tpu.memory_space<hbm>>
    %dma_wait3A_1924 = tpu.memref_squeeze %dma_wait3A_1923 : memref<1x576xf32, #tpu.memory_space<hbm>> -> memref<576xf32, #tpu.memory_space<hbm>>
    %dma_wait3A_1925 = arith.constant 0 : i32
    %dma_wait3A_1926 = tpu.memref_slice %arg3[%add3A_11, %dma_wait3A_1925] : memref<96x576xf32, #tpu.memory_space<hbm>> -> memref<1x576xf32, #tpu.memory_space<hbm>>
    %dma_wait3A_1927 = tpu.memref_squeeze %dma_wait3A_1926 : memref<1x576xf32, #tpu.memory_space<hbm>> -> memref<576xf32, #tpu.memory_space<hbm>>
    tpu.wait_dma2 semaphore(%arg30 : memref<!tpu.dma_semaphore, #tpu.memory_space<semaphore_mem>>) src(%dma_wait3A_1927 : memref<576xf32, #tpu.memory_space<hbm>>) dst(%arg12 : memref<576xf32, #tpu.memory_space<vmem>>)
    %dma_wait3A_1928 = arith.constant 0 : i32
    %dma_wait3A_1929 = tpu.memref_slice %arg4[%add3A_11, %dma_wait3A_1928] : memref<96x16xf32, #tpu.memory_space<hbm>> -> memref<1x16xf32, #tpu.memory_space<hbm>>
    %dma_wait3A_1930 = tpu.memref_squeeze %dma_wait3A_1929 : memref<1x16xf32, #tpu.memory_space<hbm>> -> memref<16xf32, #tpu.memory_space<hbm>>
    %dma_wait3A_1931 = arith.constant 0 : i32
    %dma_wait3A_1932 = tpu.memref_slice %arg4[%add3A_11, %dma_wait3A_1931] : memref<96x16xf32, #tpu.memory_space<hbm>> -> memref<1x16xf32, #tpu.memory_space<hbm>>
    %dma_wait3A_1933 = tpu.memref_squeeze %dma_wait3A_1932 : memref<1x16xf32, #tpu.memory_space<hbm>> -> memref<16xf32, #tpu.memory_space<hbm>>
    tpu.wait_dma2 semaphore(%arg30 : memref<!tpu.dma_semaphore, #tpu.memory_space<semaphore_mem>>) src(%dma_wait3A_1933 : memref<16xf32, #tpu.memory_space<hbm>>) dst(%arg27 : memref<16xf32, #tpu.memory_space<vmem>>)
    %dma_wait3A_1934 = arith.constant 0 : i32
    %dma_wait3A_1935 = tpu.memref_slice %arg3[%add3A_11, %dma_wait3A_1934] : memref<96x576xf32, #tpu.memory_space<hbm>> -> memref<1x576xf32, #tpu.memory_space<hbm>>
    %dma_wait3A_1936 = tpu.memref_squeeze %dma_wait3A_1935 : memref<1x576xf32, #tpu.memory_space<hbm>> -> memref<576xf32, #tpu.memory_space<hbm>>
    %dma_wait3A_1937 = arith.constant 0 : i32
    %dma_wait3A_1938 = tpu.memref_slice %arg3[%add3A_11, %dma_wait3A_1937] : memref<96x576xf32, #tpu.memory_space<hbm>> -> memref<1x576xf32, #tpu.memory_space<hbm>>
    %dma_wait3A_1939 = tpu.memref_squeeze %dma_wait3A_1938 : memref<1x576xf32, #tpu.memory_space<hbm>> -> memref<576xf32, #tpu.memory_space<hbm>>
    tpu.wait_dma2 semaphore(%arg33 : memref<!tpu.dma_semaphore, #tpu.memory_space<semaphore_mem>>) src(%dma_wait3A_1939 : memref<576xf32, #tpu.memory_space<hbm>>) dst(%arg15 : memref<576xf32, #tpu.memory_space<vmem>>)
    %broadcast_in_dim3A_1940 = arith.constant 0 : i32
    %broadcast_in_dim3A_1941 = vector.broadcast %broadcast_in_dim3A_1940 : i32 to vector<16xi32>
    %broadcast_in_dim3A_1942 = arith.constant 0 : i32
    %broadcast_in_dim3A_1943 = vector.broadcast %broadcast_in_dim3A_1942 : i32 to vector<16xi32>
    %get3A_1944 = arith.constant 0 : index
    %get3A_1945 = tpu.vector_load %arg12[%get3A_1944] {strides = array<i32>} : memref<576xf32, #tpu.memory_space<vmem>>, vector<16xf32>,
    %add3A_1946 = arith.constant 0 : i32
    %add3A_1947 = vector.broadcast %add3A_1946 : i32 to vector<16xi32>
    %add3A_1948 = arith.addi %iota3A, %add3A_1947 : vector<16xi32>
    %get3A_1949 = arith.constant 16 : index
    %get3A_1950 = tpu.vector_load %arg12[%get3A_1949] {strides = array<i32>} : memref<576xf32, #tpu.memory_space<vmem>>, vector<16xf32>,
    %add3A_1951 = arith.constant 16 : i32
    %add3A_1952 = vector.broadcast %add3A_1951 : i32 to vector<16xi32>
    %add3A_1953 = arith.addi %iota3A, %add3A_1952 : vector<16xi32>
    %gt3A_1954 = arith.cmpf ogt, %get3A_1950, %get3A_1945 : vector<16xf32>
    %gt3A_1955 = arith.cmpf ogt, %get3A_1950, %broadcast_in_dim3A_5 : vector<16xf32>
    %select_n3A_1956 = arith.select %gt3A_1955, %get3A_1950, %broadcast_in_dim3A_5 : vector<16xi1>, vector<16xf32>
    %select_n3A_1957 = arith.select %gt3A_1954, %get3A_1945, %select_n3A_1956 : vector<16xi1>, vector<16xf32>
    %select_n3A_1958 = arith.select %gt3A_1955, %add3A_1953, %broadcast_in_dim3A_1943 : vector<16xi1>, vector<16xi32>
    %select_n3A_1959 = arith.select %gt3A_1954, %add3A_1948, %select_n3A_1958 : vector<16xi1>, vector<16xi32>
    %select_n3A_1960 = arith.select %gt3A_1954, %get3A_1950, %get3A_1945 : vector<16xi1>, vector<16xf32>
    %select_n3A_1961 = arith.select %gt3A_1954, %add3A_1953, %add3A_1948 : vector<16xi1>, vector<16xi32>
    %get3A_1962 = arith.constant 32 : index
    %get3A_1963 = tpu.vector_load %arg12[%get3A_1962] {strides = array<i32>} : memref<576xf32, #tpu.memory_space<vmem>>, vector<16xf32>,
    %add3A_1964 = arith.constant 32 : i32
    %add3A_1965 = vector.broadcast %add3A_1964 : i32 to vector<16xi32>
    %add3A_1966 = arith.addi %iota3A, %add3A_1965 : vector<16xi32>
    %gt3A_1967 = arith.cmpf ogt, %get3A_1963, %select_n3A_1960 : vector<16xf32>
    %gt3A_1968 = arith.cmpf ogt, %get3A_1963, %select_n3A_1957 : vector<16xf32>
    %select_n3A_1969 = arith.select %gt3A_1968, %get3A_1963, %select_n3A_1957 : vector<16xi1>, vector<16xf32>
    %select_n3A_1970 = arith.select %gt3A_1967, %select_n3A_1960, %select_n3A_1969 : vector<16xi1>, vector<16xf32>
    %select_n3A_1971 = arith.select %gt3A_1968, %add3A_1966, %select_n3A_1959 : vector<16xi1>, vector<16xi32>
    %select_n3A_1972 = arith.select %gt3A_1967, %select_n3A_1961, %select_n3A_1971 : vector<16xi1>, vector<16xi32>
    %select_n3A_1973 = arith.select %gt3A_1967, %get3A_1963, %select_n3A_1960 : vector<16xi1>, vector<16xf32>
    %select_n3A_1974 = arith.select %gt3A_1967, %add3A_1966, %select_n3A_1961 : vector<16xi1>, vector<16xi32>
    %get3A_1975 = arith.constant 48 : index
    %get3A_1976 = tpu.vector_load %arg12[%get3A_1975] {strides = array<i32>} : memref<576xf32, #tpu.memory_space<vmem>>, vector<16xf32>,
    %add3A_1977 = arith.constant 48 : i32
    %add3A_1978 = vector.broadcast %add3A_1977 : i32 to vector<16xi32>
    %add3A_1979 = arith.addi %iota3A, %add3A_1978 : vector<16xi32>
    %gt3A_1980 = arith.cmpf ogt, %get3A_1976, %select_n3A_1973 : vector<16xf32>
    %gt3A_1981 = arith.cmpf ogt, %get3A_1976, %select_n3A_1970 : vector<16xf32>
    %select_n3A_1982 = arith.select %gt3A_1981, %get3A_1976, %select_n3A_1970 : vector<16xi1>, vector<16xf32>
    %select_n3A_1983 = arith.select %gt3A_1980, %select_n3A_1973, %select_n3A_1982 : vector<16xi1>, vector<16xf32>
    %select_n3A_1984 = arith.select %gt3A_1981, %add3A_1979, %select_n3A_1972 : vector<16xi1>, vector<16xi32>
    %select_n3A_1985 = arith.select %gt3A_1980, %select_n3A_1974, %select_n3A_1984 : vector<16xi1>, vector<16xi32>
    %select_n3A_1986 = arith.select %gt3A_1980, %get3A_1976, %select_n3A_1973 : vector<16xi1>, vector<16xf32>
    %select_n3A_1987 = arith.select %gt3A_1980, %add3A_1979, %select_n3A_1974 : vector<16xi1>, vector<16xi32>
    %get3A_1988 = arith.constant 64 : index
    %get3A_1989 = tpu.vector_load %arg12[%get3A_1988] {strides = array<i32>} : memref<576xf32, #tpu.memory_space<vmem>>, vector<16xf32>,
    %add3A_1990 = arith.constant 64 : i32
    %add3A_1991 = vector.broadcast %add3A_1990 : i32 to vector<16xi32>
    %add3A_1992 = arith.addi %iota3A, %add3A_1991 : vector<16xi32>
    %gt3A_1993 = arith.cmpf ogt, %get3A_1989, %select_n3A_1986 : vector<16xf32>
    %gt3A_1994 = arith.cmpf ogt, %get3A_1989, %select_n3A_1983 : vector<16xf32>
    %select_n3A_1995 = arith.select %gt3A_1994, %get3A_1989, %select_n3A_1983 : vector<16xi1>, vector<16xf32>
    %select_n3A_1996 = arith.select %gt3A_1993, %select_n3A_1986, %select_n3A_1995 : vector<16xi1>, vector<16xf32>
    %select_n3A_1997 = arith.select %gt3A_1994, %add3A_1992, %select_n3A_1985 : vector<16xi1>, vector<16xi32>
    %select_n3A_1998 = arith.select %gt3A_1993, %select_n3A_1987, %select_n3A_1997 : vector<16xi1>, vector<16xi32>
    %select_n3A_1999 = arith.select %gt3A_1993, %get3A_1989, %select_n3A_1986 : vector<16xi1>, vector<16xf32>
    %select_n3A_2000 = arith.select %gt3A_1993, %add3A_1992, %select_n3A_1987 : vector<16xi1>, vector<16xi32>
    %get3A_2001 = arith.constant 80 : index
    %get3A_2002 = tpu.vector_load %arg12[%get3A_2001] {strides = array<i32>} : memref<576xf32, #tpu.memory_space<vmem>>, vector<16xf32>,
    %add3A_2003 = arith.constant 80 : i32
    %add3A_2004 = vector.broadcast %add3A_2003 : i32 to vector<16xi32>
    %add3A_2005 = arith.addi %iota3A, %add3A_2004 : vector<16xi32>
    %gt3A_2006 = arith.cmpf ogt, %get3A_2002, %select_n3A_1999 : vector<16xf32>
    %gt3A_2007 = arith.cmpf ogt, %get3A_2002, %select_n3A_1996 : vector<16xf32>
    %select_n3A_2008 = arith.select %gt3A_2007, %get3A_2002, %select_n3A_1996 : vector<16xi1>, vector<16xf32>
    %select_n3A_2009 = arith.select %gt3A_2006, %select_n3A_1999, %select_n3A_2008 : vector<16xi1>, vector<16xf32>
    %select_n3A_2010 = arith.select %gt3A_2007, %add3A_2005, %select_n3A_1998 : vector<16xi1>, vector<16xi32>
    %select_n3A_2011 = arith.select %gt3A_2006, %select_n3A_2000, %select_n3A_2010 : vector<16xi1>, vector<16xi32>
    %select_n3A_2012 = arith.select %gt3A_2006, %get3A_2002, %select_n3A_1999 : vector<16xi1>, vector<16xf32>
    %select_n3A_2013 = arith.select %gt3A_2006, %add3A_2005, %select_n3A_2000 : vector<16xi1>, vector<16xi32>
    %get3A_2014 = arith.constant 96 : index
    %get3A_2015 = tpu.vector_load %arg12[%get3A_2014] {strides = array<i32>} : memref<576xf32, #tpu.memory_space<vmem>>, vector<16xf32>,
    %add3A_2016 = arith.constant 96 : i32
    %add3A_2017 = vector.broadcast %add3A_2016 : i32 to vector<16xi32>
    %add3A_2018 = arith.addi %iota3A, %add3A_2017 : vector<16xi32>
    %gt3A_2019 = arith.cmpf ogt, %get3A_2015, %select_n3A_2012 : vector<16xf32>
    %gt3A_2020 = arith.cmpf ogt, %get3A_2015, %select_n3A_2009 : vector<16xf32>
    %select_n3A_2021 = arith.select %gt3A_2020, %get3A_2015, %select_n3A_2009 : vector<16xi1>, vector<16xf32>
    %select_n3A_2022 = arith.select %gt3A_2019, %select_n3A_2012, %select_n3A_2021 : vector<16xi1>, vector<16xf32>
    %select_n3A_2023 = arith.select %gt3A_2020, %add3A_2018, %select_n3A_2011 : vector<16xi1>, vector<16xi32>
    %select_n3A_2024 = arith.select %gt3A_2019, %select_n3A_2013, %select_n3A_2023 : vector<16xi1>, vector<16xi32>
    %select_n3A_2025 = arith.select %gt3A_2019, %get3A_2015, %select_n3A_2012 : vector<16xi1>, vector<16xf32>
    %select_n3A_2026 = arith.select %gt3A_2019, %add3A_2018, %select_n3A_2013 : vector<16xi1>, vector<16xi32>
    %get3A_2027 = arith.constant 112 : index
    %get3A_2028 = tpu.vector_load %arg12[%get3A_2027] {strides = array<i32>} : memref<576xf32, #tpu.memory_space<vmem>>, vector<16xf32>,
    %add3A_2029 = arith.constant 112 : i32
    %add3A_2030 = vector.broadcast %add3A_2029 : i32 to vector<16xi32>
    %add3A_2031 = arith.addi %iota3A, %add3A_2030 : vector<16xi32>
    %gt3A_2032 = arith.cmpf ogt, %get3A_2028, %select_n3A_2025 : vector<16xf32>
    %gt3A_2033 = arith.cmpf ogt, %get3A_2028, %select_n3A_2022 : vector<16xf32>
    %select_n3A_2034 = arith.select %gt3A_2033, %get3A_2028, %select_n3A_2022 : vector<16xi1>, vector<16xf32>
    %select_n3A_2035 = arith.select %gt3A_2032, %select_n3A_2025, %select_n3A_2034 : vector<16xi1>, vector<16xf32>
    %select_n3A_2036 = arith.select %gt3A_2033, %add3A_2031, %select_n3A_2024 : vector<16xi1>, vector<16xi32>
    %select_n3A_2037 = arith.select %gt3A_2032, %select_n3A_2026, %select_n3A_2036 : vector<16xi1>, vector<16xi32>
    %select_n3A_2038 = arith.select %gt3A_2032, %get3A_2028, %select_n3A_2025 : vector<16xi1>, vector<16xf32>
    %select_n3A_2039 = arith.select %gt3A_2032, %add3A_2031, %select_n3A_2026 : vector<16xi1>, vector<16xi32>
    %get3A_2040 = arith.constant 128 : index
    %get3A_2041 = tpu.vector_load %arg12[%get3A_2040] {strides = array<i32>} : memref<576xf32, #tpu.memory_space<vmem>>, vector<16xf32>,
    %add3A_2042 = arith.constant 128 : i32
    %add3A_2043 = vector.broadcast %add3A_2042 : i32 to vector<16xi32>
    %add3A_2044 = arith.addi %iota3A, %add3A_2043 : vector<16xi32>
    %gt3A_2045 = arith.cmpf ogt, %get3A_2041, %select_n3A_2038 : vector<16xf32>
    %gt3A_2046 = arith.cmpf ogt, %get3A_2041, %select_n3A_2035 : vector<16xf32>
    %select_n3A_2047 = arith.select %gt3A_2046, %get3A_2041, %select_n3A_2035 : vector<16xi1>, vector<16xf32>
    %select_n3A_2048 = arith.select %gt3A_2045, %select_n3A_2038, %select_n3A_2047 : vector<16xi1>, vector<16xf32>
    %select_n3A_2049 = arith.select %gt3A_2046, %add3A_2044, %select_n3A_2037 : vector<16xi1>, vector<16xi32>
    %select_n3A_2050 = arith.select %gt3A_2045, %select_n3A_2039, %select_n3A_2049 : vector<16xi1>, vector<16xi32>
    %select_n3A_2051 = arith.select %gt3A_2045, %get3A_2041, %select_n3A_2038 : vector<16xi1>, vector<16xf32>
    %select_n3A_2052 = arith.select %gt3A_2045, %add3A_2044, %select_n3A_2039 : vector<16xi1>, vector<16xi32>
    %get3A_2053 = arith.constant 144 : index
    %get3A_2054 = tpu.vector_load %arg12[%get3A_2053] {strides = array<i32>} : memref<576xf32, #tpu.memory_space<vmem>>, vector<16xf32>,
    %add3A_2055 = arith.constant 144 : i32
    %add3A_2056 = vector.broadcast %add3A_2055 : i32 to vector<16xi32>
    %add3A_2057 = arith.addi %iota3A, %add3A_2056 : vector<16xi32>
    %gt3A_2058 = arith.cmpf ogt, %get3A_2054, %select_n3A_2051 : vector<16xf32>
    %gt3A_2059 = arith.cmpf ogt, %get3A_2054, %select_n3A_2048 : vector<16xf32>
    %select_n3A_2060 = arith.select %gt3A_2059, %get3A_2054, %select_n3A_2048 : vector<16xi1>, vector<16xf32>
    %select_n3A_2061 = arith.select %gt3A_2058, %select_n3A_2051, %select_n3A_2060 : vector<16xi1>, vector<16xf32>
    %select_n3A_2062 = arith.select %gt3A_2059, %add3A_2057, %select_n3A_2050 : vector<16xi1>, vector<16xi32>
    %select_n3A_2063 = arith.select %gt3A_2058, %select_n3A_2052, %select_n3A_2062 : vector<16xi1>, vector<16xi32>
    %select_n3A_2064 = arith.select %gt3A_2058, %get3A_2054, %select_n3A_2051 : vector<16xi1>, vector<16xf32>
    %select_n3A_2065 = arith.select %gt3A_2058, %add3A_2057, %select_n3A_2052 : vector<16xi1>, vector<16xi32>
    %get3A_2066 = arith.constant 160 : index
    %get3A_2067 = tpu.vector_load %arg12[%get3A_2066] {strides = array<i32>} : memref<576xf32, #tpu.memory_space<vmem>>, vector<16xf32>,
    %add3A_2068 = arith.constant 160 : i32
    %add3A_2069 = vector.broadcast %add3A_2068 : i32 to vector<16xi32>
    %add3A_2070 = arith.addi %iota3A, %add3A_2069 : vector<16xi32>
    %gt3A_2071 = arith.cmpf ogt, %get3A_2067, %select_n3A_2064 : vector<16xf32>
    %gt3A_2072 = arith.cmpf ogt, %get3A_2067, %select_n3A_2061 : vector<16xf32>
    %select_n3A_2073 = arith.select %gt3A_2072, %get3A_2067, %select_n3A_2061 : vector<16xi1>, vector<16xf32>
    %select_n3A_2074 = arith.select %gt3A_2071, %select_n3A_2064, %select_n3A_2073 : vector<16xi1>, vector<16xf32>
    %select_n3A_2075 = arith.select %gt3A_2072, %add3A_2070, %select_n3A_2063 : vector<16xi1>, vector<16xi32>
    %select_n3A_2076 = arith.select %gt3A_2071, %select_n3A_2065, %select_n3A_2075 : vector<16xi1>, vector<16xi32>
    %select_n3A_2077 = arith.select %gt3A_2071, %get3A_2067, %select_n3A_2064 : vector<16xi1>, vector<16xf32>
    %select_n3A_2078 = arith.select %gt3A_2071, %add3A_2070, %select_n3A_2065 : vector<16xi1>, vector<16xi32>
    %get3A_2079 = arith.constant 176 : index
    %get3A_2080 = tpu.vector_load %arg12[%get3A_2079] {strides = array<i32>} : memref<576xf32, #tpu.memory_space<vmem>>, vector<16xf32>,
    %add3A_2081 = arith.constant 176 : i32
    %add3A_2082 = vector.broadcast %add3A_2081 : i32 to vector<16xi32>
    %add3A_2083 = arith.addi %iota3A, %add3A_2082 : vector<16xi32>
    %gt3A_2084 = arith.cmpf ogt, %get3A_2080, %select_n3A_2077 : vector<16xf32>
    %gt3A_2085 = arith.cmpf ogt, %get3A_2080, %select_n3A_2074 : vector<16xf32>
    %select_n3A_2086 = arith.select %gt3A_2085, %get3A_2080, %select_n3A_2074 : vector<16xi1>, vector<16xf32>
    %select_n3A_2087 = arith.select %gt3A_2084, %select_n3A_2077, %select_n3A_2086 : vector<16xi1>, vector<16xf32>
    %select_n3A_2088 = arith.select %gt3A_2085, %add3A_2083, %select_n3A_2076 : vector<16xi1>, vector<16xi32>
    %select_n3A_2089 = arith.select %gt3A_2084, %select_n3A_2078, %select_n3A_2088 : vector<16xi1>, vector<16xi32>
    %select_n3A_2090 = arith.select %gt3A_2084, %get3A_2080, %select_n3A_2077 : vector<16xi1>, vector<16xf32>
    %select_n3A_2091 = arith.select %gt3A_2084, %add3A_2083, %select_n3A_2078 : vector<16xi1>, vector<16xi32>
    %get3A_2092 = arith.constant 192 : index
    %get3A_2093 = tpu.vector_load %arg12[%get3A_2092] {strides = array<i32>} : memref<576xf32, #tpu.memory_space<vmem>>, vector<16xf32>,
    %add3A_2094 = arith.constant 192 : i32
    %add3A_2095 = vector.broadcast %add3A_2094 : i32 to vector<16xi32>
    %add3A_2096 = arith.addi %iota3A, %add3A_2095 : vector<16xi32>
    %gt3A_2097 = arith.cmpf ogt, %get3A_2093, %select_n3A_2090 : vector<16xf32>
    %gt3A_2098 = arith.cmpf ogt, %get3A_2093, %select_n3A_2087 : vector<16xf32>
    %select_n3A_2099 = arith.select %gt3A_2098, %get3A_2093, %select_n3A_2087 : vector<16xi1>, vector<16xf32>
    %select_n3A_2100 = arith.select %gt3A_2097, %select_n3A_2090, %select_n3A_2099 : vector<16xi1>, vector<16xf32>
    %select_n3A_2101 = arith.select %gt3A_2098, %add3A_2096, %select_n3A_2089 : vector<16xi1>, vector<16xi32>
    %select_n3A_2102 = arith.select %gt3A_2097, %select_n3A_2091, %select_n3A_2101 : vector<16xi1>, vector<16xi32>
    %select_n3A_2103 = arith.select %gt3A_2097, %get3A_2093, %select_n3A_2090 : vector<16xi1>, vector<16xf32>
    %select_n3A_2104 = arith.select %gt3A_2097, %add3A_2096, %select_n3A_2091 : vector<16xi1>, vector<16xi32>
    %get3A_2105 = arith.constant 208 : index
    %get3A_2106 = tpu.vector_load %arg12[%get3A_2105] {strides = array<i32>} : memref<576xf32, #tpu.memory_space<vmem>>, vector<16xf32>,
    %add3A_2107 = arith.constant 208 : i32
    %add3A_2108 = vector.broadcast %add3A_2107 : i32 to vector<16xi32>
    %add3A_2109 = arith.addi %iota3A, %add3A_2108 : vector<16xi32>
    %gt3A_2110 = arith.cmpf ogt, %get3A_2106, %select_n3A_2103 : vector<16xf32>
    %gt3A_2111 = arith.cmpf ogt, %get3A_2106, %select_n3A_2100 : vector<16xf32>
    %select_n3A_2112 = arith.select %gt3A_2111, %get3A_2106, %select_n3A_2100 : vector<16xi1>, vector<16xf32>
    %select_n3A_2113 = arith.select %gt3A_2110, %select_n3A_2103, %select_n3A_2112 : vector<16xi1>, vector<16xf32>
    %select_n3A_2114 = arith.select %gt3A_2111, %add3A_2109, %select_n3A_2102 : vector<16xi1>, vector<16xi32>
    %select_n3A_2115 = arith.select %gt3A_2110, %select_n3A_2104, %select_n3A_2114 : vector<16xi1>, vector<16xi32>
    %select_n3A_2116 = arith.select %gt3A_2110, %get3A_2106, %select_n3A_2103 : vector<16xi1>, vector<16xf32>
    %select_n3A_2117 = arith.select %gt3A_2110, %add3A_2109, %select_n3A_2104 : vector<16xi1>, vector<16xi32>
    %get3A_2118 = arith.constant 224 : index
    %get3A_2119 = tpu.vector_load %arg12[%get3A_2118] {strides = array<i32>} : memref<576xf32, #tpu.memory_space<vmem>>, vector<16xf32>,
    %add3A_2120 = arith.constant 224 : i32
    %add3A_2121 = vector.broadcast %add3A_2120 : i32 to vector<16xi32>
    %add3A_2122 = arith.addi %iota3A, %add3A_2121 : vector<16xi32>
    %gt3A_2123 = arith.cmpf ogt, %get3A_2119, %select_n3A_2116 : vector<16xf32>
    %gt3A_2124 = arith.cmpf ogt, %get3A_2119, %select_n3A_2113 : vector<16xf32>
    %select_n3A_2125 = arith.select %gt3A_2124, %get3A_2119, %select_n3A_2113 : vector<16xi1>, vector<16xf32>
    %select_n3A_2126 = arith.select %gt3A_2123, %select_n3A_2116, %select_n3A_2125 : vector<16xi1>, vector<16xf32>
    %select_n3A_2127 = arith.select %gt3A_2124, %add3A_2122, %select_n3A_2115 : vector<16xi1>, vector<16xi32>
    %select_n3A_2128 = arith.select %gt3A_2123, %select_n3A_2117, %select_n3A_2127 : vector<16xi1>, vector<16xi32>
    %select_n3A_2129 = arith.select %gt3A_2123, %get3A_2119, %select_n3A_2116 : vector<16xi1>, vector<16xf32>
    %select_n3A_2130 = arith.select %gt3A_2123, %add3A_2122, %select_n3A_2117 : vector<16xi1>, vector<16xi32>
    %get3A_2131 = arith.constant 240 : index
    %get3A_2132 = tpu.vector_load %arg12[%get3A_2131] {strides = array<i32>} : memref<576xf32, #tpu.memory_space<vmem>>, vector<16xf32>,
    %add3A_2133 = arith.constant 240 : i32
    %add3A_2134 = vector.broadcast %add3A_2133 : i32 to vector<16xi32>
    %add3A_2135 = arith.addi %iota3A, %add3A_2134 : vector<16xi32>
    %gt3A_2136 = arith.cmpf ogt, %get3A_2132, %select_n3A_2129 : vector<16xf32>
    %gt3A_2137 = arith.cmpf ogt, %get3A_2132, %select_n3A_2126 : vector<16xf32>
    %select_n3A_2138 = arith.select %gt3A_2137, %get3A_2132, %select_n3A_2126 : vector<16xi1>, vector<16xf32>
    %select_n3A_2139 = arith.select %gt3A_2136, %select_n3A_2129, %select_n3A_2138 : vector<16xi1>, vector<16xf32>
    %select_n3A_2140 = arith.select %gt3A_2137, %add3A_2135, %select_n3A_2128 : vector<16xi1>, vector<16xi32>
    %select_n3A_2141 = arith.select %gt3A_2136, %select_n3A_2130, %select_n3A_2140 : vector<16xi1>, vector<16xi32>
    %select_n3A_2142 = arith.select %gt3A_2136, %get3A_2132, %select_n3A_2129 : vector<16xi1>, vector<16xf32>
    %select_n3A_2143 = arith.select %gt3A_2136, %add3A_2135, %select_n3A_2130 : vector<16xi1>, vector<16xi32>
    %get3A_2144 = arith.constant 256 : index
    %get3A_2145 = tpu.vector_load %arg12[%get3A_2144] {strides = array<i32>} : memref<576xf32, #tpu.memory_space<vmem>>, vector<16xf32>,
    %add3A_2146 = arith.constant 256 : i32
    %add3A_2147 = vector.broadcast %add3A_2146 : i32 to vector<16xi32>
    %add3A_2148 = arith.addi %iota3A, %add3A_2147 : vector<16xi32>
    %gt3A_2149 = arith.cmpf ogt, %get3A_2145, %select_n3A_2142 : vector<16xf32>
    %gt3A_2150 = arith.cmpf ogt, %get3A_2145, %select_n3A_2139 : vector<16xf32>
    %select_n3A_2151 = arith.select %gt3A_2150, %get3A_2145, %select_n3A_2139 : vector<16xi1>, vector<16xf32>
    %select_n3A_2152 = arith.select %gt3A_2149, %select_n3A_2142, %select_n3A_2151 : vector<16xi1>, vector<16xf32>
    %select_n3A_2153 = arith.select %gt3A_2150, %add3A_2148, %select_n3A_2141 : vector<16xi1>, vector<16xi32>
    %select_n3A_2154 = arith.select %gt3A_2149, %select_n3A_2143, %select_n3A_2153 : vector<16xi1>, vector<16xi32>
    %select_n3A_2155 = arith.select %gt3A_2149, %get3A_2145, %select_n3A_2142 : vector<16xi1>, vector<16xf32>
    %select_n3A_2156 = arith.select %gt3A_2149, %add3A_2148, %select_n3A_2143 : vector<16xi1>, vector<16xi32>
    %get3A_2157 = arith.constant 272 : index
    %get3A_2158 = tpu.vector_load %arg12[%get3A_2157] {strides = array<i32>} : memref<576xf32, #tpu.memory_space<vmem>>, vector<16xf32>,
    %add3A_2159 = arith.constant 272 : i32
    %add3A_2160 = vector.broadcast %add3A_2159 : i32 to vector<16xi32>
    %add3A_2161 = arith.addi %iota3A, %add3A_2160 : vector<16xi32>
    %gt3A_2162 = arith.cmpf ogt, %get3A_2158, %select_n3A_2155 : vector<16xf32>
    %gt3A_2163 = arith.cmpf ogt, %get3A_2158, %select_n3A_2152 : vector<16xf32>
    %select_n3A_2164 = arith.select %gt3A_2163, %get3A_2158, %select_n3A_2152 : vector<16xi1>, vector<16xf32>
    %select_n3A_2165 = arith.select %gt3A_2162, %select_n3A_2155, %select_n3A_2164 : vector<16xi1>, vector<16xf32>
    %select_n3A_2166 = arith.select %gt3A_2163, %add3A_2161, %select_n3A_2154 : vector<16xi1>, vector<16xi32>
    %select_n3A_2167 = arith.select %gt3A_2162, %select_n3A_2156, %select_n3A_2166 : vector<16xi1>, vector<16xi32>
    %select_n3A_2168 = arith.select %gt3A_2162, %get3A_2158, %select_n3A_2155 : vector<16xi1>, vector<16xf32>
    %select_n3A_2169 = arith.select %gt3A_2162, %add3A_2161, %select_n3A_2156 : vector<16xi1>, vector<16xi32>
    %get3A_2170 = arith.constant 288 : index
    %get3A_2171 = tpu.vector_load %arg12[%get3A_2170] {strides = array<i32>} : memref<576xf32, #tpu.memory_space<vmem>>, vector<16xf32>,
    %add3A_2172 = arith.constant 288 : i32
    %add3A_2173 = vector.broadcast %add3A_2172 : i32 to vector<16xi32>
    %add3A_2174 = arith.addi %iota3A, %add3A_2173 : vector<16xi32>
    %gt3A_2175 = arith.cmpf ogt, %get3A_2171, %select_n3A_2168 : vector<16xf32>
    %gt3A_2176 = arith.cmpf ogt, %get3A_2171, %select_n3A_2165 : vector<16xf32>
    %select_n3A_2177 = arith.select %gt3A_2176, %get3A_2171, %select_n3A_2165 : vector<16xi1>, vector<16xf32>
    %select_n3A_2178 = arith.select %gt3A_2175, %select_n3A_2168, %select_n3A_2177 : vector<16xi1>, vector<16xf32>
    %select_n3A_2179 = arith.select %gt3A_2176, %add3A_2174, %select_n3A_2167 : vector<16xi1>, vector<16xi32>
    %select_n3A_2180 = arith.select %gt3A_2175, %select_n3A_2169, %select_n3A_2179 : vector<16xi1>, vector<16xi32>
    %select_n3A_2181 = arith.select %gt3A_2175, %get3A_2171, %select_n3A_2168 : vector<16xi1>, vector<16xf32>
    %select_n3A_2182 = arith.select %gt3A_2175, %add3A_2174, %select_n3A_2169 : vector<16xi1>, vector<16xi32>
    %get3A_2183 = arith.constant 304 : index
    %get3A_2184 = tpu.vector_load %arg12[%get3A_2183] {strides = array<i32>} : memref<576xf32, #tpu.memory_space<vmem>>, vector<16xf32>,
    %add3A_2185 = arith.constant 304 : i32
    %add3A_2186 = vector.broadcast %add3A_2185 : i32 to vector<16xi32>
    %add3A_2187 = arith.addi %iota3A, %add3A_2186 : vector<16xi32>
    %gt3A_2188 = arith.cmpf ogt, %get3A_2184, %select_n3A_2181 : vector<16xf32>
    %gt3A_2189 = arith.cmpf ogt, %get3A_2184, %select_n3A_2178 : vector<16xf32>
    %select_n3A_2190 = arith.select %gt3A_2189, %get3A_2184, %select_n3A_2178 : vector<16xi1>, vector<16xf32>
    %select_n3A_2191 = arith.select %gt3A_2188, %select_n3A_2181, %select_n3A_2190 : vector<16xi1>, vector<16xf32>
    %select_n3A_2192 = arith.select %gt3A_2189, %add3A_2187, %select_n3A_2180 : vector<16xi1>, vector<16xi32>
    %select_n3A_2193 = arith.select %gt3A_2188, %select_n3A_2182, %select_n3A_2192 : vector<16xi1>, vector<16xi32>
    %select_n3A_2194 = arith.select %gt3A_2188, %get3A_2184, %select_n3A_2181 : vector<16xi1>, vector<16xf32>
    %select_n3A_2195 = arith.select %gt3A_2188, %add3A_2187, %select_n3A_2182 : vector<16xi1>, vector<16xi32>
    %get3A_2196 = arith.constant 320 : index
    %get3A_2197 = tpu.vector_load %arg12[%get3A_2196] {strides = array<i32>} : memref<576xf32, #tpu.memory_space<vmem>>, vector<16xf32>,
    %add3A_2198 = arith.constant 320 : i32
    %add3A_2199 = vector.broadcast %add3A_2198 : i32 to vector<16xi32>
    %add3A_2200 = arith.addi %iota3A, %add3A_2199 : vector<16xi32>
    %gt3A_2201 = arith.cmpf ogt, %get3A_2197, %select_n3A_2194 : vector<16xf32>
    %gt3A_2202 = arith.cmpf ogt, %get3A_2197, %select_n3A_2191 : vector<16xf32>
    %select_n3A_2203 = arith.select %gt3A_2202, %get3A_2197, %select_n3A_2191 : vector<16xi1>, vector<16xf32>
    %select_n3A_2204 = arith.select %gt3A_2201, %select_n3A_2194, %select_n3A_2203 : vector<16xi1>, vector<16xf32>
    %select_n3A_2205 = arith.select %gt3A_2202, %add3A_2200, %select_n3A_2193 : vector<16xi1>, vector<16xi32>
    %select_n3A_2206 = arith.select %gt3A_2201, %select_n3A_2195, %select_n3A_2205 : vector<16xi1>, vector<16xi32>
    %select_n3A_2207 = arith.select %gt3A_2201, %get3A_2197, %select_n3A_2194 : vector<16xi1>, vector<16xf32>
    %select_n3A_2208 = arith.select %gt3A_2201, %add3A_2200, %select_n3A_2195 : vector<16xi1>, vector<16xi32>
    %get3A_2209 = arith.constant 336 : index
    %get3A_2210 = tpu.vector_load %arg12[%get3A_2209] {strides = array<i32>} : memref<576xf32, #tpu.memory_space<vmem>>, vector<16xf32>,
    %add3A_2211 = arith.constant 336 : i32
    %add3A_2212 = vector.broadcast %add3A_2211 : i32 to vector<16xi32>
    %add3A_2213 = arith.addi %iota3A, %add3A_2212 : vector<16xi32>
    %gt3A_2214 = arith.cmpf ogt, %get3A_2210, %select_n3A_2207 : vector<16xf32>
    %gt3A_2215 = arith.cmpf ogt, %get3A_2210, %select_n3A_2204 : vector<16xf32>
    %select_n3A_2216 = arith.select %gt3A_2215, %get3A_2210, %select_n3A_2204 : vector<16xi1>, vector<16xf32>
    %select_n3A_2217 = arith.select %gt3A_2214, %select_n3A_2207, %select_n3A_2216 : vector<16xi1>, vector<16xf32>
    %select_n3A_2218 = arith.select %gt3A_2215, %add3A_2213, %select_n3A_2206 : vector<16xi1>, vector<16xi32>
    %select_n3A_2219 = arith.select %gt3A_2214, %select_n3A_2208, %select_n3A_2218 : vector<16xi1>, vector<16xi32>
    %select_n3A_2220 = arith.select %gt3A_2214, %get3A_2210, %select_n3A_2207 : vector<16xi1>, vector<16xf32>
    %select_n3A_2221 = arith.select %gt3A_2214, %add3A_2213, %select_n3A_2208 : vector<16xi1>, vector<16xi32>
    %get3A_2222 = arith.constant 352 : index
    %get3A_2223 = tpu.vector_load %arg12[%get3A_2222] {strides = array<i32>} : memref<576xf32, #tpu.memory_space<vmem>>, vector<16xf32>,
    %add3A_2224 = arith.constant 352 : i32
    %add3A_2225 = vector.broadcast %add3A_2224 : i32 to vector<16xi32>
    %add3A_2226 = arith.addi %iota3A, %add3A_2225 : vector<16xi32>
    %gt3A_2227 = arith.cmpf ogt, %get3A_2223, %select_n3A_2220 : vector<16xf32>
    %gt3A_2228 = arith.cmpf ogt, %get3A_2223, %select_n3A_2217 : vector<16xf32>
    %select_n3A_2229 = arith.select %gt3A_2228, %get3A_2223, %select_n3A_2217 : vector<16xi1>, vector<16xf32>
    %select_n3A_2230 = arith.select %gt3A_2227, %select_n3A_2220, %select_n3A_2229 : vector<16xi1>, vector<16xf32>
    %select_n3A_2231 = arith.select %gt3A_2228, %add3A_2226, %select_n3A_2219 : vector<16xi1>, vector<16xi32>
    %select_n3A_2232 = arith.select %gt3A_2227, %select_n3A_2221, %select_n3A_2231 : vector<16xi1>, vector<16xi32>
    %select_n3A_2233 = arith.select %gt3A_2227, %get3A_2223, %select_n3A_2220 : vector<16xi1>, vector<16xf32>
    %select_n3A_2234 = arith.select %gt3A_2227, %add3A_2226, %select_n3A_2221 : vector<16xi1>, vector<16xi32>
    %get3A_2235 = arith.constant 368 : index
    %get3A_2236 = tpu.vector_load %arg12[%get3A_2235] {strides = array<i32>} : memref<576xf32, #tpu.memory_space<vmem>>, vector<16xf32>,
    %add3A_2237 = arith.constant 368 : i32
    %add3A_2238 = vector.broadcast %add3A_2237 : i32 to vector<16xi32>
    %add3A_2239 = arith.addi %iota3A, %add3A_2238 : vector<16xi32>
    %gt3A_2240 = arith.cmpf ogt, %get3A_2236, %select_n3A_2233 : vector<16xf32>
    %gt3A_2241 = arith.cmpf ogt, %get3A_2236, %select_n3A_2230 : vector<16xf32>
    %select_n3A_2242 = arith.select %gt3A_2241, %get3A_2236, %select_n3A_2230 : vector<16xi1>, vector<16xf32>
    %select_n3A_2243 = arith.select %gt3A_2240, %select_n3A_2233, %select_n3A_2242 : vector<16xi1>, vector<16xf32>
    %select_n3A_2244 = arith.select %gt3A_2241, %add3A_2239, %select_n3A_2232 : vector<16xi1>, vector<16xi32>
    %select_n3A_2245 = arith.select %gt3A_2240, %select_n3A_2234, %select_n3A_2244 : vector<16xi1>, vector<16xi32>
    %select_n3A_2246 = arith.select %gt3A_2240, %get3A_2236, %select_n3A_2233 : vector<16xi1>, vector<16xf32>
    %select_n3A_2247 = arith.select %gt3A_2240, %add3A_2239, %select_n3A_2234 : vector<16xi1>, vector<16xi32>
    %get3A_2248 = arith.constant 384 : index
    %get3A_2249 = tpu.vector_load %arg12[%get3A_2248] {strides = array<i32>} : memref<576xf32, #tpu.memory_space<vmem>>, vector<16xf32>,
    %add3A_2250 = arith.constant 384 : i32
    %add3A_2251 = vector.broadcast %add3A_2250 : i32 to vector<16xi32>
    %add3A_2252 = arith.addi %iota3A, %add3A_2251 : vector<16xi32>
    %gt3A_2253 = arith.cmpf ogt, %get3A_2249, %select_n3A_2246 : vector<16xf32>
    %gt3A_2254 = arith.cmpf ogt, %get3A_2249, %select_n3A_2243 : vector<16xf32>
    %select_n3A_2255 = arith.select %gt3A_2254, %get3A_2249, %select_n3A_2243 : vector<16xi1>, vector<16xf32>
    %select_n3A_2256 = arith.select %gt3A_2253, %select_n3A_2246, %select_n3A_2255 : vector<16xi1>, vector<16xf32>
    %select_n3A_2257 = arith.select %gt3A_2254, %add3A_2252, %select_n3A_2245 : vector<16xi1>, vector<16xi32>
    %select_n3A_2258 = arith.select %gt3A_2253, %select_n3A_2247, %select_n3A_2257 : vector<16xi1>, vector<16xi32>
    %select_n3A_2259 = arith.select %gt3A_2253, %get3A_2249, %select_n3A_2246 : vector<16xi1>, vector<16xf32>
    %select_n3A_2260 = arith.select %gt3A_2253, %add3A_2252, %select_n3A_2247 : vector<16xi1>, vector<16xi32>
    %get3A_2261 = arith.constant 400 : index
    %get3A_2262 = tpu.vector_load %arg12[%get3A_2261] {strides = array<i32>} : memref<576xf32, #tpu.memory_space<vmem>>, vector<16xf32>,
    %add3A_2263 = arith.constant 400 : i32
    %add3A_2264 = vector.broadcast %add3A_2263 : i32 to vector<16xi32>
    %add3A_2265 = arith.addi %iota3A, %add3A_2264 : vector<16xi32>
    %gt3A_2266 = arith.cmpf ogt, %get3A_2262, %select_n3A_2259 : vector<16xf32>
    %gt3A_2267 = arith.cmpf ogt, %get3A_2262, %select_n3A_2256 : vector<16xf32>
    %select_n3A_2268 = arith.select %gt3A_2267, %get3A_2262, %select_n3A_2256 : vector<16xi1>, vector<16xf32>
    %select_n3A_2269 = arith.select %gt3A_2266, %select_n3A_2259, %select_n3A_2268 : vector<16xi1>, vector<16xf32>
    %select_n3A_2270 = arith.select %gt3A_2267, %add3A_2265, %select_n3A_2258 : vector<16xi1>, vector<16xi32>
    %select_n3A_2271 = arith.select %gt3A_2266, %select_n3A_2260, %select_n3A_2270 : vector<16xi1>, vector<16xi32>
    %select_n3A_2272 = arith.select %gt3A_2266, %get3A_2262, %select_n3A_2259 : vector<16xi1>, vector<16xf32>
    %select_n3A_2273 = arith.select %gt3A_2266, %add3A_2265, %select_n3A_2260 : vector<16xi1>, vector<16xi32>
    %get3A_2274 = arith.constant 416 : index
    %get3A_2275 = tpu.vector_load %arg12[%get3A_2274] {strides = array<i32>} : memref<576xf32, #tpu.memory_space<vmem>>, vector<16xf32>,
    %add3A_2276 = arith.constant 416 : i32
    %add3A_2277 = vector.broadcast %add3A_2276 : i32 to vector<16xi32>
    %add3A_2278 = arith.addi %iota3A, %add3A_2277 : vector<16xi32>
    %gt3A_2279 = arith.cmpf ogt, %get3A_2275, %select_n3A_2272 : vector<16xf32>
    %gt3A_2280 = arith.cmpf ogt, %get3A_2275, %select_n3A_2269 : vector<16xf32>
    %select_n3A_2281 = arith.select %gt3A_2280, %get3A_2275, %select_n3A_2269 : vector<16xi1>, vector<16xf32>
    %select_n3A_2282 = arith.select %gt3A_2279, %select_n3A_2272, %select_n3A_2281 : vector<16xi1>, vector<16xf32>
    %select_n3A_2283 = arith.select %gt3A_2280, %add3A_2278, %select_n3A_2271 : vector<16xi1>, vector<16xi32>
    %select_n3A_2284 = arith.select %gt3A_2279, %select_n3A_2273, %select_n3A_2283 : vector<16xi1>, vector<16xi32>
    %select_n3A_2285 = arith.select %gt3A_2279, %get3A_2275, %select_n3A_2272 : vector<16xi1>, vector<16xf32>
    %select_n3A_2286 = arith.select %gt3A_2279, %add3A_2278, %select_n3A_2273 : vector<16xi1>, vector<16xi32>
    %get3A_2287 = arith.constant 432 : index
    %get3A_2288 = tpu.vector_load %arg12[%get3A_2287] {strides = array<i32>} : memref<576xf32, #tpu.memory_space<vmem>>, vector<16xf32>,
    %add3A_2289 = arith.constant 432 : i32
    %add3A_2290 = vector.broadcast %add3A_2289 : i32 to vector<16xi32>
    %add3A_2291 = arith.addi %iota3A, %add3A_2290 : vector<16xi32>
    %gt3A_2292 = arith.cmpf ogt, %get3A_2288, %select_n3A_2285 : vector<16xf32>
    %gt3A_2293 = arith.cmpf ogt, %get3A_2288, %select_n3A_2282 : vector<16xf32>
    %select_n3A_2294 = arith.select %gt3A_2293, %get3A_2288, %select_n3A_2282 : vector<16xi1>, vector<16xf32>
    %select_n3A_2295 = arith.select %gt3A_2292, %select_n3A_2285, %select_n3A_2294 : vector<16xi1>, vector<16xf32>
    %select_n3A_2296 = arith.select %gt3A_2293, %add3A_2291, %select_n3A_2284 : vector<16xi1>, vector<16xi32>
    %select_n3A_2297 = arith.select %gt3A_2292, %select_n3A_2286, %select_n3A_2296 : vector<16xi1>, vector<16xi32>
    %select_n3A_2298 = arith.select %gt3A_2292, %get3A_2288, %select_n3A_2285 : vector<16xi1>, vector<16xf32>
    %select_n3A_2299 = arith.select %gt3A_2292, %add3A_2291, %select_n3A_2286 : vector<16xi1>, vector<16xi32>
    %get3A_2300 = arith.constant 448 : index
    %get3A_2301 = tpu.vector_load %arg12[%get3A_2300] {strides = array<i32>} : memref<576xf32, #tpu.memory_space<vmem>>, vector<16xf32>,
    %add3A_2302 = arith.constant 448 : i32
    %add3A_2303 = vector.broadcast %add3A_2302 : i32 to vector<16xi32>
    %add3A_2304 = arith.addi %iota3A, %add3A_2303 : vector<16xi32>
    %gt3A_2305 = arith.cmpf ogt, %get3A_2301, %select_n3A_2298 : vector<16xf32>
    %gt3A_2306 = arith.cmpf ogt, %get3A_2301, %select_n3A_2295 : vector<16xf32>
    %select_n3A_2307 = arith.select %gt3A_2306, %get3A_2301, %select_n3A_2295 : vector<16xi1>, vector<16xf32>
    %select_n3A_2308 = arith.select %gt3A_2305, %select_n3A_2298, %select_n3A_2307 : vector<16xi1>, vector<16xf32>
    %select_n3A_2309 = arith.select %gt3A_2306, %add3A_2304, %select_n3A_2297 : vector<16xi1>, vector<16xi32>
    %select_n3A_2310 = arith.select %gt3A_2305, %select_n3A_2299, %select_n3A_2309 : vector<16xi1>, vector<16xi32>
    %select_n3A_2311 = arith.select %gt3A_2305, %get3A_2301, %select_n3A_2298 : vector<16xi1>, vector<16xf32>
    %select_n3A_2312 = arith.select %gt3A_2305, %add3A_2304, %select_n3A_2299 : vector<16xi1>, vector<16xi32>
    %get3A_2313 = arith.constant 464 : index
    %get3A_2314 = tpu.vector_load %arg12[%get3A_2313] {strides = array<i32>} : memref<576xf32, #tpu.memory_space<vmem>>, vector<16xf32>,
    %add3A_2315 = arith.constant 464 : i32
    %add3A_2316 = vector.broadcast %add3A_2315 : i32 to vector<16xi32>
    %add3A_2317 = arith.addi %iota3A, %add3A_2316 : vector<16xi32>
    %gt3A_2318 = arith.cmpf ogt, %get3A_2314, %select_n3A_2311 : vector<16xf32>
    %gt3A_2319 = arith.cmpf ogt, %get3A_2314, %select_n3A_2308 : vector<16xf32>
    %select_n3A_2320 = arith.select %gt3A_2319, %get3A_2314, %select_n3A_2308 : vector<16xi1>, vector<16xf32>
    %select_n3A_2321 = arith.select %gt3A_2318, %select_n3A_2311, %select_n3A_2320 : vector<16xi1>, vector<16xf32>
    %select_n3A_2322 = arith.select %gt3A_2319, %add3A_2317, %select_n3A_2310 : vector<16xi1>, vector<16xi32>
    %select_n3A_2323 = arith.select %gt3A_2318, %select_n3A_2312, %select_n3A_2322 : vector<16xi1>, vector<16xi32>
    %select_n3A_2324 = arith.select %gt3A_2318, %get3A_2314, %select_n3A_2311 : vector<16xi1>, vector<16xf32>
    %select_n3A_2325 = arith.select %gt3A_2318, %add3A_2317, %select_n3A_2312 : vector<16xi1>, vector<16xi32>
    %get3A_2326 = arith.constant 480 : index
    %get3A_2327 = tpu.vector_load %arg12[%get3A_2326] {strides = array<i32>} : memref<576xf32, #tpu.memory_space<vmem>>, vector<16xf32>,
    %add3A_2328 = arith.constant 480 : i32
    %add3A_2329 = vector.broadcast %add3A_2328 : i32 to vector<16xi32>
    %add3A_2330 = arith.addi %iota3A, %add3A_2329 : vector<16xi32>
    %gt3A_2331 = arith.cmpf ogt, %get3A_2327, %select_n3A_2324 : vector<16xf32>
    %gt3A_2332 = arith.cmpf ogt, %get3A_2327, %select_n3A_2321 : vector<16xf32>
    %select_n3A_2333 = arith.select %gt3A_2332, %get3A_2327, %select_n3A_2321 : vector<16xi1>, vector<16xf32>
    %select_n3A_2334 = arith.select %gt3A_2331, %select_n3A_2324, %select_n3A_2333 : vector<16xi1>, vector<16xf32>
    %select_n3A_2335 = arith.select %gt3A_2332, %add3A_2330, %select_n3A_2323 : vector<16xi1>, vector<16xi32>
    %select_n3A_2336 = arith.select %gt3A_2331, %select_n3A_2325, %select_n3A_2335 : vector<16xi1>, vector<16xi32>
    %select_n3A_2337 = arith.select %gt3A_2331, %get3A_2327, %select_n3A_2324 : vector<16xi1>, vector<16xf32>
    %select_n3A_2338 = arith.select %gt3A_2331, %add3A_2330, %select_n3A_2325 : vector<16xi1>, vector<16xi32>
    %get3A_2339 = arith.constant 496 : index
    %get3A_2340 = tpu.vector_load %arg12[%get3A_2339] {strides = array<i32>} : memref<576xf32, #tpu.memory_space<vmem>>, vector<16xf32>,
    %add3A_2341 = arith.constant 496 : i32
    %add3A_2342 = vector.broadcast %add3A_2341 : i32 to vector<16xi32>
    %add3A_2343 = arith.addi %iota3A, %add3A_2342 : vector<16xi32>
    %gt3A_2344 = arith.cmpf ogt, %get3A_2340, %select_n3A_2337 : vector<16xf32>
    %gt3A_2345 = arith.cmpf ogt, %get3A_2340, %select_n3A_2334 : vector<16xf32>
    %select_n3A_2346 = arith.select %gt3A_2345, %get3A_2340, %select_n3A_2334 : vector<16xi1>, vector<16xf32>
    %select_n3A_2347 = arith.select %gt3A_2344, %select_n3A_2337, %select_n3A_2346 : vector<16xi1>, vector<16xf32>
    %select_n3A_2348 = arith.select %gt3A_2345, %add3A_2343, %select_n3A_2336 : vector<16xi1>, vector<16xi32>
    %select_n3A_2349 = arith.select %gt3A_2344, %select_n3A_2338, %select_n3A_2348 : vector<16xi1>, vector<16xi32>
    %select_n3A_2350 = arith.select %gt3A_2344, %get3A_2340, %select_n3A_2337 : vector<16xi1>, vector<16xf32>
    %select_n3A_2351 = arith.select %gt3A_2344, %add3A_2343, %select_n3A_2338 : vector<16xi1>, vector<16xi32>
    %get3A_2352 = arith.constant 512 : index
    %get3A_2353 = tpu.vector_load %arg12[%get3A_2352] {strides = array<i32>} : memref<576xf32, #tpu.memory_space<vmem>>, vector<16xf32>,
    %add3A_2354 = arith.constant 512 : i32
    %add3A_2355 = vector.broadcast %add3A_2354 : i32 to vector<16xi32>
    %add3A_2356 = arith.addi %iota3A, %add3A_2355 : vector<16xi32>
    %gt3A_2357 = arith.cmpf ogt, %get3A_2353, %select_n3A_2350 : vector<16xf32>
    %gt3A_2358 = arith.cmpf ogt, %get3A_2353, %select_n3A_2347 : vector<16xf32>
    %select_n3A_2359 = arith.select %gt3A_2358, %get3A_2353, %select_n3A_2347 : vector<16xi1>, vector<16xf32>
    %select_n3A_2360 = arith.select %gt3A_2357, %select_n3A_2350, %select_n3A_2359 : vector<16xi1>, vector<16xf32>
    %select_n3A_2361 = arith.select %gt3A_2358, %add3A_2356, %select_n3A_2349 : vector<16xi1>, vector<16xi32>
    %select_n3A_2362 = arith.select %gt3A_2357, %select_n3A_2351, %select_n3A_2361 : vector<16xi1>, vector<16xi32>
    %select_n3A_2363 = arith.select %gt3A_2357, %get3A_2353, %select_n3A_2350 : vector<16xi1>, vector<16xf32>
    %select_n3A_2364 = arith.select %gt3A_2357, %add3A_2356, %select_n3A_2351 : vector<16xi1>, vector<16xi32>
    %get3A_2365 = arith.constant 528 : index
    %get3A_2366 = tpu.vector_load %arg12[%get3A_2365] {strides = array<i32>} : memref<576xf32, #tpu.memory_space<vmem>>, vector<16xf32>,
    %add3A_2367 = arith.constant 528 : i32
    %add3A_2368 = vector.broadcast %add3A_2367 : i32 to vector<16xi32>
    %add3A_2369 = arith.addi %iota3A, %add3A_2368 : vector<16xi32>
    %gt3A_2370 = arith.cmpf ogt, %get3A_2366, %select_n3A_2363 : vector<16xf32>
    %gt3A_2371 = arith.cmpf ogt, %get3A_2366, %select_n3A_2360 : vector<16xf32>
    %select_n3A_2372 = arith.select %gt3A_2371, %get3A_2366, %select_n3A_2360 : vector<16xi1>, vector<16xf32>
    %select_n3A_2373 = arith.select %gt3A_2370, %select_n3A_2363, %select_n3A_2372 : vector<16xi1>, vector<16xf32>
    %select_n3A_2374 = arith.select %gt3A_2371, %add3A_2369, %select_n3A_2362 : vector<16xi1>, vector<16xi32>
    %select_n3A_2375 = arith.select %gt3A_2370, %select_n3A_2364, %select_n3A_2374 : vector<16xi1>, vector<16xi32>
    %select_n3A_2376 = arith.select %gt3A_2370, %get3A_2366, %select_n3A_2363 : vector<16xi1>, vector<16xf32>
    %select_n3A_2377 = arith.select %gt3A_2370, %add3A_2369, %select_n3A_2364 : vector<16xi1>, vector<16xi32>
    %get3A_2378 = arith.constant 544 : index
    %get3A_2379 = tpu.vector_load %arg12[%get3A_2378] {strides = array<i32>} : memref<576xf32, #tpu.memory_space<vmem>>, vector<16xf32>,
    %add3A_2380 = arith.constant 544 : i32
    %add3A_2381 = vector.broadcast %add3A_2380 : i32 to vector<16xi32>
    %add3A_2382 = arith.addi %iota3A, %add3A_2381 : vector<16xi32>
    %gt3A_2383 = arith.cmpf ogt, %get3A_2379, %select_n3A_2376 : vector<16xf32>
    %gt3A_2384 = arith.cmpf ogt, %get3A_2379, %select_n3A_2373 : vector<16xf32>
    %select_n3A_2385 = arith.select %gt3A_2384, %get3A_2379, %select_n3A_2373 : vector<16xi1>, vector<16xf32>
    %select_n3A_2386 = arith.select %gt3A_2383, %select_n3A_2376, %select_n3A_2385 : vector<16xi1>, vector<16xf32>
    %select_n3A_2387 = arith.select %gt3A_2384, %add3A_2382, %select_n3A_2375 : vector<16xi1>, vector<16xi32>
    %select_n3A_2388 = arith.select %gt3A_2383, %select_n3A_2377, %select_n3A_2387 : vector<16xi1>, vector<16xi32>
    %select_n3A_2389 = arith.select %gt3A_2383, %get3A_2379, %select_n3A_2376 : vector<16xi1>, vector<16xf32>
    %select_n3A_2390 = arith.select %gt3A_2383, %add3A_2382, %select_n3A_2377 : vector<16xi1>, vector<16xi32>
    %get3A_2391 = arith.constant 560 : index
    %get3A_2392 = tpu.vector_load %arg12[%get3A_2391] {strides = array<i32>} : memref<576xf32, #tpu.memory_space<vmem>>, vector<16xf32>,
    %add3A_2393 = arith.constant 560 : i32
    %add3A_2394 = vector.broadcast %add3A_2393 : i32 to vector<16xi32>
    %add3A_2395 = arith.addi %iota3A, %add3A_2394 : vector<16xi32>
    %gt3A_2396 = arith.cmpf ogt, %get3A_2392, %select_n3A_2389 : vector<16xf32>
    %gt3A_2397 = arith.cmpf ogt, %get3A_2392, %select_n3A_2386 : vector<16xf32>
    %select_n3A_2398 = arith.select %gt3A_2397, %get3A_2392, %select_n3A_2386 : vector<16xi1>, vector<16xf32>
    %select_n3A_2399 = arith.select %gt3A_2396, %select_n3A_2389, %select_n3A_2398 : vector<16xi1>, vector<16xf32>
    %select_n3A_2400 = arith.select %gt3A_2397, %add3A_2395, %select_n3A_2388 : vector<16xi1>, vector<16xi32>
    %select_n3A_2401 = arith.select %gt3A_2396, %select_n3A_2390, %select_n3A_2400 : vector<16xi1>, vector<16xi32>
    %select_n3A_2402 = arith.select %gt3A_2396, %get3A_2392, %select_n3A_2389 : vector<16xi1>, vector<16xf32>
    %select_n3A_2403 = arith.select %gt3A_2396, %add3A_2395, %select_n3A_2390 : vector<16xi1>, vector<16xi32>
    %broadcast_in_dim3A_2404 = arith.constant true
    %broadcast_in_dim3A_2405 = vector.broadcast %broadcast_in_dim3A_2404 : i1 to vector<16xi1>
    %masked_cummax3A_2406 = tpu.scan <max>, %select_n3A_2402 masked %broadcast_in_dim3A_2405 : vector<16xf32>, vector<16xi1> -> vector<16xf32>
    %slice3A_2407 = vector.extract_strided_slice %masked_cummax3A_2406 {offsets = [15], sizes = [1], strides = [1]} : vector<16xf32> to vector<1xf32>
    %squeeze3A_2408 = vector.extract %slice3A_2407[0] : f32 from vector<1xf32>
    %eq3A_2409 = vector.broadcast %squeeze3A_2408 : f32 to vector<16xf32>
    %eq3A_2410 = arith.cmpf oeq, %select_n3A_2402, %eq3A_2409 : vector<16xf32>
    %jit3A_2411 = arith.constant 576 : i32
    %broadcast_in_dim3A_2412 = vector.broadcast %jit3A_2411 : i32 to vector<16xi32>
    %select_n3A_2413 = arith.select %eq3A_2410, %select_n3A_2403, %broadcast_in_dim3A_2412 : vector<16xi1>, vector<16xi32>
    %neg3A_2414 = arith.constant 0 : i32
    %neg3A_2415 = vector.broadcast %neg3A_2414 : i32 to vector<16xi32>
    %neg3A_2416 = arith.subi %neg3A_2415, %select_n3A_2413 : vector<16xi32>
    %broadcast_in_dim3A_2417 = arith.constant true
    %broadcast_in_dim3A_2418 = vector.broadcast %broadcast_in_dim3A_2417 : i1 to vector<16xi1>
    %masked_cummax3A_2419 = arith.constant -2147483648 : i32
    %masked_cummax3A_2420 = vector.broadcast %masked_cummax3A_2419 : i32 to vector<16xi32>
    %masked_cummax3A_2421 = arith.xori %neg3A_2416, %masked_cummax3A_2420 : vector<16xi32>
    %masked_cummax3A_2422 = tpu.scan <max>, %masked_cummax3A_2421 masked %broadcast_in_dim3A_2418 : vector<16xi32>, vector<16xi1> -> vector<16xi32>
    %masked_cummax3A_2423 = arith.xori %masked_cummax3A_2422, %masked_cummax3A_2420 : vector<16xi32>
    %slice3A_2424 = vector.extract_strided_slice %masked_cummax3A_2423 {offsets = [15], sizes = [1], strides = [1]} : vector<16xi32> to vector<1xi32>
    %squeeze3A_2425 = vector.extract %slice3A_2424[0] : i32 from vector<1xi32>
    %neg3A_2426 = arith.constant 0 : i32
    %neg3A_2427 = arith.subi %neg3A_2426, %squeeze3A_2425 : i32
    %broadcast_in_dim3A_2428 = vector.broadcast %neg3A_2427 : i32 to vector<16xi32>
    %eq3A_2429 = arith.cmpi eq, %select_n3A_2403, %broadcast_in_dim3A_2428 : vector<16xi32>
    %select_n3A_2430 = arith.select %eq3A_2429, %select_n3A_2399, %select_n3A_2402 : vector<16xi1>, vector<16xf32>
    %select_n3A_2431 = arith.select %eq3A_2429, %select_n3A_2401, %select_n3A_2403 : vector<16xi1>, vector<16xi32>
    %broadcast_in_dim3A_2432 = arith.constant true
    %broadcast_in_dim3A_2433 = vector.broadcast %broadcast_in_dim3A_2432 : i1 to vector<16xi1>
    %masked_cummax3A_2434 = tpu.scan <max>, %select_n3A_2430 masked %broadcast_in_dim3A_2433 : vector<16xf32>, vector<16xi1> -> vector<16xf32>
    %slice3A_2435 = vector.extract_strided_slice %masked_cummax3A_2434 {offsets = [15], sizes = [1], strides = [1]} : vector<16xf32> to vector<1xf32>
    %squeeze3A_2436 = vector.extract %slice3A_2435[0] : f32 from vector<1xf32>
    %eq3A_2437 = vector.broadcast %squeeze3A_2436 : f32 to vector<16xf32>
    %eq3A_2438 = arith.cmpf oeq, %select_n3A_2430, %eq3A_2437 : vector<16xf32>
    %jit3A_2439 = arith.constant 576 : i32
    %broadcast_in_dim3A_2440 = vector.broadcast %jit3A_2439 : i32 to vector<16xi32>
    %select_n3A_2441 = arith.select %eq3A_2438, %select_n3A_2431, %broadcast_in_dim3A_2440 : vector<16xi1>, vector<16xi32>
    %neg3A_2442 = arith.constant 0 : i32
    %neg3A_2443 = vector.broadcast %neg3A_2442 : i32 to vector<16xi32>
    %neg3A_2444 = arith.subi %neg3A_2443, %select_n3A_2441 : vector<16xi32>
    %broadcast_in_dim3A_2445 = arith.constant true
    %broadcast_in_dim3A_2446 = vector.broadcast %broadcast_in_dim3A_2445 : i1 to vector<16xi1>
    %masked_cummax3A_2447 = arith.constant -2147483648 : i32
    %masked_cummax3A_2448 = vector.broadcast %masked_cummax3A_2447 : i32 to vector<16xi32>
    %masked_cummax3A_2449 = arith.xori %neg3A_2444, %masked_cummax3A_2448 : vector<16xi32>
    %masked_cummax3A_2450 = tpu.scan <max>, %masked_cummax3A_2449 masked %broadcast_in_dim3A_2446 : vector<16xi32>, vector<16xi1> -> vector<16xi32>
    %masked_cummax3A_2451 = arith.xori %masked_cummax3A_2450, %masked_cummax3A_2448 : vector<16xi32>
    %slice3A_2452 = vector.extract_strided_slice %masked_cummax3A_2451 {offsets = [15], sizes = [1], strides = [1]} : vector<16xi32> to vector<1xi32>
    %squeeze3A_2453 = vector.extract %slice3A_2452[0] : i32 from vector<1xi32>
    %neg3A_2454 = arith.constant 0 : i32
    %neg3A_2455 = arith.subi %neg3A_2454, %squeeze3A_2453 : i32
    %ne3A_2456 = arith.constant 0.000000e+00 : f32
    %ne3A_2457 = arith.cmpf one, %squeeze3A_2408, %ne3A_2456 : f32
    %convert_element_type3A_2458 = arith.extui %ne3A_2457 : i1 to i32
    %cond3A_2459 = arith.constant 0 : i32
    %cond3A_2460 = arith.cmpi ne, %convert_element_type3A_2458, %cond3A_2459 : i32
    scf.if %cond3A_2460 {
      %broadcast_in_dim3A_2605 = arith.constant 0 : i32
      %broadcast_in_dim3A_2606 = vector.broadcast %broadcast_in_dim3A_2605 : i32 to vector<16xi32>
      %broadcast_in_dim3A_2607 = vector.broadcast %neg3A_2427 : i32 to vector<16xi32>
      tpu.vector_store_idx %arg18[%broadcast_in_dim3A_2606], %broadcast_in_dim3A_2607 masked %eq3A_2 : memref<576xi32, #tpu.memory_space<vmem>>[vector<16xi32>], vector<16xi32>, vector<16xi1>
      %broadcast_in_dim3A_2608 = vector.broadcast %neg3A_2427 : i32 to vector<16xi32>
      %sub3A = arith.constant 1.000000e+03 : f32
      %sub3A_2609 = arith.constant 0.000000e+00 : f32
      %sub3A_2610 = arith.subf %sub3A, %sub3A_2609 : f32
      %broadcast_in_dim3A_2611 = vector.broadcast %sub3A_2610 : f32 to vector<16xf32>
      tpu.vector_store_idx %arg15[%broadcast_in_dim3A_2608], %broadcast_in_dim3A_2611 masked %eq3A_2 : memref<576xf32, #tpu.memory_space<vmem>>[vector<16xi32>], vector<16xf32>, vector<16xi1>
    } else {
    }
    %mul3A_2461 = arith.constant 576 : i32
    %mul3A_2462 = arith.muli %add3A_11, %mul3A_2461 : i32
    %add3A_2463 = arith.addi %mul3A_2462, %neg3A_2427 : i32
    %dma_start3A_2464 = arith.constant 0 : i32
    %dma_start3A_2465 = tpu.memref_slice %arg2[%add3A_2463, %dma_start3A_2464] : memref<55296x576xf32, #tpu.memory_space<hbm>> -> memref<1x576xf32, #tpu.memory_space<hbm>>
    %dma_start3A_2466 = tpu.memref_squeeze %dma_start3A_2465 : memref<1x576xf32, #tpu.memory_space<hbm>> -> memref<576xf32, #tpu.memory_space<hbm>>
    %dma_start3A_2467 = arith.constant 0 : i32
    %dma_start3A_2468 = tpu.memref_slice %arg2[%add3A_2463, %dma_start3A_2467] : memref<55296x576xf32, #tpu.memory_space<hbm>> -> memref<1x576xf32, #tpu.memory_space<hbm>>
    %dma_start3A_2469 = tpu.memref_squeeze %dma_start3A_2468 : memref<1x576xf32, #tpu.memory_space<hbm>> -> memref<576xf32, #tpu.memory_space<hbm>>
    tpu.enqueue_dma source(%dma_start3A_2469 : memref<576xf32, #tpu.memory_space<hbm>>) target(%arg21 : memref<576xf32, #tpu.memory_space<vmem>>) target_semaphore(%arg30 : memref<!tpu.dma_semaphore, #tpu.memory_space<semaphore_mem>>)
    %mul3A_2470 = arith.constant 576 : i32
    %mul3A_2471 = arith.muli %add3A_11, %mul3A_2470 : i32
    %add3A_2472 = arith.addi %mul3A_2471, %neg3A_2455 : i32
    %dma_start3A_2473 = arith.constant 0 : i32
    %dma_start3A_2474 = tpu.memref_slice %arg2[%add3A_2472, %dma_start3A_2473] : memref<55296x576xf32, #tpu.memory_space<hbm>> -> memref<1x576xf32, #tpu.memory_space<hbm>>
    %dma_start3A_2475 = tpu.memref_squeeze %dma_start3A_2474 : memref<1x576xf32, #tpu.memory_space<hbm>> -> memref<576xf32, #tpu.memory_space<hbm>>
    %dma_start3A_2476 = arith.constant 0 : i32
    %dma_start3A_2477 = tpu.memref_slice %arg2[%add3A_2472, %dma_start3A_2476] : memref<55296x576xf32, #tpu.memory_space<hbm>> -> memref<1x576xf32, #tpu.memory_space<hbm>>
    %dma_start3A_2478 = tpu.memref_squeeze %dma_start3A_2477 : memref<1x576xf32, #tpu.memory_space<hbm>> -> memref<576xf32, #tpu.memory_space<hbm>>
    tpu.enqueue_dma source(%dma_start3A_2478 : memref<576xf32, #tpu.memory_space<hbm>>) target(%arg24 : memref<576xf32, #tpu.memory_space<vmem>>) target_semaphore(%arg33 : memref<!tpu.dma_semaphore, #tpu.memory_space<semaphore_mem>>)
    %while3A = arith.constant 1 : i32
    %while3A_2479 = arith.constant 576 : i32
    %while3A_2480 = arith.constant 1 : i32
    %while3A_2481 = arith.constant 576 : i32
    %while3A_2482 = arith.constant 1 : i32
    %while3A_2483 = arith.constant 576 : i32
    %while3A_2484:18 = scf.while (%while3A_2605 = %ne3A_1345, %while3A_2606 = %while3A, %while3A_2607 = %neg3A_1316, %while3A_2608 = %neg3A_1344, %while3A_2609 = %squeeze3A_1325, %while3A_2610 = %while3A_2479, %while3A_2611 = %ne3A_1900, %while3A_2612 = %while3A_2480, %while3A_2613 = %neg3A_1870, %while3A_2614 = %neg3A_1898, %while3A_2615 = %squeeze3A_1879, %while3A_2616 = %while3A_2481, %while3A_2617 = %ne3A_2457, %while3A_2618 = %while3A_2482, %while3A_2619 = %neg3A_2427, %while3A_2620 = %neg3A_2455, %while3A_2621 = %squeeze3A_2436, %while3A_2622 = %while3A_2483) : (i1, i32, i32, i32, f32, i32, i1, i32, i32, i32, f32, i32, i1, i32, i32, i32, f32, i32) -> (i1, i32, i32, i32, f32, i32, i1, i32, i32, i32, f32, i32, i1, i32, i32, i32, f32, i32) {
      %or3A = arith.ori %while3A_2605, %while3A_2611 : i1
      %or3A_2623 = arith.ori %or3A, %while3A_2617 : i1
      scf.condition(%or3A_2623) %while3A_2605, %while3A_2606, %while3A_2607, %while3A_2608, %while3A_2609, %while3A_2610, %while3A_2611, %while3A_2612, %while3A_2613, %while3A_2614, %while3A_2615, %while3A_2616, %while3A_2617, %while3A_2618, %while3A_2619, %while3A_2620, %while3A_2621, %while3A_2622 : i1, i32, i32, i32, f32, i32, i1, i32, i32, i32, f32, i32, i1, i32, i32, i32, f32, i32
    } do {
    ^bb0(%while3A_2605: i1, %while3A_2606: i32, %while3A_2607: i32, %while3A_2608: i32, %while3A_2609: f32, %while3A_2610: i32, %while3A_2611: i1, %while3A_2612: i32, %while3A_2613: i32, %while3A_2614: i32, %while3A_2615: f32, %while3A_2616: i32, %while3A_2617: i1, %while3A_2618: i32, %while3A_2619: i32, %while3A_2620: i32, %while3A_2621: f32, %while3A_2622: i32):
      %get3A_2623 = arith.constant 0 : index
      %get3A_2624 = tpu.vector_load %arg25[%get3A_2623] {strides = array<i32>} : memref<16xf32, #tpu.memory_space<vmem>>, vector<16xf32>,
      %slice3A_2625 = vector.extract_strided_slice %get3A_2624 {offsets = [0], sizes = [1], strides = [1]} : vector<16xf32> to vector<1xf32>
      %squeeze3A_2626 = vector.extract %slice3A_2625[0] : f32 from vector<1xf32>
      %mul3A_2627 = arith.constant 576 : i32
      %mul3A_2628 = arith.muli %add3A_7, %mul3A_2627 : i32
      %dma_wait3A_2629 = arith.constant 0 : i32
      %dma_wait3A_2630 = tpu.memref_slice %arg2[%mul3A_2628, %dma_wait3A_2629] : memref<55296x576xf32, #tpu.memory_space<hbm>> -> memref<1x576xf32, #tpu.memory_space<hbm>>
      %dma_wait3A_2631 = tpu.memref_squeeze %dma_wait3A_2630 : memref<1x576xf32, #tpu.memory_space<hbm>> -> memref<576xf32, #tpu.memory_space<hbm>>
      %dma_wait3A_2632 = arith.constant 0 : i32
      %dma_wait3A_2633 = tpu.memref_slice %arg2[%mul3A_2628, %dma_wait3A_2632] : memref<55296x576xf32, #tpu.memory_space<hbm>> -> memref<1x576xf32, #tpu.memory_space<hbm>>
      %dma_wait3A_2634 = tpu.memref_squeeze %dma_wait3A_2633 : memref<1x576xf32, #tpu.memory_space<hbm>> -> memref<576xf32, #tpu.memory_space<hbm>>
      tpu.wait_dma2 semaphore(%arg28 : memref<!tpu.dma_semaphore, #tpu.memory_space<semaphore_mem>>) src(%dma_wait3A_2634 : memref<576xf32, #tpu.memory_space<hbm>>) dst(%arg19 : memref<576xf32, #tpu.memory_space<vmem>>)
      %mul3A_2635 = arith.constant 576 : i32
      %mul3A_2636 = arith.muli %add3A_7, %mul3A_2635 : i32
      %dma_wait3A_2637 = arith.constant 0 : i32
      %dma_wait3A_2638 = tpu.memref_slice %arg2[%mul3A_2636, %dma_wait3A_2637] : memref<55296x576xf32, #tpu.memory_space<hbm>> -> memref<1x576xf32, #tpu.memory_space<hbm>>
      %dma_wait3A_2639 = tpu.memref_squeeze %dma_wait3A_2638 : memref<1x576xf32, #tpu.memory_space<hbm>> -> memref<576xf32, #tpu.memory_space<hbm>>
      %dma_wait3A_2640 = arith.constant 0 : i32
      %dma_wait3A_2641 = tpu.memref_slice %arg2[%mul3A_2636, %dma_wait3A_2640] : memref<55296x576xf32, #tpu.memory_space<hbm>> -> memref<1x576xf32, #tpu.memory_space<hbm>>
      %dma_wait3A_2642 = tpu.memref_squeeze %dma_wait3A_2641 : memref<1x576xf32, #tpu.memory_space<hbm>> -> memref<576xf32, #tpu.memory_space<hbm>>
      tpu.wait_dma2 semaphore(%arg31 : memref<!tpu.dma_semaphore, #tpu.memory_space<semaphore_mem>>) src(%dma_wait3A_2642 : memref<576xf32, #tpu.memory_space<hbm>>) dst(%arg22 : memref<576xf32, #tpu.memory_space<vmem>>)
      %broadcast_in_dim3A_2643 = vector.broadcast %while3A_2608 : i32 to vector<16xi32>
      %gather3A = tpu.vector_load_idx %arg19[%broadcast_in_dim3A_2643] : memref<576xf32, #tpu.memory_space<vmem>>[vector<16xi32>], vector<16xf32>,
      %slice3A_2644 = vector.extract_strided_slice %gather3A {offsets = [0], sizes = [1], strides = [1]} : vector<16xf32> to vector<1xf32>
      %squeeze3A_2645 = vector.extract %slice3A_2644[0] : f32 from vector<1xf32>
      %le3A = arith.cmpf ole, %squeeze3A_2645, %squeeze3A_2626 : f32
      %ne3A_2646 = arith.constant 0.000000e+00 : f32
      %ne3A_2647 = arith.cmpf one, %while3A_2609, %ne3A_2646 : f32
      %and3A = arith.andi %le3A, %ne3A_2647 : i1
      %broadcast_in_dim3A_2648 = vector.broadcast %and3A : i1 to vector<16xi1>
      %lt3A = arith.constant 576 : i32
      %lt3A_2649 = arith.cmpi slt, %while3A_2606, %lt3A : i32
      %and3A_2650 = arith.andi %and3A, %lt3A_2649 : i1
      %convert_element_type3A_2651 = arith.extui %and3A_2650 : i1 to i32
      %cond3A_2652 = arith.constant 0 : i32
      %cond3A_2653 = arith.cmpi ne, %convert_element_type3A_2651, %cond3A_2652 : i32
      scf.if %cond3A_2653 {
        %broadcast_in_dim3A_3101 = vector.broadcast %while3A_2606 : i32 to vector<16xi32>
        %broadcast_in_dim3A_3102 = vector.broadcast %while3A_2608 : i32 to vector<16xi32>
        tpu.vector_store_idx %arg16[%broadcast_in_dim3A_3101], %broadcast_in_dim3A_3102 masked %eq3A_2 : memref<576xi32, #tpu.memory_space<vmem>>[vector<16xi32>], vector<16xi32>, vector<16xi1>
        %broadcast_in_dim3A_3103 = vector.broadcast %while3A_2608 : i32 to vector<16xi32>
        %convert_element_type3A_3104 = arith.sitofp %while3A_2606 : i32 to f32
        %sub3A_3105 = arith.constant 1.000000e+03 : f32
        %sub3A_3106 = arith.subf %sub3A_3105, %convert_element_type3A_3104 : f32
        %broadcast_in_dim3A_3107 = vector.broadcast %sub3A_3106 : f32 to vector<16xf32>
        tpu.vector_store_idx %arg13[%broadcast_in_dim3A_3103], %broadcast_in_dim3A_3107 masked %eq3A_2 : memref<576xf32, #tpu.memory_space<vmem>>[vector<16xi32>], vector<16xf32>, vector<16xi1>
      } else {
      }
      %convert_element_type3A_2654 = arith.extui %and3A : i1 to i32
      %add3A_2655 = arith.addi %while3A_2606, %convert_element_type3A_2654 : i32
      %broadcast_in_dim3A_2656 = vector.broadcast %while3A_2607 : i32 to vector<16xi32>
      %broadcast_in_dim3A_2657 = vector.broadcast %while3A_2608 : i32 to vector<16xi32>
      %broadcast_in_dim3A_2658 = vector.broadcast %while3A_2610 : i32 to vector<16xi32>
      %add3A_2659 = arith.constant 15 : i32
      %add3A_2660 = arith.addi %while3A_2610, %add3A_2659 : i32
      %jit3A_2661 = arith.constant 16 : i32
      %div3A = arith.divsi %add3A_2660, %jit3A_2661 : i32
      %sign3A = arith.constant 0 : i32
      %sign3A_2662 = arith.cmpi sgt, %add3A_2660, %sign3A : i32
      %sign3A_2663 = arith.extui %sign3A_2662 : i1 to i32
      %sign3A_2664 = arith.constant 0 : i32
      %sign3A_2665 = arith.cmpi slt, %add3A_2660, %sign3A_2664 : i32
      %sign3A_2666 = arith.extui %sign3A_2665 : i1 to i32
      %sign3A_2667 = arith.subi %sign3A_2663, %sign3A_2666 : i32
      %sign3A_2668 = arith.constant 0 : i32
      %sign3A_2669 = arith.cmpi sgt, %jit3A_2661, %sign3A_2668 : i32
      %sign3A_2670 = arith.extui %sign3A_2669 : i1 to i32
      %sign3A_2671 = arith.constant 0 : i32
      %sign3A_2672 = arith.cmpi slt, %jit3A_2661, %sign3A_2671 : i32
      %sign3A_2673 = arith.extui %sign3A_2672 : i1 to i32
      %sign3A_2674 = arith.subi %sign3A_2670, %sign3A_2673 : i32
      %ne3A_2675 = arith.cmpi ne, %sign3A_2667, %sign3A_2674 : i32
      %rem3A = arith.remsi %add3A_2660, %jit3A_2661 : i32
      %ne3A_2676 = arith.constant 0 : i32
      %ne3A_2677 = arith.cmpi ne, %rem3A, %ne3A_2676 : i32
      %and3A_2678 = arith.andi %ne3A_2675, %ne3A_2677 : i1
      %sub3A = arith.constant 1 : i32
      %sub3A_2679 = arith.subi %div3A, %sub3A : i32
      %select_n3A_2680 = arith.select %and3A_2678, %sub3A_2679, %div3A : i32
      %broadcast_in_dim3A_2681 = arith.constant 0 : i32
      %broadcast_in_dim3A_2682 = vector.broadcast %broadcast_in_dim3A_2681 : i32 to vector<16xi32>
      %broadcast_in_dim3A_2683 = arith.constant 0 : i32
      %broadcast_in_dim3A_2684 = vector.broadcast %broadcast_in_dim3A_2683 : i32 to vector<16xi32>
      %while3A_2685 = arith.constant 0 : i32
      %while3A_2686 = arith.constant 0 : i32
      %while3A_2687 = arith.subi %select_n3A_2680, %while3A_2685 : i32
      %while3A_2688 = arith.addi %while3A_2685, %while3A_2687 : i32
      %while3A_2689 = arith.constant 1 : i32
      %while3A_2690 = arith.divsi %while3A_2687, %while3A_2689 : i32
      %while3A_2691 = arith.muli %while3A_2690, %while3A_2689 : i32
      %while3A_2692 = arith.addi %while3A_2685, %while3A_2691 : i32
      %while3A_2693 = arith.constant 1 : i32
      %while3A_2694:5 = scf.for %while3A_3101 = %while3A_2685 to %while3A_2692 step %while3A_2693 iter_args(%while3A_3102 = %while3A_2686, %while3A_3103 = %broadcast_in_dim3A_5, %while3A_3104 = %broadcast_in_dim3A_2682, %while3A_3105 = %broadcast_in_dim3A_5, %while3A_3106 = %broadcast_in_dim3A_2684) -> (i32, vector<16xf32>, vector<16xi32>, vector<16xf32>, vector<16xi32>)  : i32 {
        %mul3A_3107 = arith.constant 16 : i32
        %mul3A_3108 = arith.muli %while3A_3101, %mul3A_3107 : i32
        %get3A_3109 = arith.index_cast %mul3A_3108 : i32 to index
        %get3A_3110 = tpu.vector_load %arg7[%get3A_3109] {strides = array<i32>} : memref<576xi32, #tpu.memory_space<vmem>>, vector<16xi32>,
        %get3A_3111 = arith.index_cast %mul3A_3108 : i32 to index
        %get3A_3112 = tpu.vector_load %arg10[%get3A_3111] {strides = array<i32>} : memref<576xf32, #tpu.memory_space<vmem>>, vector<16xf32>,
        %gather3A_3113 = tpu.vector_load_idx %arg19[%get3A_3110] : memref<576xf32, #tpu.memory_space<vmem>>[vector<16xi32>], vector<16xf32>,
        %gather3A_3114 = tpu.vector_load_idx %arg22[%get3A_3110] : memref<576xf32, #tpu.memory_space<vmem>>[vector<16xi32>], vector<16xf32>,
        %mul3A_3115 = arith.constant 16 : i32
        %mul3A_3116 = arith.muli %while3A_3101, %mul3A_3115 : i32
        %add3A_3117 = vector.broadcast %mul3A_3116 : i32 to vector<16xi32>
        %add3A_3118 = arith.addi %iota3A, %add3A_3117 : vector<16xi32>
        %gt3A_3119 = arith.cmpf ogt, %gather3A_3113, %get3A_2624 : vector<16xf32>
        %eq3A_3120 = arith.cmpi eq, %get3A_3110, %broadcast_in_dim3A_2656 : vector<16xi32>
        %or3A = arith.ori %gt3A_3119, %eq3A_3120 : vector<16xi1>
        %gt3A_3121 = arith.cmpf ogt, %gather3A_3114, %get3A_2624 : vector<16xf32>
        %eq3A_3122 = arith.cmpi eq, %get3A_3110, %broadcast_in_dim3A_2657 : vector<16xi32>
        %or3A_3123 = arith.ori %gt3A_3121, %eq3A_3122 : vector<16xi1>
        %and3A_3124 = arith.andi %broadcast_in_dim3A_2648, %or3A_3123 : vector<16xi1>
        %or3A_3125 = arith.ori %or3A, %and3A_3124 : vector<16xi1>
        %lt3A_3126 = arith.cmpi slt, %add3A_3118, %broadcast_in_dim3A_2658 : vector<16xi32>
        %not3A = arith.constant dense<true> : vector<16xi1>
        %not3A_3127 = arith.xori %or3A_3125, %not3A : vector<16xi1>
        %and3A_3128 = arith.andi %lt3A_3126, %not3A_3127 : vector<16xi1>
        %jit3A_3129 = arith.constant 0.000000e+00 : f32
        %broadcast_in_dim3A_3130 = vector.broadcast %jit3A_3129 : f32 to vector<16xf32>
        %select_n3A_3131 = arith.select %and3A_3128, %get3A_3112, %broadcast_in_dim3A_3130 : vector<16xi1>, vector<16xf32>
        %gt3A_3132 = arith.cmpf ogt, %select_n3A_3131, %while3A_3103 : vector<16xf32>
        %gt3A_3133 = arith.cmpf ogt, %select_n3A_3131, %while3A_3105 : vector<16xf32>
        %select_n3A_3134 = arith.select %gt3A_3133, %select_n3A_3131, %while3A_3105 : vector<16xi1>, vector<16xf32>
        %select_n3A_3135 = arith.select %gt3A_3132, %while3A_3103, %select_n3A_3134 : vector<16xi1>, vector<16xf32>
        %select_n3A_3136 = arith.select %gt3A_3133, %get3A_3110, %while3A_3106 : vector<16xi1>, vector<16xi32>
        %select_n3A_3137 = arith.select %gt3A_3132, %while3A_3104, %select_n3A_3136 : vector<16xi1>, vector<16xi32>
        %select_n3A_3138 = arith.select %gt3A_3132, %select_n3A_3131, %while3A_3103 : vector<16xi1>, vector<16xf32>
        %select_n3A_3139 = arith.select %gt3A_3132, %get3A_3110, %while3A_3104 : vector<16xi1>, vector<16xi32>
        %swap3A_3140 = arith.index_cast %while3A_3102 : i32 to index
        %swap3A_3141 = tpu.vector_load %arg7[%swap3A_3140] masked %and3A_3128 {strides = array<i32>} : memref<576xi32, #tpu.memory_space<vmem>>, vector<16xi32>, vector<16xi1>
        tpu.vector_store %arg7[%swap3A_3140], %get3A_3110 masked %and3A_3128 {strides = array<i32>} : memref<576xi32, #tpu.memory_space<vmem>>, vector<16xi32>, vector<16xi1>
        %swap3A_3142 = arith.index_cast %while3A_3102 : i32 to index
        %swap3A_3143 = tpu.vector_load %arg10[%swap3A_3142] masked %and3A_3128 {strides = array<i32>} : memref<576xf32, #tpu.memory_space<vmem>>, vector<16xf32>, vector<16xi1>
        tpu.vector_store %arg10[%swap3A_3142], %get3A_3112 masked %and3A_3128 {strides = array<i32>} : memref<576xf32, #tpu.memory_space<vmem>>, vector<16xf32>, vector<16xi1>
        %all_reduce_population_count3A = tpu.all_reduce %and3A_3128 {dim = 0 : i64, kind = #tpu.reduction_kind<sum>} : vector<16xi1> -> vector<16xi32>
        %slice3A_3144 = vector.extract_strided_slice %all_reduce_population_count3A {offsets = [0], sizes = [1], strides = [1]} : vector<16xi32> to vector<1xi32>
        %squeeze3A_3145 = vector.extract %slice3A_3144[0] : i32 from vector<1xi32>
        %add3A_3146 = arith.addi %while3A_3102, %squeeze3A_3145 : i32
        scf.yield %add3A_3146, %select_n3A_3138, %select_n3A_3139, %select_n3A_3135, %select_n3A_3137 : i32, vector<16xf32>, vector<16xi32>, vector<16xf32>, vector<16xi32>
      }
      %while3A_2695 = arith.constant 1 : i32
      %while3A_2696:5 = scf.for %while3A_3101 = %while3A_2692 to %while3A_2688 step %while3A_2695 iter_args(%while3A_3102 = %while3A_2694#0, %while3A_3103 = %while3A_2694#1, %while3A_3104 = %while3A_2694#2, %while3A_3105 = %while3A_2694#3, %while3A_3106 = %while3A_2694#4) -> (i32, vector<16xf32>, vector<16xi32>, vector<16xf32>, vector<16xi32>)  : i32 {
        %mul3A_3107 = arith.constant 16 : i32
        %mul3A_3108 = arith.muli %while3A_3101, %mul3A_3107 : i32
        %get3A_3109 = arith.index_cast %mul3A_3108 : i32 to index
        %get3A_3110 = tpu.vector_load %arg7[%get3A_3109] {strides = array<i32>} : memref<576xi32, #tpu.memory_space<vmem>>, vector<16xi32>,
        %get3A_3111 = arith.index_cast %mul3A_3108 : i32 to index
        %get3A_3112 = tpu.vector_load %arg10[%get3A_3111] {strides = array<i32>} : memref<576xf32, #tpu.memory_space<vmem>>, vector<16xf32>,
        %gather3A_3113 = tpu.vector_load_idx %arg19[%get3A_3110] : memref<576xf32, #tpu.memory_space<vmem>>[vector<16xi32>], vector<16xf32>,
        %gather3A_3114 = tpu.vector_load_idx %arg22[%get3A_3110] : memref<576xf32, #tpu.memory_space<vmem>>[vector<16xi32>], vector<16xf32>,
        %mul3A_3115 = arith.constant 16 : i32
        %mul3A_3116 = arith.muli %while3A_3101, %mul3A_3115 : i32
        %add3A_3117 = vector.broadcast %mul3A_3116 : i32 to vector<16xi32>
        %add3A_3118 = arith.addi %iota3A, %add3A_3117 : vector<16xi32>
        %gt3A_3119 = arith.cmpf ogt, %gather3A_3113, %get3A_2624 : vector<16xf32>
        %eq3A_3120 = arith.cmpi eq, %get3A_3110, %broadcast_in_dim3A_2656 : vector<16xi32>
        %or3A = arith.ori %gt3A_3119, %eq3A_3120 : vector<16xi1>
        %gt3A_3121 = arith.cmpf ogt, %gather3A_3114, %get3A_2624 : vector<16xf32>
        %eq3A_3122 = arith.cmpi eq, %get3A_3110, %broadcast_in_dim3A_2657 : vector<16xi32>
        %or3A_3123 = arith.ori %gt3A_3121, %eq3A_3122 : vector<16xi1>
        %and3A_3124 = arith.andi %broadcast_in_dim3A_2648, %or3A_3123 : vector<16xi1>
        %or3A_3125 = arith.ori %or3A, %and3A_3124 : vector<16xi1>
        %lt3A_3126 = arith.cmpi slt, %add3A_3118, %broadcast_in_dim3A_2658 : vector<16xi32>
        %not3A = arith.constant dense<true> : vector<16xi1>
        %not3A_3127 = arith.xori %or3A_3125, %not3A : vector<16xi1>
        %and3A_3128 = arith.andi %lt3A_3126, %not3A_3127 : vector<16xi1>
        %jit3A_3129 = arith.constant 0.000000e+00 : f32
        %broadcast_in_dim3A_3130 = vector.broadcast %jit3A_3129 : f32 to vector<16xf32>
        %select_n3A_3131 = arith.select %and3A_3128, %get3A_3112, %broadcast_in_dim3A_3130 : vector<16xi1>, vector<16xf32>
        %gt3A_3132 = arith.cmpf ogt, %select_n3A_3131, %while3A_3103 : vector<16xf32>
        %gt3A_3133 = arith.cmpf ogt, %select_n3A_3131, %while3A_3105 : vector<16xf32>
        %select_n3A_3134 = arith.select %gt3A_3133, %select_n3A_3131, %while3A_3105 : vector<16xi1>, vector<16xf32>
        %select_n3A_3135 = arith.select %gt3A_3132, %while3A_3103, %select_n3A_3134 : vector<16xi1>, vector<16xf32>
        %select_n3A_3136 = arith.select %gt3A_3133, %get3A_3110, %while3A_3106 : vector<16xi1>, vector<16xi32>
        %select_n3A_3137 = arith.select %gt3A_3132, %while3A_3104, %select_n3A_3136 : vector<16xi1>, vector<16xi32>
        %select_n3A_3138 = arith.select %gt3A_3132, %select_n3A_3131, %while3A_3103 : vector<16xi1>, vector<16xf32>
        %select_n3A_3139 = arith.select %gt3A_3132, %get3A_3110, %while3A_3104 : vector<16xi1>, vector<16xi32>
        %swap3A_3140 = arith.index_cast %while3A_3102 : i32 to index
        %swap3A_3141 = tpu.vector_load %arg7[%swap3A_3140] masked %and3A_3128 {strides = array<i32>} : memref<576xi32, #tpu.memory_space<vmem>>, vector<16xi32>, vector<16xi1>
        tpu.vector_store %arg7[%swap3A_3140], %get3A_3110 masked %and3A_3128 {strides = array<i32>} : memref<576xi32, #tpu.memory_space<vmem>>, vector<16xi32>, vector<16xi1>
        %swap3A_3142 = arith.index_cast %while3A_3102 : i32 to index
        %swap3A_3143 = tpu.vector_load %arg10[%swap3A_3142] masked %and3A_3128 {strides = array<i32>} : memref<576xf32, #tpu.memory_space<vmem>>, vector<16xf32>, vector<16xi1>
        tpu.vector_store %arg10[%swap3A_3142], %get3A_3112 masked %and3A_3128 {strides = array<i32>} : memref<576xf32, #tpu.memory_space<vmem>>, vector<16xf32>, vector<16xi1>
        %all_reduce_population_count3A = tpu.all_reduce %and3A_3128 {dim = 0 : i64, kind = #tpu.reduction_kind<sum>} : vector<16xi1> -> vector<16xi32>
        %slice3A_3144 = vector.extract_strided_slice %all_reduce_population_count3A {offsets = [0], sizes = [1], strides = [1]} : vector<16xi32> to vector<1xi32>
        %squeeze3A_3145 = vector.extract %slice3A_3144[0] : i32 from vector<1xi32>
        %add3A_3146 = arith.addi %while3A_3102, %squeeze3A_3145 : i32
        scf.yield %add3A_3146, %select_n3A_3138, %select_n3A_3139, %select_n3A_3135, %select_n3A_3137 : i32, vector<16xf32>, vector<16xi32>, vector<16xf32>, vector<16xi32>
      }
      %broadcast_in_dim3A_2697 = arith.constant true
      %broadcast_in_dim3A_2698 = vector.broadcast %broadcast_in_dim3A_2697 : i1 to vector<16xi1>
      %masked_cummax3A_2699 = tpu.scan <max>, %while3A_2696#1 masked %broadcast_in_dim3A_2698 : vector<16xf32>, vector<16xi1> -> vector<16xf32>
      %slice3A_2700 = vector.extract_strided_slice %masked_cummax3A_2699 {offsets = [15], sizes = [1], strides = [1]} : vector<16xf32> to vector<1xf32>
      %squeeze3A_2701 = vector.extract %slice3A_2700[0] : f32 from vector<1xf32>
      %eq3A_2702 = vector.broadcast %squeeze3A_2701 : f32 to vector<16xf32>
      %eq3A_2703 = arith.cmpf oeq, %while3A_2696#1, %eq3A_2702 : vector<16xf32>
      %jit3A_2704 = arith.constant 576 : i32
      %broadcast_in_dim3A_2705 = vector.broadcast %jit3A_2704 : i32 to vector<16xi32>
      %select_n3A_2706 = arith.select %eq3A_2703, %while3A_2696#2, %broadcast_in_dim3A_2705 : vector<16xi1>, vector<16xi32>
      %neg3A_2707 = arith.constant 0 : i32
      %neg3A_2708 = vector.broadcast %neg3A_2707 : i32 to vector<16xi32>
      %neg3A_2709 = arith.subi %neg3A_2708, %select_n3A_2706 : vector<16xi32>
      %broadcast_in_dim3A_2710 = arith.constant true
      %broadcast_in_dim3A_2711 = vector.broadcast %broadcast_in_dim3A_2710 : i1 to vector<16xi1>
      %masked_cummax3A_2712 = arith.constant -2147483648 : i32
      %masked_cummax3A_2713 = vector.broadcast %masked_cummax3A_2712 : i32 to vector<16xi32>
      %masked_cummax3A_2714 = arith.xori %neg3A_2709, %masked_cummax3A_2713 : vector<16xi32>
      %masked_cummax3A_2715 = tpu.scan <max>, %masked_cummax3A_2714 masked %broadcast_in_dim3A_2711 : vector<16xi32>, vector<16xi1> -> vector<16xi32>
      %masked_cummax3A_2716 = arith.xori %masked_cummax3A_2715, %masked_cummax3A_2713 : vector<16xi32>
      %slice3A_2717 = vector.extract_strided_slice %masked_cummax3A_2716 {offsets = [15], sizes = [1], strides = [1]} : vector<16xi32> to vector<1xi32>
      %squeeze3A_2718 = vector.extract %slice3A_2717[0] : i32 from vector<1xi32>
      %neg3A_2719 = arith.constant 0 : i32
      %neg3A_2720 = arith.subi %neg3A_2719, %squeeze3A_2718 : i32
      %broadcast_in_dim3A_2721 = vector.broadcast %neg3A_2720 : i32 to vector<16xi32>
      %eq3A_2722 = arith.cmpi eq, %while3A_2696#2, %broadcast_in_dim3A_2721 : vector<16xi32>
      %select_n3A_2723 = arith.select %eq3A_2722, %while3A_2696#3, %while3A_2696#1 : vector<16xi1>, vector<16xf32>
      %select_n3A_2724 = arith.select %eq3A_2722, %while3A_2696#4, %while3A_2696#2 : vector<16xi1>, vector<16xi32>
      %broadcast_in_dim3A_2725 = arith.constant true
      %broadcast_in_dim3A_2726 = vector.broadcast %broadcast_in_dim3A_2725 : i1 to vector<16xi1>
      %masked_cummax3A_2727 = tpu.scan <max>, %select_n3A_2723 masked %broadcast_in_dim3A_2726 : vector<16xf32>, vector<16xi1> -> vector<16xf32>
      %slice3A_2728 = vector.extract_strided_slice %masked_cummax3A_2727 {offsets = [15], sizes = [1], strides = [1]} : vector<16xf32> to vector<1xf32>
      %squeeze3A_2729 = vector.extract %slice3A_2728[0] : f32 from vector<1xf32>
      %eq3A_2730 = vector.broadcast %squeeze3A_2729 : f32 to vector<16xf32>
      %eq3A_2731 = arith.cmpf oeq, %select_n3A_2723, %eq3A_2730 : vector<16xf32>
      %jit3A_2732 = arith.constant 576 : i32
      %broadcast_in_dim3A_2733 = vector.broadcast %jit3A_2732 : i32 to vector<16xi32>
      %select_n3A_2734 = arith.select %eq3A_2731, %select_n3A_2724, %broadcast_in_dim3A_2733 : vector<16xi1>, vector<16xi32>
      %neg3A_2735 = arith.constant 0 : i32
      %neg3A_2736 = vector.broadcast %neg3A_2735 : i32 to vector<16xi32>
      %neg3A_2737 = arith.subi %neg3A_2736, %select_n3A_2734 : vector<16xi32>
      %broadcast_in_dim3A_2738 = arith.constant true
      %broadcast_in_dim3A_2739 = vector.broadcast %broadcast_in_dim3A_2738 : i1 to vector<16xi1>
      %masked_cummax3A_2740 = arith.constant -2147483648 : i32
      %masked_cummax3A_2741 = vector.broadcast %masked_cummax3A_2740 : i32 to vector<16xi32>
      %masked_cummax3A_2742 = arith.xori %neg3A_2737, %masked_cummax3A_2741 : vector<16xi32>
      %masked_cummax3A_2743 = tpu.scan <max>, %masked_cummax3A_2742 masked %broadcast_in_dim3A_2739 : vector<16xi32>, vector<16xi1> -> vector<16xi32>
      %masked_cummax3A_2744 = arith.xori %masked_cummax3A_2743, %masked_cummax3A_2741 : vector<16xi32>
      %slice3A_2745 = vector.extract_strided_slice %masked_cummax3A_2744 {offsets = [15], sizes = [1], strides = [1]} : vector<16xi32> to vector<1xi32>
      %squeeze3A_2746 = vector.extract %slice3A_2745[0] : i32 from vector<1xi32>
      %neg3A_2747 = arith.constant 0 : i32
      %neg3A_2748 = arith.subi %neg3A_2747, %squeeze3A_2746 : i32
      %ne3A_2749 = arith.constant 0.000000e+00 : f32
      %ne3A_2750 = arith.cmpf one, %squeeze3A_2701, %ne3A_2749 : f32
      %lt3A_2751 = arith.constant 576 : i32
      %lt3A_2752 = arith.cmpi slt, %add3A_2655, %lt3A_2751 : i32
      %and3A_2753 = arith.andi %ne3A_2750, %lt3A_2752 : i1
      %convert_element_type3A_2754 = arith.extui %and3A_2753 : i1 to i32
      %cond3A_2755 = arith.constant 0 : i32
      %cond3A_2756 = arith.cmpi ne, %convert_element_type3A_2754, %cond3A_2755 : i32
      scf.if %cond3A_2756 {
        %broadcast_in_dim3A_3101 = vector.broadcast %add3A_2655 : i32 to vector<16xi32>
        %broadcast_in_dim3A_3102 = vector.broadcast %neg3A_2720 : i32 to vector<16xi32>
        tpu.vector_store_idx %arg16[%broadcast_in_dim3A_3101], %broadcast_in_dim3A_3102 masked %eq3A_2 : memref<576xi32, #tpu.memory_space<vmem>>[vector<16xi32>], vector<16xi32>, vector<16xi1>
        %broadcast_in_dim3A_3103 = vector.broadcast %neg3A_2720 : i32 to vector<16xi32>
        %convert_element_type3A_3104 = arith.sitofp %add3A_2655 : i32 to f32
        %sub3A_3105 = arith.constant 1.000000e+03 : f32
        %sub3A_3106 = arith.subf %sub3A_3105, %convert_element_type3A_3104 : f32
        %broadcast_in_dim3A_3107 = vector.broadcast %sub3A_3106 : f32 to vector<16xf32>
        tpu.vector_store_idx %arg13[%broadcast_in_dim3A_3103], %broadcast_in_dim3A_3107 masked %eq3A_2 : memref<576xf32, #tpu.memory_space<vmem>>[vector<16xi32>], vector<16xf32>, vector<16xi1>
      } else {
      }
      %mul3A_2757 = arith.constant 576 : i32
      %mul3A_2758 = arith.muli %add3A_7, %mul3A_2757 : i32
      %add3A_2759 = arith.addi %mul3A_2758, %neg3A_2720 : i32
      %dma_start3A_2760 = arith.constant 0 : i32
      %dma_start3A_2761 = tpu.memref_slice %arg2[%add3A_2759, %dma_start3A_2760] : memref<55296x576xf32, #tpu.memory_space<hbm>> -> memref<1x576xf32, #tpu.memory_space<hbm>>
      %dma_start3A_2762 = tpu.memref_squeeze %dma_start3A_2761 : memref<1x576xf32, #tpu.memory_space<hbm>> -> memref<576xf32, #tpu.memory_space<hbm>>
      %dma_start3A_2763 = arith.constant 0 : i32
      %dma_start3A_2764 = tpu.memref_slice %arg2[%add3A_2759, %dma_start3A_2763] : memref<55296x576xf32, #tpu.memory_space<hbm>> -> memref<1x576xf32, #tpu.memory_space<hbm>>
      %dma_start3A_2765 = tpu.memref_squeeze %dma_start3A_2764 : memref<1x576xf32, #tpu.memory_space<hbm>> -> memref<576xf32, #tpu.memory_space<hbm>>
      tpu.enqueue_dma source(%dma_start3A_2765 : memref<576xf32, #tpu.memory_space<hbm>>) target(%arg19 : memref<576xf32, #tpu.memory_space<vmem>>) target_semaphore(%arg28 : memref<!tpu.dma_semaphore, #tpu.memory_space<semaphore_mem>>)
      %mul3A_2766 = arith.constant 576 : i32
      %mul3A_2767 = arith.muli %add3A_7, %mul3A_2766 : i32
      %add3A_2768 = arith.addi %mul3A_2767, %neg3A_2748 : i32
      %dma_start3A_2769 = arith.constant 0 : i32
      %dma_start3A_2770 = tpu.memref_slice %arg2[%add3A_2768, %dma_start3A_2769] : memref<55296x576xf32, #tpu.memory_space<hbm>> -> memref<1x576xf32, #tpu.memory_space<hbm>>
      %dma_start3A_2771 = tpu.memref_squeeze %dma_start3A_2770 : memref<1x576xf32, #tpu.memory_space<hbm>> -> memref<576xf32, #tpu.memory_space<hbm>>
      %dma_start3A_2772 = arith.constant 0 : i32
      %dma_start3A_2773 = tpu.memref_slice %arg2[%add3A_2768, %dma_start3A_2772] : memref<55296x576xf32, #tpu.memory_space<hbm>> -> memref<1x576xf32, #tpu.memory_space<hbm>>
      %dma_start3A_2774 = tpu.memref_squeeze %dma_start3A_2773 : memref<1x576xf32, #tpu.memory_space<hbm>> -> memref<576xf32, #tpu.memory_space<hbm>>
      tpu.enqueue_dma source(%dma_start3A_2774 : memref<576xf32, #tpu.memory_space<hbm>>) target(%arg22 : memref<576xf32, #tpu.memory_space<vmem>>) target_semaphore(%arg31 : memref<!tpu.dma_semaphore, #tpu.memory_space<semaphore_mem>>)
      %convert_element_type3A_2775 = arith.extui %and3A_2753 : i1 to i32
      %add3A_2776 = arith.addi %add3A_2655, %convert_element_type3A_2775 : i32
      %get3A_2777 = arith.constant 0 : index
      %get3A_2778 = tpu.vector_load %arg26[%get3A_2777] {strides = array<i32>} : memref<16xf32, #tpu.memory_space<vmem>>, vector<16xf32>,
      %slice3A_2779 = vector.extract_strided_slice %get3A_2778 {offsets = [0], sizes = [1], strides = [1]} : vector<16xf32> to vector<1xf32>
      %squeeze3A_2780 = vector.extract %slice3A_2779[0] : f32 from vector<1xf32>
      %mul3A_2781 = arith.constant 576 : i32
      %mul3A_2782 = arith.muli %add3A_9, %mul3A_2781 : i32
      %dma_wait3A_2783 = arith.constant 0 : i32
      %dma_wait3A_2784 = tpu.memref_slice %arg2[%mul3A_2782, %dma_wait3A_2783] : memref<55296x576xf32, #tpu.memory_space<hbm>> -> memref<1x576xf32, #tpu.memory_space<hbm>>
      %dma_wait3A_2785 = tpu.memref_squeeze %dma_wait3A_2784 : memref<1x576xf32, #tpu.memory_space<hbm>> -> memref<576xf32, #tpu.memory_space<hbm>>
      %dma_wait3A_2786 = arith.constant 0 : i32
      %dma_wait3A_2787 = tpu.memref_slice %arg2[%mul3A_2782, %dma_wait3A_2786] : memref<55296x576xf32, #tpu.memory_space<hbm>> -> memref<1x576xf32, #tpu.memory_space<hbm>>
      %dma_wait3A_2788 = tpu.memref_squeeze %dma_wait3A_2787 : memref<1x576xf32, #tpu.memory_space<hbm>> -> memref<576xf32, #tpu.memory_space<hbm>>
      tpu.wait_dma2 semaphore(%arg29 : memref<!tpu.dma_semaphore, #tpu.memory_space<semaphore_mem>>) src(%dma_wait3A_2788 : memref<576xf32, #tpu.memory_space<hbm>>) dst(%arg20 : memref<576xf32, #tpu.memory_space<vmem>>)
      %mul3A_2789 = arith.constant 576 : i32
      %mul3A_2790 = arith.muli %add3A_9, %mul3A_2789 : i32
      %dma_wait3A_2791 = arith.constant 0 : i32
      %dma_wait3A_2792 = tpu.memref_slice %arg2[%mul3A_2790, %dma_wait3A_2791] : memref<55296x576xf32, #tpu.memory_space<hbm>> -> memref<1x576xf32, #tpu.memory_space<hbm>>
      %dma_wait3A_2793 = tpu.memref_squeeze %dma_wait3A_2792 : memref<1x576xf32, #tpu.memory_space<hbm>> -> memref<576xf32, #tpu.memory_space<hbm>>
      %dma_wait3A_2794 = arith.constant 0 : i32
      %dma_wait3A_2795 = tpu.memref_slice %arg2[%mul3A_2790, %dma_wait3A_2794] : memref<55296x576xf32, #tpu.memory_space<hbm>> -> memref<1x576xf32, #tpu.memory_space<hbm>>
      %dma_wait3A_2796 = tpu.memref_squeeze %dma_wait3A_2795 : memref<1x576xf32, #tpu.memory_space<hbm>> -> memref<576xf32, #tpu.memory_space<hbm>>
      tpu.wait_dma2 semaphore(%arg32 : memref<!tpu.dma_semaphore, #tpu.memory_space<semaphore_mem>>) src(%dma_wait3A_2796 : memref<576xf32, #tpu.memory_space<hbm>>) dst(%arg23 : memref<576xf32, #tpu.memory_space<vmem>>)
      %broadcast_in_dim3A_2797 = vector.broadcast %while3A_2614 : i32 to vector<16xi32>
      %gather3A_2798 = tpu.vector_load_idx %arg20[%broadcast_in_dim3A_2797] : memref<576xf32, #tpu.memory_space<vmem>>[vector<16xi32>], vector<16xf32>,
      %slice3A_2799 = vector.extract_strided_slice %gather3A_2798 {offsets = [0], sizes = [1], strides = [1]} : vector<16xf32> to vector<1xf32>
      %squeeze3A_2800 = vector.extract %slice3A_2799[0] : f32 from vector<1xf32>
      %le3A_2801 = arith.cmpf ole, %squeeze3A_2800, %squeeze3A_2780 : f32
      %ne3A_2802 = arith.constant 0.000000e+00 : f32
      %ne3A_2803 = arith.cmpf one, %while3A_2615, %ne3A_2802 : f32
      %and3A_2804 = arith.andi %le3A_2801, %ne3A_2803 : i1
      %broadcast_in_dim3A_2805 = vector.broadcast %and3A_2804 : i1 to vector<16xi1>
      %lt3A_2806 = arith.constant 576 : i32
      %lt3A_2807 = arith.cmpi slt, %while3A_2612, %lt3A_2806 : i32
      %and3A_2808 = arith.andi %and3A_2804, %lt3A_2807 : i1
      %convert_element_type3A_2809 = arith.extui %and3A_2808 : i1 to i32
      %cond3A_2810 = arith.constant 0 : i32
      %cond3A_2811 = arith.cmpi ne, %convert_element_type3A_2809, %cond3A_2810 : i32
      scf.if %cond3A_2811 {
        %broadcast_in_dim3A_3101 = vector.broadcast %while3A_2612 : i32 to vector<16xi32>
        %broadcast_in_dim3A_3102 = vector.broadcast %while3A_2614 : i32 to vector<16xi32>
        tpu.vector_store_idx %arg17[%broadcast_in_dim3A_3101], %broadcast_in_dim3A_3102 masked %eq3A_2 : memref<576xi32, #tpu.memory_space<vmem>>[vector<16xi32>], vector<16xi32>, vector<16xi1>
        %broadcast_in_dim3A_3103 = vector.broadcast %while3A_2614 : i32 to vector<16xi32>
        %convert_element_type3A_3104 = arith.sitofp %while3A_2612 : i32 to f32
        %sub3A_3105 = arith.constant 1.000000e+03 : f32
        %sub3A_3106 = arith.subf %sub3A_3105, %convert_element_type3A_3104 : f32
        %broadcast_in_dim3A_3107 = vector.broadcast %sub3A_3106 : f32 to vector<16xf32>
        tpu.vector_store_idx %arg14[%broadcast_in_dim3A_3103], %broadcast_in_dim3A_3107 masked %eq3A_2 : memref<576xf32, #tpu.memory_space<vmem>>[vector<16xi32>], vector<16xf32>, vector<16xi1>
      } else {
      }
      %convert_element_type3A_2812 = arith.extui %and3A_2804 : i1 to i32
      %add3A_2813 = arith.addi %while3A_2612, %convert_element_type3A_2812 : i32
      %broadcast_in_dim3A_2814 = vector.broadcast %while3A_2613 : i32 to vector<16xi32>
      %broadcast_in_dim3A_2815 = vector.broadcast %while3A_2614 : i32 to vector<16xi32>
      %broadcast_in_dim3A_2816 = vector.broadcast %while3A_2616 : i32 to vector<16xi32>
      %add3A_2817 = arith.constant 15 : i32
      %add3A_2818 = arith.addi %while3A_2616, %add3A_2817 : i32
      %jit3A_2819 = arith.constant 16 : i32
      %div3A_2820 = arith.divsi %add3A_2818, %jit3A_2819 : i32
      %sign3A_2821 = arith.constant 0 : i32
      %sign3A_2822 = arith.cmpi sgt, %add3A_2818, %sign3A_2821 : i32
      %sign3A_2823 = arith.extui %sign3A_2822 : i1 to i32
      %sign3A_2824 = arith.constant 0 : i32
      %sign3A_2825 = arith.cmpi slt, %add3A_2818, %sign3A_2824 : i32
      %sign3A_2826 = arith.extui %sign3A_2825 : i1 to i32
      %sign3A_2827 = arith.subi %sign3A_2823, %sign3A_2826 : i32
      %sign3A_2828 = arith.constant 0 : i32
      %sign3A_2829 = arith.cmpi sgt, %jit3A_2819, %sign3A_2828 : i32
      %sign3A_2830 = arith.extui %sign3A_2829 : i1 to i32
      %sign3A_2831 = arith.constant 0 : i32
      %sign3A_2832 = arith.cmpi slt, %jit3A_2819, %sign3A_2831 : i32
      %sign3A_2833 = arith.extui %sign3A_2832 : i1 to i32
      %sign3A_2834 = arith.subi %sign3A_2830, %sign3A_2833 : i32
      %ne3A_2835 = arith.cmpi ne, %sign3A_2827, %sign3A_2834 : i32
      %rem3A_2836 = arith.remsi %add3A_2818, %jit3A_2819 : i32
      %ne3A_2837 = arith.constant 0 : i32
      %ne3A_2838 = arith.cmpi ne, %rem3A_2836, %ne3A_2837 : i32
      %and3A_2839 = arith.andi %ne3A_2835, %ne3A_2838 : i1
      %sub3A_2840 = arith.constant 1 : i32
      %sub3A_2841 = arith.subi %div3A_2820, %sub3A_2840 : i32
      %select_n3A_2842 = arith.select %and3A_2839, %sub3A_2841, %div3A_2820 : i32
      %broadcast_in_dim3A_2843 = arith.constant 0 : i32
      %broadcast_in_dim3A_2844 = vector.broadcast %broadcast_in_dim3A_2843 : i32 to vector<16xi32>
      %broadcast_in_dim3A_2845 = arith.constant 0 : i32
      %broadcast_in_dim3A_2846 = vector.broadcast %broadcast_in_dim3A_2845 : i32 to vector<16xi32>
      %while3A_2847 = arith.constant 0 : i32
      %while3A_2848 = arith.constant 0 : i32
      %while3A_2849 = arith.subi %select_n3A_2842, %while3A_2847 : i32
      %while3A_2850 = arith.addi %while3A_2847, %while3A_2849 : i32
      %while3A_2851 = arith.constant 1 : i32
      %while3A_2852 = arith.divsi %while3A_2849, %while3A_2851 : i32
      %while3A_2853 = arith.muli %while3A_2852, %while3A_2851 : i32
      %while3A_2854 = arith.addi %while3A_2847, %while3A_2853 : i32
      %while3A_2855 = arith.constant 1 : i32
      %while3A_2856:5 = scf.for %while3A_3101 = %while3A_2847 to %while3A_2854 step %while3A_2855 iter_args(%while3A_3102 = %while3A_2848, %while3A_3103 = %broadcast_in_dim3A_5, %while3A_3104 = %broadcast_in_dim3A_2844, %while3A_3105 = %broadcast_in_dim3A_5, %while3A_3106 = %broadcast_in_dim3A_2846) -> (i32, vector<16xf32>, vector<16xi32>, vector<16xf32>, vector<16xi32>)  : i32 {
        %mul3A_3107 = arith.constant 16 : i32
        %mul3A_3108 = arith.muli %while3A_3101, %mul3A_3107 : i32
        %get3A_3109 = arith.index_cast %mul3A_3108 : i32 to index
        %get3A_3110 = tpu.vector_load %arg8[%get3A_3109] {strides = array<i32>} : memref<576xi32, #tpu.memory_space<vmem>>, vector<16xi32>,
        %get3A_3111 = arith.index_cast %mul3A_3108 : i32 to index
        %get3A_3112 = tpu.vector_load %arg11[%get3A_3111] {strides = array<i32>} : memref<576xf32, #tpu.memory_space<vmem>>, vector<16xf32>,
        %gather3A_3113 = tpu.vector_load_idx %arg20[%get3A_3110] : memref<576xf32, #tpu.memory_space<vmem>>[vector<16xi32>], vector<16xf32>,
        %gather3A_3114 = tpu.vector_load_idx %arg23[%get3A_3110] : memref<576xf32, #tpu.memory_space<vmem>>[vector<16xi32>], vector<16xf32>,
        %mul3A_3115 = arith.constant 16 : i32
        %mul3A_3116 = arith.muli %while3A_3101, %mul3A_3115 : i32
        %add3A_3117 = vector.broadcast %mul3A_3116 : i32 to vector<16xi32>
        %add3A_3118 = arith.addi %iota3A, %add3A_3117 : vector<16xi32>
        %gt3A_3119 = arith.cmpf ogt, %gather3A_3113, %get3A_2778 : vector<16xf32>
        %eq3A_3120 = arith.cmpi eq, %get3A_3110, %broadcast_in_dim3A_2814 : vector<16xi32>
        %or3A = arith.ori %gt3A_3119, %eq3A_3120 : vector<16xi1>
        %gt3A_3121 = arith.cmpf ogt, %gather3A_3114, %get3A_2778 : vector<16xf32>
        %eq3A_3122 = arith.cmpi eq, %get3A_3110, %broadcast_in_dim3A_2815 : vector<16xi32>
        %or3A_3123 = arith.ori %gt3A_3121, %eq3A_3122 : vector<16xi1>
        %and3A_3124 = arith.andi %broadcast_in_dim3A_2805, %or3A_3123 : vector<16xi1>
        %or3A_3125 = arith.ori %or3A, %and3A_3124 : vector<16xi1>
        %lt3A_3126 = arith.cmpi slt, %add3A_3118, %broadcast_in_dim3A_2816 : vector<16xi32>
        %not3A = arith.constant dense<true> : vector<16xi1>
        %not3A_3127 = arith.xori %or3A_3125, %not3A : vector<16xi1>
        %and3A_3128 = arith.andi %lt3A_3126, %not3A_3127 : vector<16xi1>
        %jit3A_3129 = arith.constant 0.000000e+00 : f32
        %broadcast_in_dim3A_3130 = vector.broadcast %jit3A_3129 : f32 to vector<16xf32>
        %select_n3A_3131 = arith.select %and3A_3128, %get3A_3112, %broadcast_in_dim3A_3130 : vector<16xi1>, vector<16xf32>
        %gt3A_3132 = arith.cmpf ogt, %select_n3A_3131, %while3A_3103 : vector<16xf32>
        %gt3A_3133 = arith.cmpf ogt, %select_n3A_3131, %while3A_3105 : vector<16xf32>
        %select_n3A_3134 = arith.select %gt3A_3133, %select_n3A_3131, %while3A_3105 : vector<16xi1>, vector<16xf32>
        %select_n3A_3135 = arith.select %gt3A_3132, %while3A_3103, %select_n3A_3134 : vector<16xi1>, vector<16xf32>
        %select_n3A_3136 = arith.select %gt3A_3133, %get3A_3110, %while3A_3106 : vector<16xi1>, vector<16xi32>
        %select_n3A_3137 = arith.select %gt3A_3132, %while3A_3104, %select_n3A_3136 : vector<16xi1>, vector<16xi32>
        %select_n3A_3138 = arith.select %gt3A_3132, %select_n3A_3131, %while3A_3103 : vector<16xi1>, vector<16xf32>
        %select_n3A_3139 = arith.select %gt3A_3132, %get3A_3110, %while3A_3104 : vector<16xi1>, vector<16xi32>
        %swap3A_3140 = arith.index_cast %while3A_3102 : i32 to index
        %swap3A_3141 = tpu.vector_load %arg8[%swap3A_3140] masked %and3A_3128 {strides = array<i32>} : memref<576xi32, #tpu.memory_space<vmem>>, vector<16xi32>, vector<16xi1>
        tpu.vector_store %arg8[%swap3A_3140], %get3A_3110 masked %and3A_3128 {strides = array<i32>} : memref<576xi32, #tpu.memory_space<vmem>>, vector<16xi32>, vector<16xi1>
        %swap3A_3142 = arith.index_cast %while3A_3102 : i32 to index
        %swap3A_3143 = tpu.vector_load %arg11[%swap3A_3142] masked %and3A_3128 {strides = array<i32>} : memref<576xf32, #tpu.memory_space<vmem>>, vector<16xf32>, vector<16xi1>
        tpu.vector_store %arg11[%swap3A_3142], %get3A_3112 masked %and3A_3128 {strides = array<i32>} : memref<576xf32, #tpu.memory_space<vmem>>, vector<16xf32>, vector<16xi1>
        %all_reduce_population_count3A = tpu.all_reduce %and3A_3128 {dim = 0 : i64, kind = #tpu.reduction_kind<sum>} : vector<16xi1> -> vector<16xi32>
        %slice3A_3144 = vector.extract_strided_slice %all_reduce_population_count3A {offsets = [0], sizes = [1], strides = [1]} : vector<16xi32> to vector<1xi32>
        %squeeze3A_3145 = vector.extract %slice3A_3144[0] : i32 from vector<1xi32>
        %add3A_3146 = arith.addi %while3A_3102, %squeeze3A_3145 : i32
        scf.yield %add3A_3146, %select_n3A_3138, %select_n3A_3139, %select_n3A_3135, %select_n3A_3137 : i32, vector<16xf32>, vector<16xi32>, vector<16xf32>, vector<16xi32>
      }
      %while3A_2857 = arith.constant 1 : i32
      %while3A_2858:5 = scf.for %while3A_3101 = %while3A_2854 to %while3A_2850 step %while3A_2857 iter_args(%while3A_3102 = %while3A_2856#0, %while3A_3103 = %while3A_2856#1, %while3A_3104 = %while3A_2856#2, %while3A_3105 = %while3A_2856#3, %while3A_3106 = %while3A_2856#4) -> (i32, vector<16xf32>, vector<16xi32>, vector<16xf32>, vector<16xi32>)  : i32 {
        %mul3A_3107 = arith.constant 16 : i32
        %mul3A_3108 = arith.muli %while3A_3101, %mul3A_3107 : i32
        %get3A_3109 = arith.index_cast %mul3A_3108 : i32 to index
        %get3A_3110 = tpu.vector_load %arg8[%get3A_3109] {strides = array<i32>} : memref<576xi32, #tpu.memory_space<vmem>>, vector<16xi32>,
        %get3A_3111 = arith.index_cast %mul3A_3108 : i32 to index
        %get3A_3112 = tpu.vector_load %arg11[%get3A_3111] {strides = array<i32>} : memref<576xf32, #tpu.memory_space<vmem>>, vector<16xf32>,
        %gather3A_3113 = tpu.vector_load_idx %arg20[%get3A_3110] : memref<576xf32, #tpu.memory_space<vmem>>[vector<16xi32>], vector<16xf32>,
        %gather3A_3114 = tpu.vector_load_idx %arg23[%get3A_3110] : memref<576xf32, #tpu.memory_space<vmem>>[vector<16xi32>], vector<16xf32>,
        %mul3A_3115 = arith.constant 16 : i32
        %mul3A_3116 = arith.muli %while3A_3101, %mul3A_3115 : i32
        %add3A_3117 = vector.broadcast %mul3A_3116 : i32 to vector<16xi32>
        %add3A_3118 = arith.addi %iota3A, %add3A_3117 : vector<16xi32>
        %gt3A_3119 = arith.cmpf ogt, %gather3A_3113, %get3A_2778 : vector<16xf32>
        %eq3A_3120 = arith.cmpi eq, %get3A_3110, %broadcast_in_dim3A_2814 : vector<16xi32>
        %or3A = arith.ori %gt3A_3119, %eq3A_3120 : vector<16xi1>
        %gt3A_3121 = arith.cmpf ogt, %gather3A_3114, %get3A_2778 : vector<16xf32>
        %eq3A_3122 = arith.cmpi eq, %get3A_3110, %broadcast_in_dim3A_2815 : vector<16xi32>
        %or3A_3123 = arith.ori %gt3A_3121, %eq3A_3122 : vector<16xi1>
        %and3A_3124 = arith.andi %broadcast_in_dim3A_2805, %or3A_3123 : vector<16xi1>
        %or3A_3125 = arith.ori %or3A, %and3A_3124 : vector<16xi1>
        %lt3A_3126 = arith.cmpi slt, %add3A_3118, %broadcast_in_dim3A_2816 : vector<16xi32>
        %not3A = arith.constant dense<true> : vector<16xi1>
        %not3A_3127 = arith.xori %or3A_3125, %not3A : vector<16xi1>
        %and3A_3128 = arith.andi %lt3A_3126, %not3A_3127 : vector<16xi1>
        %jit3A_3129 = arith.constant 0.000000e+00 : f32
        %broadcast_in_dim3A_3130 = vector.broadcast %jit3A_3129 : f32 to vector<16xf32>
        %select_n3A_3131 = arith.select %and3A_3128, %get3A_3112, %broadcast_in_dim3A_3130 : vector<16xi1>, vector<16xf32>
        %gt3A_3132 = arith.cmpf ogt, %select_n3A_3131, %while3A_3103 : vector<16xf32>
        %gt3A_3133 = arith.cmpf ogt, %select_n3A_3131, %while3A_3105 : vector<16xf32>
        %select_n3A_3134 = arith.select %gt3A_3133, %select_n3A_3131, %while3A_3105 : vector<16xi1>, vector<16xf32>
        %select_n3A_3135 = arith.select %gt3A_3132, %while3A_3103, %select_n3A_3134 : vector<16xi1>, vector<16xf32>
        %select_n3A_3136 = arith.select %gt3A_3133, %get3A_3110, %while3A_3106 : vector<16xi1>, vector<16xi32>
        %select_n3A_3137 = arith.select %gt3A_3132, %while3A_3104, %select_n3A_3136 : vector<16xi1>, vector<16xi32>
        %select_n3A_3138 = arith.select %gt3A_3132, %select_n3A_3131, %while3A_3103 : vector<16xi1>, vector<16xf32>
        %select_n3A_3139 = arith.select %gt3A_3132, %get3A_3110, %while3A_3104 : vector<16xi1>, vector<16xi32>
        %swap3A_3140 = arith.index_cast %while3A_3102 : i32 to index
        %swap3A_3141 = tpu.vector_load %arg8[%swap3A_3140] masked %and3A_3128 {strides = array<i32>} : memref<576xi32, #tpu.memory_space<vmem>>, vector<16xi32>, vector<16xi1>
        tpu.vector_store %arg8[%swap3A_3140], %get3A_3110 masked %and3A_3128 {strides = array<i32>} : memref<576xi32, #tpu.memory_space<vmem>>, vector<16xi32>, vector<16xi1>
        %swap3A_3142 = arith.index_cast %while3A_3102 : i32 to index
        %swap3A_3143 = tpu.vector_load %arg11[%swap3A_3142] masked %and3A_3128 {strides = array<i32>} : memref<576xf32, #tpu.memory_space<vmem>>, vector<16xf32>, vector<16xi1>
        tpu.vector_store %arg11[%swap3A_3142], %get3A_3112 masked %and3A_3128 {strides = array<i32>} : memref<576xf32, #tpu.memory_space<vmem>>, vector<16xf32>, vector<16xi1>
        %all_reduce_population_count3A = tpu.all_reduce %and3A_3128 {dim = 0 : i64, kind = #tpu.reduction_kind<sum>} : vector<16xi1> -> vector<16xi32>
        %slice3A_3144 = vector.extract_strided_slice %all_reduce_population_count3A {offsets = [0], sizes = [1], strides = [1]} : vector<16xi32> to vector<1xi32>
        %squeeze3A_3145 = vector.extract %slice3A_3144[0] : i32 from vector<1xi32>
        %add3A_3146 = arith.addi %while3A_3102, %squeeze3A_3145 : i32
        scf.yield %add3A_3146, %select_n3A_3138, %select_n3A_3139, %select_n3A_3135, %select_n3A_3137 : i32, vector<16xf32>, vector<16xi32>, vector<16xf32>, vector<16xi32>
      }
      %broadcast_in_dim3A_2859 = arith.constant true
      %broadcast_in_dim3A_2860 = vector.broadcast %broadcast_in_dim3A_2859 : i1 to vector<16xi1>
      %masked_cummax3A_2861 = tpu.scan <max>, %while3A_2858#1 masked %broadcast_in_dim3A_2860 : vector<16xf32>, vector<16xi1> -> vector<16xf32>
      %slice3A_2862 = vector.extract_strided_slice %masked_cummax3A_2861 {offsets = [15], sizes = [1], strides = [1]} : vector<16xf32> to vector<1xf32>
      %squeeze3A_2863 = vector.extract %slice3A_2862[0] : f32 from vector<1xf32>
      %eq3A_2864 = vector.broadcast %squeeze3A_2863 : f32 to vector<16xf32>
      %eq3A_2865 = arith.cmpf oeq, %while3A_2858#1, %eq3A_2864 : vector<16xf32>
      %jit3A_2866 = arith.constant 576 : i32
      %broadcast_in_dim3A_2867 = vector.broadcast %jit3A_2866 : i32 to vector<16xi32>
      %select_n3A_2868 = arith.select %eq3A_2865, %while3A_2858#2, %broadcast_in_dim3A_2867 : vector<16xi1>, vector<16xi32>
      %neg3A_2869 = arith.constant 0 : i32
      %neg3A_2870 = vector.broadcast %neg3A_2869 : i32 to vector<16xi32>
      %neg3A_2871 = arith.subi %neg3A_2870, %select_n3A_2868 : vector<16xi32>
      %broadcast_in_dim3A_2872 = arith.constant true
      %broadcast_in_dim3A_2873 = vector.broadcast %broadcast_in_dim3A_2872 : i1 to vector<16xi1>
      %masked_cummax3A_2874 = arith.constant -2147483648 : i32
      %masked_cummax3A_2875 = vector.broadcast %masked_cummax3A_2874 : i32 to vector<16xi32>
      %masked_cummax3A_2876 = arith.xori %neg3A_2871, %masked_cummax3A_2875 : vector<16xi32>
      %masked_cummax3A_2877 = tpu.scan <max>, %masked_cummax3A_2876 masked %broadcast_in_dim3A_2873 : vector<16xi32>, vector<16xi1> -> vector<16xi32>
      %masked_cummax3A_2878 = arith.xori %masked_cummax3A_2877, %masked_cummax3A_2875 : vector<16xi32>
      %slice3A_2879 = vector.extract_strided_slice %masked_cummax3A_2878 {offsets = [15], sizes = [1], strides = [1]} : vector<16xi32> to vector<1xi32>
      %squeeze3A_2880 = vector.extract %slice3A_2879[0] : i32 from vector<1xi32>
      %neg3A_2881 = arith.constant 0 : i32
      %neg3A_2882 = arith.subi %neg3A_2881, %squeeze3A_2880 : i32
      %broadcast_in_dim3A_2883 = vector.broadcast %neg3A_2882 : i32 to vector<16xi32>
      %eq3A_2884 = arith.cmpi eq, %while3A_2858#2, %broadcast_in_dim3A_2883 : vector<16xi32>
      %select_n3A_2885 = arith.select %eq3A_2884, %while3A_2858#3, %while3A_2858#1 : vector<16xi1>, vector<16xf32>
      %select_n3A_2886 = arith.select %eq3A_2884, %while3A_2858#4, %while3A_2858#2 : vector<16xi1>, vector<16xi32>
      %broadcast_in_dim3A_2887 = arith.constant true
      %broadcast_in_dim3A_2888 = vector.broadcast %broadcast_in_dim3A_2887 : i1 to vector<16xi1>
      %masked_cummax3A_2889 = tpu.scan <max>, %select_n3A_2885 masked %broadcast_in_dim3A_2888 : vector<16xf32>, vector<16xi1> -> vector<16xf32>
      %slice3A_2890 = vector.extract_strided_slice %masked_cummax3A_2889 {offsets = [15], sizes = [1], strides = [1]} : vector<16xf32> to vector<1xf32>
      %squeeze3A_2891 = vector.extract %slice3A_2890[0] : f32 from vector<1xf32>
      %eq3A_2892 = vector.broadcast %squeeze3A_2891 : f32 to vector<16xf32>
      %eq3A_2893 = arith.cmpf oeq, %select_n3A_2885, %eq3A_2892 : vector<16xf32>
      %jit3A_2894 = arith.constant 576 : i32
      %broadcast_in_dim3A_2895 = vector.broadcast %jit3A_2894 : i32 to vector<16xi32>
      %select_n3A_2896 = arith.select %eq3A_2893, %select_n3A_2886, %broadcast_in_dim3A_2895 : vector<16xi1>, vector<16xi32>
      %neg3A_2897 = arith.constant 0 : i32
      %neg3A_2898 = vector.broadcast %neg3A_2897 : i32 to vector<16xi32>
      %neg3A_2899 = arith.subi %neg3A_2898, %select_n3A_2896 : vector<16xi32>
      %broadcast_in_dim3A_2900 = arith.constant true
      %broadcast_in_dim3A_2901 = vector.broadcast %broadcast_in_dim3A_2900 : i1 to vector<16xi1>
      %masked_cummax3A_2902 = arith.constant -2147483648 : i32
      %masked_cummax3A_2903 = vector.broadcast %masked_cummax3A_2902 : i32 to vector<16xi32>
      %masked_cummax3A_2904 = arith.xori %neg3A_2899, %masked_cummax3A_2903 : vector<16xi32>
      %masked_cummax3A_2905 = tpu.scan <max>, %masked_cummax3A_2904 masked %broadcast_in_dim3A_2901 : vector<16xi32>, vector<16xi1> -> vector<16xi32>
      %masked_cummax3A_2906 = arith.xori %masked_cummax3A_2905, %masked_cummax3A_2903 : vector<16xi32>
      %slice3A_2907 = vector.extract_strided_slice %masked_cummax3A_2906 {offsets = [15], sizes = [1], strides = [1]} : vector<16xi32> to vector<1xi32>
      %squeeze3A_2908 = vector.extract %slice3A_2907[0] : i32 from vector<1xi32>
      %neg3A_2909 = arith.constant 0 : i32
      %neg3A_2910 = arith.subi %neg3A_2909, %squeeze3A_2908 : i32
      %ne3A_2911 = arith.constant 0.000000e+00 : f32
      %ne3A_2912 = arith.cmpf one, %squeeze3A_2863, %ne3A_2911 : f32
      %lt3A_2913 = arith.constant 576 : i32
      %lt3A_2914 = arith.cmpi slt, %add3A_2813, %lt3A_2913 : i32
      %and3A_2915 = arith.andi %ne3A_2912, %lt3A_2914 : i1
      %convert_element_type3A_2916 = arith.extui %and3A_2915 : i1 to i32
      %cond3A_2917 = arith.constant 0 : i32
      %cond3A_2918 = arith.cmpi ne, %convert_element_type3A_2916, %cond3A_2917 : i32
      scf.if %cond3A_2918 {
        %broadcast_in_dim3A_3101 = vector.broadcast %add3A_2813 : i32 to vector<16xi32>
        %broadcast_in_dim3A_3102 = vector.broadcast %neg3A_2882 : i32 to vector<16xi32>
        tpu.vector_store_idx %arg17[%broadcast_in_dim3A_3101], %broadcast_in_dim3A_3102 masked %eq3A_2 : memref<576xi32, #tpu.memory_space<vmem>>[vector<16xi32>], vector<16xi32>, vector<16xi1>
        %broadcast_in_dim3A_3103 = vector.broadcast %neg3A_2882 : i32 to vector<16xi32>
        %convert_element_type3A_3104 = arith.sitofp %add3A_2813 : i32 to f32
        %sub3A_3105 = arith.constant 1.000000e+03 : f32
        %sub3A_3106 = arith.subf %sub3A_3105, %convert_element_type3A_3104 : f32
        %broadcast_in_dim3A_3107 = vector.broadcast %sub3A_3106 : f32 to vector<16xf32>
        tpu.vector_store_idx %arg14[%broadcast_in_dim3A_3103], %broadcast_in_dim3A_3107 masked %eq3A_2 : memref<576xf32, #tpu.memory_space<vmem>>[vector<16xi32>], vector<16xf32>, vector<16xi1>
      } else {
      }
      %mul3A_2919 = arith.constant 576 : i32
      %mul3A_2920 = arith.muli %add3A_9, %mul3A_2919 : i32
      %add3A_2921 = arith.addi %mul3A_2920, %neg3A_2882 : i32
      %dma_start3A_2922 = arith.constant 0 : i32
      %dma_start3A_2923 = tpu.memref_slice %arg2[%add3A_2921, %dma_start3A_2922] : memref<55296x576xf32, #tpu.memory_space<hbm>> -> memref<1x576xf32, #tpu.memory_space<hbm>>
      %dma_start3A_2924 = tpu.memref_squeeze %dma_start3A_2923 : memref<1x576xf32, #tpu.memory_space<hbm>> -> memref<576xf32, #tpu.memory_space<hbm>>
      %dma_start3A_2925 = arith.constant 0 : i32
      %dma_start3A_2926 = tpu.memref_slice %arg2[%add3A_2921, %dma_start3A_2925] : memref<55296x576xf32, #tpu.memory_space<hbm>> -> memref<1x576xf32, #tpu.memory_space<hbm>>
      %dma_start3A_2927 = tpu.memref_squeeze %dma_start3A_2926 : memref<1x576xf32, #tpu.memory_space<hbm>> -> memref<576xf32, #tpu.memory_space<hbm>>
      tpu.enqueue_dma source(%dma_start3A_2927 : memref<576xf32, #tpu.memory_space<hbm>>) target(%arg20 : memref<576xf32, #tpu.memory_space<vmem>>) target_semaphore(%arg29 : memref<!tpu.dma_semaphore, #tpu.memory_space<semaphore_mem>>)
      %mul3A_2928 = arith.constant 576 : i32
      %mul3A_2929 = arith.muli %add3A_9, %mul3A_2928 : i32
      %add3A_2930 = arith.addi %mul3A_2929, %neg3A_2910 : i32
      %dma_start3A_2931 = arith.constant 0 : i32
      %dma_start3A_2932 = tpu.memref_slice %arg2[%add3A_2930, %dma_start3A_2931] : memref<55296x576xf32, #tpu.memory_space<hbm>> -> memref<1x576xf32, #tpu.memory_space<hbm>>
      %dma_start3A_2933 = tpu.memref_squeeze %dma_start3A_2932 : memref<1x576xf32, #tpu.memory_space<hbm>> -> memref<576xf32, #tpu.memory_space<hbm>>
      %dma_start3A_2934 = arith.constant 0 : i32
      %dma_start3A_2935 = tpu.memref_slice %arg2[%add3A_2930, %dma_start3A_2934] : memref<55296x576xf32, #tpu.memory_space<hbm>> -> memref<1x576xf32, #tpu.memory_space<hbm>>
      %dma_start3A_2936 = tpu.memref_squeeze %dma_start3A_2935 : memref<1x576xf32, #tpu.memory_space<hbm>> -> memref<576xf32, #tpu.memory_space<hbm>>
      tpu.enqueue_dma source(%dma_start3A_2936 : memref<576xf32, #tpu.memory_space<hbm>>) target(%arg23 : memref<576xf32, #tpu.memory_space<vmem>>) target_semaphore(%arg32 : memref<!tpu.dma_semaphore, #tpu.memory_space<semaphore_mem>>)
      %convert_element_type3A_2937 = arith.extui %and3A_2915 : i1 to i32
      %add3A_2938 = arith.addi %add3A_2813, %convert_element_type3A_2937 : i32
      %get3A_2939 = arith.constant 0 : index
      %get3A_2940 = tpu.vector_load %arg27[%get3A_2939] {strides = array<i32>} : memref<16xf32, #tpu.memory_space<vmem>>, vector<16xf32>,
      %slice3A_2941 = vector.extract_strided_slice %get3A_2940 {offsets = [0], sizes = [1], strides = [1]} : vector<16xf32> to vector<1xf32>
      %squeeze3A_2942 = vector.extract %slice3A_2941[0] : f32 from vector<1xf32>
      %mul3A_2943 = arith.constant 576 : i32
      %mul3A_2944 = arith.muli %add3A_11, %mul3A_2943 : i32
      %dma_wait3A_2945 = arith.constant 0 : i32
      %dma_wait3A_2946 = tpu.memref_slice %arg2[%mul3A_2944, %dma_wait3A_2945] : memref<55296x576xf32, #tpu.memory_space<hbm>> -> memref<1x576xf32, #tpu.memory_space<hbm>>
      %dma_wait3A_2947 = tpu.memref_squeeze %dma_wait3A_2946 : memref<1x576xf32, #tpu.memory_space<hbm>> -> memref<576xf32, #tpu.memory_space<hbm>>
      %dma_wait3A_2948 = arith.constant 0 : i32
      %dma_wait3A_2949 = tpu.memref_slice %arg2[%mul3A_2944, %dma_wait3A_2948] : memref<55296x576xf32, #tpu.memory_space<hbm>> -> memref<1x576xf32, #tpu.memory_space<hbm>>
      %dma_wait3A_2950 = tpu.memref_squeeze %dma_wait3A_2949 : memref<1x576xf32, #tpu.memory_space<hbm>> -> memref<576xf32, #tpu.memory_space<hbm>>
      tpu.wait_dma2 semaphore(%arg30 : memref<!tpu.dma_semaphore, #tpu.memory_space<semaphore_mem>>) src(%dma_wait3A_2950 : memref<576xf32, #tpu.memory_space<hbm>>) dst(%arg21 : memref<576xf32, #tpu.memory_space<vmem>>)
      %mul3A_2951 = arith.constant 576 : i32
      %mul3A_2952 = arith.muli %add3A_11, %mul3A_2951 : i32
      %dma_wait3A_2953 = arith.constant 0 : i32
      %dma_wait3A_2954 = tpu.memref_slice %arg2[%mul3A_2952, %dma_wait3A_2953] : memref<55296x576xf32, #tpu.memory_space<hbm>> -> memref<1x576xf32, #tpu.memory_space<hbm>>
      %dma_wait3A_2955 = tpu.memref_squeeze %dma_wait3A_2954 : memref<1x576xf32, #tpu.memory_space<hbm>> -> memref<576xf32, #tpu.memory_space<hbm>>
      %dma_wait3A_2956 = arith.constant 0 : i32
      %dma_wait3A_2957 = tpu.memref_slice %arg2[%mul3A_2952, %dma_wait3A_2956] : memref<55296x576xf32, #tpu.memory_space<hbm>> -> memref<1x576xf32, #tpu.memory_space<hbm>>
      %dma_wait3A_2958 = tpu.memref_squeeze %dma_wait3A_2957 : memref<1x576xf32, #tpu.memory_space<hbm>> -> memref<576xf32, #tpu.memory_space<hbm>>
      tpu.wait_dma2 semaphore(%arg33 : memref<!tpu.dma_semaphore, #tpu.memory_space<semaphore_mem>>) src(%dma_wait3A_2958 : memref<576xf32, #tpu.memory_space<hbm>>) dst(%arg24 : memref<576xf32, #tpu.memory_space<vmem>>)
      %broadcast_in_dim3A_2959 = vector.broadcast %while3A_2620 : i32 to vector<16xi32>
      %gather3A_2960 = tpu.vector_load_idx %arg21[%broadcast_in_dim3A_2959] : memref<576xf32, #tpu.memory_space<vmem>>[vector<16xi32>], vector<16xf32>,
      %slice3A_2961 = vector.extract_strided_slice %gather3A_2960 {offsets = [0], sizes = [1], strides = [1]} : vector<16xf32> to vector<1xf32>
      %squeeze3A_2962 = vector.extract %slice3A_2961[0] : f32 from vector<1xf32>
      %le3A_2963 = arith.cmpf ole, %squeeze3A_2962, %squeeze3A_2942 : f32
      %ne3A_2964 = arith.constant 0.000000e+00 : f32
      %ne3A_2965 = arith.cmpf one, %while3A_2621, %ne3A_2964 : f32
      %and3A_2966 = arith.andi %le3A_2963, %ne3A_2965 : i1
      %broadcast_in_dim3A_2967 = vector.broadcast %and3A_2966 : i1 to vector<16xi1>
      %lt3A_2968 = arith.constant 576 : i32
      %lt3A_2969 = arith.cmpi slt, %while3A_2618, %lt3A_2968 : i32
      %and3A_2970 = arith.andi %and3A_2966, %lt3A_2969 : i1
      %convert_element_type3A_2971 = arith.extui %and3A_2970 : i1 to i32
      %cond3A_2972 = arith.constant 0 : i32
      %cond3A_2973 = arith.cmpi ne, %convert_element_type3A_2971, %cond3A_2972 : i32
      scf.if %cond3A_2973 {
        %broadcast_in_dim3A_3101 = vector.broadcast %while3A_2618 : i32 to vector<16xi32>
        %broadcast_in_dim3A_3102 = vector.broadcast %while3A_2620 : i32 to vector<16xi32>
        tpu.vector_store_idx %arg18[%broadcast_in_dim3A_3101], %broadcast_in_dim3A_3102 masked %eq3A_2 : memref<576xi32, #tpu.memory_space<vmem>>[vector<16xi32>], vector<16xi32>, vector<16xi1>
        %broadcast_in_dim3A_3103 = vector.broadcast %while3A_2620 : i32 to vector<16xi32>
        %convert_element_type3A_3104 = arith.sitofp %while3A_2618 : i32 to f32
        %sub3A_3105 = arith.constant 1.000000e+03 : f32
        %sub3A_3106 = arith.subf %sub3A_3105, %convert_element_type3A_3104 : f32
        %broadcast_in_dim3A_3107 = vector.broadcast %sub3A_3106 : f32 to vector<16xf32>
        tpu.vector_store_idx %arg15[%broadcast_in_dim3A_3103], %broadcast_in_dim3A_3107 masked %eq3A_2 : memref<576xf32, #tpu.memory_space<vmem>>[vector<16xi32>], vector<16xf32>, vector<16xi1>
      } else {
      }
      %convert_element_type3A_2974 = arith.extui %and3A_2966 : i1 to i32
      %add3A_2975 = arith.addi %while3A_2618, %convert_element_type3A_2974 : i32
      %broadcast_in_dim3A_2976 = vector.broadcast %while3A_2619 : i32 to vector<16xi32>
      %broadcast_in_dim3A_2977 = vector.broadcast %while3A_2620 : i32 to vector<16xi32>
      %broadcast_in_dim3A_2978 = vector.broadcast %while3A_2622 : i32 to vector<16xi32>
      %add3A_2979 = arith.constant 15 : i32
      %add3A_2980 = arith.addi %while3A_2622, %add3A_2979 : i32
      %jit3A_2981 = arith.constant 16 : i32
      %div3A_2982 = arith.divsi %add3A_2980, %jit3A_2981 : i32
      %sign3A_2983 = arith.constant 0 : i32
      %sign3A_2984 = arith.cmpi sgt, %add3A_2980, %sign3A_2983 : i32
      %sign3A_2985 = arith.extui %sign3A_2984 : i1 to i32
      %sign3A_2986 = arith.constant 0 : i32
      %sign3A_2987 = arith.cmpi slt, %add3A_2980, %sign3A_2986 : i32
      %sign3A_2988 = arith.extui %sign3A_2987 : i1 to i32
      %sign3A_2989 = arith.subi %sign3A_2985, %sign3A_2988 : i32
      %sign3A_2990 = arith.constant 0 : i32
      %sign3A_2991 = arith.cmpi sgt, %jit3A_2981, %sign3A_2990 : i32
      %sign3A_2992 = arith.extui %sign3A_2991 : i1 to i32
      %sign3A_2993 = arith.constant 0 : i32
      %sign3A_2994 = arith.cmpi slt, %jit3A_2981, %sign3A_2993 : i32
      %sign3A_2995 = arith.extui %sign3A_2994 : i1 to i32
      %sign3A_2996 = arith.subi %sign3A_2992, %sign3A_2995 : i32
      %ne3A_2997 = arith.cmpi ne, %sign3A_2989, %sign3A_2996 : i32
      %rem3A_2998 = arith.remsi %add3A_2980, %jit3A_2981 : i32
      %ne3A_2999 = arith.constant 0 : i32
      %ne3A_3000 = arith.cmpi ne, %rem3A_2998, %ne3A_2999 : i32
      %and3A_3001 = arith.andi %ne3A_2997, %ne3A_3000 : i1
      %sub3A_3002 = arith.constant 1 : i32
      %sub3A_3003 = arith.subi %div3A_2982, %sub3A_3002 : i32
      %select_n3A_3004 = arith.select %and3A_3001, %sub3A_3003, %div3A_2982 : i32
      %broadcast_in_dim3A_3005 = arith.constant 0 : i32
      %broadcast_in_dim3A_3006 = vector.broadcast %broadcast_in_dim3A_3005 : i32 to vector<16xi32>
      %broadcast_in_dim3A_3007 = arith.constant 0 : i32
      %broadcast_in_dim3A_3008 = vector.broadcast %broadcast_in_dim3A_3007 : i32 to vector<16xi32>
      %while3A_3009 = arith.constant 0 : i32
      %while3A_3010 = arith.constant 0 : i32
      %while3A_3011 = arith.subi %select_n3A_3004, %while3A_3009 : i32
      %while3A_3012 = arith.addi %while3A_3009, %while3A_3011 : i32
      %while3A_3013 = arith.constant 1 : i32
      %while3A_3014 = arith.divsi %while3A_3011, %while3A_3013 : i32
      %while3A_3015 = arith.muli %while3A_3014, %while3A_3013 : i32
      %while3A_3016 = arith.addi %while3A_3009, %while3A_3015 : i32
      %while3A_3017 = arith.constant 1 : i32
      %while3A_3018:5 = scf.for %while3A_3101 = %while3A_3009 to %while3A_3016 step %while3A_3017 iter_args(%while3A_3102 = %while3A_3010, %while3A_3103 = %broadcast_in_dim3A_5, %while3A_3104 = %broadcast_in_dim3A_3006, %while3A_3105 = %broadcast_in_dim3A_5, %while3A_3106 = %broadcast_in_dim3A_3008) -> (i32, vector<16xf32>, vector<16xi32>, vector<16xf32>, vector<16xi32>)  : i32 {
        %mul3A_3107 = arith.constant 16 : i32
        %mul3A_3108 = arith.muli %while3A_3101, %mul3A_3107 : i32
        %get3A_3109 = arith.index_cast %mul3A_3108 : i32 to index
        %get3A_3110 = tpu.vector_load %arg9[%get3A_3109] {strides = array<i32>} : memref<576xi32, #tpu.memory_space<vmem>>, vector<16xi32>,
        %get3A_3111 = arith.index_cast %mul3A_3108 : i32 to index
        %get3A_3112 = tpu.vector_load %arg12[%get3A_3111] {strides = array<i32>} : memref<576xf32, #tpu.memory_space<vmem>>, vector<16xf32>,
        %gather3A_3113 = tpu.vector_load_idx %arg21[%get3A_3110] : memref<576xf32, #tpu.memory_space<vmem>>[vector<16xi32>], vector<16xf32>,
        %gather3A_3114 = tpu.vector_load_idx %arg24[%get3A_3110] : memref<576xf32, #tpu.memory_space<vmem>>[vector<16xi32>], vector<16xf32>,
        %mul3A_3115 = arith.constant 16 : i32
        %mul3A_3116 = arith.muli %while3A_3101, %mul3A_3115 : i32
        %add3A_3117 = vector.broadcast %mul3A_3116 : i32 to vector<16xi32>
        %add3A_3118 = arith.addi %iota3A, %add3A_3117 : vector<16xi32>
        %gt3A_3119 = arith.cmpf ogt, %gather3A_3113, %get3A_2940 : vector<16xf32>
        %eq3A_3120 = arith.cmpi eq, %get3A_3110, %broadcast_in_dim3A_2976 : vector<16xi32>
        %or3A = arith.ori %gt3A_3119, %eq3A_3120 : vector<16xi1>
        %gt3A_3121 = arith.cmpf ogt, %gather3A_3114, %get3A_2940 : vector<16xf32>
        %eq3A_3122 = arith.cmpi eq, %get3A_3110, %broadcast_in_dim3A_2977 : vector<16xi32>
        %or3A_3123 = arith.ori %gt3A_3121, %eq3A_3122 : vector<16xi1>
        %and3A_3124 = arith.andi %broadcast_in_dim3A_2967, %or3A_3123 : vector<16xi1>
        %or3A_3125 = arith.ori %or3A, %and3A_3124 : vector<16xi1>
        %lt3A_3126 = arith.cmpi slt, %add3A_3118, %broadcast_in_dim3A_2978 : vector<16xi32>
        %not3A = arith.constant dense<true> : vector<16xi1>
        %not3A_3127 = arith.xori %or3A_3125, %not3A : vector<16xi1>
        %and3A_3128 = arith.andi %lt3A_3126, %not3A_3127 : vector<16xi1>
        %jit3A_3129 = arith.constant 0.000000e+00 : f32
        %broadcast_in_dim3A_3130 = vector.broadcast %jit3A_3129 : f32 to vector<16xf32>
        %select_n3A_3131 = arith.select %and3A_3128, %get3A_3112, %broadcast_in_dim3A_3130 : vector<16xi1>, vector<16xf32>
        %gt3A_3132 = arith.cmpf ogt, %select_n3A_3131, %while3A_3103 : vector<16xf32>
        %gt3A_3133 = arith.cmpf ogt, %select_n3A_3131, %while3A_3105 : vector<16xf32>
        %select_n3A_3134 = arith.select %gt3A_3133, %select_n3A_3131, %while3A_3105 : vector<16xi1>, vector<16xf32>
        %select_n3A_3135 = arith.select %gt3A_3132, %while3A_3103, %select_n3A_3134 : vector<16xi1>, vector<16xf32>
        %select_n3A_3136 = arith.select %gt3A_3133, %get3A_3110, %while3A_3106 : vector<16xi1>, vector<16xi32>
        %select_n3A_3137 = arith.select %gt3A_3132, %while3A_3104, %select_n3A_3136 : vector<16xi1>, vector<16xi32>
        %select_n3A_3138 = arith.select %gt3A_3132, %select_n3A_3131, %while3A_3103 : vector<16xi1>, vector<16xf32>
        %select_n3A_3139 = arith.select %gt3A_3132, %get3A_3110, %while3A_3104 : vector<16xi1>, vector<16xi32>
        %swap3A_3140 = arith.index_cast %while3A_3102 : i32 to index
        %swap3A_3141 = tpu.vector_load %arg9[%swap3A_3140] masked %and3A_3128 {strides = array<i32>} : memref<576xi32, #tpu.memory_space<vmem>>, vector<16xi32>, vector<16xi1>
        tpu.vector_store %arg9[%swap3A_3140], %get3A_3110 masked %and3A_3128 {strides = array<i32>} : memref<576xi32, #tpu.memory_space<vmem>>, vector<16xi32>, vector<16xi1>
        %swap3A_3142 = arith.index_cast %while3A_3102 : i32 to index
        %swap3A_3143 = tpu.vector_load %arg12[%swap3A_3142] masked %and3A_3128 {strides = array<i32>} : memref<576xf32, #tpu.memory_space<vmem>>, vector<16xf32>, vector<16xi1>
        tpu.vector_store %arg12[%swap3A_3142], %get3A_3112 masked %and3A_3128 {strides = array<i32>} : memref<576xf32, #tpu.memory_space<vmem>>, vector<16xf32>, vector<16xi1>
        %all_reduce_population_count3A = tpu.all_reduce %and3A_3128 {dim = 0 : i64, kind = #tpu.reduction_kind<sum>} : vector<16xi1> -> vector<16xi32>
        %slice3A_3144 = vector.extract_strided_slice %all_reduce_population_count3A {offsets = [0], sizes = [1], strides = [1]} : vector<16xi32> to vector<1xi32>
        %squeeze3A_3145 = vector.extract %slice3A_3144[0] : i32 from vector<1xi32>
        %add3A_3146 = arith.addi %while3A_3102, %squeeze3A_3145 : i32
        scf.yield %add3A_3146, %select_n3A_3138, %select_n3A_3139, %select_n3A_3135, %select_n3A_3137 : i32, vector<16xf32>, vector<16xi32>, vector<16xf32>, vector<16xi32>
      }
      %while3A_3019 = arith.constant 1 : i32
      %while3A_3020:5 = scf.for %while3A_3101 = %while3A_3016 to %while3A_3012 step %while3A_3019 iter_args(%while3A_3102 = %while3A_3018#0, %while3A_3103 = %while3A_3018#1, %while3A_3104 = %while3A_3018#2, %while3A_3105 = %while3A_3018#3, %while3A_3106 = %while3A_3018#4) -> (i32, vector<16xf32>, vector<16xi32>, vector<16xf32>, vector<16xi32>)  : i32 {
        %mul3A_3107 = arith.constant 16 : i32
        %mul3A_3108 = arith.muli %while3A_3101, %mul3A_3107 : i32
        %get3A_3109 = arith.index_cast %mul3A_3108 : i32 to index
        %get3A_3110 = tpu.vector_load %arg9[%get3A_3109] {strides = array<i32>} : memref<576xi32, #tpu.memory_space<vmem>>, vector<16xi32>,
        %get3A_3111 = arith.index_cast %mul3A_3108 : i32 to index
        %get3A_3112 = tpu.vector_load %arg12[%get3A_3111] {strides = array<i32>} : memref<576xf32, #tpu.memory_space<vmem>>, vector<16xf32>,
        %gather3A_3113 = tpu.vector_load_idx %arg21[%get3A_3110] : memref<576xf32, #tpu.memory_space<vmem>>[vector<16xi32>], vector<16xf32>,
        %gather3A_3114 = tpu.vector_load_idx %arg24[%get3A_3110] : memref<576xf32, #tpu.memory_space<vmem>>[vector<16xi32>], vector<16xf32>,
        %mul3A_3115 = arith.constant 16 : i32
        %mul3A_3116 = arith.muli %while3A_3101, %mul3A_3115 : i32
        %add3A_3117 = vector.broadcast %mul3A_3116 : i32 to vector<16xi32>
        %add3A_3118 = arith.addi %iota3A, %add3A_3117 : vector<16xi32>
        %gt3A_3119 = arith.cmpf ogt, %gather3A_3113, %get3A_2940 : vector<16xf32>
        %eq3A_3120 = arith.cmpi eq, %get3A_3110, %broadcast_in_dim3A_2976 : vector<16xi32>
        %or3A = arith.ori %gt3A_3119, %eq3A_3120 : vector<16xi1>
        %gt3A_3121 = arith.cmpf ogt, %gather3A_3114, %get3A_2940 : vector<16xf32>
        %eq3A_3122 = arith.cmpi eq, %get3A_3110, %broadcast_in_dim3A_2977 : vector<16xi32>
        %or3A_3123 = arith.ori %gt3A_3121, %eq3A_3122 : vector<16xi1>
        %and3A_3124 = arith.andi %broadcast_in_dim3A_2967, %or3A_3123 : vector<16xi1>
        %or3A_3125 = arith.ori %or3A, %and3A_3124 : vector<16xi1>
        %lt3A_3126 = arith.cmpi slt, %add3A_3118, %broadcast_in_dim3A_2978 : vector<16xi32>
        %not3A = arith.constant dense<true> : vector<16xi1>
        %not3A_3127 = arith.xori %or3A_3125, %not3A : vector<16xi1>
        %and3A_3128 = arith.andi %lt3A_3126, %not3A_3127 : vector<16xi1>
        %jit3A_3129 = arith.constant 0.000000e+00 : f32
        %broadcast_in_dim3A_3130 = vector.broadcast %jit3A_3129 : f32 to vector<16xf32>
        %select_n3A_3131 = arith.select %and3A_3128, %get3A_3112, %broadcast_in_dim3A_3130 : vector<16xi1>, vector<16xf32>
        %gt3A_3132 = arith.cmpf ogt, %select_n3A_3131, %while3A_3103 : vector<16xf32>
        %gt3A_3133 = arith.cmpf ogt, %select_n3A_3131, %while3A_3105 : vector<16xf32>
        %select_n3A_3134 = arith.select %gt3A_3133, %select_n3A_3131, %while3A_3105 : vector<16xi1>, vector<16xf32>
        %select_n3A_3135 = arith.select %gt3A_3132, %while3A_3103, %select_n3A_3134 : vector<16xi1>, vector<16xf32>
        %select_n3A_3136 = arith.select %gt3A_3133, %get3A_3110, %while3A_3106 : vector<16xi1>, vector<16xi32>
        %select_n3A_3137 = arith.select %gt3A_3132, %while3A_3104, %select_n3A_3136 : vector<16xi1>, vector<16xi32>
        %select_n3A_3138 = arith.select %gt3A_3132, %select_n3A_3131, %while3A_3103 : vector<16xi1>, vector<16xf32>
        %select_n3A_3139 = arith.select %gt3A_3132, %get3A_3110, %while3A_3104 : vector<16xi1>, vector<16xi32>
        %swap3A_3140 = arith.index_cast %while3A_3102 : i32 to index
        %swap3A_3141 = tpu.vector_load %arg9[%swap3A_3140] masked %and3A_3128 {strides = array<i32>} : memref<576xi32, #tpu.memory_space<vmem>>, vector<16xi32>, vector<16xi1>
        tpu.vector_store %arg9[%swap3A_3140], %get3A_3110 masked %and3A_3128 {strides = array<i32>} : memref<576xi32, #tpu.memory_space<vmem>>, vector<16xi32>, vector<16xi1>
        %swap3A_3142 = arith.index_cast %while3A_3102 : i32 to index
        %swap3A_3143 = tpu.vector_load %arg12[%swap3A_3142] masked %and3A_3128 {strides = array<i32>} : memref<576xf32, #tpu.memory_space<vmem>>, vector<16xf32>, vector<16xi1>
        tpu.vector_store %arg12[%swap3A_3142], %get3A_3112 masked %and3A_3128 {strides = array<i32>} : memref<576xf32, #tpu.memory_space<vmem>>, vector<16xf32>, vector<16xi1>
        %all_reduce_population_count3A = tpu.all_reduce %and3A_3128 {dim = 0 : i64, kind = #tpu.reduction_kind<sum>} : vector<16xi1> -> vector<16xi32>
        %slice3A_3144 = vector.extract_strided_slice %all_reduce_population_count3A {offsets = [0], sizes = [1], strides = [1]} : vector<16xi32> to vector<1xi32>
        %squeeze3A_3145 = vector.extract %slice3A_3144[0] : i32 from vector<1xi32>
        %add3A_3146 = arith.addi %while3A_3102, %squeeze3A_3145 : i32
        scf.yield %add3A_3146, %select_n3A_3138, %select_n3A_3139, %select_n3A_3135, %select_n3A_3137 : i32, vector<16xf32>, vector<16xi32>, vector<16xf32>, vector<16xi32>
      }
      %broadcast_in_dim3A_3021 = arith.constant true
      %broadcast_in_dim3A_3022 = vector.broadcast %broadcast_in_dim3A_3021 : i1 to vector<16xi1>
      %masked_cummax3A_3023 = tpu.scan <max>, %while3A_3020#1 masked %broadcast_in_dim3A_3022 : vector<16xf32>, vector<16xi1> -> vector<16xf32>
      %slice3A_3024 = vector.extract_strided_slice %masked_cummax3A_3023 {offsets = [15], sizes = [1], strides = [1]} : vector<16xf32> to vector<1xf32>
      %squeeze3A_3025 = vector.extract %slice3A_3024[0] : f32 from vector<1xf32>
      %eq3A_3026 = vector.broadcast %squeeze3A_3025 : f32 to vector<16xf32>
      %eq3A_3027 = arith.cmpf oeq, %while3A_3020#1, %eq3A_3026 : vector<16xf32>
      %jit3A_3028 = arith.constant 576 : i32
      %broadcast_in_dim3A_3029 = vector.broadcast %jit3A_3028 : i32 to vector<16xi32>
      %select_n3A_3030 = arith.select %eq3A_3027, %while3A_3020#2, %broadcast_in_dim3A_3029 : vector<16xi1>, vector<16xi32>
      %neg3A_3031 = arith.constant 0 : i32
      %neg3A_3032 = vector.broadcast %neg3A_3031 : i32 to vector<16xi32>
      %neg3A_3033 = arith.subi %neg3A_3032, %select_n3A_3030 : vector<16xi32>
      %broadcast_in_dim3A_3034 = arith.constant true
      %broadcast_in_dim3A_3035 = vector.broadcast %broadcast_in_dim3A_3034 : i1 to vector<16xi1>
      %masked_cummax3A_3036 = arith.constant -2147483648 : i32
      %masked_cummax3A_3037 = vector.broadcast %masked_cummax3A_3036 : i32 to vector<16xi32>
      %masked_cummax3A_3038 = arith.xori %neg3A_3033, %masked_cummax3A_3037 : vector<16xi32>
      %masked_cummax3A_3039 = tpu.scan <max>, %masked_cummax3A_3038 masked %broadcast_in_dim3A_3035 : vector<16xi32>, vector<16xi1> -> vector<16xi32>
      %masked_cummax3A_3040 = arith.xori %masked_cummax3A_3039, %masked_cummax3A_3037 : vector<16xi32>
      %slice3A_3041 = vector.extract_strided_slice %masked_cummax3A_3040 {offsets = [15], sizes = [1], strides = [1]} : vector<16xi32> to vector<1xi32>
      %squeeze3A_3042 = vector.extract %slice3A_3041[0] : i32 from vector<1xi32>
      %neg3A_3043 = arith.constant 0 : i32
      %neg3A_3044 = arith.subi %neg3A_3043, %squeeze3A_3042 : i32
      %broadcast_in_dim3A_3045 = vector.broadcast %neg3A_3044 : i32 to vector<16xi32>
      %eq3A_3046 = arith.cmpi eq, %while3A_3020#2, %broadcast_in_dim3A_3045 : vector<16xi32>
      %select_n3A_3047 = arith.select %eq3A_3046, %while3A_3020#3, %while3A_3020#1 : vector<16xi1>, vector<16xf32>
      %select_n3A_3048 = arith.select %eq3A_3046, %while3A_3020#4, %while3A_3020#2 : vector<16xi1>, vector<16xi32>
      %broadcast_in_dim3A_3049 = arith.constant true
      %broadcast_in_dim3A_3050 = vector.broadcast %broadcast_in_dim3A_3049 : i1 to vector<16xi1>
      %masked_cummax3A_3051 = tpu.scan <max>, %select_n3A_3047 masked %broadcast_in_dim3A_3050 : vector<16xf32>, vector<16xi1> -> vector<16xf32>
      %slice3A_3052 = vector.extract_strided_slice %masked_cummax3A_3051 {offsets = [15], sizes = [1], strides = [1]} : vector<16xf32> to vector<1xf32>
      %squeeze3A_3053 = vector.extract %slice3A_3052[0] : f32 from vector<1xf32>
      %eq3A_3054 = vector.broadcast %squeeze3A_3053 : f32 to vector<16xf32>
      %eq3A_3055 = arith.cmpf oeq, %select_n3A_3047, %eq3A_3054 : vector<16xf32>
      %jit3A_3056 = arith.constant 576 : i32
      %broadcast_in_dim3A_3057 = vector.broadcast %jit3A_3056 : i32 to vector<16xi32>
      %select_n3A_3058 = arith.select %eq3A_3055, %select_n3A_3048, %broadcast_in_dim3A_3057 : vector<16xi1>, vector<16xi32>
      %neg3A_3059 = arith.constant 0 : i32
      %neg3A_3060 = vector.broadcast %neg3A_3059 : i32 to vector<16xi32>
      %neg3A_3061 = arith.subi %neg3A_3060, %select_n3A_3058 : vector<16xi32>
      %broadcast_in_dim3A_3062 = arith.constant true
      %broadcast_in_dim3A_3063 = vector.broadcast %broadcast_in_dim3A_3062 : i1 to vector<16xi1>
      %masked_cummax3A_3064 = arith.constant -2147483648 : i32
      %masked_cummax3A_3065 = vector.broadcast %masked_cummax3A_3064 : i32 to vector<16xi32>
      %masked_cummax3A_3066 = arith.xori %neg3A_3061, %masked_cummax3A_3065 : vector<16xi32>
      %masked_cummax3A_3067 = tpu.scan <max>, %masked_cummax3A_3066 masked %broadcast_in_dim3A_3063 : vector<16xi32>, vector<16xi1> -> vector<16xi32>
      %masked_cummax3A_3068 = arith.xori %masked_cummax3A_3067, %masked_cummax3A_3065 : vector<16xi32>
      %slice3A_3069 = vector.extract_strided_slice %masked_cummax3A_3068 {offsets = [15], sizes = [1], strides = [1]} : vector<16xi32> to vector<1xi32>
      %squeeze3A_3070 = vector.extract %slice3A_3069[0] : i32 from vector<1xi32>
      %neg3A_3071 = arith.constant 0 : i32
      %neg3A_3072 = arith.subi %neg3A_3071, %squeeze3A_3070 : i32
      %ne3A_3073 = arith.constant 0.000000e+00 : f32
      %ne3A_3074 = arith.cmpf one, %squeeze3A_3025, %ne3A_3073 : f32
      %lt3A_3075 = arith.constant 576 : i32
      %lt3A_3076 = arith.cmpi slt, %add3A_2975, %lt3A_3075 : i32
      %and3A_3077 = arith.andi %ne3A_3074, %lt3A_3076 : i1
      %convert_element_type3A_3078 = arith.extui %and3A_3077 : i1 to i32
      %cond3A_3079 = arith.constant 0 : i32
      %cond3A_3080 = arith.cmpi ne, %convert_element_type3A_3078, %cond3A_3079 : i32
      scf.if %cond3A_3080 {
        %broadcast_in_dim3A_3101 = vector.broadcast %add3A_2975 : i32 to vector<16xi32>
        %broadcast_in_dim3A_3102 = vector.broadcast %neg3A_3044 : i32 to vector<16xi32>
        tpu.vector_store_idx %arg18[%broadcast_in_dim3A_3101], %broadcast_in_dim3A_3102 masked %eq3A_2 : memref<576xi32, #tpu.memory_space<vmem>>[vector<16xi32>], vector<16xi32>, vector<16xi1>
        %broadcast_in_dim3A_3103 = vector.broadcast %neg3A_3044 : i32 to vector<16xi32>
        %convert_element_type3A_3104 = arith.sitofp %add3A_2975 : i32 to f32
        %sub3A_3105 = arith.constant 1.000000e+03 : f32
        %sub3A_3106 = arith.subf %sub3A_3105, %convert_element_type3A_3104 : f32
        %broadcast_in_dim3A_3107 = vector.broadcast %sub3A_3106 : f32 to vector<16xf32>
        tpu.vector_store_idx %arg15[%broadcast_in_dim3A_3103], %broadcast_in_dim3A_3107 masked %eq3A_2 : memref<576xf32, #tpu.memory_space<vmem>>[vector<16xi32>], vector<16xf32>, vector<16xi1>
      } else {
      }
      %mul3A_3081 = arith.constant 576 : i32
      %mul3A_3082 = arith.muli %add3A_11, %mul3A_3081 : i32
      %add3A_3083 = arith.addi %mul3A_3082, %neg3A_3044 : i32
      %dma_start3A_3084 = arith.constant 0 : i32
      %dma_start3A_3085 = tpu.memref_slice %arg2[%add3A_3083, %dma_start3A_3084] : memref<55296x576xf32, #tpu.memory_space<hbm>> -> memref<1x576xf32, #tpu.memory_space<hbm>>
      %dma_start3A_3086 = tpu.memref_squeeze %dma_start3A_3085 : memref<1x576xf32, #tpu.memory_space<hbm>> -> memref<576xf32, #tpu.memory_space<hbm>>
      %dma_start3A_3087 = arith.constant 0 : i32
      %dma_start3A_3088 = tpu.memref_slice %arg2[%add3A_3083, %dma_start3A_3087] : memref<55296x576xf32, #tpu.memory_space<hbm>> -> memref<1x576xf32, #tpu.memory_space<hbm>>
      %dma_start3A_3089 = tpu.memref_squeeze %dma_start3A_3088 : memref<1x576xf32, #tpu.memory_space<hbm>> -> memref<576xf32, #tpu.memory_space<hbm>>
      tpu.enqueue_dma source(%dma_start3A_3089 : memref<576xf32, #tpu.memory_space<hbm>>) target(%arg21 : memref<576xf32, #tpu.memory_space<vmem>>) target_semaphore(%arg30 : memref<!tpu.dma_semaphore, #tpu.memory_space<semaphore_mem>>)
      %mul3A_3090 = arith.constant 576 : i32
      %mul3A_3091 = arith.muli %add3A_11, %mul3A_3090 : i32
      %add3A_3092 = arith.addi %mul3A_3091, %neg3A_3072 : i32
      %dma_start3A_3093 = arith.constant 0 : i32
      %dma_start3A_3094 = tpu.memref_slice %arg2[%add3A_3092, %dma_start3A_3093] : memref<55296x576xf32, #tpu.memory_space<hbm>> -> memref<1x576xf32, #tpu.memory_space<hbm>>
      %dma_start3A_3095 = tpu.memref_squeeze %dma_start3A_3094 : memref<1x576xf32, #tpu.memory_space<hbm>> -> memref<576xf32, #tpu.memory_space<hbm>>
      %dma_start3A_3096 = arith.constant 0 : i32
      %dma_start3A_3097 = tpu.memref_slice %arg2[%add3A_3092, %dma_start3A_3096] : memref<55296x576xf32, #tpu.memory_space<hbm>> -> memref<1x576xf32, #tpu.memory_space<hbm>>
      %dma_start3A_3098 = tpu.memref_squeeze %dma_start3A_3097 : memref<1x576xf32, #tpu.memory_space<hbm>> -> memref<576xf32, #tpu.memory_space<hbm>>
      tpu.enqueue_dma source(%dma_start3A_3098 : memref<576xf32, #tpu.memory_space<hbm>>) target(%arg24 : memref<576xf32, #tpu.memory_space<vmem>>) target_semaphore(%arg33 : memref<!tpu.dma_semaphore, #tpu.memory_space<semaphore_mem>>)
      %convert_element_type3A_3099 = arith.extui %and3A_3077 : i1 to i32
      %add3A_3100 = arith.addi %add3A_2975, %convert_element_type3A_3099 : i32
      scf.yield %and3A_2753, %add3A_2776, %neg3A_2720, %neg3A_2748, %squeeze3A_2729, %while3A_2696#0, %and3A_2915, %add3A_2938, %neg3A_2882, %neg3A_2910, %squeeze3A_2891, %while3A_2858#0, %and3A_3077, %add3A_3100, %neg3A_3044, %neg3A_3072, %squeeze3A_3053, %while3A_3020#0 : i1, i32, i32, i32, f32, i32, i1, i32, i32, i32, f32, i32, i1, i32, i32, i32, f32, i32
    }
    %mul3A_2485 = arith.constant 576 : i32
    %mul3A_2486 = arith.muli %add3A_7, %mul3A_2485 : i32
    %dma_wait3A_2487 = arith.constant 0 : i32
    %dma_wait3A_2488 = tpu.memref_slice %arg2[%mul3A_2486, %dma_wait3A_2487] : memref<55296x576xf32, #tpu.memory_space<hbm>> -> memref<1x576xf32, #tpu.memory_space<hbm>>
    %dma_wait3A_2489 = tpu.memref_squeeze %dma_wait3A_2488 : memref<1x576xf32, #tpu.memory_space<hbm>> -> memref<576xf32, #tpu.memory_space<hbm>>
    %dma_wait3A_2490 = arith.constant 0 : i32
    %dma_wait3A_2491 = tpu.memref_slice %arg2[%mul3A_2486, %dma_wait3A_2490] : memref<55296x576xf32, #tpu.memory_space<hbm>> -> memref<1x576xf32, #tpu.memory_space<hbm>>
    %dma_wait3A_2492 = tpu.memref_squeeze %dma_wait3A_2491 : memref<1x576xf32, #tpu.memory_space<hbm>> -> memref<576xf32, #tpu.memory_space<hbm>>
    tpu.wait_dma2 semaphore(%arg28 : memref<!tpu.dma_semaphore, #tpu.memory_space<semaphore_mem>>) src(%dma_wait3A_2492 : memref<576xf32, #tpu.memory_space<hbm>>) dst(%arg19 : memref<576xf32, #tpu.memory_space<vmem>>)
    %mul3A_2493 = arith.constant 576 : i32
    %mul3A_2494 = arith.muli %add3A_7, %mul3A_2493 : i32
    %dma_wait3A_2495 = arith.constant 0 : i32
    %dma_wait3A_2496 = tpu.memref_slice %arg2[%mul3A_2494, %dma_wait3A_2495] : memref<55296x576xf32, #tpu.memory_space<hbm>> -> memref<1x576xf32, #tpu.memory_space<hbm>>
    %dma_wait3A_2497 = tpu.memref_squeeze %dma_wait3A_2496 : memref<1x576xf32, #tpu.memory_space<hbm>> -> memref<576xf32, #tpu.memory_space<hbm>>
    %dma_wait3A_2498 = arith.constant 0 : i32
    %dma_wait3A_2499 = tpu.memref_slice %arg2[%mul3A_2494, %dma_wait3A_2498] : memref<55296x576xf32, #tpu.memory_space<hbm>> -> memref<1x576xf32, #tpu.memory_space<hbm>>
    %dma_wait3A_2500 = tpu.memref_squeeze %dma_wait3A_2499 : memref<1x576xf32, #tpu.memory_space<hbm>> -> memref<576xf32, #tpu.memory_space<hbm>>
    tpu.wait_dma2 semaphore(%arg31 : memref<!tpu.dma_semaphore, #tpu.memory_space<semaphore_mem>>) src(%dma_wait3A_2500 : memref<576xf32, #tpu.memory_space<hbm>>) dst(%arg22 : memref<576xf32, #tpu.memory_space<vmem>>)
    %dma_start3A_2501 = arith.constant 0 : i32
    %dma_start3A_2502 = tpu.memref_slice %arg5[%add3A_7, %dma_start3A_2501] : memref<96x576xi32, #tpu.memory_space<hbm>> -> memref<1x576xi32, #tpu.memory_space<hbm>>
    %dma_start3A_2503 = tpu.memref_squeeze %dma_start3A_2502 : memref<1x576xi32, #tpu.memory_space<hbm>> -> memref<576xi32, #tpu.memory_space<hbm>>
    %dma_start3A_2504 = arith.constant 0 : i32
    %dma_start3A_2505 = tpu.memref_slice %arg5[%add3A_7, %dma_start3A_2504] : memref<96x576xi32, #tpu.memory_space<hbm>> -> memref<1x576xi32, #tpu.memory_space<hbm>>
    %dma_start3A_2506 = tpu.memref_squeeze %dma_start3A_2505 : memref<1x576xi32, #tpu.memory_space<hbm>> -> memref<576xi32, #tpu.memory_space<hbm>>
    tpu.enqueue_dma source(%arg16 : memref<576xi32, #tpu.memory_space<vmem>>) target(%dma_start3A_2506 : memref<576xi32, #tpu.memory_space<hbm>>) target_semaphore(%arg28 : memref<!tpu.dma_semaphore, #tpu.memory_space<semaphore_mem>>)
    %dma_start3A_2507 = arith.constant 0 : i32
    %dma_start3A_2508 = tpu.memref_slice %arg6[%add3A_7, %dma_start3A_2507] : memref<96x576xf32, #tpu.memory_space<hbm>> -> memref<1x576xf32, #tpu.memory_space<hbm>>
    %dma_start3A_2509 = tpu.memref_squeeze %dma_start3A_2508 : memref<1x576xf32, #tpu.memory_space<hbm>> -> memref<576xf32, #tpu.memory_space<hbm>>
    %dma_start3A_2510 = arith.constant 0 : i32
    %dma_start3A_2511 = tpu.memref_slice %arg6[%add3A_7, %dma_start3A_2510] : memref<96x576xf32, #tpu.memory_space<hbm>> -> memref<1x576xf32, #tpu.memory_space<hbm>>
    %dma_start3A_2512 = tpu.memref_squeeze %dma_start3A_2511 : memref<1x576xf32, #tpu.memory_space<hbm>> -> memref<576xf32, #tpu.memory_space<hbm>>
    tpu.enqueue_dma source(%arg13 : memref<576xf32, #tpu.memory_space<vmem>>) target(%dma_start3A_2512 : memref<576xf32, #tpu.memory_space<hbm>>) target_semaphore(%arg31 : memref<!tpu.dma_semaphore, #tpu.memory_space<semaphore_mem>>)
    %mul3A_2513 = arith.constant 576 : i32
    %mul3A_2514 = arith.muli %add3A_9, %mul3A_2513 : i32
    %dma_wait3A_2515 = arith.constant 0 : i32
    %dma_wait3A_2516 = tpu.memref_slice %arg2[%mul3A_2514, %dma_wait3A_2515] : memref<55296x576xf32, #tpu.memory_space<hbm>> -> memref<1x576xf32, #tpu.memory_space<hbm>>
    %dma_wait3A_2517 = tpu.memref_squeeze %dma_wait3A_2516 : memref<1x576xf32, #tpu.memory_space<hbm>> -> memref<576xf32, #tpu.memory_space<hbm>>
    %dma_wait3A_2518 = arith.constant 0 : i32
    %dma_wait3A_2519 = tpu.memref_slice %arg2[%mul3A_2514, %dma_wait3A_2518] : memref<55296x576xf32, #tpu.memory_space<hbm>> -> memref<1x576xf32, #tpu.memory_space<hbm>>
    %dma_wait3A_2520 = tpu.memref_squeeze %dma_wait3A_2519 : memref<1x576xf32, #tpu.memory_space<hbm>> -> memref<576xf32, #tpu.memory_space<hbm>>
    tpu.wait_dma2 semaphore(%arg29 : memref<!tpu.dma_semaphore, #tpu.memory_space<semaphore_mem>>) src(%dma_wait3A_2520 : memref<576xf32, #tpu.memory_space<hbm>>) dst(%arg20 : memref<576xf32, #tpu.memory_space<vmem>>)
    %mul3A_2521 = arith.constant 576 : i32
    %mul3A_2522 = arith.muli %add3A_9, %mul3A_2521 : i32
    %dma_wait3A_2523 = arith.constant 0 : i32
    %dma_wait3A_2524 = tpu.memref_slice %arg2[%mul3A_2522, %dma_wait3A_2523] : memref<55296x576xf32, #tpu.memory_space<hbm>> -> memref<1x576xf32, #tpu.memory_space<hbm>>
    %dma_wait3A_2525 = tpu.memref_squeeze %dma_wait3A_2524 : memref<1x576xf32, #tpu.memory_space<hbm>> -> memref<576xf32, #tpu.memory_space<hbm>>
    %dma_wait3A_2526 = arith.constant 0 : i32
    %dma_wait3A_2527 = tpu.memref_slice %arg2[%mul3A_2522, %dma_wait3A_2526] : memref<55296x576xf32, #tpu.memory_space<hbm>> -> memref<1x576xf32, #tpu.memory_space<hbm>>
    %dma_wait3A_2528 = tpu.memref_squeeze %dma_wait3A_2527 : memref<1x576xf32, #tpu.memory_space<hbm>> -> memref<576xf32, #tpu.memory_space<hbm>>
    tpu.wait_dma2 semaphore(%arg32 : memref<!tpu.dma_semaphore, #tpu.memory_space<semaphore_mem>>) src(%dma_wait3A_2528 : memref<576xf32, #tpu.memory_space<hbm>>) dst(%arg23 : memref<576xf32, #tpu.memory_space<vmem>>)
    %dma_start3A_2529 = arith.constant 0 : i32
    %dma_start3A_2530 = tpu.memref_slice %arg5[%add3A_9, %dma_start3A_2529] : memref<96x576xi32, #tpu.memory_space<hbm>> -> memref<1x576xi32, #tpu.memory_space<hbm>>
    %dma_start3A_2531 = tpu.memref_squeeze %dma_start3A_2530 : memref<1x576xi32, #tpu.memory_space<hbm>> -> memref<576xi32, #tpu.memory_space<hbm>>
    %dma_start3A_2532 = arith.constant 0 : i32
    %dma_start3A_2533 = tpu.memref_slice %arg5[%add3A_9, %dma_start3A_2532] : memref<96x576xi32, #tpu.memory_space<hbm>> -> memref<1x576xi32, #tpu.memory_space<hbm>>
    %dma_start3A_2534 = tpu.memref_squeeze %dma_start3A_2533 : memref<1x576xi32, #tpu.memory_space<hbm>> -> memref<576xi32, #tpu.memory_space<hbm>>
    tpu.enqueue_dma source(%arg17 : memref<576xi32, #tpu.memory_space<vmem>>) target(%dma_start3A_2534 : memref<576xi32, #tpu.memory_space<hbm>>) target_semaphore(%arg29 : memref<!tpu.dma_semaphore, #tpu.memory_space<semaphore_mem>>)
    %dma_start3A_2535 = arith.constant 0 : i32
    %dma_start3A_2536 = tpu.memref_slice %arg6[%add3A_9, %dma_start3A_2535] : memref<96x576xf32, #tpu.memory_space<hbm>> -> memref<1x576xf32, #tpu.memory_space<hbm>>
    %dma_start3A_2537 = tpu.memref_squeeze %dma_start3A_2536 : memref<1x576xf32, #tpu.memory_space<hbm>> -> memref<576xf32, #tpu.memory_space<hbm>>
    %dma_start3A_2538 = arith.constant 0 : i32
    %dma_start3A_2539 = tpu.memref_slice %arg6[%add3A_9, %dma_start3A_2538] : memref<96x576xf32, #tpu.memory_space<hbm>> -> memref<1x576xf32, #tpu.memory_space<hbm>>
    %dma_start3A_2540 = tpu.memref_squeeze %dma_start3A_2539 : memref<1x576xf32, #tpu.memory_space<hbm>> -> memref<576xf32, #tpu.memory_space<hbm>>
    tpu.enqueue_dma source(%arg14 : memref<576xf32, #tpu.memory_space<vmem>>) target(%dma_start3A_2540 : memref<576xf32, #tpu.memory_space<hbm>>) target_semaphore(%arg32 : memref<!tpu.dma_semaphore, #tpu.memory_space<semaphore_mem>>)
    %mul3A_2541 = arith.constant 576 : i32
    %mul3A_2542 = arith.muli %add3A_11, %mul3A_2541 : i32
    %dma_wait3A_2543 = arith.constant 0 : i32
    %dma_wait3A_2544 = tpu.memref_slice %arg2[%mul3A_2542, %dma_wait3A_2543] : memref<55296x576xf32, #tpu.memory_space<hbm>> -> memref<1x576xf32, #tpu.memory_space<hbm>>
    %dma_wait3A_2545 = tpu.memref_squeeze %dma_wait3A_2544 : memref<1x576xf32, #tpu.memory_space<hbm>> -> memref<576xf32, #tpu.memory_space<hbm>>
    %dma_wait3A_2546 = arith.constant 0 : i32
    %dma_wait3A_2547 = tpu.memref_slice %arg2[%mul3A_2542, %dma_wait3A_2546] : memref<55296x576xf32, #tpu.memory_space<hbm>> -> memref<1x576xf32, #tpu.memory_space<hbm>>
    %dma_wait3A_2548 = tpu.memref_squeeze %dma_wait3A_2547 : memref<1x576xf32, #tpu.memory_space<hbm>> -> memref<576xf32, #tpu.memory_space<hbm>>
    tpu.wait_dma2 semaphore(%arg30 : memref<!tpu.dma_semaphore, #tpu.memory_space<semaphore_mem>>) src(%dma_wait3A_2548 : memref<576xf32, #tpu.memory_space<hbm>>) dst(%arg21 : memref<576xf32, #tpu.memory_space<vmem>>)
    %mul3A_2549 = arith.constant 576 : i32
    %mul3A_2550 = arith.muli %add3A_11, %mul3A_2549 : i32
    %dma_wait3A_2551 = arith.constant 0 : i32
    %dma_wait3A_2552 = tpu.memref_slice %arg2[%mul3A_2550, %dma_wait3A_2551] : memref<55296x576xf32, #tpu.memory_space<hbm>> -> memref<1x576xf32, #tpu.memory_space<hbm>>
    %dma_wait3A_2553 = tpu.memref_squeeze %dma_wait3A_2552 : memref<1x576xf32, #tpu.memory_space<hbm>> -> memref<576xf32, #tpu.memory_space<hbm>>
    %dma_wait3A_2554 = arith.constant 0 : i32
    %dma_wait3A_2555 = tpu.memref_slice %arg2[%mul3A_2550, %dma_wait3A_2554] : memref<55296x576xf32, #tpu.memory_space<hbm>> -> memref<1x576xf32, #tpu.memory_space<hbm>>
    %dma_wait3A_2556 = tpu.memref_squeeze %dma_wait3A_2555 : memref<1x576xf32, #tpu.memory_space<hbm>> -> memref<576xf32, #tpu.memory_space<hbm>>
    tpu.wait_dma2 semaphore(%arg33 : memref<!tpu.dma_semaphore, #tpu.memory_space<semaphore_mem>>) src(%dma_wait3A_2556 : memref<576xf32, #tpu.memory_space<hbm>>) dst(%arg24 : memref<576xf32, #tpu.memory_space<vmem>>)
    %dma_start3A_2557 = arith.constant 0 : i32
    %dma_start3A_2558 = tpu.memref_slice %arg5[%add3A_11, %dma_start3A_2557] : memref<96x576xi32, #tpu.memory_space<hbm>> -> memref<1x576xi32, #tpu.memory_space<hbm>>
    %dma_start3A_2559 = tpu.memref_squeeze %dma_start3A_2558 : memref<1x576xi32, #tpu.memory_space<hbm>> -> memref<576xi32, #tpu.memory_space<hbm>>
    %dma_start3A_2560 = arith.constant 0 : i32
    %dma_start3A_2561 = tpu.memref_slice %arg5[%add3A_11, %dma_start3A_2560] : memref<96x576xi32, #tpu.memory_space<hbm>> -> memref<1x576xi32, #tpu.memory_space<hbm>>
    %dma_start3A_2562 = tpu.memref_squeeze %dma_start3A_2561 : memref<1x576xi32, #tpu.memory_space<hbm>> -> memref<576xi32, #tpu.memory_space<hbm>>
    tpu.enqueue_dma source(%arg18 : memref<576xi32, #tpu.memory_space<vmem>>) target(%dma_start3A_2562 : memref<576xi32, #tpu.memory_space<hbm>>) target_semaphore(%arg30 : memref<!tpu.dma_semaphore, #tpu.memory_space<semaphore_mem>>)
    %dma_start3A_2563 = arith.constant 0 : i32
    %dma_start3A_2564 = tpu.memref_slice %arg6[%add3A_11, %dma_start3A_2563] : memref<96x576xf32, #tpu.memory_space<hbm>> -> memref<1x576xf32, #tpu.memory_space<hbm>>
    %dma_start3A_2565 = tpu.memref_squeeze %dma_start3A_2564 : memref<1x576xf32, #tpu.memory_space<hbm>> -> memref<576xf32, #tpu.memory_space<hbm>>
    %dma_start3A_2566 = arith.constant 0 : i32
    %dma_start3A_2567 = tpu.memref_slice %arg6[%add3A_11, %dma_start3A_2566] : memref<96x576xf32, #tpu.memory_space<hbm>> -> memref<1x576xf32, #tpu.memory_space<hbm>>
    %dma_start3A_2568 = tpu.memref_squeeze %dma_start3A_2567 : memref<1x576xf32, #tpu.memory_space<hbm>> -> memref<576xf32, #tpu.memory_space<hbm>>
    tpu.enqueue_dma source(%arg15 : memref<576xf32, #tpu.memory_space<vmem>>) target(%dma_start3A_2568 : memref<576xf32, #tpu.memory_space<hbm>>) target_semaphore(%arg33 : memref<!tpu.dma_semaphore, #tpu.memory_space<semaphore_mem>>)
    %dma_wait3A_2569 = arith.constant 0 : i32
    %dma_wait3A_2570 = tpu.memref_slice %arg5[%add3A_7, %dma_wait3A_2569] : memref<96x576xi32, #tpu.memory_space<hbm>> -> memref<1x576xi32, #tpu.memory_space<hbm>>
    %dma_wait3A_2571 = tpu.memref_squeeze %dma_wait3A_2570 : memref<1x576xi32, #tpu.memory_space<hbm>> -> memref<576xi32, #tpu.memory_space<hbm>>
    %dma_wait3A_2572 = arith.constant 0 : i32
    %dma_wait3A_2573 = tpu.memref_slice %arg5[%add3A_7, %dma_wait3A_2572] : memref<96x576xi32, #tpu.memory_space<hbm>> -> memref<1x576xi32, #tpu.memory_space<hbm>>
    %dma_wait3A_2574 = tpu.memref_squeeze %dma_wait3A_2573 : memref<1x576xi32, #tpu.memory_space<hbm>> -> memref<576xi32, #tpu.memory_space<hbm>>
    tpu.wait_dma2 semaphore(%arg28 : memref<!tpu.dma_semaphore, #tpu.memory_space<semaphore_mem>>) src(%arg16 : memref<576xi32, #tpu.memory_space<vmem>>) dst(%dma_wait3A_2574 : memref<576xi32, #tpu.memory_space<hbm>>)
    %dma_wait3A_2575 = arith.constant 0 : i32
    %dma_wait3A_2576 = tpu.memref_slice %arg6[%add3A_7, %dma_wait3A_2575] : memref<96x576xf32, #tpu.memory_space<hbm>> -> memref<1x576xf32, #tpu.memory_space<hbm>>
    %dma_wait3A_2577 = tpu.memref_squeeze %dma_wait3A_2576 : memref<1x576xf32, #tpu.memory_space<hbm>> -> memref<576xf32, #tpu.memory_space<hbm>>
    %dma_wait3A_2578 = arith.constant 0 : i32
    %dma_wait3A_2579 = tpu.memref_slice %arg6[%add3A_7, %dma_wait3A_2578] : memref<96x576xf32, #tpu.memory_space<hbm>> -> memref<1x576xf32, #tpu.memory_space<hbm>>
    %dma_wait3A_2580 = tpu.memref_squeeze %dma_wait3A_2579 : memref<1x576xf32, #tpu.memory_space<hbm>> -> memref<576xf32, #tpu.memory_space<hbm>>
    tpu.wait_dma2 semaphore(%arg31 : memref<!tpu.dma_semaphore, #tpu.memory_space<semaphore_mem>>) src(%arg13 : memref<576xf32, #tpu.memory_space<vmem>>) dst(%dma_wait3A_2580 : memref<576xf32, #tpu.memory_space<hbm>>)
    %dma_wait3A_2581 = arith.constant 0 : i32
    %dma_wait3A_2582 = tpu.memref_slice %arg5[%add3A_9, %dma_wait3A_2581] : memref<96x576xi32, #tpu.memory_space<hbm>> -> memref<1x576xi32, #tpu.memory_space<hbm>>
    %dma_wait3A_2583 = tpu.memref_squeeze %dma_wait3A_2582 : memref<1x576xi32, #tpu.memory_space<hbm>> -> memref<576xi32, #tpu.memory_space<hbm>>
    %dma_wait3A_2584 = arith.constant 0 : i32
    %dma_wait3A_2585 = tpu.memref_slice %arg5[%add3A_9, %dma_wait3A_2584] : memref<96x576xi32, #tpu.memory_space<hbm>> -> memref<1x576xi32, #tpu.memory_space<hbm>>
    %dma_wait3A_2586 = tpu.memref_squeeze %dma_wait3A_2585 : memref<1x576xi32, #tpu.memory_space<hbm>> -> memref<576xi32, #tpu.memory_space<hbm>>
    tpu.wait_dma2 semaphore(%arg29 : memref<!tpu.dma_semaphore, #tpu.memory_space<semaphore_mem>>) src(%arg17 : memref<576xi32, #tpu.memory_space<vmem>>) dst(%dma_wait3A_2586 : memref<576xi32, #tpu.memory_space<hbm>>)
    %dma_wait3A_2587 = arith.constant 0 : i32
    %dma_wait3A_2588 = tpu.memref_slice %arg6[%add3A_9, %dma_wait3A_2587] : memref<96x576xf32, #tpu.memory_space<hbm>> -> memref<1x576xf32, #tpu.memory_space<hbm>>
    %dma_wait3A_2589 = tpu.memref_squeeze %dma_wait3A_2588 : memref<1x576xf32, #tpu.memory_space<hbm>> -> memref<576xf32, #tpu.memory_space<hbm>>
    %dma_wait3A_2590 = arith.constant 0 : i32
    %dma_wait3A_2591 = tpu.memref_slice %arg6[%add3A_9, %dma_wait3A_2590] : memref<96x576xf32, #tpu.memory_space<hbm>> -> memref<1x576xf32, #tpu.memory_space<hbm>>
    %dma_wait3A_2592 = tpu.memref_squeeze %dma_wait3A_2591 : memref<1x576xf32, #tpu.memory_space<hbm>> -> memref<576xf32, #tpu.memory_space<hbm>>
    tpu.wait_dma2 semaphore(%arg32 : memref<!tpu.dma_semaphore, #tpu.memory_space<semaphore_mem>>) src(%arg14 : memref<576xf32, #tpu.memory_space<vmem>>) dst(%dma_wait3A_2592 : memref<576xf32, #tpu.memory_space<hbm>>)
    %dma_wait3A_2593 = arith.constant 0 : i32
    %dma_wait3A_2594 = tpu.memref_slice %arg5[%add3A_11, %dma_wait3A_2593] : memref<96x576xi32, #tpu.memory_space<hbm>> -> memref<1x576xi32, #tpu.memory_space<hbm>>
    %dma_wait3A_2595 = tpu.memref_squeeze %dma_wait3A_2594 : memref<1x576xi32, #tpu.memory_space<hbm>> -> memref<576xi32, #tpu.memory_space<hbm>>
    %dma_wait3A_2596 = arith.constant 0 : i32
    %dma_wait3A_2597 = tpu.memref_slice %arg5[%add3A_11, %dma_wait3A_2596] : memref<96x576xi32, #tpu.memory_space<hbm>> -> memref<1x576xi32, #tpu.memory_space<hbm>>
    %dma_wait3A_2598 = tpu.memref_squeeze %dma_wait3A_2597 : memref<1x576xi32, #tpu.memory_space<hbm>> -> memref<576xi32, #tpu.memory_space<hbm>>
    tpu.wait_dma2 semaphore(%arg30 : memref<!tpu.dma_semaphore, #tpu.memory_space<semaphore_mem>>) src(%arg18 : memref<576xi32, #tpu.memory_space<vmem>>) dst(%dma_wait3A_2598 : memref<576xi32, #tpu.memory_space<hbm>>)
    %dma_wait3A_2599 = arith.constant 0 : i32
    %dma_wait3A_2600 = tpu.memref_slice %arg6[%add3A_11, %dma_wait3A_2599] : memref<96x576xf32, #tpu.memory_space<hbm>> -> memref<1x576xf32, #tpu.memory_space<hbm>>
    %dma_wait3A_2601 = tpu.memref_squeeze %dma_wait3A_2600 : memref<1x576xf32, #tpu.memory_space<hbm>> -> memref<576xf32, #tpu.memory_space<hbm>>
    %dma_wait3A_2602 = arith.constant 0 : i32
    %dma_wait3A_2603 = tpu.memref_slice %arg6[%add3A_11, %dma_wait3A_2602] : memref<96x576xf32, #tpu.memory_space<hbm>> -> memref<1x576xf32, #tpu.memory_space<hbm>>
    %dma_wait3A_2604 = tpu.memref_squeeze %dma_wait3A_2603 : memref<1x576xf32, #tpu.memory_space<hbm>> -> memref<576xf32, #tpu.memory_space<hbm>>
    tpu.wait_dma2 semaphore(%arg33 : memref<!tpu.dma_semaphore, #tpu.memory_space<semaphore_mem>>) src(%arg15 : memref<576xf32, #tpu.memory_space<vmem>>) dst(%dma_wait3A_2604 : memref<576xf32, #tpu.memory_space<hbm>>)
    return
  }
}

</mosaic_0001>

<sc_bundles>
// kernel: _sc_nms.3.cloned.1.call-start
scs
__scs_entry_jumppad:
0x0: {  	(pc) =	sbr.rel $0x88, $3  }
0x1: {  	(tag) =	ssettag $0x0;
	lr =	simm.s32 $0x1  }
0x2: {  	[smem:$0x3F9E] =	sst lr;
	_ =	strace $0xD0000000  }
0x3: {  	_ = 	snop  }
0x4: {  	_ = 	snop  }
0x5: {  	_ = 	snop  }
0x6: {  	_ = 	snop  }
0x7: {  	_ = 	snop  }
__scs_overlays_trampoline_lowered:
0x8: {  	[smem:$0x3FAD] =	sst s0  }
0x9: {  	[smem:$0x3FAE] =	sst s1  }
0xa: {  	[smem:$0x3FAF] =	sst s2  }
0xb: {  	[smem:$0x3FB0] =	sst s3  }
0xc: {  	[smem:$0x3FB1] =	sst s4  }
0xd: {  	[smem:$0x3FB2] =	sst s5  }
0xe: {  	[smem:$0x3FB3] =	sst s6  }
0xf: {  	[smem:$0x3FB4] =	sst s7  }
0x10: {  	[smem:$0x3FB5] =	sst s8  }
0x11: {  	[smem:$0x3FB6] =	sst s9;
	s0 =	simm.s32 @!p0 $0x0  }
0x12: {  	s1 =	sld [smem:$0x3F9C];
	s0 =	simm.s32 @p0 $0x1  }
0x13: {  	[smem:$0x3FB7] =	sst s0;
	s0 =	simm.s32 @!p1 $0x0  }
0x14: {  	s2 =	sld [smem:$0x3F9B];
	s0 =	simm.s32 @p1 $0x1  }
0x15: {  	[smem:$0x3FB8] =	sst s0;
	s0 =	simm.s32 @!p2 $0x0  }
0x16: {  	s3 =	sld [smem:$0x3FDB];
	s0 =	simm.s32 @p2 $0x1  }
0x17: {  	s4 =	simm.s32 $0x1BF5;
	[smem:$0x3FBA] =	sst s0  }
0x18: {  	s0 =	sld [smem:$0x3F9D];
	_ =	swait.ge [sflag:s4], $0x0  }
0x19: {  	s7 =	sld [smem:$0x3F9E]  }
0x1a: {  	s8 =	sadd.s32 $0xFFFFE003, lr  }
0x1b: {  	s9 =	sadd.s32 $0xFFFFFEF7, lr;
	s5 =	simm.s32 $0xFFFFFFFF;
	p2 =	slt.u32 s8, $0xFFFFF086  }
0x1c: {  	p1 =	slt.u32 s9, $0xF7A;
	s5 =	simm.s32 @!p2 $0x0  }
0x1d: {  	s5 =	simm.s32 @p1 $0x1;
	p0 =	seq.s32 s7, s2  }
0x1e: {  	s7 =	smul.u32 @!p0 $0xF7A, s2;
	p2 =	seq.s32 @!p0 s5, $0x0  }
0x1f: {  	s9 =	smul.u32 $0xF7A, s1;
	s8 =	simm.s32 @!p0 $0x1BF5;
	p2 =	por !p2, p0  }
0x20: {  	[sflag:s8] =	ssyncset.s32 @!p0 $0xFFFFF086;
	s6 =	sadd.s32 @!p0 s3, s7;
	s7 =	simm.s32 @!p0 $0x108  }
0x21: {  	s3 =	sadd.s32 s3, s9;
	s6 =	sadd.s32 @!p0 $0x88, s6;
	s7 =	simm.s32 @p2 $0x1082  }
0x22: {  	[simem:s7], [sflag:s8] =	dma.local @!p0 [hbm:s6], $0xF7A  }
0x23: {  	s9 =	sor.u32 $0xD0000000, s2;
	s6 =	simm.s32 $0x108;
	_ =	swait.ge @!p0 [sflag:s8], $0x0  }
0x24: {  	s3 =	sadd.s32 $0x88, s3;
	s6 =	simm.s32 @!p1 $0x1082;
	[sflag:s4] =	ssyncset.s32 $0xFFFFF086  }
0x25: {  	[simem:s6], [sflag:s4] =	dma.local [hbm:s3], $0xF7A  }
0x26: {  	[smem:$0x3F9E] =	sst s1;
	(tag) =	ssettag s2;
	_ =	strace s9  }
0x27: {  	s1 =	sld [smem:$0x3FAE]  }
0x28: {  	s2 =	sld [smem:$0x3FAF]  }
0x29: {  	s4 =	sld [smem:$0x3FB1]  }
0x2a: {  	p0 =	seq.s32 s5, $0x0;
	s5 =	sld [smem:$0x3FB2]  }
0x2b: {  	s6 =	sld [smem:$0x3FB3]  }
0x2c: {  	s7 =	sld [smem:$0x3FB4]  }
0x2d: {  	s3 =	simm.s32 $0x108;
	s8 =	sld [smem:$0x3FB5]  }
0x2e: {  	s3 =	simm.s32 @!p0 $0x1082;
	s9 =	sld [smem:$0x3FB6]  }
0x2f: {  	lr =	sadd.s32 s0, s3;
	s0 =	sld [smem:$0x3FAD]  }
0x30: {  	s3 =	sld [smem:$0x3FB0]  }
0x31: {  	[smem:$0x3FB9] =	sst s10  }
0x32: {  	s10 =	sld [smem:$0x3FB7];
	_ =	sdelay $0x3  }
0x33: {  	p0 =	seq.s32 s10, $0x1;
	s10 =	sld [smem:$0x3FB9];
	_ =	sdelay $0x3  }
0x34: {  	[smem:$0x3FB9] =	sst s10  }
0x35: {  	s10 =	sld [smem:$0x3FB8];
	_ =	sdelay $0x3  }
0x36: {  	p1 =	seq.s32 s10, $0x1;
	s10 =	sld [smem:$0x3FB9];
	_ =	sdelay $0x3  }
0x37: {  	[smem:$0x3FB9] =	sst s10  }
0x38: {  	s10 =	sld [smem:$0x3FBA]  }
0x39: {  	_ = 	snop;
	(pc) =	sbr.ind lr, $3  }
0x3a: {  	_ = 	snop  }
0x3b: {  	_ = 	snop  }
0x3c: {  	p2 =	seq.s32 s10, $0x1;
	s10 =	sld [smem:$0x3FB9]  }
0x3d: {  	_ =	shalt  }
0x3e: {  	_ =	shalt  }
0x3f: {  	_ =	shalt  }
0x40: {  	_ =	shalt  }
0x41: {  	_ =	shalt  }
0x42: {  	_ =	shalt  }
0x43: {  	_ =	shalt  }
0x44: {  	_ =	shalt  }
0x45: {  	_ =	shalt  }
0x46: {  	_ =	shalt  }
0x47: {  	_ =	shalt  }
0x48: {  	_ =	shalt  }
0x49: {  	_ =	shalt  }
0x4a: {  	_ =	shalt  }
0x4b: {  	_ =	shalt  }
0x4c: {  	_ =	shalt  }
0x4d: {  	_ =	shalt  }
0x4e: {  	_ =	shalt  }
0x4f: {  	_ =	shalt  }
0x50: {  	_ =	shalt  }
0x51: {  	_ =	shalt  }
0x52: {  	_ =	shalt  }
0x53: {  	_ =	shalt  }
0x54: {  	_ =	shalt  }
0x55: {  	_ =	shalt  }
0x56: {  	_ =	shalt  }
0x57: {  	_ =	shalt  }
0x58: {  	_ =	shalt  }
0x59: {  	_ =	shalt  }
0x5a: {  	_ =	shalt  }
0x5b: {  	_ =	shalt  }
0x5c: {  	_ =	shalt  }
0x5d: {  	_ =	shalt  }
0x5e: {  	_ =	shalt  }
0x5f: {  	_ =	shalt  }
0x60: {  	_ =	shalt  }
0x61: {  	_ =	shalt  }
0x62: {  	_ =	shalt  }
0x63: {  	_ =	shalt  }
0x64: {  	_ =	shalt  }
0x65: {  	_ =	shalt  }
0x66: {  	_ =	shalt  }
0x67: {  	_ =	shalt  }
0x68: {  	_ =	shalt  }
0x69: {  	_ =	shalt  }
0x6a: {  	_ =	shalt  }
0x6b: {  	_ =	shalt  }
0x6c: {  	_ =	shalt  }
0x6d: {  	_ =	shalt  }
0x6e: {  	_ =	shalt  }
0x6f: {  	_ =	shalt  }
0x70: {  	_ =	shalt  }
0x71: {  	_ =	shalt  }
0x72: {  	_ =	shalt  }
0x73: {  	_ =	shalt  }
0x74: {  	_ =	shalt  }
0x75: {  	_ =	shalt  }
0x76: {  	_ =	shalt  }
0x77: {  	_ =	shalt  }
0x78: {  	_ =	shalt  }
0x79: {  	_ =	shalt  }
0x7a: {  	_ =	shalt  }
0x7b: {  	_ =	shalt  }
0x7c: {  	_ =	shalt  }
0x7d: {  	_ =	shalt  }
0x7e: {  	_ =	shalt  }
0x7f: {  	_ =	shalt  }
0x80: {  	_ =	shalt  }
0x81: {  	_ =	shalt  }
0x82: {  	_ =	shalt  }
0x83: {  	_ =	shalt  }
0x84: {  	_ =	shalt  }
0x85: {  	_ =	shalt  }
0x86: {  	_ =	shalt  }
0x87: {  	_ =	shalt  }
.Lfunc_end0:
.L_simem_size_0:
called_computation_lowered:
.L_overlay_start_0:
0x88: {  	s2 =	sld [smem:$0x3FD9]  }
0x89: {  	s3 =	sld [smem:$0x3FFE];
	_ =	sdelay $0x1  }
0x8a: {  	s1 =	srdreg.scid  }
0x8b: {  	s0 =	sand.u32 $0x1, s1  }
0x8c: {  	s14 =	sshll.u32 s0, $0xA;
	s2 =	sadd.s32 s3, s2  }
0x8d: {  	s2 =	sadd.s32 s2, s14  }
0x8e: {  	[smem:$0x3FC5] =	sst s2  }
0x8f: {  	_ = 	snop  }
0x90: {  	s2 =	sld [smem:$0x3FD0];
	_ =	sdelay $0x2  }
0x91: {  	s4 =	simm.s32 $0xA;
	s5 =	simm.s32 $0x10;
	s15 =	sld [smem:$0x3FC8]  }
0x92: {  	[smem:s5], [sflag:s4] =	dma.local [hbm:s2], $0x1  }
0x93: {  	_ =	swait.eq [sflag:s4], $0x1  }
0x94: {  	[sflag:s4] =	ssyncset.done $0x0  }
0x95: {  	s16 =	sld [smem:$0x10];
	[sflag:s4] =	ssyncadd.s32 $0xFFFFFFFF  }
0x96: {  	s17 =	sld [smem:$0x11];
	(tm) =	ssettm $0x1  }
0x97: {  	s18 =	sld [smem:$0x3FFB];
	_ =	sdelay $0x3  }
0x98: {  	_ =	strace s18  }
0x99: {  	s5 =	sld [smem:$0x3FFC];
	_ =	sdelay $0x3  }
0x9a: {  	_ =	strace s5  }
0x9b: {  	s5 =	sld [smem:$0x3FFD];
	_ =	sdelay $0x3  }
0x9c: {  	_ =	strace s5  }
0x9d: {  	_ =	strace $0x8FFFFFFF  }
0x9e: {  	s19 =	sld [smem:$0x3FDB];
	_ =	sdelay $0x1  }
0x9f: {  	s6 =	simm.s32 $_scs_section_size  }
0xa0: {  	s7 =	simm.s32 $_size__tile_overlayer_lowered;
	s8 =	simm.s32 $_tile_overlayer_lowered  }
0xa1: {  	s22 =	simm.s32 $0x1BFF;
	s21 =	sshll.u32 s8, $0x1;
	s5 =	sadd.s32 s6, s19  }
0xa2: {  	s9 =	simm.s32 $0x0;
	s20 =	sshll.u32 s7, $0x1;
	s7 =	sadd.s32 s21, s5  }
0xa3: {  	[timem:s9], [sflag:s22] =	dma.local [hbm:s7], s20  }
0xa4: {  	_ =	swait.ge [sflag:s22], s20  }
0xa5: {  	s6 =	ssub.s32 $0x0, s20;
	[sflag:s22] =	ssyncset.done $0x0  }
0xa6: {  	[sflag:s22] =	ssyncadd.s32 s6;
	_ =	sdelay $0x1  }
0xa7: {  	s23 =	simm.s32 $0x1B8B  }
0xa8: {  	_ =	swait.ge [sflag:s23], $0x1  }
0xa9: {  	[sflag:s23] =	ssyncset.done $0x0  }
0xaa: {  	s25 =	simm.s32 $0x1B8E;
	s24 =	sld [smem:$0x3FFE];
	[sflag:s23] =	ssyncadd.s32 $0xFFFFFFFF  }
0xab: {  	s26 =	simm.s32 $execute0_lowered;
	[smem:$0x3FD2] =	sst s25  }
0xac: {  	s7 =	sshll.u32 s26, $0x1;
	_ =	strace $0x80000046;
	[dreg:$0x1] =	wrdreg $0xFFFFFFFF  }
0xad: {  	s28 =	simm.s32 $_size_execute0_lowered;
	s5 =	sadd.s32 s5, s7;
	[dreg:$0x0] =	wrdreg $0x0  }
0xae: {  	s7 =	sshll.u32 s28, $0x1;
	[dreg:$0x2] =	wrdreg s5  }
0xaf: {  	[dreg:$0x3] =	wrdreg s7  }
0xb0: {  	[dreg:$0x4] =	wrdreg $0xC0  }
0xb1: {  	_ =	task [dreg:s9], $0x5FFFF  }
0xb2: {  	[dreg:$0x1] =	wrdreg $0xFFFFFFFF  }
0xb3: {  	[dreg:$0x0] =	wrdreg $0x60  }
0xb4: {  	[dreg:$0x2] =	wrdreg s24  }
0xb5: {  	[dreg:$0x3] =	wrdreg s15  }
0xb6: {  	[dreg:$0x4] =	wrdreg s16  }
0xb7: {  	[dreg:$0x5] =	wrdreg s17  }
0xb8: {  	[dreg:$0x6] =	wrdreg $0x9  }
0xb9: {  	_ =	task.clear_ibuf [dreg:s9], $0x7FFFF;
	_ =	strace $0x90000046  }
0xba: {  	s29 =	simm.s32 $0x9;
	_ =	strace $0x80000048  }
0xbb: {  	_ =	swait.ge [sflag:s29], $0x1  }
0xbc: {  	[sflag:s29] =	ssyncadd.s32 $0xFFFFFFFF  }
0xbd: {  	_ =	strace $0x90000048  }
0xbe: {  	_ =	sfence  }
0xbf: {  	s30 =	sld [smem:$0x0];
	_ =	sdelay $0x2  }
0xc0: {  	s31 =	sshll.u32 s1, $0xD;
	s1 =	sshrl.u32 s1, $0x2  }
0xc1: {  	s3 =	sand.u32 $0x4000, s31;
	s1 =	sadd.s32 s1, s30  }
0xc2: {  	s0 =	sor.u32 s3, s0;
	s1 =	sshll.u32 s1, $0x11  }
0xc3: {  	s0 =	sor.u32 s1, s0  }
0xc4: {  	s0 =	sadd.s32 $0x8F2B, s0  }
0xc5: {  	[sflag:s0] =	ssyncadd.remote.s32 $0x1  }
0xc6: {  	_ =	sfence.sel $0xFFFF  }
0xc7: {  	[dreg:$0x0] =	wrdreg $0xFFFFFFFF;
	(pc) =	sbr.abs _section_cstart, $3  }
0xc8: {  	[dreg:$0x1] =	wrdreg $0xFFFFFFFF  }
0xc9: {  	_ =	task.clear_ibuf [dreg:s9], $0x2FFFF;
	_ =	strace $0x9FFFFFFF  }
0xca: {  	(tm) =	ssettm $0x7FFFFFFF  }
0xcb: {  	_ =	shalt  }
tec
execute0_lowered:
.L_overlay_start_1:
0x0: {  	(tag) =	ssettag $0x1  }
0x1: {  	s0 =	rddreg [dreg:$0x0]  }
0x2: {  	s1 =	rddreg [dreg:$0x1]  }
0x3: {  	s2 =	rddreg [dreg:$0x2];
	s23 =	simm.s32 $0x0;
	v1 =	vlaneseq.u32  }
0x4: {  	[smem:$0x7FF] =	sst s23;
	v2 =	vor.u32 $0x10, v1  }
0x5: {  	s4 =	rddreg [dreg:$0x3];
	_ =	strace $0x80000047;
	[tilespmem:$0x1FDD0] =	vst v2;
	v2 =	vor.u32 $0x20, v1  }
0x6: {  	[tilespmem:$0x1FDE0] =	vst v2;
	v2 =	vor.u32 $0x30, v1  }
0x7: {  	[tilespmem:$0x1FDF0] =	vst v2;
	v2 =	vor.u32 $0x40, v1  }
0x8: {  	[tilespmem:$0x1FE00] =	vst v2;
	v2 =	vor.u32 $0x50, v1  }
0x9: {  	[tilespmem:$0x1FE10] =	vst v2;
	v2 =	vor.u32 $0x60, v1  }
0xa: {  	[tilespmem:$0x1FE20] =	vst v2;
	v2 =	vor.u32 $0x70, v1  }
0xb: {  	s5 =	srdreg.scid;
	s8 =	stileid.u32;
	[tilespmem:$0x1FE30] =	vst v2;
	v2 =	vor.u32 $0x80, v1  }
0xc: {  	s29 =	simm.s32 $0x2080;
	s31 =	simm.s32 $0x2800;
	s3 =	sadd.s32 $0xC00, s0;
	[tilespmem:$0x1FE40] =	vst v2;
	v2 =	vor.u32 $0x90, v1  }
0xd: {  	s0 =	sadd.s32 $0x600, s0;
	s5 =	sand.u32 $0x1, s5;
	s6 =	sshll.u32 s8, $0x1;
	[tilespmem:$0x1FE50] =	vst v2;
	v2 =	vor.u32 $0xA0, v1  }
0xe: {  	s21 =	sshrl.u32 s8, $0x2;
	s7 =	ssub.s32 $0x2, s5;
	s5 =	sor.u32 s5, s6;
	[tilespmem:$0x1FE60] =	vst v2;
	v2 =	vor.u32 $0xB0, v1  }
0xf: {  	s9 =	smul.u32 $0x1400, s21;
	s6 =	sshll.u32 s21, $0xA;
	s22 =	sshrl.u32 s7, $0x1;
	[tilespmem:$0x1FE70] =	vst v2;
	v2 =	vor.u32 $0xC0, v1  }
0x10: {  	s10 =	sshll.u32 s5, $0x7;
	s11 =	sor.u32 $0x20, s5;
	s13 =	sor.u32 $0x40, s5;
	[tilespmem:$0x1FE80] =	vst v2;
	v2 =	vor.u32 $0xD0, v1  }
0x11: {  	s5 =	smul.u32 $0x240, s5;
	s7 =	ssub.s32 s7, s22;
	s24 =	sand.u32 $0x380, s10;
	[tilespmem:$0x1FE90] =	vst v2;
	v2 =	vor.u32 $0xE0, v1  }
0x12: {  	s25 =	sshrl.u32 s11, $0x3;
	s26 =	sshrl.u32 s13, $0x3;
	s19 =	smul.u32 $0x240, s11;
	[tilespmem:$0x1FEA0] =	vst v2;
	v2 =	vor.u32 $0xF0, v1  }
0x13: {  	s20 =	smul.u32 $0x240, s13;
	s11 =	simm.s32 $0x3;
	s13 =	simm.s32 $0x6;
	[tilespmem:$0x1FEB0] =	vst v2;
	v2 =	vor.u32 $0x100, v1  }
0x14: {  	s9 =	sor.u32 s9, s24;
	s6 =	sor.u32 s6, s24;
	s12 =	smul.u32 $0x1400, s25;
	[tilespmem:$0x1FEC0] =	vst v2;
	v2 =	vor.u32 $0x110, v1  }
0x15: {  	s10 =	sshll.u32 s25, $0xA;
	s28 =	smul.u32 $0x1400, s26;
	s17 =	sshll.u32 s26, $0xA;
	[tilespmem:$0x1FED0] =	vst v2;
	v2 =	vor.u32 $0x120, v1  }
0x16: {  	[dreg:$0x9] =	wrdreg s5;
	s5 =	simm.s32 $0x1400;
	s9 =	sshrl.u32 s9, $0x3;
	[tilespmem:$0x1FEE0] =	vst v2;
	v2 =	vor.u32 $0x130, v1  }
0x17: {  	s6 =	sshrl.u32 s6, $0x3;
	s10 =	sor.u32 s24, s10;
	[dreg:$0xb] =	wrdreg s19;
	[tilespmem:$0x1FEF0] =	vst v2;
	v2 =	vor.u32 $0x140, v1  }
0x18: {  	[dreg:$0xd] =	wrdreg s20;
	s20 =	simm.s32 $0x80;
	s14 =	sadd.s32 s1, s9;
	[tilespmem:$0x1FF00] =	vst v2;
	v2 =	vor.u32 $0x150, v1  }
0x19: {  	s12 =	sor.u32 s24, s12;
	s6 =	sadd.s32 s0, s6;
	s10 =	sshrl.u32 s10, $0x3;
	[tilespmem:$0x1FF10] =	vst v2;
	v2 =	vor.u32 $0x160, v1  }
0x1a: {  	s16 =	sor.u32 s24, s28;
	s21 =	sadd.s32 s2, s9;
	[dreg:$0x5] =	wrdreg s14;
	[tilespmem:$0x1FF20] =	vst v2;
	v2 =	vor.u32 $0x170, v1  }
0x1b: {  	s22 =	sadd.s32 s4, s9;
	s9 =	simm.s32 $0x5;
	[dreg:$0x6] =	wrdreg s6;
	[tilespmem:$0x1FF30] =	vst v2;
	v2 =	vor.u32 $0x180, v1  }
0x1c: {  	s15 =	sshrl.u32 s12, $0x3;
	s6 =	sadd.s32 s0, s10;
	[dreg:$0xe] =	wrdreg s21;
	[tilespmem:$0x1FF40] =	vst v2;
	v2 =	vor.u32 $0x190, v1  }
0x1d: {  	s10 =	sor.u32 s24, s17;
	[dreg:$0xf] =	wrdreg s22;
	s21 =	simm.s32 $0x400;
	[tilespmem:$0x1FF50] =	vst v2;
	v2 =	vor.u32 $0x1A0, v1  }
0x1e: {  	s12 =	simm.s32 $0x4;
	s22 =	simm.s32 $0x1E00;
	s30 =	sadd.s32 s1, s15;
	[tilespmem:$0x1FF60] =	vst v2;
	v2 =	vor.u32 $0x1B0, v1  }
0x1f: {  	[dreg:$0x8] =	wrdreg s6;
	s6 =	sshrl.u32 s16, $0x3;
	s18 =	sshrl.u32 s10, $0x3;
	[tilespmem:$0x1FF70] =	vst v2;
	v2 =	vor.u32 $0x1C0, v1  }
0x20: {  	s24 =	sadd.s32 s2, s15;
	s25 =	sadd.s32 s4, s15;
	[dreg:$0x7] =	wrdreg s30;
	[tilespmem:$0x1FF80] =	vst v2;
	v2 =	vor.u32 $0x1D0, v1  }
0x21: {  	s10 =	simm.s32 $0x1;
	s1 =	sadd.s32 s1, s6;
	[dreg:$0x10] =	wrdreg s24;
	[tilespmem:$0x1FF90] =	vst v2;
	v2 =	vor.u32 $0x1E0, v1  }
0x22: {  	s0 =	sadd.s32 s0, s18;
	[dreg:$0x11] =	wrdreg s25;
	s26 =	sadd.s32 s2, s6;
	[tilespmem:$0x1FFA0] =	vst v2;
	v2 =	vor.u32 $0x1F0, v1  }
.Ltmp0:
0x23: {  	s28 =	sadd.s32 s4, s6;
	[dreg:$0xa] =	wrdreg s1;
	[tilespmem:$0x1FFB0] =	vst v2;
	v2 =	vor.u32 $0x200, v1;
	(pc) =	sbr.rel .LBB2_1-.Ltmp0, $4  }
0x24: {  	s30 =	smax.u32 s7, $0x1;
	s2 =	simm.s32 $0xF00;
	[dreg:$0xc] =	wrdreg s0;
	[tilespmem:$0x1FFC0] =	vst v2;
	v2 =	vor.u32 $0x210, v1  }
0x25: {  	s4 =	simm.s32 $0x1180;
	s24 =	simm.s32 $0x2580;
	[dreg:$0x12] =	wrdreg s26;
	[tilespmem:$0x1FFD0] =	vst v2;
	v2 =	vor.u32 $0x220, v1  }
0x26: {  	s6 =	simm.s32 $0x2;
	s7 =	simm.s32 $0x2300;
	[dreg:$0x13] =	wrdreg s28;
	[tilespmem:$0x1FFE0] =	vst v2;
	v2 =	vor.u32 $0x230, v1  }
0x27: {  	[dreg:$0x14] =	wrdreg s30;
	s26 =	simm.s32 $0x2A80;
	s1 =	simm.s32 $0x0;
	[tilespmem:$0x1FFF0] =	vst v2  }
.LBB2_30:
0x28: {  	_ =	swait.ge [sflag:s10], $0x280  }
0x29: {  	[sflag:s10] =	ssyncset.done $0x0  }
0x2a: {  	[sflag:s10] =	ssyncadd.s32 $0xFFFFFD80  }
0x2b: {  	_ =	swait.ge [sflag:s12], $0x280  }
0x2c: {  	[sflag:s12] =	ssyncset.done $0x0  }
0x2d: {  	s1 =	simm.s32 $0x1680;
	s0 =	rddreg [dreg:$0xe];
	[sflag:s12] =	ssyncadd.s32 $0xFFFFFD80  }
0x2e: {  	[hbm4b:s0+s20] =	stream.strided.scatter [tilespmem:s1], [sflag:$0x1], $0x280, s21, s20, $0x38;
	[tilespmem:$0x2E80] =	vst v63  }
0x2f: {  	s2 =	simm.s32 $0xF00;
	s6 =	simm.s32 $0x2;
	s14 =	rddreg [dreg:$0xf]  }
0x30: {  	[hbm4b:s14+s20] =	stream.strided.scatter [tilespmem:s2], [sflag:$0x4], $0x280, s21, s20, $0x38;
	[tilespmem:$0x2E80] =	vst v63  }
0x31: {  	_ =	swait.ge [sflag:s6], $0x280  }
0x32: {  	[sflag:s6] =	ssyncset.done $0x0  }
0x33: {  	s9 =	simm.s32 $0x5;
	[sflag:s6] =	ssyncadd.s32 $0xFFFFFD80  }
0x34: {  	_ =	swait.ge [sflag:s9], $0x280  }
0x35: {  	[sflag:s9] =	ssyncset.done $0x0  }
0x36: {  	s16 =	simm.s32 $0x1900;
	s15 =	rddreg [dreg:$0x10];
	[sflag:s9] =	ssyncadd.s32 $0xFFFFFD80  }
0x37: {  	[hbm4b:s15+s20] =	stream.strided.scatter [tilespmem:s16], [sflag:$0x2], $0x280, s21, s20, $0x38;
	[tilespmem:$0x2E80] =	vst v63  }
0x38: {  	s4 =	simm.s32 $0x1180;
	s11 =	simm.s32 $0x3;
	s17 =	rddreg [dreg:$0x11]  }
0x39: {  	[hbm4b:s17+s20] =	stream.strided.scatter [tilespmem:s4], [sflag:$0x5], $0x280, s21, s20, $0x38;
	[tilespmem:$0x2E80] =	vst v63  }
0x3a: {  	_ =	swait.ge [sflag:s11], $0x280  }
0x3b: {  	[sflag:s11] =	ssyncset.done $0x0  }
0x3c: {  	s13 =	simm.s32 $0x6;
	[sflag:s11] =	ssyncadd.s32 $0xFFFFFD80  }
0x3d: {  	_ =	swait.ge [sflag:s13], $0x280  }
0x3e: {  	[sflag:s13] =	ssyncset.done $0x0  }
0x3f: {  	s19 =	simm.s32 $0x1B80;
	s18 =	rddreg [dreg:$0x12];
	[sflag:s13] =	ssyncadd.s32 $0xFFFFFD80  }
0x40: {  	[hbm4b:s18+s20] =	stream.strided.scatter [tilespmem:s19], [sflag:$0x3], $0x280, s21, s20, $0x38;
	[tilespmem:$0x2E80] =	vst v63  }
0x41: {  	s5 =	simm.s32 $0x1400;
	s25 =	rddreg [dreg:$0x13]  }
0x42: {  	[hbm4b:s25+s20] =	stream.strided.scatter [tilespmem:s5], [sflag:$0x6], $0x280, s21, s20, $0x38;
	[tilespmem:$0x2E80] =	vst v63  }
0x43: {  	_ =	swait.ge [sflag:s10], $0x280  }
0x44: {  	[sflag:s10] =	ssyncset.done $0x0  }
0x45: {  	[sflag:s10] =	ssyncadd.s32 $0xFFFFFD80  }
0x46: {  	_ =	swait.ge [sflag:s12], $0x280  }
0x47: {  	[sflag:s12] =	ssyncset.done $0x0  }
0x48: {  	[sflag:s12] =	ssyncadd.s32 $0xFFFFFD80  }
0x49: {  	_ =	swait.ge [sflag:s6], $0x280  }
0x4a: {  	[sflag:s6] =	ssyncset.done $0x0  }
0x4b: {  	[sflag:s6] =	ssyncadd.s32 $0xFFFFFD80  }
0x4c: {  	_ =	swait.ge [sflag:s9], $0x280  }
0x4d: {  	[sflag:s9] =	ssyncset.done $0x0  }
0x4e: {  	[sflag:s9] =	ssyncadd.s32 $0xFFFFFD80  }
0x4f: {  	_ =	swait.ge [sflag:s11], $0x280  }
0x50: {  	[sflag:s11] =	ssyncset.done $0x0  }
0x51: {  	[sflag:s11] =	ssyncadd.s32 $0xFFFFFD80  }
0x52: {  	_ =	swait.ge [sflag:s13], $0x280  }
0x53: {  	s28 =	rddreg [dreg:$0x15]  }
0x54: {  	s30 =	rddreg [dreg:$0x14];
	s1 =	sadd.s32 $0x1, s28  }
0x55: {  	p0 =	sne.s32 s1, s30  }
.Ltmp1:
0x56: {  	_ = 	snop;
	(pc) =	sbr.rel @!p0 .LBB2_31-.Ltmp1, $3  }
0x57: {  	_ =	sdelay $0x1  }
0x58: {  	[sflag:s13] =	ssyncset.done $0x0  }
0x59: {  	[sflag:s13] =	ssyncadd.s32 $0xFFFFFD80  }
.LBB2_1:
0x5a: {  	s0 =	rddreg [dreg:$0x5];
	s14 =	simm.s32 $0x780  }
0x5b: {  	[tilespmem:s14], [sflag:$0x1] =	stream.strided.gather [hbm4b:s0+s20], $0x280, s21, s20, $0x38;
	[tilespmem:$0x2E80] =	vst v63  }
0x5c: {  	_ = 	snop  }
0x5d: {  	[tilespmem:s2], [sflag:$0x4] =	stream.strided.gather [hbm4b:s0+s20], $0x280, s21, s20, $0x38;
	[tilespmem:$0x2E80] =	vst v63  }
0x5e: {  	s15 =	rddreg [dreg:$0x6];
	s16 =	simm.s32 $0x2D00;
	v36 =	vld [tilespmem:$0x1FDD0]  }
0x5f: {  	v33 =	vimm.s32 $0xFFFFFFFF;
	[tilespmem:s16], [sflag:$0x1] =	stream.linear.gather [hbm4b:s15+s23], $0x80, $0x38;
	[tilespmem:$0x2E80] =	vst v63  }
0x60: {  	v35 =	vld [tilespmem:$0x1FDE0];
	[tilespmem:$0x1680] =	vst v33  }
0x61: {  	[tilespmem:$0x0] =	vst v1  }
0x62: {  	v34 =	vld [tilespmem:$0x1FDF0];
	[tilespmem:$0x1690] =	vst v33  }
0x63: {  	[tilespmem:$0x10] =	vst v36  }
0x64: {  	v32 =	vld [tilespmem:$0x1FE00];
	[tilespmem:$0x16A0] =	vst v33  }
0x65: {  	[tilespmem:$0x20] =	vst v35  }
0x66: {  	v21 =	vld [tilespmem:$0x1FE10];
	[tilespmem:$0x16B0] =	vst v33  }
0x67: {  	[tilespmem:$0x30] =	vst v34  }
0x68: {  	v30 =	vld [tilespmem:$0x1FE20];
	[tilespmem:$0x16C0] =	vst v33  }
0x69: {  	[tilespmem:$0x40] =	vst v32  }
0x6a: {  	v20 =	vld [tilespmem:$0x1FE30];
	[tilespmem:$0x16D0] =	vst v33  }
0x6b: {  	[tilespmem:$0x50] =	vst v21  }
0x6c: {  	v28 =	vld [tilespmem:$0x1FE40];
	[tilespmem:$0x16E0] =	vst v33  }
0x6d: {  	[tilespmem:$0x60] =	vst v30  }
0x6e: {  	v27 =	vld [tilespmem:$0x1FE50];
	[tilespmem:$0x16F0] =	vst v33  }
0x6f: {  	[tilespmem:$0x70] =	vst v20  }
0x70: {  	v26 =	vld [tilespmem:$0x1FE60];
	[tilespmem:$0x1700] =	vst v33  }
0x71: {  	[tilespmem:$0x80] =	vst v28  }
0x72: {  	v25 =	vld [tilespmem:$0x1FE70];
	[tilespmem:$0x1710] =	vst v33  }
0x73: {  	[tilespmem:$0x90] =	vst v27  }
0x74: {  	v24 =	vld [tilespmem:$0x1FE80];
	[tilespmem:$0x1720] =	vst v33  }
0x75: {  	[tilespmem:$0xA0] =	vst v26  }
0x76: {  	v23 =	vld [tilespmem:$0x1FE90];
	[tilespmem:$0x1730] =	vst v33  }
0x77: {  	[tilespmem:$0xB0] =	vst v25  }
0x78: {  	v19 =	vld [tilespmem:$0x1FEA0];
	[tilespmem:$0x1740] =	vst v33  }
0x79: {  	[tilespmem:$0xC0] =	vst v24  }
0x7a: {  	v63 =	vld [tilespmem:$0x1FEB0];
	[tilespmem:$0x1750] =	vst v33  }
0x7b: {  	[tilespmem:$0xD0] =	vst v23  }
0x7c: {  	v22 =	vld [tilespmem:$0x1FEC0];
	[tilespmem:$0x1760] =	vst v33  }
0x7d: {  	[tilespmem:$0xE0] =	vst v19  }
0x7e: {  	v0 =	vld [tilespmem:$0x1FED0];
	[tilespmem:$0x1770] =	vst v33  }
0x7f: {  	[tilespmem:$0xF0] =	vst v63  }
0x80: {  	v29 =	vld [tilespmem:$0x1FEE0];
	[tilespmem:$0x1780] =	vst v33  }
0x81: {  	[tilespmem:$0x100] =	vst v22  }
0x82: {  	v18 =	vld [tilespmem:$0x1FEF0];
	[tilespmem:$0x1790] =	vst v33  }
0x83: {  	[tilespmem:$0x110] =	vst v0  }
0x84: {  	v31 =	vld [tilespmem:$0x1FF00];
	[tilespmem:$0x17A0] =	vst v33  }
0x85: {  	[tilespmem:$0x120] =	vst v29  }
0x86: {  	v16 =	vld [tilespmem:$0x1FF10];
	[tilespmem:$0x17B0] =	vst v33  }
0x87: {  	[tilespmem:$0x130] =	vst v18  }
0x88: {  	v15 =	vld [tilespmem:$0x1FF20];
	[tilespmem:$0x17C0] =	vst v33  }
0x89: {  	[tilespmem:$0x140] =	vst v31  }
0x8a: {  	v17 =	vld [tilespmem:$0x1FF30];
	[tilespmem:$0x17D0] =	vst v33  }
0x8b: {  	[tilespmem:$0x150] =	vst v16  }
0x8c: {  	v13 =	vld [tilespmem:$0x1FF40];
	[tilespmem:$0x17E0] =	vst v33  }
0x8d: {  	[tilespmem:$0x160] =	vst v15  }
0x8e: {  	v12 =	vld [tilespmem:$0x1FF50];
	[tilespmem:$0x17F0] =	vst v33  }
0x8f: {  	[tilespmem:$0x170] =	vst v17  }
0x90: {  	v11 =	vld [tilespmem:$0x1FF60];
	[tilespmem:$0x1800] =	vst v33  }
0x91: {  	[tilespmem:$0x180] =	vst v13  }
0x92: {  	v10 =	vld [tilespmem:$0x1FF70];
	[tilespmem:$0x1810] =	vst v33  }
0x93: {  	[tilespmem:$0x190] =	vst v12  }
0x94: {  	v9 =	vld [tilespmem:$0x1FF80];
	[tilespmem:$0x1820] =	vst v33  }
0x95: {  	[tilespmem:$0x1A0] =	vst v11  }
0x96: {  	v8 =	vld [tilespmem:$0x1FF90];
	[tilespmem:$0x1830] =	vst v33  }
0x97: {  	[tilespmem:$0x1B0] =	vst v10  }
0x98: {  	v7 =	vld [tilespmem:$0x1FFA0];
	[tilespmem:$0x1840] =	vst v33  }
0x99: {  	[tilespmem:$0x1C0] =	vst v9  }
0x9a: {  	v6 =	vld [tilespmem:$0x1FFB0];
	[tilespmem:$0x1850] =	vst v33  }
0x9b: {  	[tilespmem:$0x1D0] =	vst v8  }
0x9c: {  	v5 =	vld [tilespmem:$0x1FFC0];
	[tilespmem:$0x1860] =	vst v33  }
0x9d: {  	[tilespmem:$0x1E0] =	vst v7  }
0x9e: {  	v3 =	vld [tilespmem:$0x1FFD0];
	[tilespmem:$0x1870] =	vst v33  }
0x9f: {  	[tilespmem:$0x1F0] =	vst v6  }
0xa0: {  	v4 =	vld [tilespmem:$0x1FFE0];
	[tilespmem:$0x1880] =	vst v33  }
0xa1: {  	[tilespmem:$0x200] =	vst v5  }
0xa2: {  	v2 =	vld [tilespmem:$0x1FFF0];
	[tilespmem:$0x1890] =	vst v33  }
0xa3: {  	[tilespmem:$0x210] =	vst v3  }
0xa4: {  	[tilespmem:$0x18A0] =	vst v33  }
0xa5: {  	[tilespmem:$0x220] =	vst v4  }
0xa6: {  	[tilespmem:$0x18B0] =	vst v33  }
0xa7: {  	s17 =	rddreg [dreg:$0x7];
	s18 =	simm.s32 $0xA00;
	[tilespmem:$0x230] =	vst v2  }
0xa8: {  	[tilespmem:s18], [sflag:$0x2] =	stream.strided.gather [hbm4b:s17+s20], $0x280, s21, s20, $0x38;
	[tilespmem:$0x2E80] =	vst v63  }
0xa9: {  	_ = 	snop  }
0xaa: {  	[tilespmem:s4], [sflag:$0x5] =	stream.strided.gather [hbm4b:s17+s20], $0x280, s21, s20, $0x38;
	[tilespmem:$0x2E80] =	vst v63  }
0xab: {  	s19 =	rddreg [dreg:$0x8];
	s25 =	simm.s32 $0x2D80  }
0xac: {  	[tilespmem:s25], [sflag:$0x2] =	stream.linear.gather [hbm4b:s19+s23], $0x80, $0x38;
	[tilespmem:$0x2E80] =	vst v63  }
0xad: {  	[tilespmem:$0x1900] =	vst v33  }
0xae: {  	[tilespmem:$0x280] =	vst v1  }
0xaf: {  	[tilespmem:$0x1910] =	vst v33  }
0xb0: {  	[tilespmem:$0x290] =	vst v36  }
0xb1: {  	[tilespmem:$0x1920] =	vst v33  }
0xb2: {  	[tilespmem:$0x2A0] =	vst v35  }
0xb3: {  	[tilespmem:$0x1930] =	vst v33  }
0xb4: {  	[tilespmem:$0x2B0] =	vst v34  }
0xb5: {  	[tilespmem:$0x1940] =	vst v33  }
0xb6: {  	[tilespmem:$0x2C0] =	vst v32  }
0xb7: {  	[tilespmem:$0x1950] =	vst v33  }
0xb8: {  	[tilespmem:$0x2D0] =	vst v21  }
0xb9: {  	[tilespmem:$0x1960] =	vst v33  }
0xba: {  	[tilespmem:$0x2E0] =	vst v30  }
0xbb: {  	[tilespmem:$0x1970] =	vst v33  }
0xbc: {  	[tilespmem:$0x2F0] =	vst v20  }
0xbd: {  	[tilespmem:$0x1980] =	vst v33  }
0xbe: {  	[tilespmem:$0x300] =	vst v28  }
0xbf: {  	[tilespmem:$0x1990] =	vst v33  }
0xc0: {  	[tilespmem:$0x310] =	vst v27  }
0xc1: {  	[tilespmem:$0x19A0] =	vst v33  }
0xc2: {  	[tilespmem:$0x320] =	vst v26  }
0xc3: {  	[tilespmem:$0x19B0] =	vst v33  }
0xc4: {  	[tilespmem:$0x330] =	vst v25  }
0xc5: {  	[tilespmem:$0x19C0] =	vst v33  }
0xc6: {  	[tilespmem:$0x340] =	vst v24  }
0xc7: {  	[tilespmem:$0x19D0] =	vst v33  }
0xc8: {  	[tilespmem:$0x350] =	vst v23  }
0xc9: {  	[tilespmem:$0x19E0] =	vst v33  }
0xca: {  	[tilespmem:$0x360] =	vst v19  }
0xcb: {  	[tilespmem:$0x19F0] =	vst v33  }
0xcc: {  	[tilespmem:$0x370] =	vst v63  }
0xcd: {  	[tilespmem:$0x1A00] =	vst v33  }
0xce: {  	[tilespmem:$0x380] =	vst v22  }
0xcf: {  	[tilespmem:$0x1A10] =	vst v33  }
0xd0: {  	[tilespmem:$0x390] =	vst v0  }
0xd1: {  	[tilespmem:$0x1A20] =	vst v33  }
0xd2: {  	[tilespmem:$0x3A0] =	vst v29  }
0xd3: {  	[tilespmem:$0x1A30] =	vst v33  }
0xd4: {  	[tilespmem:$0x3B0] =	vst v18  }
0xd5: {  	[tilespmem:$0x1A40] =	vst v33  }
0xd6: {  	[tilespmem:$0x3C0] =	vst v31  }
0xd7: {  	[tilespmem:$0x1A50] =	vst v33  }
0xd8: {  	[tilespmem:$0x3D0] =	vst v16  }
0xd9: {  	[tilespmem:$0x1A60] =	vst v33  }
0xda: {  	[tilespmem:$0x3E0] =	vst v15  }
0xdb: {  	[tilespmem:$0x1A70] =	vst v33  }
0xdc: {  	[tilespmem:$0x3F0] =	vst v17  }
0xdd: {  	[tilespmem:$0x1A80] =	vst v33  }
0xde: {  	[tilespmem:$0x400] =	vst v13  }
0xdf: {  	[tilespmem:$0x1A90] =	vst v33  }
0xe0: {  	[tilespmem:$0x410] =	vst v12  }
0xe1: {  	[tilespmem:$0x1AA0] =	vst v33  }
0xe2: {  	[tilespmem:$0x420] =	vst v11  }
0xe3: {  	[tilespmem:$0x1AB0] =	vst v33  }
0xe4: {  	[tilespmem:$0x430] =	vst v10  }
0xe5: {  	[tilespmem:$0x1AC0] =	vst v33  }
0xe6: {  	[tilespmem:$0x440] =	vst v9  }
0xe7: {  	[tilespmem:$0x1AD0] =	vst v33  }
0xe8: {  	[tilespmem:$0x450] =	vst v8  }
0xe9: {  	[tilespmem:$0x1AE0] =	vst v33  }
0xea: {  	[tilespmem:$0x460] =	vst v7  }
0xeb: {  	[tilespmem:$0x1AF0] =	vst v33  }
0xec: {  	[tilespmem:$0x470] =	vst v6  }
0xed: {  	[tilespmem:$0x1B00] =	vst v33  }
0xee: {  	[tilespmem:$0x480] =	vst v5  }
0xef: {  	[tilespmem:$0x1B10] =	vst v33  }
0xf0: {  	[tilespmem:$0x490] =	vst v3  }
0xf1: {  	[tilespmem:$0x1B20] =	vst v33  }
0xf2: {  	[tilespmem:$0x4A0] =	vst v4  }
0xf3: {  	[tilespmem:$0x1B30] =	vst v33  }
0xf4: {  	s28 =	rddreg [dreg:$0xa];
	s2 =	simm.s32 $0xC80;
	[tilespmem:$0x4B0] =	vst v2  }
0xf5: {  	[tilespmem:s2], [sflag:$0x3] =	stream.strided.gather [hbm4b:s28+s20], $0x280, s21, s20, $0x38;
	[tilespmem:$0x2E80] =	vst v63  }
0xf6: {  	[dreg:$0x15] =	wrdreg s1  }
0xf7: {  	[tilespmem:s5], [sflag:$0x6] =	stream.strided.gather [hbm4b:s28+s20], $0x280, s21, s20, $0x38;
	[tilespmem:$0x2E80] =	vst v63  }
0xf8: {  	s4 =	rddreg [dreg:$0xc];
	s5 =	simm.s32 $0x2E00  }
0xf9: {  	[tilespmem:s5], [sflag:$0x3] =	stream.linear.gather [hbm4b:s4+s23], $0x80, $0x38;
	[tilespmem:$0x1B80] =	vst v33  }
0xfa: {  	[tilespmem:$0x500] =	vst v1  }
0xfb: {  	[tilespmem:$0x1B90] =	vst v33  }
0xfc: {  	[tilespmem:$0x510] =	vst v36  }
0xfd: {  	[tilespmem:$0x1BA0] =	vst v33  }
0xfe: {  	[tilespmem:$0x520] =	vst v35  }
0xff: {  	[tilespmem:$0x1BB0] =	vst v33  }
0x100: {  	[tilespmem:$0x530] =	vst v34  }
0x101: {  	[tilespmem:$0x1BC0] =	vst v33  }
0x102: {  	[tilespmem:$0x540] =	vst v32  }
0x103: {  	[tilespmem:$0x1BD0] =	vst v33  }
0x104: {  	[tilespmem:$0x550] =	vst v21  }
0x105: {  	[tilespmem:$0x1BE0] =	vst v33  }
0x106: {  	[tilespmem:$0x560] =	vst v30  }
0x107: {  	[tilespmem:$0x1BF0] =	vst v33  }
0x108: {  	[tilespmem:$0x570] =	vst v20  }
0x109: {  	[tilespmem:$0x1C00] =	vst v33  }
0x10a: {  	[tilespmem:$0x580] =	vst v28  }
0x10b: {  	[tilespmem:$0x1C10] =	vst v33  }
0x10c: {  	[tilespmem:$0x590] =	vst v27  }
0x10d: {  	[tilespmem:$0x1C20] =	vst v33  }
0x10e: {  	[tilespmem:$0x5A0] =	vst v26  }
0x10f: {  	[tilespmem:$0x1C30] =	vst v33  }
0x110: {  	[tilespmem:$0x5B0] =	vst v25  }
0x111: {  	[tilespmem:$0x1C40] =	vst v33  }
0x112: {  	[tilespmem:$0x5C0] =	vst v24  }
0x113: {  	[tilespmem:$0x1C50] =	vst v33  }
0x114: {  	[tilespmem:$0x5D0] =	vst v23  }
0x115: {  	[tilespmem:$0x1C60] =	vst v33  }
0x116: {  	[tilespmem:$0x5E0] =	vst v19  }
0x117: {  	[tilespmem:$0x1C70] =	vst v33  }
0x118: {  	[tilespmem:$0x5F0] =	vst v63  }
0x119: {  	[tilespmem:$0x1C80] =	vst v33  }
0x11a: {  	[tilespmem:$0x600] =	vst v22  }
0x11b: {  	[tilespmem:$0x1C90] =	vst v33  }
0x11c: {  	[tilespmem:$0x610] =	vst v0  }
0x11d: {  	[tilespmem:$0x1CA0] =	vst v33  }
0x11e: {  	[tilespmem:$0x620] =	vst v29  }
0x11f: {  	[tilespmem:$0x1CB0] =	vst v33  }
0x120: {  	[tilespmem:$0x630] =	vst v18  }
0x121: {  	[tilespmem:$0x1CC0] =	vst v33  }
0x122: {  	[tilespmem:$0x640] =	vst v31  }
0x123: {  	[tilespmem:$0x1CD0] =	vst v33  }
0x124: {  	[tilespmem:$0x650] =	vst v16  }
0x125: {  	[tilespmem:$0x1CE0] =	vst v33  }
0x126: {  	[tilespmem:$0x660] =	vst v15  }
0x127: {  	[tilespmem:$0x1CF0] =	vst v33  }
0x128: {  	[tilespmem:$0x670] =	vst v17  }
0x129: {  	[tilespmem:$0x1D00] =	vst v33  }
0x12a: {  	[tilespmem:$0x680] =	vst v13  }
0x12b: {  	[tilespmem:$0x1D10] =	vst v33  }
0x12c: {  	[tilespmem:$0x690] =	vst v12  }
0x12d: {  	[tilespmem:$0x1D20] =	vst v33  }
0x12e: {  	[tilespmem:$0x6A0] =	vst v11  }
0x12f: {  	[tilespmem:$0x1D30] =	vst v33  }
0x130: {  	[tilespmem:$0x6B0] =	vst v10  }
0x131: {  	[tilespmem:$0x1D40] =	vst v33  }
0x132: {  	[tilespmem:$0x6C0] =	vst v9  }
0x133: {  	[tilespmem:$0x1D50] =	vst v33  }
0x134: {  	[tilespmem:$0x6D0] =	vst v8  }
0x135: {  	[tilespmem:$0x1D60] =	vst v33  }
0x136: {  	[tilespmem:$0x6E0] =	vst v7  }
0x137: {  	[tilespmem:$0x1D70] =	vst v33  }
0x138: {  	[tilespmem:$0x6F0] =	vst v6  }
0x139: {  	[tilespmem:$0x1D80] =	vst v33  }
0x13a: {  	[tilespmem:$0x700] =	vst v5  }
0x13b: {  	[tilespmem:$0x1D90] =	vst v33  }
0x13c: {  	[tilespmem:$0x710] =	vst v3  }
0x13d: {  	[tilespmem:$0x1DA0] =	vst v33  }
0x13e: {  	[tilespmem:$0x720] =	vst v4  }
0x13f: {  	[tilespmem:$0x1DB0] =	vst v33  }
0x140: {  	[tilespmem:$0x730] =	vst v2  }
0x141: {  	_ =	swait.ge [sflag:s10], $0x280  }
0x142: {  	[sflag:s10] =	ssyncset.done $0x0  }
0x143: {  	[sflag:s10] =	ssyncadd.s32 $0xFFFFFD80  }
0x144: {  	_ =	swait.ge [sflag:s10], $0x80  }
0x145: {  	[sflag:s10] =	ssyncset.done $0x0  }
0x146: {  	[sflag:s10] =	ssyncadd.s32 $0xFFFFFF80  }
0x147: {  	_ =	swait.ge [sflag:s12], $0x280  }
0x148: {  	[sflag:s12] =	ssyncset.done $0x0  }
0x149: {  	[sflag:s12] =	ssyncadd.s32 $0xFFFFFD80  }
0x14a: {  	v37 =	vld [tilespmem:$0x780]  }
0x14b: {  	v38 =	vld [tilespmem:$0x790];
	_ =	sdelay $0x1  }
0x14c: {  	v39 =	vld [tilespmem:$0x7A0];
	_ =	sdelay $0x1  }
0x14d: {  	v40 =	vld [tilespmem:$0x7B0]  }
0x14e: {  	vm1 =	vgt.f32 v38, v37  }
0x14f: {  	v42 =	vld [tilespmem:$0x7C0];
	v41 =	vsel vm1, v38, v37  }
0x150: {  	vm0 =	vgt.f32 v39, v41  }
0x151: {  	v44 =	vld [tilespmem:$0x7D0];
	vm3 =	vgt.f32 v38, $0.0e+00;
	v43 =	vsel vm0, v39, v41  }
0x152: {  	v38 =	vnsel vm3, $0x0, v38;
	vm10 =	vgt.f32 v40, v43  }
0x153: {  	v45 =	vld [tilespmem:$0x7E0];
	v37 =	vsel vm1, v37, v38;
	v61 =	vsel vm10, v40, v43  }
0x154: {  	vm11 =	vgt.f32 v39, v37;
	vm9 =	vgt.f32 v42, v61  }
0x155: {  	v4 =	vld [tilespmem:$0x7F0];
	v37 =	vsel vm11, v39, v37;
	v62 =	vsel vm9, v42, v61  }
0x156: {  	v37 =	vsel vm0, v41, v37;
	vm8 =	vgt.f32 v44, v62  }
0x157: {  	v14 =	vmov v5;
	v46 =	vld [tilespmem:$0x800];
	vm2 =	vgt.f32 v40, v37;
	v5 =	vsel vm8, v44, v62  }
0x158: {  	v37 =	vsel vm2, v40, v37;
	vm7 =	vgt.f32 v45, v5  }
0x159: {  	v47 =	vld [tilespmem:$0x810];
	v37 =	vsel vm10, v43, v37;
	v6 =	vsel vm7, v45, v5  }
0x15a: {  	vm15 =	vgt.f32 v42, v37;
	vm6 =	vgt.f32 v4, v6  }
0x15b: {  	v57 =	vld [tilespmem:$0x820];
	v37 =	vsel vm15, v42, v37;
	v56 =	vsel vm6, v4, v6  }
0x15c: {  	v37 =	vsel vm9, v61, v37;
	vm5 =	vgt.f32 v46, v56  }
0x15d: {  	v48 =	vld [tilespmem:$0x830];
	vm14 =	vgt.f32 v44, v37;
	v58 =	vsel vm5, v46, v56  }
0x15e: {  	v37 =	vsel vm14, v44, v37;
	vm4 =	vgt.f32 v47, v58  }
0x15f: {  	v2 =	vimm.s32 $0x0;
	v49 =	vld [tilespmem:$0x840];
	v37 =	vsel vm8, v62, v37;
	v59 =	vsel vm4, v47, v58  }
0x160: {  	v50 =	vnsel vm3, $0x0, v36;
	vm12 =	vgt.f32 v45, v37;
	vm3 =	vgt.f32 v57, v59  }
0x161: {  	v7 =	vsel vm1, v1, v50;
	v50 =	vld [tilespmem:$0x850];
	v37 =	vsel vm12, v45, v37;
	v33 =	vsel vm3, v57, v59  }
0x162: {  	v51 =	vsel vm1, v36, v1;
	v37 =	vsel vm7, v5, v37;
	vm1 =	vgt.f32 v48, v33  }
0x163: {  	v52 =	vld [tilespmem:$0x860];
	v2 =	vsel vm12, $0xFFFFFFFF, v2;
	vm12 =	vgt.f32 v4, v37;
	v41 =	vsel vm1, v48, v33  }
0x164: {  	v45 =	vsel vm11, v35, v7;
	v37 =	vsel vm12, v4, v37;
	vm11 =	vgt.f32 v49, v41  }
0x165: {  	v53 =	vld [tilespmem:$0x870];
	v60 =	vsel vm0, v35, v51;
	v37 =	vsel vm6, v6, v37;
	v61 =	vsel vm11, v49, v41  }
0x166: {  	v45 =	vsel vm0, v51, v45;
	vm13 =	vgt.f32 v46, v37;
	vm0 =	vgt.f32 v50, v61  }
0x167: {  	v45 =	vsel vm2, v34, v45;
	v37 =	vsel vm13, v46, v37;
	v46 =	vld [tilespmem:$0x880];
	v62 =	vsel vm0, v50, v61  }
0x168: {  	v43 =	vsel vm10, v34, v60;
	v45 =	vsel vm10, v60, v45;
	vm2 =	vgt.f32 v52, v62  }
0x169: {  	v54 =	vld [tilespmem:$0x890];
	[tilespmem:$0x1F8F0] =	vst v2;
	v2 =	vimm.s32 $0x0;
	v45 =	vsel vm15, v32, v45;
	v4 =	vsel vm2, v52, v62  }
0x16a: {  	v45 =	vsel vm9, v43, v45;
	vm15 =	vmmov vm2;
	vm2 =	vgt.f32 v53, v4  }
0x16b: {  	v37 =	vsel vm5, v56, v37;
	v2 =	vsel vm2, $0xFFFFFFFF, v2;
	v5 =	vsel vm2, v53, v4  }
0x16c: {  	vm10 =	vgt.f32 v47, v37;
	[tilespmem:$0x1F940] =	vst v2;
	vm2 =	vgt.f32 v46, v5;
	v2 =	vimm.s32 $0x0  }
0x16d: {  	v37 =	vsel vm10, v47, v37;
	v2 =	vsel vm2, $0xFFFFFFFF, v2;
	v7 =	vsel vm2, v46, v5  }
0x16e: {  	v37 =	vsel vm4, v58, v37;
	[tilespmem:$0x1F960] =	vst v2;
	vm2 =	vgt.f32 v54, v7;
	v2 =	vimm.s32 $0x0  }
0x16f: {  	v55 =	vld [tilespmem:$0x8A0];
	v43 =	vsel vm9, v32, v43;
	vm9 =	vgt.f32 v57, v37;
	v2 =	vsel vm2, $0xFFFFFFFF, v2  }
0x170: {  	v37 =	vsel vm9, v57, v37;
	[tilespmem:$0x1F980] =	vst v2;
	v2 =	vld [tilespmem:$0x1F8F0]  }
0x171: {  	v45 =	vsel vm14, v21, v45;
	v37 =	vsel vm3, v59, v37  }
0x172: {  	v6 =	vsel vm8, v43, v45;
	v43 =	vsel vm8, v21, v43;
	vm8 =	vgt.f32 v48, v37  }
0x173: {  	v45 =	vld [tilespmem:$0x8B0];
	v37 =	vsel vm8, v48, v37  }
0x174: {  	v37 =	vsel vm1, v33, v37;
	v32 =	vsel vm2, v54, v7  }
0x175: {  	v56 =	vld [tilespmem:$0x8C0];
	v33 =	vsel vm7, v30, v43;
	vm2 =	vgt.f32 v55, v32;
	vm14 =	vnez.u8 v2  }
0x176: {  	v40 =	vsel vm6, v20, v33;
	v34 =	vsel vm2, v55, v32;
	v42 =	vsel vm14, v30, v6  }
0x177: {  	v57 =	vld [tilespmem:$0x8D0];
	v2 =	vimm.s32 $0x0;
	v42 =	vsel vm7, v43, v42;
	vm7 =	vgt.f32 v49, v37  }
0x178: {  	v42 =	vsel vm12, v20, v42;
	v37 =	vsel vm7, v49, v37;
	vm12 =	vgt.f32 v45, v34  }
0x179: {  	v2 =	vsel vm2, $0xFFFFFFFF, v2;
	v37 =	vsel vm11, v41, v37;
	v35 =	vsel vm12, v45, v34  }
0x17a: {  	v42 =	vsel vm6, v33, v42;
	vm6 =	vgt.f32 v50, v37;
	vm2 =	vgt.f32 v56, v35  }
0x17b: {  	v49 =	vld [tilespmem:$0x8E0];
	v37 =	vsel vm6, v50, v37;
	v50 =	vsel vm2, v56, v35  }
0x17c: {  	[tilespmem:$0x1F9A0] =	vst v2;
	v2 =	vimm.s32 $0x0;
	v42 =	vsel vm13, v28, v42;
	vm13 =	vgt.f32 v57, v50  }
0x17d: {  	v42 =	vsel vm5, v40, v42;
	v37 =	vsel vm0, v61, v37;
	v2 =	vsel vm13, $0xFFFFFFFF, v2  }
0x17e: {  	v40 =	vsel vm5, v28, v40;
	vm5 =	vgt.f32 v52, v37;
	[tilespmem:$0x1FA00] =	vst v2;
	v2 =	vimm.s32 $0x0  }
0x17f: {  	v58 =	vld [tilespmem:$0x8F0];
	v51 =	vsel vm13, v57, v50;
	v2 =	vsel vm5, $0xFFFFFFFF, v2  }
0x180: {  	v37 =	vsel vm5, v52, v37;
	vm14 =	vgt.f32 v49, v51;
	[tilespmem:$0x1F900] =	vst v2;
	v2 =	vimm.s32 $0x0  }
0x181: {  	v37 =	vsel vm15, v62, v37;
	v2 =	vsel vm14, $0xFFFFFFFF, v2  }
0x182: {  	v42 =	vsel vm10, v27, v42;
	vm13 =	vgt.f32 v53, v37;
	[tilespmem:$0x1FA20] =	vst v2;
	v2 =	vimm.s32 $0x0  }
0x183: {  	v42 =	vsel vm4, v40, v42;
	v38 =	vsel vm14, v49, v51;
	v2 =	vsel vm13, $0xFFFFFFFF, v2  }
0x184: {  	v40 =	vsel vm4, v27, v40;
	vm4 =	vgt.f32 v58, v38;
	[tilespmem:$0x1F930] =	vst v2;
	v2 =	vimm.s32 $0x0  }
0x185: {  	v59 =	vld [tilespmem:$0x900];
	v2 =	vsel vm4, $0xFFFFFFFF, v2  }
0x186: {  	[tilespmem:$0x1FA30] =	vst v2;
	v2 =	vld [tilespmem:$0x1F940];
	_ =	sdelay $0x3  }
0x187: {  	v42 =	vsel vm9, v26, v42;
	v37 =	vsel vm13, v53, v37;
	v53 =	vsel vm4, v58, v38  }
0x188: {  	vm14 =	vgt.f32 v59, v53;
	vm4 =	vnez.u8 v2;
	v2 =	vimm.s32 $0x0  }
0x189: {  	v42 =	vsel vm3, v40, v42;
	v37 =	vsel vm4, v4, v37;
	v2 =	vsel vm14, $0xFFFFFFFF, v2  }
0x18a: {  	v40 =	vsel vm3, v26, v40;
	[tilespmem:$0x1FA50] =	vst v2;
	vm3 =	vgt.f32 v46, v37;
	v2 =	vimm.s32 $0x0  }
0x18b: {  	v2 =	vsel vm3, $0xFFFFFFFF, v2  }
0x18c: {  	[tilespmem:$0x1F950] =	vst v2;
	v2 =	vld [tilespmem:$0x1F960];
	_ =	sdelay $0x1  }
0x18d: {  	v52 =	vld [tilespmem:$0x910];
	_ =	sdelay $0x1  }
0x18e: {  	v60 =	vld [tilespmem:$0x920]  }
0x18f: {  	v47 =	vsel vm14, v59, v53;
	v37 =	vsel vm3, v46, v37;
	vm14 =	vnez.u8 v2  }
0x190: {  	v37 =	vsel vm14, v5, v37  }
0x191: {  	vm9 =	vgt.f32 v52, v47;
	v2 =	vimm.s32 $0x0;
	vm3 =	vgt.f32 v54, v37  }
0x192: {  	v44 =	vsel vm9, v52, v47;
	v2 =	vsel vm3, $0xFFFFFFFF, v2  }
0x193: {  	vm13 =	vgt.f32 v60, v44;
	[tilespmem:$0x1F970] =	vst v2;
	v2 =	vimm.s32 $0x0  }
0x194: {  	v61 =	vld [tilespmem:$0x930];
	v2 =	vsel vm13, $0xFFFFFFFF, v2  }
0x195: {  	[tilespmem:$0x1FA80] =	vst v2;
	v2 =	vld [tilespmem:$0x1F980];
	_ =	sdelay $0x1  }
0x196: {  	v42 =	vsel vm8, v25, v42  }
0x197: {  	v42 =	vsel vm1, v40, v42  }
0x198: {  	v40 =	vsel vm1, v25, v40;
	v46 =	vld [tilespmem:$0x940];
	v37 =	vsel vm3, v54, v37;
	v54 =	vsel vm13, v60, v44  }
0x199: {  	vm1 =	vgt.f32 v61, v54;
	vm3 =	vnez.u8 v2;
	v2 =	vimm.s32 $0x0  }
0x19a: {  	v42 =	vsel vm7, v24, v42;
	v37 =	vsel vm3, v7, v37;
	v2 =	vsel vm1, $0xFFFFFFFF, v2  }
0x19b: {  	v21 =	vsel vm11, v24, v40;
	[tilespmem:$0x1F910] =	vst v2;
	vm8 =	vgt.f32 v55, v37;
	v2 =	vimm.s32 $0x0  }
0x19c: {  	v42 =	vsel vm11, v40, v42;
	v40 =	vsel vm1, v61, v54;
	v2 =	vsel vm8, $0xFFFFFFFF, v2  }
0x19d: {  	v42 =	vsel vm6, v23, v42;
	vm6 =	vgt.f32 v46, v40;
	[tilespmem:$0x1F990] =	vst v2;
	v2 =	vimm.s32 $0x0  }
0x19e: {  	v62 =	vld [tilespmem:$0x950];
	v2 =	vsel vm6, $0xFFFFFFFF, v2  }
0x19f: {  	[tilespmem:$0x1F920] =	vst v2;
	v2 =	vld [tilespmem:$0x1F9A0];
	_ =	sdelay $0x2  }
0x1a0: {  	v3 =	vimm.s32 $0x0;
	v33 =	vimm.s32 $0x0;
	v28 =	vimm.s32 $0x0  }
0x1a1: {  	v27 =	vimm.s32 $0x0;
	v39 =	vsel vm0, v23, v21;
	v48 =	vsel vm6, v46, v40  }
0x1a2: {  	v24 =	vld [tilespmem:$0x960];
	vm10 =	vgt.f32 v62, v48;
	v37 =	vsel vm8, v55, v37;
	vm1 =	vnez.u8 v2  }
0x1a3: {  	v5 =	vsel vm12, $0xFFFFFFFF, v27;
	v3 =	vsel vm10, $0xFFFFFFFF, v3;
	v37 =	vsel vm1, v32, v37  }
0x1a4: {  	v2 =	vimm.s32 $0x0;
	v32 =	vimm.s32 $0x0;
	vm6 =	vgt.f32 v45, v37  }
0x1a5: {  	v2 =	vsel vm6, $0xFFFFFFFF, v2;
	v37 =	vsel vm6, v45, v37;
	v45 =	vsel vm10, v62, v48  }
0x1a6: {  	vm6 =	vmmov vm10;
	[tilespmem:$0x1F9B0] =	vst v2;
	v2 =	vsel vm15, v19, v39;
	v37 =	vsel vm12, v34, v37;
	v34 =	vld [tilespmem:$0x1FA00]  }
0x1a7: {  	vm11 =	vgt.f32 v24, v45;
	v4 =	vsel vm4, v63, v2;
	vm8 =	vgt.f32 v56, v37  }
0x1a8: {  	v30 =	vsel vm11, v24, v45;
	v43 =	vsel vm14, v22, v4;
	v37 =	vsel vm8, v56, v37  }
0x1a9: {  	[tilespmem:$0x1F9C0] =	vst v5;
	v5 =	vsel vm11, $0xFFFFFFFF, v28;
	v7 =	vsel vm3, v0, v43;
	v37 =	vsel vm2, v35, v37  }
0x1aa: {  	vm14 =	vmmov vm11;
	v56 =	vsel vm1, v29, v7;
	vm10 =	vgt.f32 v57, v37  }
0x1ab: {  	v35 =	vld [tilespmem:$0x1FA20];
	v27 =	vsel vm12, v18, v56;
	v37 =	vsel vm10, v57, v37;
	vm11 =	vnez.u8 v34  }
0x1ac: {  	[tilespmem:$0x1FA40] =	vst v5;
	v5 =	vsel vm8, $0xFFFFFFFF, v32;
	v32 =	vsel vm2, v31, v27;
	v37 =	vsel vm11, v50, v37  }
0x1ad: {  	[tilespmem:$0x1F9D0] =	vst v5;
	v5 =	vsel vm10, $0xFFFFFFFF, v33;
	v33 =	vld [tilespmem:$0x1F900];
	v50 =	vsel vm11, v16, v32;
	vm11 =	vgt.f32 v49, v37  }
0x1ae: {  	v37 =	vsel vm11, v49, v37;
	v49 =	vld [tilespmem:$0x1FA30];
	_ =	sdelay $0x1  }
0x1af: {  	vm12 =	vnez.u8 v35  }
0x1b0: {  	v37 =	vsel vm12, v51, v37;
	v51 =	vld [tilespmem:$0x1FA50]  }
0x1b1: {  	v42 =	vsel vm0, v21, v42;
	v25 =	vld [tilespmem:$0x1FA80];
	v34 =	vsel vm12, v15, v50;
	vm12 =	vgt.f32 v58, v37  }
0x1b2: {  	v6 =	vmovc v19;
	v55 =	vld [tilespmem:$0x970];
	vm1 =	vnez.u8 v33;
	v37 =	vsel vm12, v58, v37;
	vm3 =	vnez.u8 v49  }
0x1b3: {  	vm5 =	vmmov vm15;
	v42 =	vsel vm1, v6, v42;
	v37 =	vsel vm3, v38, v37;
	v38 =	vld [tilespmem:$0x1F910]  }
0x1b4: {  	v19 =	vmov v0;
	v0 =	vimm.s32 $0x0;
	v39 =	vsel vm5, v39, v42;
	v42 =	vld [tilespmem:$0x1F920]  }
0x1b5: {  	v0 =	vsel vm2, $0xFFFFFFFF, v0;
	v49 =	vsel vm3, v17, v34;
	vm2 =	vnez.u8 v51  }
0x1b6: {  	vm0 =	vnez.u8 v25;
	v51 =	vsel vm2, v13, v49  }
0x1b7: {  	vm15 =	vgt.f32 v55, v30;
	[tilespmem:$0x1F9E0] =	vst v0;
	v0 =	vimm.s32 $0x0;
	v35 =	vsel vm9, v12, v51  }
0x1b8: {  	v0 =	vsel vm15, $0xFFFFFFFF, v0;
	v58 =	vsel vm0, v11, v35;
	vm1 =	vnez.u8 v38  }
0x1b9: {  	[tilespmem:$0x1FA10] =	vst v3;
	v3 =	vld [tilespmem:$0x980];
	vm3 =	vnez.u8 v42;
	v38 =	vsel vm1, v10, v58  }
0x1ba: {  	v6 =	vmov v9;
	v42 =	vsel vm3, v9, v38;
	v9 =	vld [tilespmem:$0x1F930]  }
0x1bb: {  	v21 =	vld [tilespmem:$0x990];
	[tilespmem:$0x1FA60] =	vst v0;
	v0 =	vmov v18;
	v18 =	vimm.s32 $0x0  }
0x1bc: {  	[tilespmem:$0x1F9F0] =	vst v5;
	v5 =	vsel vm9, $0xFFFFFFFF, v18;
	v18 =	vld [tilespmem:$0x1F940]  }
0x1bd: {  	v20 =	vld [tilespmem:$0x9A0];
	v41 =	vsel vm15, v55, v30  }
0x1be: {  	vm13 =	vgt.f32 v3, v41  }
0x1bf: {  	v57 =	vsel vm13, v3, v41;
	[tilespmem:$0x1FA70] =	vst v5;
	v5 =	vld [tilespmem:$0x1FFA0];
	vm4 =	vnez.u8 v9  }
0x1c0: {  	vm10 =	vgt.f32 v21, v57;
	v39 =	vsel vm4, v63, v39;
	v63 =	vld [tilespmem:$0x1F950]  }
0x1c1: {  	v26 =	vsel vm10, v21, v57;
	vm4 =	vnez.u8 v18;
	v18 =	vld [tilespmem:$0x1F960]  }
0x1c2: {  	v23 =	vld [tilespmem:$0x9B0];
	vm8 =	vgt.f32 v20, v26;
	vm5 =	vgt.f32 v59, v37  }
0x1c3: {  	v28 =	vsel vm8, v20, v26;
	v37 =	vsel vm5, v59, v37  }
0x1c4: {  	v37 =	vsel vm2, v53, v37;
	v59 =	vsel vm6, v8, v42;
	v2 =	vsel vm4, v2, v39  }
0x1c5: {  	v39 =	vsel vm14, v5, v59;
	vm4 =	vgt.f32 v52, v37;
	vm14 =	vnez.u8 v63  }
0x1c6: {  	v2 =	vsel vm14, v22, v2;
	vm14 =	vnez.u8 v18;
	v22 =	vsel vm4, v52, v37  }
0x1c7: {  	vm7 =	vgt.f32 v23, v28;
	v2 =	vsel vm14, v4, v2;
	v4 =	vsel vm9, v47, v22;
	v22 =	vld [tilespmem:$0x1F980]  }
0x1c8: {  	v33 =	vmov v8;
	v25 =	vsel vm7, v23, v28;
	v8 =	vld [tilespmem:$0x1FFB0]  }
0x1c9: {  	(xrf0) =	vmax.scan.msk.f32 $0xffff, v25;
	v63 =	vld [tilespmem:$0x1FFD0]  }
0x1ca: {  	v52 =	vld [tilespmem:$0x1F970]  }
0x1cb: {  	v9 =	vld [tilespmem:$0x1FFE0]  }
0x1cc: {  	vm14 =	vnez.u8 v22;
	v22 =	vld [tilespmem:$0x1FFF0]  }
0x1cd: {  	v53 =	vsel vm15, v8, v39;
	vm6 =	vgt.f32 v60, v4  }
0x1ce: {  	v37 =	vsel vm13, v14, v53;
	v4 =	vsel vm6, v60, v4;
	v60 =	vld [tilespmem:$0x1F990]  }
0x1cf: {  	v47 =	vsel vm10, v63, v37;
	vm15 =	vnez.u8 v52;
	v52, _, _ =	vpop (xrf0)  }
0x1d0: {  	v2 =	vsel vm15, v19, v2;
	v19 =	vsel vm8, v9, v47;
	v18 =	vbroadcast v52, $0xF  }
0x1d1: {  	v2 =	vsel vm14, v43, v2;
	v43 =	vsel vm7, v22, v19  }
0x1d2: {  	v4 =	vsel vm0, v44, v4;
	vm15 =	veq.f32 v25, v18;
	v44 =	vsub.s32 $0x80000000, v43  }
0x1d3: {  	vm9 =	vnez.u8 v60;
	v60 =	vld [tilespmem:$0x1F9A0];
	v18 =	vnsel vm15, $0x7FFFFDC0, v44  }
0x1d4: {  	(xrf0) =	vmax.scan.msk.u32 $0xffff, v18;
	v18 =	vld [tilespmem:$0x1F9B0];
	_ =	sdelay $0x3  }
0x1d5: {  	v2 =	vsel vm9, v29, v2;
	vm14 =	vnez.u8 v60  }
0x1d6: {  	v2 =	vsel vm14, v7, v2;
	vm15 =	vnez.u8 v18  }
0x1d7: {  	v2 =	vsel vm15, v0, v2;
	v0 =	vld [tilespmem:$0x1F9C0];
	_ =	sdelay $0x4  }
0x1d8: {  	vm9 =	vnez.u8 v0;
	v0 =	vld [tilespmem:$0x1F9D0];
	_ =	sdelay $0x4  }
0x1d9: {  	vm15 =	vnez.u8 v0;
	v0 =	vld [tilespmem:$0x1F9E0];
	_ =	sdelay $0x4  }
0x1da: {  	v2 =	vsel vm9, v56, v2;
	vm9 =	vnez.u8 v0;
	v0 =	vld [tilespmem:$0x1F9F0];
	_ =	sdelay $0x4  }
0x1db: {  	v2 =	vsel vm15, v31, v2;
	vm15 =	vnez.u8 v0;
	v0 =	vld [tilespmem:$0x1FA00];
	_ =	sdelay $0x3  }
0x1dc: {  	v2 =	vsel vm9, v27, v2  }
0x1dd: {  	v2 =	vsel vm15, v16, v2;
	vm15 =	vnez.u8 v0;
	v0 =	vld [tilespmem:$0x1FA10];
	_ =	sdelay $0x4  }
0x1de: {  	vm0 =	vnez.u8 v0;
	v0 =	vld [tilespmem:$0x1FA20];
	_ =	sdelay $0x4  }
0x1df: {  	v2 =	vsel vm15, v32, v2;
	vm15 =	vnez.u8 v0;
	v0 =	vld [tilespmem:$0x1FA30];
	_ =	sdelay $0x2  }
0x1e0: {  	v2 =	vsel vm11, v15, v2  }
0x1e1: {  	v2 =	vsel vm15, v50, v2  }
0x1e2: {  	v2 =	vsel vm12, v17, v2;
	vm12 =	vnez.u8 v0;
	v0 =	vld [tilespmem:$0x1FA40];
	_ =	sdelay $0x4  }
0x1e3: {  	v2 =	vsel vm12, v34, v2;
	vm12 =	vnez.u8 v0;
	v0 =	vld [tilespmem:$0x1FA50];
	_ =	sdelay $0x3  }
0x1e4: {  	vm2 =	vgt.f32 v61, v4  }
0x1e5: {  	v4 =	vsel vm2, v61, v4;
	vm15 =	vnez.u8 v0;
	v0 =	vld [tilespmem:$0x1FA60]  }
0x1e6: {  	v4 =	vsel vm1, v54, v4  }
0x1e7: {  	vm14 =	vmmov vm1;
	vm1 =	vgt.f32 v46, v4  }
0x1e8: {  	v4 =	vsel vm1, v46, v4  }
0x1e9: {  	v4 =	vsel vm3, v40, v4;
	vm9 =	vmmov vm3;
	v2 =	vsel vm5, v13, v2  }
0x1ea: {  	vm3 =	vgt.f32 v62, v4;
	v2 =	vsel vm15, v49, v2;
	vm15 =	vnez.u8 v0;
	v0 =	vld [tilespmem:$0x1FA70]  }
0x1eb: {  	(v2sf) =	vpush v52, $0xF;
	v4 =	vsel vm3, v62, v4;
	v32, _, _ =	vpop (xrf0)  }
0x1ec: {  	(v2sf) =	vpush v32, $0xF;
	v4 =	vsel vm0, v48, v4  }
0x1ed: {  	vm11 =	vgt.f32 v24, v4  }
0x1ee: {  	v4 =	vsel vm11, v24, v4  }
0x1ef: {  	v4 =	vsel vm12, v45, v4;
	v2 =	vsel vm4, v12, v2;
	vm4 =	vnez.u8 v0;
	v0 =	vld [tilespmem:$0x1FA80]  }
0x1f0: {  	vm5 =	vgt.f32 v55, v4  }
0x1f1: {  	v4 =	vsel vm5, v55, v4  }
0x1f2: {  	v4 =	vsel vm15, v30, v4  }
0x1f3: {  	v2 =	vsel vm4, v51, v2;
	vm4 =	vgt.f32 v3, v4  }
0x1f4: {  	v2 =	vsel vm6, v11, v2;
	v3 =	vsel vm4, v3, v4;
	vm6 =	vnez.u8 v0  }
0x1f5: {  	v3 =	vsel vm13, v41, v3;
	v2 =	vsel vm6, v35, v2  }
0x1f6: {  	v2 =	vsel vm2, v10, v2;
	vm2 =	vgt.f32 v21, v3  }
0x1f7: {  	v2 =	vsel vm14, v58, v2;
	v3 =	vsel vm2, v21, v3  }
0x1f8: {  	v2 =	vsel vm1, v6, v2;
	v3 =	vsel vm10, v57, v3  }
0x1f9: {  	v2 =	vsel vm9, v38, v2;
	vm9 =	vgt.f32 v20, v3  }
0x1fa: {  	s8 =	spop (v2sf);
	v2 =	vsel vm3, v33, v2;
	v3 =	vsel vm9, v20, v3  }
0x1fb: {  	s14 =	spop (v2sf);
	v2 =	vsel vm0, v42, v2;
	v3 =	vsel vm8, v26, v3  }
0x1fc: {  	s1 =	sxor.u32 $0x7FFFFFFF, s14;
	v2 =	vsel vm11, v5, v2;
	vm11 =	vgt.f32 v23, v3  }
0x1fd: {  	s30 =	sadd.s32 $0x1, s1;
	v2 =	vsel vm12, v59, v2;
	v3 =	vsel vm11, v23, v3  }
0x1fe: {  	vm3 =	veq.s32 v43, s30;
	v2 =	vsel vm5, v8, v2;
	v3 =	vsel vm7, v28, v3  }
0x1ff: {  	v2 =	vsel vm15, v39, v2;
	v3 =	vsel vm3, v3, v25  }
0x200: {  	v2 =	vsel vm4, v14, v2;
	(xrf0) =	vmax.scan.msk.f32 $0xffff, v3  }
0x201: {  	v2 =	vsel vm13, v53, v2  }
0x202: {  	v2 =	vsel vm2, v63, v2  }
0x203: {  	v2 =	vsel vm10, v37, v2  }
0x204: {  	v2 =	vsel vm9, v9, v2  }
0x205: {  	v2 =	vsel vm8, v47, v2  }
0x206: {  	v2 =	vsel vm11, v22, v2;
	v39, _, _ =	vpop (xrf0)  }
0x207: {  	v2 =	vsel vm7, v19, v2;
	v40 =	vbroadcast v39, $0xF  }
0x208: {  	v2 =	vsel vm3, v2, v43  }
0x209: {  	vm13 =	veq.f32 v3, v40;
	v2 =	vsub.s32 $0x80000000, v2  }
0x20a: {  	v2 =	vnsel vm13, $0x7FFFFDC0, v2  }
0x20b: {  	(xrf0) =	vmax.scan.msk.u32 $0xffff, v2;
	_ =	sdelay $0x4  }
0x20c: {  	(v2sf) =	vpush v39, $0xF  }
0x20d: {  	v2, _, _ =	vpop (xrf0)  }
0x20e: {  	(v2sf) =	vpush v2, $0xF;
	_ =	sdelay $0x2  }
0x20f: {  	p0 =	slt.f32 s8, $0.0e+00;
	p1 =	sgt.f32 s8, $0.0e+00  }
0x210: {  	_ = 	snop  }
0x211: {  	p0 =	por p1, p0  }
0x212: {  	s15 =	rddreg [dreg:$0x9];
	p1 =	por !p0, !p0  }
0x213: {  	s16 =	sadd.s32 s15, s30;
	v2 =	vimm.s32 @!p1 $0x0  }
0x214: {  	s0 =	sshrl.u32 s16, $0x3;
	v3 =	vmov s30  }
0x215: {  	s1 =	sshll.u32 s30, $0x7;
	s0 =	smul.u32 $0x1400, s0  }
0x216: {  	s1 =	sand.u32 $0x380, s1  }
0x217: {  	s4 =	simm.s32 @!p1 $0x1680;
	s0 =	sor.u32 s1, s0  }
0x218: {  	s2 =	simm.s32 @!p1 $0xF00;
	s0 =	sshrl.u32 s0, $0x3;
	[tilespmem:v2+s4+$0x0] =	vst.idx.msk @!p1 $0x1, v3;
	v2 =	vimm.f32 @!p1 $1.000000000e+03  }
0x219: {  	s0 =	sadd.s32 s3, s0;
	s8 =	spop (v2sf);
	[tilespmem:v3+s2+$0x0] =	vst.idx.msk @!p1 $0x1, v2  }
0x21a: {  	[tilespmem:s22], [sflag:$0x1] =	stream.strided.gather [hbm4b:s0+s20], $0x280, s21, s20, $0x38;
	[tilespmem:$0x2E80] =	vst v63  }
0x21b: {  	s17 =	spop (v2sf)  }
0x21c: {  	s18 =	sxor.u32 $0x7FFFFFFF, s17  }
0x21d: {  	s14 =	sadd.s32 $0x1, s18  }
0x21e: {  	s19 =	sadd.s32 s15, s14  }
0x21f: {  	s0 =	sshrl.u32 s19, $0x3  }
0x220: {  	s1 =	sshll.u32 s14, $0x7;
	s0 =	smul.u32 $0x1400, s0  }
0x221: {  	s1 =	sand.u32 $0x380, s1  }
0x222: {  	s0 =	sor.u32 s1, s0  }
0x223: {  	s0 =	sshrl.u32 s0, $0x3  }
0x224: {  	s0 =	sadd.s32 s3, s0  }
0x225: {  	[tilespmem:s24], [sflag:$0x4] =	stream.strided.gather [hbm4b:s0+s20], $0x280, s21, s20, $0x38;
	[tilespmem:$0x2E80] =	vst v63  }
0x226: {  	_ =	swait.ge [sflag:s6], $0x280  }
0x227: {  	[sflag:s6] =	ssyncset.done $0x0  }
0x228: {  	[sflag:s6] =	ssyncadd.s32 $0xFFFFFD80  }
0x229: {  	_ =	swait.ge [sflag:s6], $0x80  }
0x22a: {  	[sflag:s6] =	ssyncset.done $0x0  }
0x22b: {  	[sflag:s6] =	ssyncadd.s32 $0xFFFFFF80  }
0x22c: {  	_ =	swait.ge [sflag:s9], $0x280  }
0x22d: {  	[sflag:s9] =	ssyncset.done $0x0  }
0x22e: {  	[sflag:s9] =	ssyncadd.s32 $0xFFFFFD80  }
0x22f: {  	v2 =	vld [tilespmem:$0xA00]  }
0x230: {  	v3 =	vld [tilespmem:$0xA10];
	_ =	sdelay $0x2  }
0x231: {  	v41 =	vld [tilespmem:$0xA20];
	_ =	sdelay $0x1  }
0x232: {  	vm1 =	vgt.f32 v3, v2;
	vm3 =	vgt.f32 v3, $0.0e+00  }
0x233: {  	v42 =	vld [tilespmem:$0xA30];
	v43 =	vsel vm1, v3, v2;
	v3 =	vnsel vm3, $0x0, v3  }
0x234: {  	v2 =	vsel vm1, v2, v3  }
0x235: {  	vm11 =	vgt.f32 v41, v2  }
0x236: {  	v44 =	vld [tilespmem:$0xA40];
	vm0 =	vgt.f32 v41, v43;
	v2 =	vsel vm11, v41, v2  }
0x237: {  	v2 =	vsel vm0, v43, v2  }
0x238: {  	v45 =	vsel vm0, v41, v43;
	vm2 =	vgt.f32 v42, v2  }
0x239: {  	v46 =	vld [tilespmem:$0xA50];
	vm10 =	vgt.f32 v42, v45;
	v2 =	vsel vm2, v42, v2  }
0x23a: {  	v2 =	vsel vm10, v45, v2  }
0x23b: {  	v3 =	vsel vm10, v42, v45;
	vm15 =	vgt.f32 v44, v2  }
0x23c: {  	v47 =	vld [tilespmem:$0xA60];
	vm9 =	vgt.f32 v44, v3;
	v2 =	vsel vm15, v44, v2  }
0x23d: {  	v2 =	vsel vm9, v3, v2  }
0x23e: {  	v48 =	vsel vm9, v44, v3;
	vm14 =	vgt.f32 v46, v2  }
0x23f: {  	v49 =	vld [tilespmem:$0xA70];
	vm8 =	vgt.f32 v46, v48;
	v2 =	vsel vm14, v46, v2  }
0x240: {  	v2 =	vsel vm8, v48, v2  }
0x241: {  	v0 =	vimm.s32 $0x0;
	v51 =	vld [tilespmem:$0xA80];
	v50 =	vsel vm8, v46, v48;
	vm12 =	vgt.f32 v47, v2  }
0x242: {  	v53 =	vld [tilespmem:$0xA90];
	vm7 =	vgt.f32 v47, v50;
	v0 =	vsel vm12, $0xFFFFFFFF, v0  }
0x243: {  	v52 =	vsel vm7, v47, v50;
	[tilespmem:$0x1FA90] =	vst v0;
	v0 =	vld [tilespmem:$0x1FDE0]  }
0x244: {  	vm6 =	vgt.f32 v49, v52  }
0x245: {  	v54 =	vld [tilespmem:$0xAA0];
	v3 =	vsel vm6, v49, v52  }
0x246: {  	v30 =	vnsel vm3, $0x0, v36;
	vm5 =	vgt.f32 v51, v3  }
0x247: {  	v56 =	vmovc v31;
	v57 =	vld [tilespmem:$0xAB0];
	v31 =	vsel vm1, v1, v30;
	v44 =	vsel vm1, v36, v1;
	v55 =	vsel vm5, v51, v3  }
0x248: {  	v35 =	vmovc v10;
	vm4 =	vgt.f32 v53, v55;
	v10 =	vsel vm11, v0, v31;
	v59 =	vsel vm0, v0, v44;
	v0 =	vld [tilespmem:$0x1FDF0]  }
0x249: {  	v28 =	vld [tilespmem:$0xAC0];
	v2 =	vsel vm12, v47, v2;
	v58 =	vsel vm4, v53, v55  }
0x24a: {  	v2 =	vsel vm7, v50, v2;
	vm3 =	vgt.f32 v54, v58  }
0x24b: {  	v62 =	vmov v33;
	v33 =	vld [tilespmem:$0xAD0];
	vm12 =	vgt.f32 v49, v2;
	v32 =	vsel vm3, v54, v58  }
0x24c: {  	v46 =	vld [tilespmem:$0xAE0];
	v2 =	vsel vm12, v49, v2;
	vm1 =	vgt.f32 v57, v32;
	v10 =	vsel vm0, v44, v10  }
0x24d: {  	v45 =	vsel vm1, v57, v32;
	v10 =	vsel vm2, v0, v10;
	v8 =	vsel vm10, v0, v59;
	v0 =	vld [tilespmem:$0x1FE00]  }
0x24e: {  	v2 =	vsel vm6, v52, v2;
	vm11 =	vgt.f32 v28, v45  }
0x24f: {  	v22 =	vld [tilespmem:$0xAF0];
	vm13 =	vgt.f32 v51, v2;
	v21 =	vsel vm11, v28, v45  }
0x250: {  	v2 =	vsel vm13, v51, v2;
	vm0 =	vgt.f32 v33, v21  }
0x251: {  	v23 =	vld [tilespmem:$0xB00];
	v2 =	vsel vm5, v3, v2;
	v3 =	vsel vm0, v33, v21;
	v10 =	vsel vm10, v59, v10  }
0x252: {  	v25 =	vld [tilespmem:$0xB10];
	vm2 =	vgt.f32 v46, v3;
	v10 =	vsel vm15, v0, v10  }
0x253: {  	v24 =	vsel vm2, v46, v3;
	v10 =	vsel vm9, v8, v10;
	v8 =	vsel vm9, v0, v8;
	v0 =	vld [tilespmem:$0x1FE10]  }
0x254: {  	vm15 =	vmmov vm2;
	vm2 =	vgt.f32 v22, v24  }
0x255: {  	v26 =	vimm.s32 $0x0;
	v27 =	vsel vm2, v22, v24  }
0x256: {  	v9 =	vsel vm2, $0xFFFFFFFF, v26;
	vm2 =	vgt.f32 v23, v27  }
0x257: {  	v47 =	vimm.s32 $0x0;
	v49 =	vsel vm2, v23, v27  }
0x258: {  	v7 =	vsel vm2, $0xFFFFFFFF, v47;
	vm2 =	vgt.f32 v25, v49;
	v10 =	vsel vm14, v0, v10  }
0x259: {  	v48 =	vsel vm8, v8, v10;
	v8 =	vsel vm8, v0, v8;
	v0 =	vimm.s32 $0x0  }
0x25a: {  	v51 =	vld [tilespmem:$0x1FA90];
	v0 =	vsel vm2, $0xFFFFFFFF, v0  }
0x25b: {  	[tilespmem:$0x1FB20] =	vst v0;
	v0 =	vld [tilespmem:$0x1FE20]  }
0x25c: {  	vm10 =	vgt.f32 v53, v2  }
0x25d: {  	v2 =	vsel vm10, v53, v2  }
0x25e: {  	v38 =	vld [tilespmem:$0xB20];
	v2 =	vsel vm4, v55, v2  }
0x25f: {  	vm9 =	vgt.f32 v54, v2;
	vm14 =	vnez.u8 v51  }
0x260: {  	v2 =	vsel vm9, v54, v2;
	[tilespmem:$0x1FB00] =	vst v7;
	v7 =	vsel vm14, v0, v48;
	v54 =	vsel vm7, v0, v8;
	v0 =	vld [tilespmem:$0x1FE30];
	_ =	sdelay $0x1  }
0x261: {  	v2 =	vsel vm3, v58, v2;
	v52 =	vsel vm2, v25, v49  }
0x262: {  	v53 =	vimm.s32 $0x0;
	vm8 =	vgt.f32 v57, v2;
	vm2 =	vgt.f32 v38, v52  }
0x263: {  	v2 =	vsel vm8, v57, v2;
	v5 =	vsel vm2, $0xFFFFFFFF, v53;
	v7 =	vsel vm7, v8, v7  }
0x264: {  	v2 =	vsel vm1, v32, v2;
	[tilespmem:$0x1FB40] =	vst v5;
	v7 =	vsel vm12, v0, v7;
	v5 =	vsel vm6, v0, v54;
	v0 =	vld [tilespmem:$0x1FE40]  }
0x265: {  	v50 =	vld [tilespmem:$0xB30];
	vm7 =	vgt.f32 v28, v2  }
0x266: {  	v2 =	vsel vm7, v28, v2  }
0x267: {  	v2 =	vsel vm11, v45, v2  }
0x268: {  	v39 =	vld [tilespmem:$0xB40];
	v7 =	vsel vm6, v54, v7;
	vm6 =	vgt.f32 v33, v2  }
0x269: {  	v55 =	vsel vm2, v38, v52;
	v2 =	vsel vm6, v33, v2;
	v7 =	vsel vm13, v0, v7  }
0x26a: {  	v40 =	vld [tilespmem:$0xB50];
	vm12 =	vgt.f32 v50, v55;
	v2 =	vsel vm0, v21, v2;
	v7 =	vsel vm5, v5, v7  }
0x26b: {  	v5 =	vsel vm5, v0, v5;
	vm5 =	vgt.f32 v46, v2;
	v0 =	vimm.s32 $0x0  }
0x26c: {  	v14 =	vld [tilespmem:$0xB60];
	v57 =	vsel vm12, v50, v55;
	v0 =	vsel vm5, $0xFFFFFFFF, v0  }
0x26d: {  	vm2 =	vgt.f32 v39, v57;
	[tilespmem:$0x1FAA0] =	vst v0;
	v0 =	vld [tilespmem:$0x1FE50]  }
0x26e: {  	v15 =	vsel vm2, v39, v57  }
0x26f: {  	v58 =	vimm.s32 $0x0;
	vm13 =	vgt.f32 v40, v15  }
0x270: {  	v41 =	vld [tilespmem:$0xB70];
	v16 =	vsel vm13, $0xFFFFFFFF, v58;
	v2 =	vsel vm5, v46, v2  }
0x271: {  	[tilespmem:$0x1FBA0] =	vst v16;
	v16 =	vsel vm13, v40, v15;
	v2 =	vsel vm15, v3, v2  }
0x272: {  	vm14 =	vgt.f32 v14, v16;
	vm13 =	vgt.f32 v22, v2;
	v7 =	vsel vm10, v0, v7  }
0x273: {  	v7 =	vsel vm4, v5, v7;
	v5 =	vsel vm4, v0, v5;
	v0 =	vimm.s32 $0x0  }
0x274: {  	[tilespmem:$0x1FAE0] =	vst v9;
	v33 =	vsel vm14, v14, v16;
	v0 =	vsel vm13, $0xFFFFFFFF, v0  }
0x275: {  	v42 =	vld [tilespmem:$0xB80];
	vm4 =	vgt.f32 v41, v33;
	[tilespmem:$0x1FAD0] =	vst v0;
	v0 =	vimm.s32 $0x0  }
0x276: {  	v3 =	vld [tilespmem:$0x1FAE0];
	v0 =	vsel vm4, $0xFFFFFFFF, v0  }
0x277: {  	[tilespmem:$0x1FBD0] =	vst v0;
	v0 =	vld [tilespmem:$0x1FE60];
	_ =	sdelay $0x2  }
0x278: {  	v59 =	vimm.s32 $0x0;
	v18 =	vsel vm4, v41, v33  }
0x279: {  	v17 =	vsel vm14, $0xFFFFFFFF, v59;
	v2 =	vsel vm13, v22, v2;
	vm14 =	vgt.f32 v42, v18  }
0x27a: {  	vm4 =	vnez.u8 v3;
	v3 =	vimm.s32 $0x0;
	v7 =	vsel vm9, v0, v7  }
0x27b: {  	v2 =	vsel vm4, v24, v2;
	v3 =	vsel vm14, $0xFFFFFFFF, v3;
	v7 =	vsel vm3, v5, v7  }
0x27c: {  	[tilespmem:$0x1FBF0] =	vst v3;
	v3 =	vld [tilespmem:$0x1FB00];
	v5 =	vsel vm3, v0, v5;
	vm3 =	vgt.f32 v23, v2;
	v0 =	vimm.s32 $0x0  }
0x27d: {  	[tilespmem:$0x1FBC0] =	vst v17;
	v17 =	vld [tilespmem:$0xB90];
	v0 =	vsel vm3, $0xFFFFFFFF, v0  }
0x27e: {  	[tilespmem:$0x1FAF0] =	vst v0;
	v0 =	vld [tilespmem:$0x1FE70];
	_ =	sdelay $0x2  }
0x27f: {  	v43 =	vld [tilespmem:$0xBA0];
	v30 =	vsel vm14, v42, v18;
	vm14 =	vnez.u8 v3;
	v2 =	vsel vm3, v23, v2  }
0x280: {  	v2 =	vsel vm14, v27, v2  }
0x281: {  	vm9 =	vgt.f32 v17, v30;
	vm3 =	vgt.f32 v25, v2;
	v7 =	vsel vm8, v0, v7  }
0x282: {  	v7 =	vsel vm1, v5, v7;
	v5 =	vsel vm1, v0, v5;
	v0 =	vimm.s32 $0x0  }
0x283: {  	v3 =	vld [tilespmem:$0x1FB20];
	v23 =	vsel vm9, v17, v30;
	v0 =	vsel vm3, $0xFFFFFFFF, v0  }
0x284: {  	vm13 =	vgt.f32 v43, v23;
	[tilespmem:$0x1FB10] =	vst v0;
	v0 =	vimm.s32 $0x0  }
0x285: {  	v0 =	vsel vm13, $0xFFFFFFFF, v0  }
0x286: {  	[tilespmem:$0x1FC20] =	vst v0;
	v0 =	vld [tilespmem:$0x1FE80];
	_ =	sdelay $0x1  }
0x287: {  	v2 =	vsel vm3, v25, v2;
	vm3 =	vnez.u8 v3  }
0x288: {  	v2 =	vsel vm3, v49, v2  }
0x289: {  	vm8 =	vgt.f32 v38, v2  }
0x28a: {  	v44 =	vld [tilespmem:$0xBB0];
	v7 =	vsel vm7, v0, v7;
	v9 =	vsel vm11, v0, v5;
	v0 =	vimm.s32 $0x0  }
0x28b: {  	v60 =	vmov v12;
	v12 =	vld [tilespmem:$0xBC0];
	v0 =	vsel vm8, $0xFFFFFFFF, v0  }
0x28c: {  	[tilespmem:$0x1FB30] =	vst v0;
	v0 =	vld [tilespmem:$0x1FE90];
	_ =	sdelay $0x1  }
0x28d: {  	v37 =	vsel vm13, v43, v23  }
0x28e: {  	vm1 =	vgt.f32 v44, v37;
	v3 =	vimm.s32 $0x0  }
0x28f: {  	v25 =	vsel vm1, v44, v37;
	v3 =	vsel vm1, $0xFFFFFFFF, v3;
	v7 =	vsel vm11, v5, v7  }
0x290: {  	[tilespmem:$0x1FAB0] =	vst v3;
	v3 =	vimm.s32 $0x0;
	v7 =	vsel vm6, v0, v7;
	vm6 =	vgt.f32 v12, v25  }
0x291: {  	v3 =	vsel vm6, $0xFFFFFFFF, v3  }
0x292: {  	[tilespmem:$0x1FAC0] =	vst v3;
	v3 =	vld [tilespmem:$0x1FB40];
	_ =	sdelay $0x3  }
0x293: {  	v45 =	vld [tilespmem:$0xBD0]  }
0x294: {  	v2 =	vsel vm8, v38, v2;
	vm1 =	vnez.u8 v3  }
0x295: {  	v4 =	vsel vm0, v0, v9;
	v2 =	vsel vm1, v52, v2  }
0x296: {  	v0 =	vimm.s32 $0x0;
	v26 =	vsel vm6, v12, v25;
	vm6 =	vgt.f32 v50, v2  }
0x297: {  	v46 =	vld [tilespmem:$0xBE0];
	v0 =	vsel vm6, $0xFFFFFFFF, v0  }
0x298: {  	vm10 =	vgt.f32 v45, v26;
	[tilespmem:$0x1FB50] =	vst v0;
	v0 =	vimm.s32 $0x0  }
0x299: {  	v0 =	vsel vm10, $0xFFFFFFFF, v0  }
0x29a: {  	v61 =	vmov v11;
	v11 =	vld [tilespmem:$0x1FEA0];
	[tilespmem:$0x1FBB0] =	vst v0;
	v0 =	vimm.s32 $0x0  }
0x29b: {  	v38 =	vld [tilespmem:$0xBF0];
	v27 =	vsel vm10, v45, v26;
	v0 =	vsel vm12, $0xFFFFFFFF, v0  }
0x29c: {  	vm11 =	vgt.f32 v46, v27;
	v2 =	vsel vm6, v50, v2;
	[tilespmem:$0x1FB60] =	vst v0;
	v0 =	vimm.s32 $0x0  }
0x29d: {  	v6 =	vld [tilespmem:$0x1FF20];
	v3 =	vimm.s32 $0x0;
	v2 =	vsel vm12, v55, v2;
	v0 =	vsel vm11, $0xFFFFFFFF, v0  }
0x29e: {  	v31 =	vld [tilespmem:$0x1FEB0];
	v3 =	vsel vm2, $0xFFFFFFFF, v3;
	vm8 =	vgt.f32 v39, v2;
	[tilespmem:$0x1FBE0] =	vst v0;
	v0 =	vimm.s32 $0x0  }
0x29f: {  	v32 =	vld [tilespmem:$0x1FEC0];
	vm5 =	vmmov vm15;
	[tilespmem:$0x1FB80] =	vst v3;
	v50 =	vsel vm11, v46, v27;
	v0 =	vsel vm8, $0xFFFFFFFF, v0  }
0x2a0: {  	v47 =	vsel vm15, v11, v4;
	v3 =	vimm.s32 $0x0;
	vm15 =	vgt.f32 v38, v50;
	[tilespmem:$0x1FB70] =	vst v0;
	v0 =	vld [tilespmem:$0x1FED0]  }
0x2a1: {  	v19 =	vld [tilespmem:$0x1FBA0];
	v3 =	vsel vm15, $0xFFFFFFFF, v3  }
0x2a2: {  	[tilespmem:$0x1FC00] =	vst v3;
	v3 =	vld [tilespmem:$0x1FEF0]  }
0x2a3: {  	v8 =	vld [tilespmem:$0x1FF30];
	v49 =	vsel vm4, v31, v47  }
0x2a4: {  	v24 =	vld [tilespmem:$0x1FF10];
	v7 =	vsel vm0, v9, v7;
	v9 =	vsel vm14, v32, v49;
	v2 =	vsel vm8, v39, v2  }
0x2a5: {  	v20 =	vld [tilespmem:$0x1FBC0];
	vm14 =	vmmov vm11;
	v2 =	vsel vm2, v57, v2;
	v52 =	vsel vm3, v0, v9  }
0x2a6: {  	v21 =	vld [tilespmem:$0x1FBD0];
	vm6 =	vmmov vm10;
	vm10 =	vgt.f32 v40, v2;
	v39 =	vsel vm1, v29, v52  }
0x2a7: {  	v28 =	vld [tilespmem:$0x1FBF0];
	v2 =	vsel vm10, v40, v2;
	vm11 =	vnez.u8 v19;
	v54 =	vsel vm12, v3, v39  }
0x2a8: {  	v51 =	vld [tilespmem:$0xC10];
	v2 =	vsel vm11, v15, v2;
	v55 =	vsel vm2, v56, v54  }
0x2a9: {  	v48 =	vld [tilespmem:$0xC00];
	v15 =	vsel vm11, v24, v55;
	vm11 =	vgt.f32 v14, v2  }
0x2aa: {  	v10 =	vimm.s32 $0x0;
	v36 =	vld [tilespmem:$0x1FAA0];
	vm12 =	vnez.u8 v20;
	v2 =	vsel vm11, v14, v2  }
0x2ab: {  	v53 =	vld [tilespmem:$0xC20];
	vm3 =	vnez.u8 v21;
	v57 =	vsel vm12, v6, v15;
	v2 =	vsel vm12, v16, v2  }
0x2ac: {  	v34 =	vmovc v13;
	vm2 =	vnez.u8 v28;
	v28 =	vld [tilespmem:$0x1FAB0];
	v14 =	vsel vm3, v8, v57;
	vm12 =	vgt.f32 v41, v2  }
0x2ad: {  	v5 =	vsel vm10, $0xFFFFFFFF, v10;
	v21 =	vmovc v34;
	v16 =	vsel vm2, v34, v14;
	v34 =	vld [tilespmem:$0x1FC20];
	v2 =	vsel vm12, v41, v2  }
0x2ae: {  	v22 =	vmovc v29;
	v13 =	vsel vm15, v38, v50;
	v29 =	vimm.s32 $0x0;
	v2 =	vsel vm3, v33, v2;
	v33 =	vld [tilespmem:$0x1FAD0]  }
0x2af: {  	vm13 =	vgt.f32 v48, v13;
	vm1 =	vnez.u8 v36;
	v10 =	vsel vm9, $0xFFFFFFFF, v29;
	v29 =	vld [tilespmem:$0x1FAC0]  }
0x2b0: {  	v40 =	vsel vm13, v48, v13;
	[tilespmem:$0x1FB90] =	vst v5;
	v5 =	vmov v56;
	v7 =	vsel vm1, v11, v7;
	v56 =	vld [tilespmem:$0xC30]  }
0x2b1: {  	vm10 =	vgt.f32 v51, v40;
	v4 =	vsel vm5, v4, v7;
	v7 =	vld [tilespmem:$0x1FF80]  }
0x2b2: {  	v58 =	vsel vm10, v51, v40;
	v20 =	vmovc v60;
	v60 =	vsel vm9, v60, v16;
	vm0 =	vnez.u8 v34;
	v34 =	vld [tilespmem:$0x1FAE0]  }
0x2b3: {  	vm1 =	vnez.u8 v28;
	v41 =	vsel vm0, v61, v60;
	vm4 =	vnez.u8 v33;
	v33 =	vld [tilespmem:$0x1FFA0]  }
0x2b4: {  	vm8 =	vgt.f32 v53, v58;
	[tilespmem:$0x1FC10] =	vst v10;
	v10 =	vmov v35;
	v28 =	vsel vm1, v35, v41;
	v35 =	vld [tilespmem:$0x1FAF0]  }
0x2b5: {  	v59 =	vsel vm8, v53, v58;
	v36 =	vld [tilespmem:$0x1FB00];
	vm5 =	vgt.f32 v42, v2  }
0x2b6: {  	vm7 =	vgt.f32 v56, v59;
	vm3 =	vnez.u8 v29;
	v2 =	vsel vm5, v42, v2  }
0x2b7: {  	v19 =	vmovc v61;
	v2 =	vsel vm2, v18, v2;
	v61 =	vsel vm7, v56, v59;
	v29 =	vsel vm3, v7, v28  }
0x2b8: {  	v4 =	vsel vm4, v31, v4;
	v42 =	vsel vm6, v62, v29;
	vm4 =	vnez.u8 v34  }
0x2b9: {  	v34 =	vld [tilespmem:$0x1FFB0];
	v4 =	vsel vm4, v47, v4;
	v18 =	vsel vm14, v33, v42;
	vm14 =	vnez.u8 v35  }
0x2ba: {  	(xrf0) =	vmax.scan.msk.f32 $0xffff, v61;
	v35 =	vld [tilespmem:$0x1FFC0];
	v4 =	vsel vm14, v32, v4;
	vm14 =	vnez.u8 v36  }
0x2bb: {  	v4 =	vsel vm14, v49, v4;
	v49 =	vld [tilespmem:$0x1FB10];
	_ =	sdelay $0x3  }
0x2bc: {  	v47 =	vsel vm15, v34, v18  }
0x2bd: {  	vm4 =	vgt.f32 v17, v2;
	v31 =	vsel vm13, v35, v47;
	vm15 =	vnez.u8 v49;
	v49, _, _ =	vpop (xrf0)  }
0x2be: {  	v11 =	vmovc v63;
	v2 =	vsel vm4, v17, v2;
	v17 =	vsel vm10, v63, v31;
	v63 =	vbroadcast v49, $0xF;
	_ =	sdelay $0x1  }
0x2bf: {  	v4 =	vsel vm15, v0, v4;
	vm15 =	veq.f32 v61, v63;
	v63 =	vld [tilespmem:$0x1FB30];
	_ =	sdelay $0x2  }
0x2c0: {  	v32 =	vmov v0;
	v0 =	vld [tilespmem:$0x1FB20];
	_ =	sdelay $0x1  }
0x2c1: {  	v2 =	vsel vm9, v30, v2;
	vm9 =	vnez.u8 v63;
	v63 =	vld [tilespmem:$0x1FB40];
	_ =	sdelay $0x1  }
0x2c2: {  	v36 =	vld [tilespmem:$0x1FFE0]  }
0x2c3: {  	vm14 =	vnez.u8 v0;
	v0 =	vld [tilespmem:$0x1FFF0];
	_ =	sdelay $0x1  }
0x2c4: {  	v4 =	vsel vm14, v9, v4;
	vm14 =	vnez.u8 v63;
	v63 =	vld [tilespmem:$0x1FB50];
	_ =	sdelay $0x1  }
0x2c5: {  	vm6 =	vgt.f32 v43, v2;
	v30 =	vsel vm8, v36, v17  }
0x2c6: {  	v2 =	vsel vm6, v43, v2;
	v43 =	vsel vm7, v0, v30  }
0x2c7: {  	v4 =	vsel vm9, v22, v4;
	v9 =	vsub.s32 $0x80000000, v43  }
0x2c8: {  	v9 =	vnsel vm15, $0x7FFFFDC0, v9;
	v4 =	vsel vm14, v52, v4;
	vm15 =	vnez.u8 v63  }
0x2c9: {  	v4 =	vsel vm15, v3, v4;
	v3 =	vld [tilespmem:$0x1FB60];
	_ =	sdelay $0x4  }
0x2ca: {  	vm9 =	vnez.u8 v3;
	v3 =	vld [tilespmem:$0x1FB70];
	_ =	sdelay $0x4  }
0x2cb: {  	vm15 =	vnez.u8 v3;
	v3 =	vld [tilespmem:$0x1FB80];
	_ =	sdelay $0x4  }
0x2cc: {  	v4 =	vsel vm9, v39, v4;
	vm9 =	vnez.u8 v3;
	v3 =	vld [tilespmem:$0x1FB90];
	_ =	sdelay $0x4  }
0x2cd: {  	v4 =	vsel vm15, v5, v4;
	vm15 =	vnez.u8 v3;
	v3 =	vld [tilespmem:$0x1FBA0];
	_ =	sdelay $0x3  }
0x2ce: {  	v4 =	vsel vm9, v54, v4  }
0x2cf: {  	v4 =	vsel vm15, v24, v4;
	vm15 =	vnez.u8 v3;
	v3 =	vld [tilespmem:$0x1FBB0];
	_ =	sdelay $0x4  }
0x2d0: {  	v2 =	vsel vm0, v23, v2;
	vm0 =	vnez.u8 v3;
	v3 =	vld [tilespmem:$0x1FBC0];
	_ =	sdelay $0x4  }
0x2d1: {  	v4 =	vsel vm15, v55, v4;
	vm15 =	vnez.u8 v3;
	v3 =	vld [tilespmem:$0x1FBD0];
	_ =	sdelay $0x2  }
0x2d2: {  	v4 =	vsel vm11, v6, v4  }
0x2d3: {  	v4 =	vsel vm15, v15, v4  }
0x2d4: {  	v4 =	vsel vm12, v8, v4;
	vm12 =	vnez.u8 v3;
	v3 =	vld [tilespmem:$0x1FBE0];
	_ =	sdelay $0x4  }
0x2d5: {  	v4 =	vsel vm12, v57, v4;
	vm12 =	vnez.u8 v3;
	v3 =	vld [tilespmem:$0x1FBF0];
	_ =	sdelay $0x3  }
0x2d6: {  	vm2 =	vgt.f32 v44, v2  }
0x2d7: {  	v2 =	vsel vm2, v44, v2;
	(xrf0) =	vmax.scan.msk.u32 $0xffff, v9;
	vm15 =	vnez.u8 v3;
	v3 =	vld [tilespmem:$0x1FC00]  }
0x2d8: {  	v2 =	vsel vm1, v37, v2  }
0x2d9: {  	vm14 =	vmmov vm1;
	vm1 =	vgt.f32 v12, v2  }
0x2da: {  	v2 =	vsel vm1, v12, v2  }
0x2db: {  	v2 =	vsel vm3, v25, v2;
	vm9 =	vmmov vm3;
	v4 =	vsel vm5, v21, v4  }
0x2dc: {  	vm3 =	vgt.f32 v45, v2;
	v4 =	vsel vm15, v14, v4;
	vm15 =	vnez.u8 v3;
	v3 =	vld [tilespmem:$0x1FC10]  }
0x2dd: {  	(v2sf) =	vpush v49, $0xF;
	v12, _, _ =	vpop (xrf0);
	v2 =	vsel vm3, v45, v2  }
0x2de: {  	(v2sf) =	vpush v12, $0xF;
	v2 =	vsel vm0, v26, v2  }
0x2df: {  	vm11 =	vgt.f32 v46, v2  }
0x2e0: {  	v2 =	vsel vm11, v46, v2  }
0x2e1: {  	v2 =	vsel vm12, v27, v2;
	v4 =	vsel vm4, v20, v4;
	vm4 =	vnez.u8 v3;
	v3 =	vld [tilespmem:$0x1FC20]  }
0x2e2: {  	vm5 =	vgt.f32 v38, v2  }
0x2e3: {  	v2 =	vsel vm5, v38, v2  }
0x2e4: {  	v2 =	vsel vm15, v50, v2  }
0x2e5: {  	v4 =	vsel vm4, v16, v4;
	vm4 =	vgt.f32 v48, v2  }
0x2e6: {  	v4 =	vsel vm6, v19, v4;
	v2 =	vsel vm4, v48, v2;
	vm6 =	vnez.u8 v3  }
0x2e7: {  	v2 =	vsel vm13, v13, v2;
	v4 =	vsel vm6, v60, v4  }
0x2e8: {  	v4 =	vsel vm2, v10, v4;
	vm2 =	vgt.f32 v51, v2  }
0x2e9: {  	v4 =	vsel vm14, v41, v4;
	v2 =	vsel vm2, v51, v2  }
0x2ea: {  	v4 =	vsel vm1, v7, v4;
	v2 =	vsel vm10, v40, v2  }
0x2eb: {  	v3 =	vsel vm9, v28, v4;
	vm9 =	vgt.f32 v53, v2  }
0x2ec: {  	s1 =	spop (v2sf);
	v3 =	vsel vm3, v62, v3;
	v2 =	vsel vm9, v53, v2  }
0x2ed: {  	s25 =	spop (v2sf);
	v3 =	vsel vm0, v29, v3;
	v2 =	vsel vm8, v58, v2  }
0x2ee: {  	s0 =	sxor.u32 $0x7FFFFFFF, s25;
	v3 =	vsel vm11, v33, v3;
	vm11 =	vgt.f32 v56, v2  }
0x2ef: {  	s15 =	sadd.s32 $0x1, s0;
	v3 =	vsel vm12, v42, v3;
	v2 =	vsel vm11, v56, v2  }
0x2f0: {  	vm3 =	veq.s32 v43, s15;
	v3 =	vsel vm5, v34, v3;
	v2 =	vsel vm7, v59, v2  }
0x2f1: {  	v3 =	vsel vm15, v18, v3;
	v2 =	vsel vm3, v2, v61  }
0x2f2: {  	v3 =	vsel vm4, v35, v3;
	(xrf0) =	vmax.scan.msk.f32 $0xffff, v2  }
0x2f3: {  	v3 =	vsel vm13, v47, v3  }
0x2f4: {  	v3 =	vsel vm2, v11, v3  }
0x2f5: {  	v3 =	vsel vm10, v31, v3  }
0x2f6: {  	v3 =	vsel vm9, v36, v3  }
0x2f7: {  	v3 =	vsel vm8, v17, v3  }
0x2f8: {  	v3 =	vsel vm11, v0, v3;
	v15, _, _ =	vpop (xrf0)  }
0x2f9: {  	v3 =	vsel vm7, v30, v3;
	v16 =	vbroadcast v15, $0xF  }
0x2fa: {  	v3 =	vsel vm3, v3, v43  }
0x2fb: {  	vm13 =	veq.f32 v2, v16;
	v2 =	vsub.s32 $0x80000000, v3  }
0x2fc: {  	v2 =	vnsel vm13, $0x7FFFFDC0, v2  }
0x2fd: {  	(xrf0) =	vmax.scan.msk.u32 $0xffff, v2;
	_ =	sdelay $0x4  }
0x2fe: {  	(v2sf) =	vpush v15, $0xF  }
0x2ff: {  	v2, _, _ =	vpop (xrf0)  }
0x300: {  	(v2sf) =	vpush v2, $0xF;
	_ =	sdelay $0x2  }
0x301: {  	p4 =	slt.f32 s1, $0.0e+00;
	p2 =	sgt.f32 s1, $0.0e+00  }
0x302: {  	_ = 	snop  }
0x303: {  	p1 =	por p2, p4  }
0x304: {  	s28 =	rddreg [dreg:$0xb];
	p1 =	por !p1, !p1  }
0x305: {  	s0 =	sadd.s32 s28, s15;
	v2 =	vimm.s32 @!p1 $0x0  }
0x306: {  	s0 =	sshrl.u32 s0, $0x3;
	v3 =	vmov s15  }
0x307: {  	s9 =	sshll.u32 s15, $0x7;
	s0 =	smul.u32 $0x1400, s0  }
0x308: {  	s2 =	sand.u32 $0x380, s9  }
0x309: {  	s5 =	simm.s32 @!p1 $0x1900;
	s0 =	sor.u32 s2, s0  }
0x30a: {  	s4 =	simm.s32 @!p1 $0x1180;
	s0 =	sshrl.u32 s0, $0x3;
	[tilespmem:v2+s5+$0x0] =	vst.idx.msk @!p1 $0x1, v3;
	v2 =	vimm.f32 @!p1 $1.000000000e+03  }
0x30b: {  	s0 =	sadd.s32 s3, s0;
	s16 =	spop (v2sf);
	[tilespmem:v3+s4+$0x0] =	vst.idx.msk @!p1 $0x1, v2  }
0x30c: {  	[tilespmem:s29], [sflag:$0x2] =	stream.strided.gather [hbm4b:s0+s20], $0x280, s21, s20, $0x38;
	[tilespmem:$0x2E80] =	vst v63  }
0x30d: {  	s17 =	spop (v2sf)  }
0x30e: {  	s18 =	sxor.u32 $0x7FFFFFFF, s17  }
0x30f: {  	s17 =	sadd.s32 $0x1, s18  }
0x310: {  	s19 =	sadd.s32 s28, s17  }
0x311: {  	s0 =	sshrl.u32 s19, $0x3  }
0x312: {  	s2 =	sshll.u32 s17, $0x7;
	s0 =	smul.u32 $0x1400, s0  }
0x313: {  	s2 =	sand.u32 $0x380, s2  }
0x314: {  	s0 =	sor.u32 s2, s0  }
0x315: {  	s0 =	sshrl.u32 s0, $0x3  }
0x316: {  	s0 =	sadd.s32 s3, s0  }
0x317: {  	[tilespmem:s31], [sflag:$0x5] =	stream.strided.gather [hbm4b:s0+s20], $0x280, s21, s20, $0x38;
	[tilespmem:$0x2E80] =	vst v63  }
0x318: {  	_ =	swait.ge [sflag:s11], $0x280  }
0x319: {  	[sflag:s11] =	ssyncset.done $0x0  }
0x31a: {  	[sflag:s11] =	ssyncadd.s32 $0xFFFFFD80  }
0x31b: {  	_ =	swait.ge [sflag:s11], $0x80  }
0x31c: {  	[sflag:s11] =	ssyncset.done $0x0  }
0x31d: {  	[sflag:s11] =	ssyncadd.s32 $0xFFFFFF80  }
0x31e: {  	_ =	swait.ge [sflag:s13], $0x280  }
0x31f: {  	[sflag:s13] =	ssyncset.done $0x0  }
0x320: {  	[sflag:s13] =	ssyncadd.s32 $0xFFFFFD80  }
0x321: {  	v2 =	vld [tilespmem:$0xC80]  }
0x322: {  	v3 =	vld [tilespmem:$0xC90];
	_ =	sdelay $0x2  }
0x323: {  	v17 =	vld [tilespmem:$0xCA0];
	_ =	sdelay $0x1  }
0x324: {  	vm1 =	vgt.f32 v3, v2;
	vm3 =	vgt.f32 v3, $0.0e+00  }
0x325: {  	v26 =	vmov v21;
	v18 =	vld [tilespmem:$0xCB0];
	v21 =	vsel vm1, v3, v2;
	v3 =	vnsel vm3, $0x0, v3  }
0x326: {  	v2 =	vsel vm1, v2, v3  }
0x327: {  	vm11 =	vgt.f32 v17, v2  }
0x328: {  	v25 =	vld [tilespmem:$0xCC0];
	vm0 =	vgt.f32 v17, v21;
	v2 =	vsel vm11, v17, v2  }
0x329: {  	v2 =	vsel vm0, v21, v2  }
0x32a: {  	v27 =	vsel vm0, v17, v21;
	vm2 =	vgt.f32 v18, v2  }
0x32b: {  	v28 =	vld [tilespmem:$0xCD0];
	vm10 =	vgt.f32 v18, v27;
	v2 =	vsel vm2, v18, v2  }
0x32c: {  	v2 =	vsel vm10, v27, v2  }
0x32d: {  	v3 =	vsel vm10, v18, v27;
	vm15 =	vgt.f32 v25, v2  }
0x32e: {  	v29 =	vld [tilespmem:$0xCE0];
	vm9 =	vgt.f32 v25, v3;
	v2 =	vsel vm15, v25, v2  }
0x32f: {  	v2 =	vsel vm9, v3, v2  }
0x330: {  	v30 =	vsel vm9, v25, v3;
	vm14 =	vgt.f32 v28, v2  }
0x331: {  	vm8 =	vgt.f32 v28, v30;
	v2 =	vsel vm14, v28, v2  }
0x332: {  	v2 =	vsel vm8, v30, v2  }
0x333: {  	v33 =	vmov v0;
	v0 =	vimm.s32 $0x0;
	vm12 =	vgt.f32 v29, v2  }
0x334: {  	v0 =	vsel vm12, $0xFFFFFFFF, v0  }
0x335: {  	[tilespmem:$0x1FC30] =	vst v0;
	v0 =	vld [tilespmem:$0x1FDD0]  }
0x336: {  	v31 =	vld [tilespmem:$0xCF0];
	_ =	sdelay $0x1  }
0x337: {  	v34 =	vmov v36;
	v37 =	vld [tilespmem:$0xD00];
	v36 =	vsel vm8, v28, v30  }
0x338: {  	v39 =	vld [tilespmem:$0xD10];
	vm7 =	vgt.f32 v29, v36  }
0x339: {  	v38 =	vsel vm7, v29, v36;
	v18 =	vnsel vm3, $0x0, v0;
	v44 =	vsel vm1, v0, v1;
	v0 =	vld [tilespmem:$0x1FDE0]  }
0x33a: {  	vm6 =	vgt.f32 v31, v38  }
0x33b: {  	v40 =	vld [tilespmem:$0xD20];
	v3 =	vsel vm6, v31, v38  }
0x33c: {  	vm5 =	vgt.f32 v37, v3  }
0x33d: {  	v42 =	vld [tilespmem:$0xD30];
	v41 =	vsel vm5, v37, v3;
	v21 =	vsel vm1, v1, v18  }
0x33e: {  	vm4 =	vgt.f32 v39, v41;
	v10 =	vsel vm11, v0, v21;
	v48 =	vsel vm0, v0, v44;
	v0 =	vld [tilespmem:$0x1FDF0]  }
0x33f: {  	v47 =	vld [tilespmem:$0xD40];
	v2 =	vsel vm12, v29, v2;
	v43 =	vsel vm4, v39, v41  }
0x340: {  	v2 =	vsel vm7, v36, v2;
	vm3 =	vgt.f32 v40, v43  }
0x341: {  	v27 =	vld [tilespmem:$0xD50];
	vm12 =	vgt.f32 v31, v2;
	v25 =	vsel vm3, v40, v43  }
0x342: {  	v46 =	vld [tilespmem:$0xD60];
	v2 =	vsel vm12, v31, v2;
	vm1 =	vgt.f32 v42, v25;
	v10 =	vsel vm0, v44, v10  }
0x343: {  	v45 =	vsel vm1, v42, v25;
	v10 =	vsel vm2, v0, v10;
	v8 =	vsel vm10, v0, v48;
	v0 =	vld [tilespmem:$0x1FE00]  }
0x344: {  	v2 =	vsel vm6, v38, v2;
	vm11 =	vgt.f32 v47, v45  }
0x345: {  	v50 =	vld [tilespmem:$0xD70];
	vm13 =	vgt.f32 v37, v2;
	v49 =	vsel vm11, v47, v45  }
0x346: {  	v2 =	vsel vm13, v37, v2;
	vm0 =	vgt.f32 v27, v49  }
0x347: {  	v51 =	vld [tilespmem:$0xD80];
	v2 =	vsel vm5, v3, v2;
	v3 =	vsel vm0, v27, v49;
	v10 =	vsel vm10, v48, v10  }
0x348: {  	v53 =	vld [tilespmem:$0xD90];
	vm2 =	vgt.f32 v46, v3;
	v10 =	vsel vm15, v0, v10  }
0x349: {  	v52 =	vsel vm2, v46, v3;
	v10 =	vsel vm9, v8, v10;
	v8 =	vsel vm9, v0, v8;
	v0 =	vld [tilespmem:$0x1FE10]  }
0x34a: {  	vm15 =	vmmov vm2;
	vm2 =	vgt.f32 v50, v52  }
0x34b: {  	v54 =	vimm.s32 $0x0;
	v55 =	vsel vm2, v50, v52  }
0x34c: {  	v9 =	vsel vm2, $0xFFFFFFFF, v54;
	vm2 =	vgt.f32 v51, v55  }
0x34d: {  	v59 =	vimm.s32 $0x0;
	v61 =	vsel vm2, v51, v55  }
0x34e: {  	v7 =	vsel vm2, $0xFFFFFFFF, v59;
	vm2 =	vgt.f32 v53, v61;
	v10 =	vsel vm14, v0, v10  }
0x34f: {  	v60 =	vsel vm8, v8, v10;
	v8 =	vsel vm8, v0, v8;
	v0 =	vimm.s32 $0x0  }
0x350: {  	v57 =	vld [tilespmem:$0x1FC30];
	v0 =	vsel vm2, $0xFFFFFFFF, v0  }
0x351: {  	[tilespmem:$0x1FCC0] =	vst v0;
	v0 =	vld [tilespmem:$0x1FE20];
	_ =	sdelay $0x1  }
0x352: {  	vm10 =	vgt.f32 v39, v2  }
0x353: {  	v56 =	vld [tilespmem:$0xDA0];
	v2 =	vsel vm10, v39, v2  }
0x354: {  	v2 =	vsel vm4, v41, v2;
	vm14 =	vnez.u8 v57  }
0x355: {  	vm9 =	vgt.f32 v40, v2;
	[tilespmem:$0x1FCA0] =	vst v7;
	v7 =	vsel vm14, v0, v60;
	v29 =	vsel vm7, v0, v8;
	v0 =	vld [tilespmem:$0x1FE30]  }
0x356: {  	v2 =	vsel vm9, v40, v2  }
0x357: {  	v2 =	vsel vm3, v43, v2;
	v58 =	vsel vm2, v53, v61  }
0x358: {  	v28 =	vimm.s32 $0x0;
	vm8 =	vgt.f32 v42, v2;
	vm2 =	vgt.f32 v56, v58  }
0x359: {  	v2 =	vsel vm8, v42, v2;
	v5 =	vsel vm2, $0xFFFFFFFF, v28;
	v7 =	vsel vm7, v8, v7  }
0x35a: {  	v2 =	vsel vm1, v25, v2;
	[tilespmem:$0x1FCE0] =	vst v5;
	v7 =	vsel vm12, v0, v7;
	v5 =	vsel vm6, v0, v29;
	v0 =	vld [tilespmem:$0x1FE40]  }
0x35b: {  	v23 =	vmov v62;
	v62 =	vld [tilespmem:$0xDB0];
	vm7 =	vgt.f32 v47, v2  }
0x35c: {  	v2 =	vsel vm7, v47, v2  }
0x35d: {  	v2 =	vsel vm11, v45, v2  }
0x35e: {  	v59 =	vld [tilespmem:$0xDC0];
	v7 =	vsel vm6, v29, v7;
	vm6 =	vgt.f32 v27, v2  }
0x35f: {  	v30 =	vsel vm2, v56, v58;
	v2 =	vsel vm6, v27, v2;
	v7 =	vsel vm13, v0, v7  }
0x360: {  	v40 =	vld [tilespmem:$0xDD0];
	vm12 =	vgt.f32 v62, v30;
	v2 =	vsel vm0, v49, v2;
	v7 =	vsel vm5, v5, v7  }
0x361: {  	v5 =	vsel vm5, v0, v5;
	vm5 =	vgt.f32 v46, v2;
	v0 =	vimm.s32 $0x0  }
0x362: {  	v14 =	vld [tilespmem:$0xDE0];
	v31 =	vsel vm12, v62, v30;
	v0 =	vsel vm5, $0xFFFFFFFF, v0  }
0x363: {  	vm2 =	vgt.f32 v59, v31;
	[tilespmem:$0x1FC40] =	vst v0;
	v0 =	vld [tilespmem:$0x1FE50]  }
0x364: {  	v15 =	vsel vm2, v59, v31  }
0x365: {  	v47 =	vimm.s32 $0x0;
	vm13 =	vgt.f32 v40, v15  }
0x366: {  	v41 =	vld [tilespmem:$0xDF0];
	v16 =	vsel vm13, $0xFFFFFFFF, v47;
	v2 =	vsel vm5, v46, v2  }
0x367: {  	[tilespmem:$0x1FD40] =	vst v16;
	v16 =	vsel vm13, v40, v15;
	v2 =	vsel vm15, v3, v2  }
0x368: {  	vm14 =	vgt.f32 v14, v16;
	vm13 =	vgt.f32 v50, v2;
	v7 =	vsel vm10, v0, v7  }
0x369: {  	v7 =	vsel vm4, v5, v7;
	v5 =	vsel vm4, v0, v5;
	v0 =	vimm.s32 $0x0  }
0x36a: {  	[tilespmem:$0x1FC80] =	vst v9;
	v3 =	vsel vm14, v14, v16;
	v0 =	vsel vm13, $0xFFFFFFFF, v0  }
0x36b: {  	vm4 =	vgt.f32 v41, v3;
	[tilespmem:$0x1FC70] =	vst v0;
	v0 =	vimm.s32 $0x0  }
0x36c: {  	v49 =	vld [tilespmem:$0x1FC80];
	v0 =	vsel vm4, $0xFFFFFFFF, v0  }
0x36d: {  	[tilespmem:$0x1FD70] =	vst v0;
	v0 =	vld [tilespmem:$0x1FE60];
	_ =	sdelay $0x3  }
0x36e: {  	v2 =	vsel vm13, v50, v2  }
0x36f: {  	v18 =	vsel vm4, v41, v3;
	vm4 =	vnez.u8 v49;
	v7 =	vsel vm9, v0, v7  }
0x370: {  	v2 =	vsel vm4, v52, v2;
	v7 =	vsel vm3, v5, v7  }
0x371: {  	v42 =	vld [tilespmem:$0xE00];
	v5 =	vsel vm3, v0, v5;
	vm3 =	vgt.f32 v51, v2;
	v0 =	vimm.s32 $0x0  }
0x372: {  	v48 =	vimm.s32 $0x0;
	v0 =	vsel vm3, $0xFFFFFFFF, v0;
	v2 =	vsel vm3, v51, v2;
	v51 =	vld [tilespmem:$0x1FCA0]  }
0x373: {  	v17 =	vsel vm14, $0xFFFFFFFF, v48;
	[tilespmem:$0x1FC90] =	vst v0;
	v0 =	vld [tilespmem:$0x1FE70]  }
0x374: {  	[tilespmem:$0x1FD60] =	vst v17;
	v17 =	vld [tilespmem:$0xE10];
	_ =	sdelay $0x1  }
0x375: {  	v50 =	vimm.s32 $0x0;
	vm14 =	vgt.f32 v42, v18  }
0x376: {  	v43 =	vld [tilespmem:$0xE20];
	v12 =	vsel vm14, $0xFFFFFFFF, v50  }
0x377: {  	[tilespmem:$0x1FD90] =	vst v12;
	v12 =	vsel vm14, v42, v18;
	vm14 =	vnez.u8 v51;
	v7 =	vsel vm8, v0, v7  }
0x378: {  	vm9 =	vgt.f32 v17, v12;
	v2 =	vsel vm14, v55, v2;
	v7 =	vsel vm1, v5, v7  }
0x379: {  	v5 =	vsel vm1, v0, v5;
	vm3 =	vgt.f32 v53, v2;
	v0 =	vimm.s32 $0x0  }
0x37a: {  	v52 =	vld [tilespmem:$0x1FCC0];
	v9 =	vsel vm9, v17, v12;
	v0 =	vsel vm3, $0xFFFFFFFF, v0  }
0x37b: {  	vm13 =	vgt.f32 v43, v9;
	[tilespmem:$0x1FCB0] =	vst v0;
	v0 =	vimm.s32 $0x0  }
0x37c: {  	v0 =	vsel vm13, $0xFFFFFFFF, v0  }
0x37d: {  	[tilespmem:$0x1FDC0] =	vst v0;
	v0 =	vld [tilespmem:$0x1FE80];
	_ =	sdelay $0x1  }
0x37e: {  	v2 =	vsel vm3, v53, v2;
	vm3 =	vnez.u8 v52  }
0x37f: {  	v2 =	vsel vm3, v61, v2  }
0x380: {  	v44 =	vld [tilespmem:$0xE30];
	vm8 =	vgt.f32 v56, v2  }
0x381: {  	v7 =	vsel vm7, v0, v7;
	v54 =	vsel vm11, v0, v5;
	v0 =	vimm.s32 $0x0  }
0x382: {  	v2 =	vsel vm8, v56, v2;
	v56 =	vld [tilespmem:$0x1FCE0];
	v0 =	vsel vm8, $0xFFFFFFFF, v0  }
0x383: {  	[tilespmem:$0x1FCD0] =	vst v0;
	v0 =	vld [tilespmem:$0x1FE90]  }
0x384: {  	v63 =	vmov v35;
	v35 =	vmov v11;
	v11 =	vld [tilespmem:$0xE40];
	v37 =	vsel vm13, v43, v9  }
0x385: {  	vm1 =	vgt.f32 v44, v37;
	v53 =	vimm.s32 $0x0  }
0x386: {  	v4 =	vsel vm1, $0xFFFFFFFF, v53  }
0x387: {  	v45 =	vld [tilespmem:$0xE50];
	v7 =	vsel vm11, v5, v7;
	v5 =	vsel vm1, v44, v37;
	vm1 =	vnez.u8 v56  }
0x388: {  	v55 =	vimm.s32 $0x0;
	v2 =	vsel vm1, v58, v2;
	v7 =	vsel vm6, v0, v7  }
0x389: {  	[tilespmem:$0x1FC50] =	vst v4;
	vm6 =	vgt.f32 v11, v5;
	v4 =	vsel vm0, v0, v54;
	v0 =	vimm.s32 $0x0  }
0x38a: {  	v21 =	vsel vm6, $0xFFFFFFFF, v55;
	v13 =	vsel vm6, v11, v5;
	vm6 =	vgt.f32 v62, v2  }
0x38b: {  	v46 =	vld [tilespmem:$0xE60];
	v0 =	vsel vm6, $0xFFFFFFFF, v0  }
0x38c: {  	vm10 =	vgt.f32 v45, v13;
	[tilespmem:$0x1FCF0] =	vst v0;
	v0 =	vimm.s32 $0x0  }
0x38d: {  	v38 =	vld [tilespmem:$0xE70];
	v0 =	vsel vm10, $0xFFFFFFFF, v0  }
0x38e: {  	v25 =	vld [tilespmem:$0x1FEA0];
	[tilespmem:$0x1FD50] =	vst v0;
	v0 =	vimm.s32 $0x0  }
0x38f: {  	[tilespmem:$0x1FC60] =	vst v21;
	v21 =	vld [tilespmem:$0x1FEB0];
	v10 =	vsel vm10, v45, v13;
	v0 =	vsel vm12, $0xFFFFFFFF, v0  }
0x390: {  	v2 =	vsel vm6, v62, v2;
	v62 =	vld [tilespmem:$0x1FEC0];
	vm11 =	vgt.f32 v46, v10;
	[tilespmem:$0x1FD00] =	vst v0;
	v0 =	vimm.s32 $0x0  }
0x391: {  	v57 =	vimm.s32 $0x0;
	v2 =	vsel vm12, v30, v2;
	v0 =	vsel vm11, $0xFFFFFFFF, v0  }
0x392: {  	v36 =	vld [tilespmem:$0x1FEF0];
	v27 =	vsel vm2, $0xFFFFFFFF, v57;
	vm8 =	vgt.f32 v59, v2;
	[tilespmem:$0x1FD80] =	vst v0;
	v0 =	vimm.s32 $0x0  }
0x393: {  	vm5 =	vmmov vm15;
	v60 =	vld [tilespmem:$0x1FD40];
	v47 =	vsel vm15, v25, v4;
	v0 =	vsel vm8, $0xFFFFFFFF, v0  }
0x394: {  	v28 =	vld [tilespmem:$0x1FD70];
	v58 =	vimm.s32 $0x0;
	v50 =	vsel vm11, v46, v10;
	v49 =	vsel vm4, v21, v47  }
0x395: {  	v61 =	vld [tilespmem:$0x1FD60];
	v2 =	vsel vm8, v59, v2;
	vm15 =	vgt.f32 v38, v50;
	v8 =	vsel vm14, v62, v49  }
0x396: {  	vm6 =	vmmov vm10;
	v2 =	vsel vm2, v31, v2;
	v52 =	vsel vm3, v32, v8;
	[tilespmem:$0x1FD10] =	vst v0;
	v0 =	vmovc v32;
	v32 =	vld [tilespmem:$0x1FF00]  }
0x397: {  	[tilespmem:$0x1FD20] =	vst v27;
	v30 =	vld [tilespmem:$0x1FF20];
	v59 =	vimm.s32 $0x0;
	v27 =	vsel vm15, $0xFFFFFFFF, v58;
	vm10 =	vgt.f32 v40, v2  }
0x398: {  	[tilespmem:$0x1FDA0] =	vst v27;
	v27 =	vsel vm10, $0xFFFFFFFF, v59;
	v59 =	vld [tilespmem:$0x1FD90]  }
0x399: {  	v29 =	vld [tilespmem:$0x1FF30];
	v7 =	vsel vm0, v54, v7;
	vm14 =	vmmov vm11;
	v39 =	vsel vm1, v22, v52  }
0x39a: {  	v2 =	vsel vm10, v40, v2;
	vm11 =	vnez.u8 v60;
	v54 =	vsel vm12, v36, v39  }
0x39b: {  	v60 =	vimm.s32 $0x0;
	vm12 =	vnez.u8 v61;
	v61 =	vld [tilespmem:$0x1FDC0];
	v55 =	vsel vm2, v32, v54  }
0x39c: {  	v2 =	vsel vm11, v15, v2;
	vm3 =	vnez.u8 v28;
	v15 =	vsel vm11, v24, v55  }
0x39d: {  	vm2 =	vnez.u8 v59;
	vm11 =	vgt.f32 v14, v2;
	v57 =	vsel vm12, v30, v15  }
0x39e: {  	v31 =	vmovc v24;
	v24 =	vsel vm9, $0xFFFFFFFF, v60;
	v2 =	vsel vm11, v14, v2;
	v14 =	vsel vm3, v29, v57  }
0x39f: {  	[tilespmem:$0x1FDB0] =	vst v24;
	v24 =	vld [tilespmem:$0x1FC40];
	v2 =	vsel vm12, v16, v2;
	v16 =	vsel vm2, v26, v14  }
0x3a0: {  	vm0 =	vnez.u8 v61;
	vm12 =	vgt.f32 v41, v2;
	v60 =	vsel vm9, v20, v16  }
0x3a1: {  	v28 =	vmovc v26;
	v26 =	vmov v19;
	v2 =	vsel vm12, v41, v2;
	v41 =	vsel vm0, v19, v60;
	v19 =	vld [tilespmem:$0x1FC70];
	_ =	sdelay $0x2  }
0x3a2: {  	vm1 =	vnez.u8 v24  }
0x3a3: {  	v7 =	vsel vm1, v25, v7  }
0x3a4: {  	v48 =	vld [tilespmem:$0xE80];
	v4 =	vsel vm5, v4, v7;
	vm4 =	vnez.u8 v19  }
0x3a5: {  	v4 =	vsel vm4, v21, v4;
	v21 =	vld [tilespmem:$0x1FC80]  }
0x3a6: {  	[tilespmem:$0x1FD30] =	vst v27;
	v27 =	vmov v20;
	v20 =	vld [tilespmem:$0x1FC60]  }
0x3a7: {  	v2 =	vsel vm3, v3, v2;
	v3 =	vld [tilespmem:$0x1FC50]  }
0x3a8: {  	v25 =	vld [tilespmem:$0x1FF70]  }
0x3a9: {  	v24 =	vld [tilespmem:$0x1FF80]  }
0x3aa: {  	vm4 =	vnez.u8 v21;
	v21 =	vld [tilespmem:$0x1FFA0]  }
0x3ab: {  	v4 =	vsel vm4, v47, v4;
	v47 =	vld [tilespmem:$0x1FC90]  }
0x3ac: {  	vm3 =	vnez.u8 v20;
	v20 =	vld [tilespmem:$0x1FFB0];
	vm1 =	vnez.u8 v3  }
0x3ad: {  	v3 =	vsel vm1, v25, v41  }
0x3ae: {  	v6 =	vsel vm15, v38, v50;
	vm5 =	vgt.f32 v42, v2;
	v7 =	vsel vm3, v24, v3  }
0x3af: {  	vm13 =	vgt.f32 v48, v6;
	v2 =	vsel vm5, v42, v2;
	v42 =	vsel vm6, v23, v7  }
0x3b0: {  	v2 =	vsel vm2, v18, v2;
	v18 =	vsel vm14, v21, v42;
	vm14 =	vnez.u8 v47  }
0x3b1: {  	vm4 =	vgt.f32 v17, v2;
	v47 =	vsel vm15, v20, v18;
	v4 =	vsel vm14, v62, v4;
	v62 =	vld [tilespmem:$0x1FCA0]  }
0x3b2: {  	v19 =	vmov v63;
	v2 =	vsel vm4, v17, v2;
	v17 =	vsel vm13, v63, v47;
	v63 =	vld [tilespmem:$0x1FCB0];
	_ =	sdelay $0x3  }
0x3b3: {  	vm14 =	vnez.u8 v62  }
0x3b4: {  	v51 =	vld [tilespmem:$0xE90];
	vm15 =	vnez.u8 v63;
	v4 =	vsel vm14, v49, v4  }
0x3b5: {  	v4 =	vsel vm15, v0, v4;
	v0 =	vld [tilespmem:$0x1FCC0]  }
0x3b6: {  	v53 =	vld [tilespmem:$0xEA0];
	_ =	sdelay $0x1  }
0x3b7: {  	v56 =	vld [tilespmem:$0xEB0];
	v40 =	vsel vm13, v48, v6  }
0x3b8: {  	vm10 =	vgt.f32 v51, v40  }
0x3b9: {  	v58 =	vsel vm10, v51, v40;
	vm14 =	vnez.u8 v0;
	v0 =	vld [tilespmem:$0x1FCD0]  }
0x3ba: {  	vm8 =	vgt.f32 v53, v58  }
0x3bb: {  	v59 =	vsel vm8, v53, v58  }
0x3bc: {  	vm7 =	vgt.f32 v56, v59  }
0x3bd: {  	v61 =	vsel vm7, v56, v59  }
0x3be: {  	(xrf0) =	vmax.scan.msk.f32 $0xffff, v61;
	v2 =	vsel vm9, v12, v2;
	vm9 =	vnez.u8 v0;
	v0 =	vld [tilespmem:$0x1FCE0];
	_ =	sdelay $0x4  }
0x3bf: {  	v4 =	vsel vm14, v8, v4;
	vm14 =	vnez.u8 v0;
	v0 =	vld [tilespmem:$0x1FCF0]  }
0x3c0: {  	v12 =	vsel vm10, v35, v17;
	v49, _, _ =	vpop (xrf0)  }
0x3c1: {  	v62 =	vsel vm8, v34, v12;
	v63 =	vbroadcast v49, $0xF  }
0x3c2: {  	vm6 =	vgt.f32 v43, v2;
	v8 =	vsel vm7, v33, v62  }
0x3c3: {  	v2 =	vsel vm6, v43, v2;
	vm15 =	veq.f32 v61, v63;
	v43 =	vsub.s32 $0x80000000, v8  }
0x3c4: {  	v2 =	vsel vm0, v9, v2;
	v9 =	vnsel vm15, $0x7FFFFDC0, v43;
	vm15 =	vnez.u8 v0;
	v0 =	vld [tilespmem:$0x1FD00];
	_ =	sdelay $0x4  }
0x3c5: {  	v4 =	vsel vm9, v22, v4;
	vm9 =	vnez.u8 v0;
	v0 =	vld [tilespmem:$0x1FD10];
	_ =	sdelay $0x3  }
0x3c6: {  	v4 =	vsel vm14, v52, v4  }
0x3c7: {  	v4 =	vsel vm15, v36, v4;
	vm15 =	vnez.u8 v0;
	v0 =	vld [tilespmem:$0x1FD20];
	_ =	sdelay $0x4  }
0x3c8: {  	v4 =	vsel vm9, v39, v4;
	vm9 =	vnez.u8 v0;
	v0 =	vld [tilespmem:$0x1FD30];
	_ =	sdelay $0x4  }
0x3c9: {  	v4 =	vsel vm15, v32, v4;
	vm15 =	vnez.u8 v0;
	v0 =	vld [tilespmem:$0x1FD40];
	_ =	sdelay $0x3  }
0x3ca: {  	v4 =	vsel vm9, v54, v4  }
0x3cb: {  	v4 =	vsel vm15, v31, v4;
	vm15 =	vnez.u8 v0;
	v0 =	vld [tilespmem:$0x1FD50];
	_ =	sdelay $0x4  }
0x3cc: {  	vm0 =	vnez.u8 v0;
	v0 =	vld [tilespmem:$0x1FD60];
	_ =	sdelay $0x4  }
0x3cd: {  	v4 =	vsel vm15, v55, v4;
	vm15 =	vnez.u8 v0;
	v0 =	vld [tilespmem:$0x1FD70];
	_ =	sdelay $0x2  }
0x3ce: {  	v4 =	vsel vm11, v30, v4  }
0x3cf: {  	v4 =	vsel vm15, v15, v4  }
0x3d0: {  	v4 =	vsel vm12, v29, v4;
	vm12 =	vnez.u8 v0;
	v0 =	vld [tilespmem:$0x1FD80];
	_ =	sdelay $0x4  }
0x3d1: {  	v4 =	vsel vm12, v57, v4;
	vm12 =	vnez.u8 v0;
	v0 =	vld [tilespmem:$0x1FD90];
	_ =	sdelay $0x3  }
0x3d2: {  	vm2 =	vgt.f32 v44, v2  }
0x3d3: {  	v2 =	vsel vm2, v44, v2;
	(xrf0) =	vmax.scan.msk.u32 $0xffff, v9;
	vm15 =	vnez.u8 v0;
	v0 =	vld [tilespmem:$0x1FDA0]  }
0x3d4: {  	v2 =	vsel vm1, v37, v2  }
0x3d5: {  	vm14 =	vmmov vm1;
	vm1 =	vgt.f32 v11, v2  }
0x3d6: {  	v2 =	vsel vm1, v11, v2  }
0x3d7: {  	v2 =	vsel vm3, v5, v2;
	vm9 =	vmmov vm3;
	v4 =	vsel vm5, v28, v4  }
0x3d8: {  	vm3 =	vgt.f32 v45, v2;
	v4 =	vsel vm15, v14, v4;
	vm15 =	vnez.u8 v0;
	v0 =	vld [tilespmem:$0x1FDB0]  }
0x3d9: {  	(v2sf) =	vpush v49, $0xF;
	v2 =	vsel vm3, v45, v2;
	v55, _, _ =	vpop (xrf0)  }
0x3da: {  	(v2sf) =	vpush v55, $0xF;
	v2 =	vsel vm0, v13, v2  }
0x3db: {  	vm11 =	vgt.f32 v46, v2  }
0x3dc: {  	v2 =	vsel vm11, v46, v2  }
0x3dd: {  	v2 =	vsel vm12, v10, v2;
	v4 =	vsel vm4, v27, v4;
	vm4 =	vnez.u8 v0;
	v0 =	vld [tilespmem:$0x1FDC0]  }
0x3de: {  	vm5 =	vgt.f32 v38, v2  }
0x3df: {  	v2 =	vsel vm5, v38, v2  }
0x3e0: {  	v2 =	vsel vm15, v50, v2  }
0x3e1: {  	v4 =	vsel vm4, v16, v4;
	vm4 =	vgt.f32 v48, v2  }
0x3e2: {  	v4 =	vsel vm6, v26, v4;
	v2 =	vsel vm4, v48, v2;
	vm6 =	vnez.u8 v0  }
0x3e3: {  	v2 =	vsel vm13, v6, v2;
	v4 =	vsel vm6, v60, v4  }
0x3e4: {  	v4 =	vsel vm2, v25, v4;
	vm2 =	vgt.f32 v51, v2  }
0x3e5: {  	v4 =	vsel vm14, v41, v4;
	v2 =	vsel vm2, v51, v2  }
0x3e6: {  	v4 =	vsel vm1, v24, v4;
	v2 =	vsel vm10, v40, v2  }
0x3e7: {  	v3 =	vsel vm9, v3, v4;
	vm9 =	vgt.f32 v53, v2  }
0x3e8: {  	s0 =	spop (v2sf);
	v3 =	vsel vm3, v23, v3;
	v2 =	vsel vm9, v53, v2  }
0x3e9: {  	s25 =	spop (v2sf);
	v3 =	vsel vm0, v7, v3;
	v2 =	vsel vm8, v58, v2  }
0x3ea: {  	s2 =	sxor.u32 $0x7FFFFFFF, s25;
	v3 =	vsel vm11, v21, v3;
	vm14 =	vgt.f32 v56, v2  }
0x3eb: {  	s19 =	sadd.s32 $0x1, s2;
	v3 =	vsel vm12, v42, v3;
	v2 =	vsel vm14, v56, v2  }
0x3ec: {  	vm3 =	veq.s32 v8, s19;
	v2 =	vsel vm7, v59, v2;
	v3 =	vsel vm5, v20, v3  }
0x3ed: {  	v3 =	vsel vm15, v18, v3;
	v2 =	vsel vm3, v2, v61  }
0x3ee: {  	v3 =	vsel vm4, v19, v3;
	(xrf0) =	vmax.scan.msk.f32 $0xffff, v2  }
0x3ef: {  	v3 =	vsel vm13, v47, v3  }
0x3f0: {  	v3 =	vsel vm2, v35, v3  }
0x3f1: {  	v3 =	vsel vm10, v17, v3  }
0x3f2: {  	v3 =	vsel vm9, v34, v3  }
0x3f3: {  	v3 =	vsel vm8, v12, v3  }
0x3f4: {  	v3 =	vsel vm14, v33, v3;
	v61, _, _ =	vpop (xrf0)  }
0x3f5: {  	v3 =	vsel vm7, v62, v3;
	v63 =	vbroadcast v61, $0xF  }
0x3f6: {  	v3 =	vsel vm3, v3, v8  }
0x3f7: {  	vm15 =	veq.f32 v2, v63;
	v2 =	vsub.s32 $0x80000000, v3  }
0x3f8: {  	v2 =	vnsel vm15, $0x7FFFFDC0, v2  }
0x3f9: {  	(xrf0) =	vmax.scan.msk.u32 $0xffff, v2;
	_ =	sdelay $0x5  }
0x3fa: {  	(v2sf) =	vpush v61, $0xF;
	v2, _, _ =	vpop (xrf0)  }
0x3fb: {  	(v2sf) =	vpush v2, $0xF;
	_ =	sdelay $0x1  }
0x3fc: {  	p5 =	slt.f32 s0, $0.0e+00;
	p6 =	sgt.f32 s0, $0.0e+00  }
0x3fd: {  	_ = 	snop  }
0x3fe: {  	p1 =	por p6, p5  }
0x3ff: {  	s28 =	rddreg [dreg:$0xd];
	p1 =	por !p1, !p1  }
0x400: {  	s2 =	sadd.s32 s28, s19;
	v2 =	vimm.s32 @!p1 $0x0  }
0x401: {  	s2 =	sshrl.u32 s2, $0x3;
	v3 =	vmov s19  }
0x402: {  	s11 =	sshll.u32 s19, $0x7;
	s2 =	smul.u32 $0x1400, s2  }
0x403: {  	s5 =	sand.u32 $0x380, s11  }
0x404: {  	s2 =	sor.u32 s5, s2;
	s5 =	simm.s32 @!p1 $0x1B80  }
0x405: {  	s2 =	sshrl.u32 s2, $0x3;
	[tilespmem:v2+s5+$0x0] =	vst.idx.msk @!p1 $0x1, v3;
	v2 =	vimm.f32 @!p1 $1.000000000e+03;
	s5 =	simm.s32 @!p1 $0x1400  }
0x406: {  	p2 =	sgt.f32 @!p0 s1, $0.0e+00;
	s2 =	sadd.s32 s3, s2;
	[tilespmem:v3+s5+$0x0] =	vst.idx.msk @!p1 $0x1, v2;
	p1 =	slt.f32 @!p0 s1, $0.0e+00  }
0x407: {  	[tilespmem:s7], [sflag:$0x3] =	stream.strided.gather [hbm4b:s2+s20], $0x280, s21, s20, $0x38;
	[tilespmem:$0x2E80] =	vst v63  }
0x408: {  	s4 =	spop (v2sf);
	p1 =	por @!p0 p2, p1  }
0x409: {  	p1 =	por p0, p1;
	s13 =	spop (v2sf)  }
0x40a: {  	p2 =	slt.f32 @!p1 s0, $0.0e+00;
	p3 =	sgt.f32 @!p1 s0, $0.0e+00;
	s6 =	sxor.u32 $0x7FFFFFFF, s13  }
0x40b: {  	s6 =	sadd.s32 $0x1, s6  }
0x40c: {  	p2 =	por @!p1 p3, p2;
	s18 =	sadd.s32 s28, s6  }
0x40d: {  	p2 =	por @!p1 !p2, !p2;
	s2 =	sshrl.u32 s18, $0x3  }
0x40e: {  	p2 =	por p1, !p2;
	s25 =	sshll.u32 s6, $0x7;
	s2 =	smul.u32 $0x1400, s2  }
.Ltmp2:
0x40f: {  	s1 =	sand.u32 $0x380, s25;
	(pc) =	sbr.rel @!p2 .LBB2_30-.Ltmp2, $4  }
0x410: {  	s1 =	sor.u32 s1, s2  }
0x411: {  	s1 =	sshrl.u32 s1, $0x3  }
0x412: {  	s28 =	sadd.s32 s3, s1  }
0x413: {  	vm5 =	vmxor vm5, vm5;
	[tilespmem:s26], [sflag:$0x6] =	stream.strided.gather [hbm4b:s28+s20], $0x280, s21, s20, $0x38;
	[tilespmem:$0x2E80] =	vst v63  }
0x414: {  	s11 =	simm.s32 $0x240;
	s1 =	smov.u32 s4;
	s5 =	smov.u32 s6  }
0x415: {  	s9 =	smov.u32 s19;
	s2 =	simm.s32 $0x1;
	s25 =	smov.u32 s16  }
0x416: {  	s28 =	smov.u32 s17;
	s23 =	smov.u32 s15;
	s13 =	smov.u32 s8  }
0x417: {  	s10 =	smov.u32 s14;
	s12 =	smov.u32 s30;
	s11 =	simm.s32 @p0 $0x240  }
0x418: {  	s1 =	smov.u32 @p0 s4;
	s5 =	smov.u32 @p0 s6;
	s9 =	smov.u32 @p0 s19  }
0x419: {  	s2 =	simm.s32 @p0 $0x1;
	s25 =	smov.u32 @p0 s16;
	s28 =	smov.u32 @p0 s17  }
0x41a: {  	s23 =	smov.u32 @p0 s15;
	s13 =	smov.u32 @p0 s8;
	s10 =	smov.u32 @p0 s14  }
0x41b: {  	s12 =	smov.u32 @p0 s30;
	s0 =	smov.u32 s11;
	s4 =	smov.u32 @p1 s1  }
0x41c: {  	s6 =	smov.u32 @p1 s5;
	s18 =	smov.u32 s2;
	s19 =	smov.u32 @p1 s9  }
0x41d: {  	s1 =	smov.u32 s11;
	s16 =	smov.u32 @p1 s25;
	s17 =	smov.u32 @p1 s28  }
.Ltmp3:
0x41e: {  	s15 =	smov.u32 @p1 s23;
	s23 =	simm.s32 $0x0;
	(pc) =	sbr.rel .LBB2_3-.Ltmp3, $4  }
0x41f: {  	s28 =	smov.u32 s2;
	s11 =	simm.s32 @!p1 $0x240;
	s8 =	smov.u32 @p1 s13  }
0x420: {  	s14 =	smov.u32 @p1 s10;
	s10 =	simm.s32 $0x1;
	s30 =	smov.u32 @p1 s12  }
0x421: {  	s12 =	simm.s32 $0x4;
	s2 =	simm.s32 @!p1 $0x1;
	s0 =	simm.s32 @!p1 $0x240  }
0x422: {  	s18 =	simm.s32 @!p1 $0x1;
	s1 =	simm.s32 @!p1 $0x240;
	s28 =	simm.s32 @!p1 $0x1  }
.LBB2_21:
0x423: {  	v40 =	vimm.f32 $0.0e+00;
	v39 =	vimm.s32 $0x0  }
.LBB2_29:
0x424: {  	(xrf0) =	vmax.scan.msk.f32 $0xffff, v38;
	_ =	sdelay $0x5  }
0x425: {  	v2, _, _ =	vpop (xrf0)  }
0x426: {  	v3 =	vbroadcast v2, $0xF;
	_ =	sdelay $0x1  }
0x427: {  	vm0 =	veq.f32 v38, v3;
	v3 =	vsub.s32 $0x80000000, v37  }
0x428: {  	v3 =	vnsel vm0, $0x7FFFFDC0, v3  }
0x429: {  	(xrf0) =	vmax.scan.msk.u32 $0xffff, v3;
	_ =	sdelay $0x5  }
0x42a: {  	(v2sf) =	vpush v2, $0xF;
	v2, _, _ =	vpop (xrf0)  }
0x42b: {  	(v2sf) =	vpush v2, $0xF;
	_ =	sdelay $0xd  }
0x42c: {  	s0 =	spop (v2sf)  }
0x42d: {  	s4 =	spop (v2sf)  }
0x42e: {  	s4 =	sxor.u32 $0x7FFFFFFF, s4  }
0x42f: {  	s19 =	sadd.s32 $0x1, s4  }
0x430: {  	vm14 =	veq.s32 v37, s19  }
0x431: {  	v2 =	vsel vm14, v40, v38  }
0x432: {  	(xrf0) =	vmax.scan.msk.f32 $0xffff, v2;
	_ =	sdelay $0x5  }
0x433: {  	v3, _, _ =	vpop (xrf0)  }
0x434: {  	v4 =	vbroadcast v3, $0xF  }
0x435: {  	v5 =	vsel vm14, v39, v37  }
0x436: {  	vm15 =	veq.f32 v2, v4;
	v2 =	vsub.s32 $0x80000000, v5  }
0x437: {  	v2 =	vnsel vm15, $0x7FFFFDC0, v2  }
0x438: {  	(xrf0) =	vmax.scan.msk.u32 $0xffff, v2;
	_ =	sdelay $0x4  }
0x439: {  	(v2sf) =	vpush v3, $0xF  }
0x43a: {  	v2, _, _ =	vpop (xrf0)  }
0x43b: {  	(v2sf) =	vpush v2, $0xF  }
0x43c: {  	s4 =	simm.s32 $0x1  }
0x43d: {  	p4 =	slt.f32 s0, $0.0e+00;
	p3 =	sgt.f32 s0, $0.0e+00;
	s4 =	simm.s32 @!p2 $0x0  }
0x43e: {  	s0 =	sadd.s32 s4, s18  }
0x43f: {  	p2 =	por p3, p4;
	p5 =	slt.s32 s0, $0x240  }
0x440: {  	p2 =	por !p5, !p2  }
0x441: {  	s25 =	rddreg [dreg:$0xd];
	p2 =	por !p2, !p2  }
0x442: {  	s13 =	sadd.s32 s25, s19;
	v2 =	vmov @p2 s0  }
0x443: {  	s4 =	sshrl.u32 s13, $0x3;
	s6 =	scvt.s32.f32 @p2 s0;
	v3 =	vmov s19  }
0x444: {  	s12 =	sshll.u32 s19, $0x7;
	s10 =	smul.u32 $0x1400, s4  }
0x445: {  	s12 =	sand.u32 $0x380, s12;
	s6 =	ssub.f32 @p2 $1.000000000e+03, s6  }
0x446: {  	s10 =	sor.u32 s12, s10;
	s12 =	simm.s32 @p2 $0x1B80  }
0x447: {  	s10 =	sshrl.u32 s10, $0x3;
	[tilespmem:v2+s12+$0x0] =	vst.idx.msk @p2 $0x1, v3;
	v2 =	vmov @p2 s6;
	s12 =	simm.s32 @p2 $0x1400  }
0x448: {  	s10 =	sadd.s32 s3, s10;
	s4 =	spop (v2sf);
	[tilespmem:v3+s12+$0x0] =	vst.idx.msk @p2 $0x1, v2  }
0x449: {  	[tilespmem:s7], [sflag:$0x3] =	stream.strided.gather [hbm4b:s10+s20], $0x280, s21, s20, $0x38;
	[tilespmem:$0x2E80] =	vst v63  }
0x44a: {  	s13 =	spop (v2sf)  }
0x44b: {  	s13 =	sxor.u32 $0x7FFFFFFF, s13  }
0x44c: {  	s6 =	sadd.s32 $0x1, s13  }
0x44d: {  	s18 =	sadd.s32 s25, s6  }
0x44e: {  	s10 =	sshrl.u32 s18, $0x3  }
0x44f: {  	s25 =	sshll.u32 s6, $0x7;
	s10 =	smul.u32 $0x1400, s10  }
0x450: {  	p6 =	por p0, p1;
	s12 =	sand.u32 $0x380, s25  }
0x451: {  	s13 =	simm.s32 $0x1;
	s10 =	sor.u32 s12, s10;
	s12 =	simm.s32 $0x1  }
0x452: {  	s10 =	sshrl.u32 s10, $0x3;
	s12 =	simm.s32 @!p0 $0x0;
	p0 =	por p6, p2  }
.Ltmp4:
0x453: {  	s13 =	simm.s32 @!p2 $0x0;
	s10 =	sadd.s32 s3, s10;
	(pc) =	sbr.rel @!p0 .LBB2_30-.Ltmp4, $4  }
0x454: {  	[tilespmem:s26], [sflag:$0x6] =	stream.strided.gather [hbm4b:s10+s20], $0x280, s21, s20, $0x38;
	[tilespmem:$0x2E80] =	vst v63  }
0x455: {  	s18 =	sadd.s32 s13, s0;
	s0 =	smov.u32 s11;
	s10 =	simm.s32 $0x1  }
0x456: {  	s11 =	smov.u32 s9;
	s2 =	sadd.s32 s12, s2;
	s10 =	simm.s32 @!p1 $0x0  }
0x457: {  	s12 =	simm.s32 $0x4;
	s28 =	sadd.s32 s10, s5;
	s10 =	simm.s32 $0x1  }
.LBB2_3:
0x458: {  	v39 =	vld [tilespmem:$0x2D00];
	_ =	sdelay $0x4  }
0x459: {  	(v2sf) =	vpush v39, $0x0;
	_ =	sdelay $0xe  }
0x45a: {  	s5 =	spop (v2sf)  }
0x45b: {  	_ =	swait.ge [sflag:s10], $0x280  }
0x45c: {  	v40 =	vmov s14;
	[sflag:s10] =	ssyncset.done $0x0  }
0x45d: {  	[sflag:s10] =	ssyncadd.s32 $0xFFFFFD80  }
0x45e: {  	_ =	swait.ge [sflag:s12], $0x280  }
0x45f: {  	[sflag:s12] =	ssyncset.done $0x0  }
0x460: {  	[sflag:s12] =	ssyncadd.s32 $0xFFFFFD80  }
0x461: {  	v2 =	vld.idx.msk [tilespmem:v40+s22+$0x0], $0xffff;
	_ =	sdelay $0x4  }
0x462: {  	(v2sf) =	vpush v2, $0x0;
	_ =	sdelay $0xd  }
0x463: {  	p0 =	slt.f32 s8, $0.0e+00;
	p1 =	sgt.f32 s8, $0.0e+00;
	s13 =	sadd.s32 $0xF, s11  }
0x464: {  	p5 =	sgt.s32 s2, $0x23F;
	s14 =	sand.u32 $0xF, s13;
	s9 =	spop (v2sf)  }
0x465: {  	s25 =	sshra.s32 s13, $0x1F;
	p3 =	slt.s32 s13, $0x1;
	p2 =	sle.f32 s9, s5  }
0x466: {  	p0 =	por p1, p0;
	p6 =	sne.s32 s14, $0x0;
	s9 =	sshrl.u32 s25, $0x1C  }
0x467: {  	s5 =	sadd.s32 s9, s13;
	p0 =	por !p0, !p2;
	p2 =	por !p3, !p6  }
0x468: {  	s9 =	simm.s32 $0x1;
	p0 =	por !p0, !p0;
	p2 =	por !p2, !p2  }
0x469: {  	s5 =	sshra.s32 s5, $0x4;
	p1 =	por !p0, p5;
	s9 =	simm.s32 @!p2 $0x0  }
0x46a: {  	s8 =	scvt.s32.f32 @!p1 s2;
	v2 =	vmov @!p1 s2;
	s13 =	ssub.s32 s5, s9  }
0x46b: {  	p2 =	slt.s32 s13, $0x1  }
.Ltmp5:
0x46c: {  	s8 =	ssub.f32 @!p1 $1.000000000e+03, s8;
	(pc) =	sbr.rel @p2 .LBB2_11-.Ltmp5, $4  }
0x46d: {  	_ = 	snop  }
0x46e: {  	v3 =	vmov @!p1 s8;
	s8 =	simm.s32 @!p1 $0x1680  }
0x46f: {  	v38 =	vimm.f32 $0.0e+00;
	v37 =	vimm.s32 $0x0;
	v42 =	vimm.f32 $0.0e+00;
	s5 =	simm.s32 @!p1 $0xF00;
	[tilespmem:v2+s8+$0x0] =	vst.idx.msk @!p1 $0x1, v40  }
0x470: {  	v41 =	vimm.s32 $0x0;
	v43 =	vimm.f32 $0.0e+00;
	v44 =	vimm.s32 $0x0;
	s9 =	simm.s32 $0x0;
	[tilespmem:v40+s5+$0x0] =	vst.idx.msk @!p1 $0x1, v3;
	s5 =	simm.s32 $0x0  }
0x471: {  	p2 =	sne.s32 s13, $0x1  }
.Ltmp6:
0x472: {  	v41 =	vld [tilespmem:s5+$0x0];
	(pc) =	sbr.rel @!p2 .LBB2_5-.Ltmp6, $3  }
0x473: {  	_ =	sdelay $0x1  }
0x474: {  	vm1 =	vmmov vm5  }
0x475: {  	v43 =	vmov s30;
	v42 =	vmov s11;
	s9 =	simm.s32 $0x780;
	s11 =	sadd.s32 $0xFFFFFFFF, s13;
	p1 =	por $0x0, $0x0;
	vm1 =	vmneg @p0 vm1  }
0x476: {  	_ =	sdelay $0x3  }
0x477: {  	v2 =	vld.idx.msk [tilespmem:v41+s24+$0x0], $0xffff  }
0x478: {  	v3 =	vld.idx.msk [tilespmem:v41+s22+$0x0], $0xffff;
	_ =	sdelay $0x3  }
0x479: {  	vm2 =	veq.s32 v41, v40;
	vm0 =	vgt.f32 v2, v39  }
0x47a: {  	vm4 =	veq.s32 v41, v43;
	v2 =	vld [tilespmem:s9+$0x0];
	vm3 =	vgt.f32 v3, v39;
	vm0 =	vmor vm2, vm0  }
0x47b: {  	vm2 =	vmor vm4, vm3;
	vm0 =	vmand vm1, vm0  }
0x47c: {  	p2 =	sne.s32 s11, $0x1;
	v3 =	vor.u32 s5, v1;
	vm0 =	vmor vm2, vm0  }
.Ltmp7:
0x47d: {  	vm2 =	vlt.s32 v3, v42;
	vm0 =	vmneg vm0;
	(pc) =	sbr.rel @!p2 .LBB2_7-.Ltmp7, $4  }
0x47e: {  	vm2 =	vmand vm2, vm0  }
0x47f: {  	v44 =	vimm.f32 $0.0e+00;
	v46 =	vnsel vm2, $0x0, v2;
	[tilespmem:s5+$0x0] =	vst.msk vm2, v41;
	v3 =	vmpcnt.ones.xlane vm2  }
0x480: {  	s30 =	simm.s32 $0x10;
	s25 =	sadd.s32 $0xFFFFFFFF, s11;
	p1 =	por $0x1, $0x1;
	v45 =	vimm.s32 $0x0;
	vm3 =	vgt.f32 v46, v38;
	vm0 =	vgt.f32 v46, v38;
	[tilespmem:s5+$0x780] =	vst.msk vm2, v2  }
0x481: {  	s13 =	simm.s32 $0x780;
	s11 =	simm.s32 $0x0;
	s14 =	simm.s32 $0x0;
	v47 =	vsel vm3, v46, v38;
	v48 =	vsel vm3, v41, v37;
	v50 =	vld [tilespmem:s30+$0x0];
	(v2sf) =	vpush v3, $0x0  }
.LBB2_8:
0x482: {  	p2 =	sne.s32 s25, $0x1;
	v2 =	vsel vm0, v44, v47;
	v3 =	vsel vm0, v45, v48;
	v45 =	vsel vm0, v41, v45  }
0x483: {  	v44 =	vsel vm0, v46, v44;
	_ =	sdelay $0x2  }
0x484: {  	v41 =	vmov v50;
	_ =	sdelay $0x2  }
0x485: {  	v4 =	vld.idx.msk [tilespmem:v50+s24+$0x0], $0xffff  }
0x486: {  	v5 =	vld.idx.msk [tilespmem:v50+s22+$0x0], $0xffff;
	_ =	sdelay $0x4  }
0x487: {  	s13 =	sadd.s32 $0x10, s13;
	vm2 =	veq.s32 v41, v40;
	vm0 =	vgt.f32 v4, v39  }
0x488: {  	vm4 =	veq.s32 v41, v43;
	vm3 =	vgt.f32 v5, v39;
	vm0 =	vmor vm2, vm0;
	v4 =	vld [tilespmem:s13+$0x0];
	s8 =	spop (v2sf)  }
0x489: {  	s14 =	sadd.s32 $0x10, s14;
	vm2 =	vmor vm4, vm3;
	vm0 =	vmand vm1, vm0;
	s11 =	sadd.s32 s11, s8  }
0x48a: {  	v5 =	vor.u32 s14, v1;
	vm0 =	vmor vm2, vm0  }
.Ltmp8:
0x48b: {  	vm2 =	vlt.s32 v5, v42;
	vm0 =	vmneg vm0;
	(pc) =	sbr.rel @p2 .LBB2_8-.Ltmp8, $4  }
0x48c: {  	vm2 =	vmand vm2, vm0  }
0x48d: {  	v5 =	vmpcnt.ones.xlane vm2;
	v46 =	vnsel vm2, $0x0, v4;
	[tilespmem:s11+$0x0] =	vst.msk vm2, v41  }
0x48e: {  	s30 =	sadd.s32 $0x10, s30;
	vm0 =	vgt.f32 v46, v44;
	vm3 =	vgt.f32 v46, v2;
	[tilespmem:s11+$0x780] =	vst.msk vm2, v4  }
0x48f: {  	s25 =	sadd.s32 $0xFFFFFFFF, s25;
	v50 =	vld [tilespmem:s30+$0x0];
	v47 =	vsel vm3, v46, v2;
	v48 =	vsel vm3, v41, v3;
	(v2sf) =	vpush v5, $0x0  }
0x490: {  	_ =	sdelay $0x3  }
0x491: {  	v49 =	vmov v41;
	v41 =	vmov v50  }
.LBB2_10:
0x492: {  	_ =	sdelay $0x3  }
0x493: {  	v2 =	vld.idx.msk [tilespmem:v41+s24+$0x0], $0xffff  }
0x494: {  	v3 =	vld.idx.msk [tilespmem:v41+s22+$0x0], $0xffff;
	_ =	sdelay $0x3  }
0x495: {  	vm3 =	veq.s32 v41, v40;
	vm2 =	vgt.f32 v2, v39  }
0x496: {  	s8 =	sadd.s32 @p1 $0x10, s14;
	s10 =	simm.s32 $0x0;
	vm4 =	vgt.f32 v3, v39;
	vm2 =	vmor vm3, vm2;
	vm3 =	veq.s32 v41, v43  }
0x497: {  	s10 =	smov.u32 @p1 s8;
	vm3 =	vmor vm3, vm4;
	vm1 =	vmand vm1, vm2  }
0x498: {  	v2 =	vor.u32 s10, v1;
	vm1 =	vmor vm3, vm1  }
0x499: {  	vm13 =	vlt.s32 v2, v42;
	vm1 =	vmneg vm1  }
0x49a: {  	vm1 =	vmand vm13, vm1  }
0x49b: {  	v2 =	vmpcnt.ones.xlane vm1;
	_ =	sdelay $0x1  }
0x49c: {  	(v2sf) =	vpush v2, $0x0;
	_ =	sdelay $0x5  }
0x49d: {  	s8 =	sadd.s32 @p1 $0x10, s13  }
0x49e: {  	s9 =	smov.u32 @p1 s8  }
0x49f: {  	v2 =	vld [tilespmem:s9+$0x0];
	_ =	sdelay $0x2  }
0x4a0: {  	v4 =	vsel @p1 vm0, v45, v48;
	v5 =	vsel @p1 vm0, v46, v44  }
0x4a1: {  	v7 =	vsel @p1 vm0, v49, v45;
	v5 =	vpsel p1, v5, v38;
	v3 =	vsel @p1 vm0, v44, v47;
	s8 =	spop @p1 (v2sf)  }
0x4a2: {  	v4 =	vpsel p1, v4, v37;
	v3 =	vpsel p1, v3, v38;
	s8 =	sadd.s32 @p1 s11, s8;
	s9 =	simm.s32 $0x0;
	v6 =	vnsel vm1, $0x0, v2  }
0x4a3: {  	v7 =	vpsel p1, v7, v37;
	s9 =	smov.u32 @p1 s8;
	vm14 =	vgt.f32 v6, v3;
	vm15 =	vgt.f32 v6, v5  }
0x4a4: {  	[tilespmem:s9+$0x0] =	vst.msk vm1, v41;
	v3 =	vsel vm14, v6, v3;
	v4 =	vsel vm14, v41, v4;
	v41 =	vsel vm15, v41, v7;
	s30 =	spop (v2sf)  }
0x4a5: {  	[tilespmem:s9+$0x780] =	vst.msk vm1, v2;
	v42 =	vsel vm15, v6, v5;
	v43 =	vsel vm15, v5, v3;
	v44 =	vsel vm15, v7, v4;
	s9 =	sadd.s32 s9, s30  }
.LBB2_11:
0x4a6: {  	(xrf0) =	vmax.scan.msk.f32 $0xffff, v42;
	_ =	sdelay $0x5  }
0x4a7: {  	v2, _, _ =	vpop (xrf0)  }
0x4a8: {  	v3 =	vbroadcast v2, $0xF;
	_ =	sdelay $0x1  }
0x4a9: {  	vm0 =	veq.f32 v42, v3;
	v3 =	vsub.s32 $0x80000000, v41  }
0x4aa: {  	v3 =	vnsel vm0, $0x7FFFFDC0, v3  }
0x4ab: {  	(xrf0) =	vmax.scan.msk.u32 $0xffff, v3;
	_ =	sdelay $0x5  }
0x4ac: {  	(v2sf) =	vpush v2, $0xF;
	v2, _, _ =	vpop (xrf0)  }
0x4ad: {  	(v2sf) =	vpush v2, $0xF;
	_ =	sdelay $0xd  }
0x4ae: {  	s8 =	spop (v2sf)  }
0x4af: {  	s10 =	spop (v2sf)  }
0x4b0: {  	s10 =	sxor.u32 $0x7FFFFFFF, s10  }
0x4b1: {  	s30 =	sadd.s32 $0x1, s10  }
0x4b2: {  	vm14 =	veq.s32 v41, s30  }
0x4b3: {  	v2 =	vsel vm14, v43, v42  }
0x4b4: {  	(xrf0) =	vmax.scan.msk.f32 $0xffff, v2;
	_ =	sdelay $0x5  }
0x4b5: {  	v3, _, _ =	vpop (xrf0)  }
0x4b6: {  	v4 =	vbroadcast v3, $0xF  }
0x4b7: {  	v5 =	vsel vm14, v44, v41  }
0x4b8: {  	vm15 =	veq.f32 v2, v4;
	v2 =	vsub.s32 $0x80000000, v5  }
0x4b9: {  	v2 =	vnsel vm15, $0x7FFFFDC0, v2  }
0x4ba: {  	(xrf0) =	vmax.scan.msk.u32 $0xffff, v2;
	_ =	sdelay $0x4  }
0x4bb: {  	(v2sf) =	vpush v3, $0xF  }
0x4bc: {  	v2, _, _ =	vpop (xrf0)  }
0x4bd: {  	(v2sf) =	vpush v2, $0xF  }
0x4be: {  	s10 =	simm.s32 $0x1  }
0x4bf: {  	p2 =	slt.f32 s8, $0.0e+00;
	p1 =	sgt.f32 s8, $0.0e+00;
	s10 =	simm.s32 @!p0 $0x0  }
0x4c0: {  	s2 =	sadd.s32 s10, s2  }
0x4c1: {  	p0 =	por p1, p2;
	p3 =	slt.s32 s2, $0x240  }
0x4c2: {  	p0 =	por !p3, !p0  }
0x4c3: {  	s25 =	rddreg [dreg:$0x9];
	p0 =	por !p0, !p0  }
0x4c4: {  	s13 =	sadd.s32 s25, s30;
	v2 =	vmov @p0 s2  }
0x4c5: {  	s8 =	sshrl.u32 s13, $0x3;
	s10 =	scvt.s32.f32 @p0 s2;
	v3 =	vmov s30  }
0x4c6: {  	s12 =	sshll.u32 s30, $0x7;
	s11 =	smul.u32 $0x1400, s8  }
0x4c7: {  	s12 =	sand.u32 $0x380, s12;
	s10 =	ssub.f32 @p0 $1.000000000e+03, s10  }
0x4c8: {  	s11 =	sor.u32 s12, s11;
	s12 =	simm.s32 @p0 $0x1680  }
0x4c9: {  	s11 =	sshrl.u32 s11, $0x3;
	[tilespmem:v2+s12+$0x0] =	vst.idx.msk @p0 $0x1, v3;
	v2 =	vmov @p0 s10;
	s10 =	simm.s32 @p0 $0xF00  }
0x4ca: {  	s11 =	sadd.s32 s3, s11;
	s8 =	spop (v2sf);
	[tilespmem:v3+s10+$0x0] =	vst.idx.msk @p0 $0x1, v2  }
0x4cb: {  	[tilespmem:s22], [sflag:$0x1] =	stream.strided.gather [hbm4b:s11+s20], $0x280, s21, s20, $0x38;
	[tilespmem:$0x2E80] =	vst v63  }
0x4cc: {  	s13 =	spop (v2sf)  }
0x4cd: {  	s14 =	sxor.u32 $0x7FFFFFFF, s13  }
0x4ce: {  	s14 =	sadd.s32 $0x1, s14  }
0x4cf: {  	s12 =	sadd.s32 s25, s14  }
0x4d0: {  	s10 =	sshrl.u32 s12, $0x3  }
0x4d1: {  	s13 =	sshll.u32 s14, $0x7;
	s10 =	smul.u32 $0x1400, s10  }
0x4d2: {  	s11 =	sand.u32 $0x380, s13  }
0x4d3: {  	s10 =	sor.u32 s11, s10  }
0x4d4: {  	s10 =	sshrl.u32 s10, $0x3  }
0x4d5: {  	s10 =	sadd.s32 s3, s10  }
0x4d6: {  	[tilespmem:s24], [sflag:$0x4] =	stream.strided.gather [hbm4b:s10+s20], $0x280, s21, s20, $0x38;
	[tilespmem:$0x2E80] =	vst v63  }
0x4d7: {  	v39 =	vld [tilespmem:$0x2D80];
	_ =	sdelay $0x4  }
0x4d8: {  	(v2sf) =	vpush v39, $0x0;
	_ =	sdelay $0xe  }
0x4d9: {  	s25 =	simm.s32 $0x2;
	s10 =	spop (v2sf)  }
0x4da: {  	_ =	swait.ge [sflag:s25], $0x280  }
0x4db: {  	v40 =	vmov s17;
	[sflag:s25] =	ssyncset.done $0x0  }
0x4dc: {  	s12 =	simm.s32 $0x5;
	[sflag:s25] =	ssyncadd.s32 $0xFFFFFD80  }
0x4dd: {  	_ =	swait.ge [sflag:s12], $0x280  }
0x4de: {  	[sflag:s12] =	ssyncset.done $0x0  }
0x4df: {  	[sflag:s12] =	ssyncadd.s32 $0xFFFFFD80  }
0x4e0: {  	v2 =	vld.idx.msk [tilespmem:v40+s29+$0x0], $0xffff;
	_ =	sdelay $0x4  }
0x4e1: {  	(v2sf) =	vpush v2, $0x0;
	_ =	sdelay $0xd  }
0x4e2: {  	p4 =	slt.f32 s16, $0.0e+00  }
0x4e3: {  	p2 =	sgt.f32 s16, $0.0e+00;
	s13 =	spop (v2sf)  }
0x4e4: {  	s16 =	sadd.s32 $0xF, s1;
	p3 =	sle.f32 s13, s10  }
0x4e5: {  	p5 =	sgt.s32 s28, $0x23F;
	s17 =	sand.u32 $0xF, s16;
	p1 =	por p2, p4  }
0x4e6: {  	p6 =	slt.s32 s16, $0x1;
	s25 =	sshra.s32 s16, $0x1F;
	p1 =	por !p1, !p3  }
0x4e7: {  	p4 =	sne.s32 s17, $0x0;
	s12 =	sshrl.u32 s25, $0x1C;
	p1 =	por !p1, !p1  }
0x4e8: {  	s10 =	sadd.s32 s12, s16;
	p3 =	por !p6, !p4;
	p2 =	por !p1, p5  }
0x4e9: {  	s12 =	simm.s32 $0x1;
	p3 =	por !p3, !p3;
	s11 =	scvt.s32.f32 @!p2 s28  }
0x4ea: {  	s10 =	sshra.s32 s10, $0x4;
	s12 =	simm.s32 @!p3 $0x0  }
0x4eb: {  	v2 =	vmov @!p2 s28;
	s13 =	ssub.f32 @!p2 $1.000000000e+03, s11;
	s11 =	ssub.s32 s10, s12  }
0x4ec: {  	p3 =	slt.s32 s11, $0x1  }
.Ltmp9:
0x4ed: {  	_ = 	snop;
	(pc) =	sbr.rel @p3 .LBB2_12-.Ltmp9, $4  }
0x4ee: {  	_ = 	snop  }
0x4ef: {  	s16 =	simm.s32 @!p2 $0x1900  }
0x4f0: {  	s10 =	simm.s32 @!p2 $0x1180;
	[tilespmem:v2+s16+$0x0] =	vst.idx.msk @!p2 $0x1, v40;
	v2 =	vmov @!p2 s13  }
0x4f1: {  	[tilespmem:v40+s10+$0x0] =	vst.idx.msk @!p2 $0x1, v2  }
0x4f2: {  	s10 =	simm.s32 $0x280;
	p3 =	sne.s32 s11, $0x1  }
.Ltmp10:
0x4f3: {  	v41 =	vld [tilespmem:s10+$0x0];
	(pc) =	sbr.rel @!p3 .LBB2_14-.Ltmp10, $3  }
0x4f4: {  	_ =	sdelay $0x1  }
0x4f5: {  	vm1 =	vmmov vm5  }
0x4f6: {  	v43 =	vmov s15;
	v42 =	vmov s1;
	s1 =	simm.s32 $0xA00;
	s11 =	sadd.s32 $0xFFFFFFFF, s11;
	p2 =	por $0x0, $0x0;
	vm1 =	vmneg @p1 vm1  }
0x4f7: {  	_ =	sdelay $0x3  }
0x4f8: {  	v2 =	vld.idx.msk [tilespmem:v41+s31+$0x0], $0xffff  }
0x4f9: {  	v3 =	vld.idx.msk [tilespmem:v41+s29+$0x0], $0xffff;
	_ =	sdelay $0x3  }
0x4fa: {  	vm2 =	veq.s32 v41, v40;
	vm0 =	vgt.f32 v2, v39  }
0x4fb: {  	vm4 =	veq.s32 v41, v43;
	v2 =	vld [tilespmem:s1+$0x0];
	vm3 =	vgt.f32 v3, v39;
	vm0 =	vmor vm2, vm0  }
0x4fc: {  	vm2 =	vmor vm4, vm3;
	vm0 =	vmand vm1, vm0  }
0x4fd: {  	p3 =	sne.s32 s11, $0x1;
	v3 =	vor.u32 s5, v1;
	vm0 =	vmor vm2, vm0  }
.Ltmp11:
0x4fe: {  	vm2 =	vlt.s32 v3, v42;
	vm0 =	vmneg vm0;
	(pc) =	sbr.rel @!p3 .LBB2_16-.Ltmp11, $4  }
0x4ff: {  	vm2 =	vmand vm2, vm0  }
0x500: {  	v44 =	vimm.f32 $0.0e+00;
	v46 =	vnsel vm2, $0x0, v2;
	[tilespmem:s5+$0x280] =	vst.msk vm2, v41;
	v3 =	vmpcnt.ones.xlane vm2  }
0x501: {  	s17 =	simm.s32 $0x290;
	s25 =	sadd.s32 $0xFFFFFFFF, s11;
	p2 =	por $0x1, $0x1;
	v45 =	vimm.s32 $0x0;
	vm3 =	vgt.f32 v46, v38;
	vm0 =	vgt.f32 v46, v38;
	[tilespmem:s5+$0xA00] =	vst.msk vm2, v2  }
0x502: {  	s15 =	simm.s32 $0xA00;
	s11 =	simm.s32 $0x0;
	s16 =	simm.s32 $0x0;
	v47 =	vsel vm3, v46, v38;
	v48 =	vsel vm3, v41, v37;
	v50 =	vld [tilespmem:s17+$0x0];
	(v2sf) =	vpush v3, $0x0  }
.LBB2_17:
0x503: {  	p3 =	sne.s32 s25, $0x1;
	v2 =	vsel vm0, v44, v47;
	v3 =	vsel vm0, v45, v48;
	v45 =	vsel vm0, v41, v45  }
0x504: {  	v44 =	vsel vm0, v46, v44;
	_ =	sdelay $0x2  }
0x505: {  	v41 =	vmov v50;
	_ =	sdelay $0x2  }
0x506: {  	v4 =	vld.idx.msk [tilespmem:v50+s31+$0x0], $0xffff  }
0x507: {  	v5 =	vld.idx.msk [tilespmem:v50+s29+$0x0], $0xffff;
	_ =	sdelay $0x4  }
0x508: {  	s15 =	sadd.s32 $0x10, s15;
	vm2 =	veq.s32 v41, v40;
	vm0 =	vgt.f32 v4, v39  }
0x509: {  	vm4 =	veq.s32 v41, v43;
	vm3 =	vgt.f32 v5, v39;
	vm0 =	vmor vm2, vm0;
	v4 =	vld [tilespmem:s15+$0x0];
	s10 =	spop (v2sf)  }
0x50a: {  	s16 =	sadd.s32 $0x10, s16;
	vm2 =	vmor vm4, vm3;
	vm0 =	vmand vm1, vm0;
	s11 =	sadd.s32 s11, s10  }
0x50b: {  	v5 =	vor.u32 s16, v1;
	vm0 =	vmor vm2, vm0  }
.Ltmp12:
0x50c: {  	vm2 =	vlt.s32 v5, v42;
	vm0 =	vmneg vm0;
	(pc) =	sbr.rel @p3 .LBB2_17-.Ltmp12, $4  }
0x50d: {  	vm2 =	vmand vm2, vm0  }
0x50e: {  	v5 =	vmpcnt.ones.xlane vm2;
	v46 =	vnsel vm2, $0x0, v4;
	[tilespmem:s11+$0x280] =	vst.msk vm2, v41  }
0x50f: {  	s17 =	sadd.s32 $0x10, s17;
	vm0 =	vgt.f32 v46, v44;
	vm3 =	vgt.f32 v46, v2;
	[tilespmem:s11+$0xA00] =	vst.msk vm2, v4  }
0x510: {  	s25 =	sadd.s32 $0xFFFFFFFF, s25;
	v50 =	vld [tilespmem:s17+$0x0];
	v47 =	vsel vm3, v46, v2;
	v48 =	vsel vm3, v41, v3;
	(v2sf) =	vpush v5, $0x0  }
0x511: {  	_ =	sdelay $0x3  }
0x512: {  	v49 =	vmov v41;
	v41 =	vmov v50  }
.LBB2_19:
0x513: {  	_ =	sdelay $0x3  }
0x514: {  	v2 =	vld.idx.msk [tilespmem:v41+s31+$0x0], $0xffff  }
0x515: {  	v3 =	vld.idx.msk [tilespmem:v41+s29+$0x0], $0xffff;
	_ =	sdelay $0x3  }
0x516: {  	vm3 =	veq.s32 v41, v40;
	vm2 =	vgt.f32 v2, v39  }
0x517: {  	s10 =	sadd.s32 @p2 $0x10, s16;
	s12 =	simm.s32 $0x0;
	vm4 =	vgt.f32 v3, v39;
	vm2 =	vmor vm3, vm2;
	vm3 =	veq.s32 v41, v43  }
0x518: {  	s12 =	smov.u32 @p2 s10;
	vm3 =	vmor vm3, vm4;
	vm1 =	vmand vm1, vm2  }
0x519: {  	v2 =	vor.u32 s12, v1;
	vm1 =	vmor vm3, vm1  }
0x51a: {  	vm13 =	vlt.s32 v2, v42;
	vm1 =	vmneg vm1  }
0x51b: {  	vm1 =	vmand vm13, vm1  }
0x51c: {  	v2 =	vmpcnt.ones.xlane vm1;
	_ =	sdelay $0x1  }
0x51d: {  	(v2sf) =	vpush v2, $0x0;
	_ =	sdelay $0x5  }
0x51e: {  	s10 =	sadd.s32 @p2 $0x10, s15  }
0x51f: {  	s1 =	smov.u32 @p2 s10  }
0x520: {  	v2 =	vld [tilespmem:s1+$0x0];
	_ =	sdelay $0x2  }
0x521: {  	v4 =	vsel @p2 vm0, v45, v48;
	v5 =	vsel @p2 vm0, v46, v44  }
.Ltmp13:
0x522: {  	v7 =	vsel @p2 vm0, v49, v45;
	v5 =	vpsel p2, v5, v38;
	v3 =	vsel @p2 vm0, v44, v47;
	s1 =	spop @p2 (v2sf);
	(pc) =	sbr.rel .LBB2_20-.Ltmp13, $4  }
0x523: {  	v4 =	vpsel p2, v4, v37;
	v3 =	vpsel p2, v3, v38;
	s1 =	sadd.s32 @p2 s11, s1;
	v6 =	vnsel vm1, $0x0, v2  }
0x524: {  	v7 =	vpsel p2, v7, v37;
	s5 =	smov.u32 @p2 s1;
	vm14 =	vgt.f32 v6, v3;
	vm15 =	vgt.f32 v6, v5  }
0x525: {  	[tilespmem:s5+$0x280] =	vst.msk vm1, v41;
	v3 =	vsel vm14, v6, v3;
	v4 =	vsel vm14, v41, v4;
	v37 =	vsel vm15, v41, v7;
	s25 =	spop (v2sf)  }
0x526: {  	[tilespmem:s5+$0xA00] =	vst.msk vm1, v2;
	v38 =	vsel vm15, v6, v5;
	v39 =	vsel vm15, v5, v3;
	v40 =	vsel vm15, v7, v4;
	s1 =	sadd.s32 s5, s25  }
.LBB2_12:
0x527: {  	s1 =	simm.s32 $0x0;
	v39 =	vimm.f32 $0.0e+00;
	v40 =	vimm.s32 $0x0  }
.LBB2_20:
0x528: {  	(xrf0) =	vmax.scan.msk.f32 $0xffff, v38;
	_ =	sdelay $0x5  }
0x529: {  	v2, _, _ =	vpop (xrf0)  }
0x52a: {  	v3 =	vbroadcast v2, $0xF;
	_ =	sdelay $0x1  }
0x52b: {  	vm0 =	veq.f32 v38, v3;
	v3 =	vsub.s32 $0x80000000, v37  }
0x52c: {  	v3 =	vnsel vm0, $0x7FFFFDC0, v3  }
0x52d: {  	(xrf0) =	vmax.scan.msk.u32 $0xffff, v3;
	_ =	sdelay $0x5  }
0x52e: {  	(v2sf) =	vpush v2, $0xF;
	v2, _, _ =	vpop (xrf0)  }
0x52f: {  	(v2sf) =	vpush v2, $0xF;
	_ =	sdelay $0xd  }
0x530: {  	s5 =	spop (v2sf)  }
0x531: {  	s10 =	spop (v2sf)  }
0x532: {  	s10 =	sxor.u32 $0x7FFFFFFF, s10  }
0x533: {  	s15 =	sadd.s32 $0x1, s10  }
0x534: {  	vm14 =	veq.s32 v37, s15  }
0x535: {  	v2 =	vsel vm14, v39, v38  }
0x536: {  	(xrf0) =	vmax.scan.msk.f32 $0xffff, v2;
	_ =	sdelay $0x5  }
0x537: {  	v3, _, _ =	vpop (xrf0)  }
0x538: {  	v4 =	vbroadcast v3, $0xF  }
0x539: {  	v5 =	vsel vm14, v40, v37  }
0x53a: {  	vm15 =	veq.f32 v2, v4;
	v2 =	vsub.s32 $0x80000000, v5  }
0x53b: {  	v2 =	vnsel vm15, $0x7FFFFDC0, v2  }
0x53c: {  	(xrf0) =	vmax.scan.msk.u32 $0xffff, v2;
	_ =	sdelay $0x4  }
0x53d: {  	(v2sf) =	vpush v3, $0xF  }
0x53e: {  	v2, _, _ =	vpop (xrf0)  }
0x53f: {  	(v2sf) =	vpush v2, $0xF  }
0x540: {  	s10 =	simm.s32 $0x1  }
0x541: {  	p4 =	slt.f32 s5, $0.0e+00;
	p2 =	sgt.f32 s5, $0.0e+00;
	s10 =	simm.s32 @!p1 $0x0  }
0x542: {  	s5 =	sadd.s32 s10, s28  }
0x543: {  	p1 =	por p2, p4;
	p5 =	slt.s32 s5, $0x240  }
0x544: {  	p1 =	por !p5, !p1  }
0x545: {  	s25 =	rddreg [dreg:$0xb];
	p1 =	por !p1, !p1  }
0x546: {  	s17 =	sadd.s32 s25, s15;
	v2 =	vmov @p1 s5  }
0x547: {  	s10 =	sshrl.u32 s17, $0x3;
	s11 =	scvt.s32.f32 @p1 s5;
	v3 =	vmov s15  }
0x548: {  	s12 =	sshll.u32 s15, $0x7;
	s10 =	smul.u32 $0x1400, s10  }
0x549: {  	s12 =	sand.u32 $0x380, s12;
	s11 =	ssub.f32 @p1 $1.000000000e+03, s11  }
0x54a: {  	s10 =	sor.u32 s12, s10;
	s12 =	simm.s32 @p1 $0x1900  }
0x54b: {  	s10 =	sshrl.u32 s10, $0x3;
	[tilespmem:v2+s12+$0x0] =	vst.idx.msk @p1 $0x1, v3;
	v2 =	vmov @p1 s11;
	s11 =	simm.s32 @p1 $0x1180  }
0x54c: {  	s10 =	sadd.s32 s3, s10;
	s16 =	spop (v2sf);
	[tilespmem:v3+s11+$0x0] =	vst.idx.msk @p1 $0x1, v2  }
0x54d: {  	[tilespmem:s29], [sflag:$0x2] =	stream.strided.gather [hbm4b:s10+s20], $0x280, s21, s20, $0x38;
	[tilespmem:$0x2E80] =	vst v63  }
0x54e: {  	s13 =	spop (v2sf)  }
0x54f: {  	s28 =	sxor.u32 $0x7FFFFFFF, s13  }
0x550: {  	s17 =	sadd.s32 $0x1, s28  }
0x551: {  	s12 =	sadd.s32 s25, s17  }
0x552: {  	s10 =	sshrl.u32 s12, $0x3  }
0x553: {  	s13 =	sshll.u32 s17, $0x7;
	s10 =	smul.u32 $0x1400, s10  }
0x554: {  	s11 =	sand.u32 $0x380, s13  }
0x555: {  	s10 =	sor.u32 s11, s10  }
0x556: {  	s10 =	sshrl.u32 s10, $0x3  }
0x557: {  	s10 =	sadd.s32 s3, s10  }
0x558: {  	[tilespmem:s31], [sflag:$0x5] =	stream.strided.gather [hbm4b:s10+s20], $0x280, s21, s20, $0x38;
	[tilespmem:$0x2E80] =	vst v63  }
0x559: {  	v39 =	vld [tilespmem:$0x2E00];
	_ =	sdelay $0x4  }
0x55a: {  	(v2sf) =	vpush v39, $0x0;
	_ =	sdelay $0xe  }
0x55b: {  	s28 =	simm.s32 $0x3;
	s25 =	spop (v2sf)  }
0x55c: {  	_ =	swait.ge [sflag:s28], $0x280  }
0x55d: {  	v40 =	vmov s6;
	[sflag:s28] =	ssyncset.done $0x0  }
0x55e: {  	s11 =	simm.s32 $0x6;
	[sflag:s28] =	ssyncadd.s32 $0xFFFFFD80  }
0x55f: {  	_ =	swait.ge [sflag:s11], $0x280  }
0x560: {  	[sflag:s11] =	ssyncset.done $0x0  }
0x561: {  	[sflag:s11] =	ssyncadd.s32 $0xFFFFFD80  }
0x562: {  	v2 =	vld.idx.msk [tilespmem:v40+s7+$0x0], $0xffff;
	_ =	sdelay $0x4  }
0x563: {  	(v2sf) =	vpush v2, $0x0;
	_ =	sdelay $0xd  }
0x564: {  	p6 =	slt.f32 s4, $0.0e+00  }
0x565: {  	p3 =	sgt.f32 s4, $0.0e+00;
	s12 =	spop (v2sf)  }
0x566: {  	p4 =	sle.f32 s12, s25  }
0x567: {  	p2 =	por p3, p6  }
0x568: {  	p5 =	sgt.s32 s18, $0x23F;
	s13 =	sadd.s32 $0xF, s0;
	p2 =	por !p2, !p4  }
0x569: {  	p6 =	slt.s32 s13, $0x1;
	s25 =	sand.u32 $0xF, s13;
	p2 =	por !p2, !p2  }
0x56a: {  	s28 =	sshra.s32 s13, $0x1F;
	p3 =	por !p2, p5;
	p5 =	sne.s32 s25, $0x0  }
0x56b: {  	s10 =	sshrl.u32 s28, $0x1C;
	p4 =	por !p6, !p5  }
0x56c: {  	s4 =	sadd.s32 s10, s13;
	s10 =	simm.s32 $0x1;
	p4 =	por !p4, !p4  }
0x56d: {  	s4 =	sshra.s32 s4, $0x4;
	s10 =	simm.s32 @!p4 $0x0  }
0x56e: {  	v2 =	vmov @!p3 s18;
	s4 =	ssub.s32 s4, s10  }
0x56f: {  	s6 =	scvt.s32.f32 @!p3 s18;
	p4 =	slt.s32 s4, $0x1  }
.Ltmp14:
0x570: {  	_ = 	snop;
	(pc) =	sbr.rel @p4 .LBB2_21-.Ltmp14, $4  }
0x571: {  	s6 =	ssub.f32 @!p3 $1.000000000e+03, s6  }
0x572: {  	s11 =	simm.s32 @!p3 $0x1B80  }
0x573: {  	[tilespmem:v2+s11+$0x0] =	vst.idx.msk @!p3 $0x1, v40;
	v2 =	vmov @!p3 s6;
	s6 =	simm.s32 @!p3 $0x1400  }
0x574: {  	v38 =	vimm.f32 $0.0e+00;
	v37 =	vimm.s32 $0x0;
	s11 =	simm.s32 $0x0;
	[tilespmem:v40+s6+$0x0] =	vst.idx.msk @!p3 $0x1, v2  }
0x575: {  	s6 =	simm.s32 $0x500;
	p4 =	sne.s32 s4, $0x1  }
.Ltmp15:
0x576: {  	v41 =	vld [tilespmem:s6+$0x0];
	(pc) =	sbr.rel @!p4 .LBB2_23-.Ltmp15, $3  }
0x577: {  	_ =	sdelay $0x1  }
0x578: {  	vm1 =	vmmov vm5  }
0x579: {  	v43 =	vmov s19;
	v42 =	vmov s0;
	s0 =	simm.s32 $0xC80;
	s4 =	sadd.s32 $0xFFFFFFFF, s4;
	p3 =	por $0x0, $0x0;
	vm1 =	vmneg @p2 vm1  }
0x57a: {  	_ =	sdelay $0x3  }
0x57b: {  	v2 =	vld.idx.msk [tilespmem:v41+s26+$0x0], $0xffff  }
0x57c: {  	v3 =	vld.idx.msk [tilespmem:v41+s7+$0x0], $0xffff;
	_ =	sdelay $0x3  }
0x57d: {  	vm2 =	veq.s32 v41, v40;
	vm0 =	vgt.f32 v2, v39  }
0x57e: {  	vm4 =	veq.s32 v41, v43;
	v2 =	vld [tilespmem:s0+$0x0];
	vm3 =	vgt.f32 v3, v39;
	vm0 =	vmor vm2, vm0  }
0x57f: {  	vm2 =	vmor vm4, vm3;
	vm0 =	vmand vm1, vm0  }
0x580: {  	p4 =	sne.s32 s4, $0x1;
	v3 =	vor.u32 s11, v1;
	vm0 =	vmor vm2, vm0  }
.Ltmp16:
0x581: {  	vm2 =	vlt.s32 v3, v42;
	vm0 =	vmneg vm0;
	(pc) =	sbr.rel @!p4 .LBB2_25-.Ltmp16, $4  }
0x582: {  	vm2 =	vmand vm2, vm0  }
0x583: {  	v44 =	vimm.f32 $0.0e+00;
	v46 =	vnsel vm2, $0x0, v2;
	[tilespmem:s11+$0x500] =	vst.msk vm2, v41;
	v3 =	vmpcnt.ones.xlane vm2  }
0x584: {  	s28 =	simm.s32 $0x510;
	s25 =	sadd.s32 $0xFFFFFFFF, s4;
	p3 =	por $0x1, $0x1;
	v45 =	vimm.s32 $0x0;
	vm3 =	vgt.f32 v46, v38;
	vm0 =	vgt.f32 v46, v38;
	[tilespmem:s11+$0xC80] =	vst.msk vm2, v2  }
0x585: {  	s6 =	simm.s32 $0xC80;
	s4 =	simm.s32 $0x0;
	s19 =	simm.s32 $0x0;
	v47 =	vsel vm3, v46, v38;
	v48 =	vsel vm3, v41, v37;
	v50 =	vld [tilespmem:s28+$0x0];
	(v2sf) =	vpush v3, $0x0  }
.LBB2_26:
0x586: {  	p4 =	sne.s32 s25, $0x1;
	v2 =	vsel vm0, v44, v47;
	v3 =	vsel vm0, v45, v48;
	v45 =	vsel vm0, v41, v45  }
0x587: {  	v44 =	vsel vm0, v46, v44;
	_ =	sdelay $0x2  }
0x588: {  	v41 =	vmov v50;
	_ =	sdelay $0x2  }
0x589: {  	v4 =	vld.idx.msk [tilespmem:v50+s26+$0x0], $0xffff  }
0x58a: {  	v5 =	vld.idx.msk [tilespmem:v50+s7+$0x0], $0xffff;
	_ =	sdelay $0x4  }
0x58b: {  	s6 =	sadd.s32 $0x10, s6;
	vm2 =	veq.s32 v41, v40;
	vm0 =	vgt.f32 v4, v39  }
0x58c: {  	vm4 =	veq.s32 v41, v43;
	vm3 =	vgt.f32 v5, v39;
	vm0 =	vmor vm2, vm0;
	v4 =	vld [tilespmem:s6+$0x0];
	s10 =	spop (v2sf)  }
0x58d: {  	s19 =	sadd.s32 $0x10, s19;
	vm2 =	vmor vm4, vm3;
	vm0 =	vmand vm1, vm0;
	s4 =	sadd.s32 s4, s10  }
0x58e: {  	v5 =	vor.u32 s19, v1;
	vm0 =	vmor vm2, vm0  }
.Ltmp17:
0x58f: {  	vm2 =	vlt.s32 v5, v42;
	vm0 =	vmneg vm0;
	(pc) =	sbr.rel @p4 .LBB2_26-.Ltmp17, $4  }
0x590: {  	vm2 =	vmand vm2, vm0  }
0x591: {  	v5 =	vmpcnt.ones.xlane vm2;
	v46 =	vnsel vm2, $0x0, v4;
	[tilespmem:s4+$0x500] =	vst.msk vm2, v41  }
0x592: {  	s28 =	sadd.s32 $0x10, s28;
	vm0 =	vgt.f32 v46, v44;
	vm3 =	vgt.f32 v46, v2;
	[tilespmem:s4+$0xC80] =	vst.msk vm2, v4  }
0x593: {  	s25 =	sadd.s32 $0xFFFFFFFF, s25;
	v50 =	vld [tilespmem:s28+$0x0];
	v47 =	vsel vm3, v46, v2;
	v48 =	vsel vm3, v41, v3;
	(v2sf) =	vpush v5, $0x0  }
0x594: {  	_ =	sdelay $0x3  }
0x595: {  	v49 =	vmov v41;
	v41 =	vmov v50  }
.LBB2_28:
0x596: {  	_ =	sdelay $0x3  }
0x597: {  	v2 =	vld.idx.msk [tilespmem:v41+s26+$0x0], $0xffff  }
0x598: {  	v3 =	vld.idx.msk [tilespmem:v41+s7+$0x0], $0xffff;
	_ =	sdelay $0x3  }
0x599: {  	vm3 =	veq.s32 v41, v40;
	vm2 =	vgt.f32 v2, v39  }
0x59a: {  	s10 =	sadd.s32 @p3 $0x10, s19;
	s12 =	simm.s32 $0x0;
	vm4 =	vgt.f32 v3, v39;
	vm2 =	vmor vm3, vm2;
	vm3 =	veq.s32 v41, v43  }
0x59b: {  	s12 =	smov.u32 @p3 s10;
	vm3 =	vmor vm3, vm4;
	vm1 =	vmand vm1, vm2  }
0x59c: {  	v2 =	vor.u32 s12, v1;
	vm1 =	vmor vm3, vm1  }
0x59d: {  	vm13 =	vlt.s32 v2, v42;
	vm1 =	vmneg vm1  }
0x59e: {  	vm1 =	vmand vm13, vm1  }
0x59f: {  	v2 =	vmpcnt.ones.xlane vm1;
	_ =	sdelay $0x1  }
0x5a0: {  	(v2sf) =	vpush v2, $0x0;
	_ =	sdelay $0x5  }
0x5a1: {  	s6 =	sadd.s32 @p3 $0x10, s6  }
0x5a2: {  	s0 =	smov.u32 @p3 s6  }
0x5a3: {  	v2 =	vld [tilespmem:s0+$0x0];
	_ =	sdelay $0x2  }
0x5a4: {  	v4 =	vsel @p3 vm0, v45, v48;
	v5 =	vsel @p3 vm0, v46, v44;
	s0 =	spop @p3 (v2sf)  }
.Ltmp18:
0x5a5: {  	v7 =	vsel @p3 vm0, v49, v45;
	v5 =	vpsel p3, v5, v38;
	v3 =	vsel @p3 vm0, v44, v47;
	s0 =	sadd.s32 @p3 s4, s0;
	(pc) =	sbr.rel .LBB2_29-.Ltmp18, $4  }
0x5a6: {  	v4 =	vpsel p3, v4, v37;
	v3 =	vpsel p3, v3, v38;
	s11 =	smov.u32 @p3 s0;
	v6 =	vnsel vm1, $0x0, v2  }
0x5a7: {  	v63 =	vpsel p3, v7, v37;
	[tilespmem:s11+$0x500] =	vst.msk vm1, v41;
	vm14 =	vgt.f32 v6, v3;
	vm15 =	vgt.f32 v6, v5  }
0x5a8: {  	[tilespmem:s11+$0xC80] =	vst.msk vm1, v2;
	v3 =	vsel vm14, v6, v3;
	v2 =	vsel vm14, v41, v4;
	v37 =	vsel vm15, v41, v63;
	s28 =	spop (v2sf)  }
0x5a9: {  	v38 =	vsel vm15, v6, v5;
	v40 =	vsel vm15, v5, v3;
	v39 =	vsel vm15, v63, v2;
	s11 =	sadd.s32 s11, s28  }
.LBB2_5:
.Ltmp19:
0x5aa: {  	(pc) =	sbr.rel .LBB2_10-.Ltmp19, $2  }
0x5ab: {  	_ =	sdelay $0x2  }
0x5ac: {  	v44 =	vimm.f32 $0.0e+00;
	v45 =	vimm.s32 $0x0;
	s13 =	simm.s32 $0x780;
	s11 =	simm.s32 $0x0;
	s14 =	simm.s32 $0x0  }
.LBB2_14:
.Ltmp20:
0x5ad: {  	(pc) =	sbr.rel .LBB2_19-.Ltmp20, $2  }
0x5ae: {  	_ =	sdelay $0x2  }
0x5af: {  	v44 =	vimm.f32 $0.0e+00;
	v45 =	vimm.s32 $0x0;
	s15 =	simm.s32 $0xA00;
	s11 =	simm.s32 $0x0;
	s16 =	simm.s32 $0x0  }
.LBB2_23:
.Ltmp21:
0x5b0: {  	(pc) =	sbr.rel .LBB2_28-.Ltmp21, $2  }
0x5b1: {  	_ =	sdelay $0x2  }
0x5b2: {  	v44 =	vimm.f32 $0.0e+00;
	v45 =	vimm.s32 $0x0;
	s6 =	simm.s32 $0xC80;
	s4 =	simm.s32 $0x0;
	s19 =	simm.s32 $0x0  }
.LBB2_7:
.Ltmp22:
0x5b3: {  	_ = 	snop;
	(pc) =	sbr.rel .LBB2_10-.Ltmp22, $2  }
0x5b4: {  	_ =	sdelay $0x2  }
0x5b5: {  	v49 =	vmovc v41;
	v44 =	vimm.f32 $0.0e+00;
	v45 =	vimm.s32 $0x0;
	s13 =	simm.s32 $0x780;
	s11 =	simm.s32 $0x0;
	s14 =	simm.s32 $0x0;
	v41 =	vmov v50  }
.LBB2_16:
.Ltmp23:
0x5b6: {  	_ = 	snop;
	(pc) =	sbr.rel .LBB2_19-.Ltmp23, $2  }
0x5b7: {  	_ =	sdelay $0x2  }
0x5b8: {  	v49 =	vmovc v41;
	v44 =	vimm.f32 $0.0e+00;
	v45 =	vimm.s32 $0x0;
	s15 =	simm.s32 $0xA00;
	s11 =	simm.s32 $0x0;
	s16 =	simm.s32 $0x0;
	v41 =	vmov v50  }
.LBB2_25:
.Ltmp24:
0x5b9: {  	_ = 	snop;
	(pc) =	sbr.rel .LBB2_28-.Ltmp24, $2  }
0x5ba: {  	_ =	sdelay $0x2  }
0x5bb: {  	v49 =	vmovc v41;
	v44 =	vimm.f32 $0.0e+00;
	v45 =	vimm.s32 $0x0;
	s6 =	simm.s32 $0xC80;
	s4 =	simm.s32 $0x0;
	s19 =	simm.s32 $0x0;
	v41 =	vmov v50  }
.LBB2_31:
0x5bc: {  	_ =	sfence.sel $0x180000  }
0x5bd: {  	[bflag:$0x0] =	sbarrier.arrive $0xFFFF  }
0x5be: {  	_ =	strace $0x90000047  }
0x5bf: {  	s0 =	stileid.u32;
	[bflag:$0x2] =	sbarrier.arrive $0xFFFF  }
0x5c0: {  	p0 =	sne.s32 s0, $0x0;
	s0 =	rddreg [dreg:$0x4]  }
0x5c1: {  	s0 =	sadd.s32 @!p0 $0x100000, s0  }
0x5c2: {  	[sflag:s0] =	ssyncadd.tile.s32 @!p0 $0x1;
	_ =	shalt  }
.Lfunc_end2:
_tile_overlayer_lowered:
.L_overlay_start_2:
0x5c3: {  	(tag) =	ssettag $0x2  }
0x5c4: {  	s0 =	rddreg [dreg:$0x0];
	s2 =	stileid.u32  }
0x5c5: {  	s1 =	rddreg [dreg:$0x1];
	p0 =	sne.s32 s2, $0x0  }
0x5c6: {  	s3 =	rddreg [dreg:$0x2];
	[bflag:$0x3] =	sbarrier.arrive $0xFFFF;
	s2 =	simm.s32 @!p0 $0x1C07  }
0x5c7: {  	[timem:s3], [sflag:s2] =	dma.local @!p0 [hbm:s0], s1  }
0x5c8: {  	s0 =	simm.s32 @!p0 $0x7  }
0x5c9: {  	_ =	swait.ge @!p0 [sflag:s0], s1  }
0x5ca: {  	s1 =	ssub.s32 @!p0 $0x0, s1;
	[sflag:s0] =	ssyncset.done @!p0 $0x0  }
0x5cb: {  	[sflag:s0] =	ssyncadd.s32 @!p0 s1  }
0x5cc: {  	[bflag:$0x3] =	sbarrier.arrive $0xFFFF  }
0x5cd: {  	_ =	shalt  }

</sc_bundles>
